<compile_context>
chip_gen: v7x
topology: tpu7x:2x2x1
jax: 0.10.2.dev20260603
libtpu: 0.0.44.dev20260713+nightly
codegen_flags: <defaults>
</compile_context>

<pallas_src>
import jax
import jax.numpy as jnp
from jax import lax
from jax.experimental import pallas as pl
from jax.experimental.pallas import tpu as pltpu
from jax.experimental.pallas import tpu_sc as plsc

B = 1024
DIM = 128
R = 2
NBR = 16

HB = B
NW = 32
N0 = HB * R // NW
N1 = HB * R * NBR // NW
N2 = HB * R * NBR * NBR // NW
CHUNK = 128
NCH1 = N1 // CHUNK
NCH2 = N2 // CHUNK
OPC = CHUNK // NBR


def _sc_body(e0_h, e1_h, e2_h, tab_h, v0_h, v1_h, s2_h,
             idx_v, idx01_v, buf_a, buf_b, buf_c, buf_d, stage_a, stage_b,
             sem_a, sem_b, sem_c, sem_d, fsem_a, fsem_b):
    wid = lax.axis_index("s") * 2 + lax.axis_index("c")
    zero = jnp.zeros((16,), jnp.float32)

    bufs = [buf_a, buf_b, buf_c, buf_d]
    sems = [sem_a, sem_b, sem_c, sem_d]

    ld0 = pltpu.async_copy(e0_h.at[pl.ds(wid * N0, N0)],
                           idx01_v.at[pl.ds(0, N0)], fsem_a)
    ld1 = pltpu.async_copy(e1_h.at[pl.ds(wid * N1, N1)],
                           idx01_v.at[pl.ds(N0, N1)], fsem_b)
    ld2 = pltpu.async_copy(e2_h.at[pl.ds(wid * N2, N2)], idx_v, sem_b)

    ld0.wait()
    g0 = pltpu.async_copy(tab_h.at[idx01_v.at[pl.ds(0, N0)]],
                          buf_d.at[pl.ds(0, N0)], sem_a)
    ld1.wait()
    ld2.wait()
    g0.wait()
    v0out = pltpu.async_copy(buf_d.at[pl.ds(0, N0)],
                             v0_h.at[pl.ds(wid * N0, N0)], fsem_a)

    osems = [fsem_b, fsem_a, fsem_b, fsem_a]
    pend = [pltpu.async_copy(
        tab_h.at[idx01_v.at[pl.ds(N0 + j * CHUNK, CHUNK)]],
        bufs[j], sems[j]) for j in range(3)]
    v0out.wait()
    pend.append(pltpu.async_copy(
        tab_h.at[idx01_v.at[pl.ds(N0 + 3 * CHUNK, CHUNK)]], buf_d, sem_d))
    outp = [None] * 4
    for j in range(NCH1):
        if 0 < j <= NCH1 - 4:
            k = (j - 1) % 4
            outp[k].wait()
            pend[k] = pltpu.async_copy(
                tab_h.at[idx01_v.at[pl.ds(N0 + (j + 3) * CHUNK, CHUNK)]],
                bufs[k], sems[k])
        pend[j % 4].wait()
        outp[j % 4] = pltpu.async_copy(
            bufs[j % 4], v1_h.at[pl.ds(wid * N1 + j * CHUNK, CHUNK)],
            osems[j % 4])
    for j in range(NCH1 - 4, NCH1):
        outp[j % 4].wait()

    for j in range(4):
        pltpu.async_copy(tab_h.at[idx_v.at[pl.ds(j * CHUNK, CHUNK)]],
                         bufs[j], sems[j])

    def do_chunk(c, buf, sem, stage, fsem):
        pltpu.make_async_copy(tab_h.at[pl.ds(0, CHUNK)], buf, sem).wait()

        @pl.when(c >= 2)
        def _():
            pltpu.make_async_copy(stage, s2_h.at[pl.ds(0, OPC)], fsem).wait()

        def obody(o, _):
            base = o * NBR
            accs = [zero] * 8
            for r in range(NBR):
                for k in range(8):
                    accs[k] = accs[k] + buf[base + r, pl.ds(k * 16, 16)]
            for k in range(8):
                stage[o, pl.ds(k * 16, 16)] = accs[k]
            return 0

        lax.fori_loop(0, OPC, obody, 0)
        pltpu.async_copy(stage, s2_h.at[pl.ds(wid * (N2 // NBR) + c * OPC,
                                              OPC)], fsem)

        @pl.when(c + 4 < NCH2)
        def _():
            pltpu.async_copy(tab_h.at[idx_v.at[pl.ds((c + 4) * CHUNK, CHUNK)]],
                             buf, sem)

    def qbody(g, _):
        c0 = 4 * g
        do_chunk(c0, buf_a, sem_a, stage_a, fsem_a)
        do_chunk(c0 + 1, buf_b, sem_b, stage_b, fsem_b)
        do_chunk(c0 + 2, buf_c, sem_c, stage_a, fsem_a)
        do_chunk(c0 + 3, buf_d, sem_d, stage_b, fsem_b)
        return 0

    lax.fori_loop(0, NCH2 // 4, qbody, 0)

    pltpu.make_async_copy(stage_a, s2_h.at[pl.ds(0, OPC)], fsem_a).wait()
    pltpu.make_async_copy(stage_b, s2_h.at[pl.ds(0, OPC)], fsem_b).wait()


def _sc_gather(e0f, e1f, e2f, table):
    mesh = plsc.VectorSubcoreMesh(core_axis_name="c", subcore_axis_name="s")
    f = pl.kernel(
        _sc_body,
        out_type=[
            jax.ShapeDtypeStruct((HB * R, DIM), jnp.float32),
            jax.ShapeDtypeStruct((HB * R * NBR, DIM), jnp.float32),
            jax.ShapeDtypeStruct((HB * R * NBR, DIM), jnp.float32),
        ],
        mesh=mesh,
        scratch_types=[
            pltpu.VMEM((N2,), jnp.int32),
            pltpu.VMEM((N0 + N1,), jnp.int32),
            pltpu.VMEM((CHUNK, DIM), jnp.float32),
            pltpu.VMEM((CHUNK, DIM), jnp.float32),
            pltpu.VMEM((CHUNK, DIM), jnp.float32),
            pltpu.VMEM((CHUNK, DIM), jnp.float32),
            pltpu.VMEM((OPC, DIM), jnp.float32),
            pltpu.VMEM((OPC, DIM), jnp.float32),
            pltpu.SemaphoreType.DMA,
            pltpu.SemaphoreType.DMA,
            pltpu.SemaphoreType.DMA,
            pltpu.SemaphoreType.DMA,
            pltpu.SemaphoreType.DMA,
            pltpu.SemaphoreType.DMA,
        ],
    )
    return f(e0f, e1f, e2f, table)


def _matmul_t(x, w, prec):
    return lax.dot_general(x, w, (((1,), (1,)), ((), ())), precision=prec)


def _tc_body(re_ref, v0_ref, v1_ref, s2_ref, w_ref, b_ref, out_ref):
    u = v1_ref.shape[0] // (R * NBR)
    v1 = v1_ref[...]
    w = w_ref[...]
    bb = b_ref[...]
    prec = lax.Precision.DEFAULT

    s1 = v1 + s2_ref[...] * (1.0 / NBR)
    h1 = jnp.maximum(_matmul_t(s1, w, prec) + bb, 0.0)

    agg1 = jnp.sum(v1.reshape(u * R, NBR, DIM), axis=1) * (1.0 / NBR)
    h0 = jnp.maximum(_matmul_t(v0_ref[...] + agg1, w, prec) + bb, 0.0)

    aggh1 = jnp.sum(h1.reshape(u * R, NBR, DIM), axis=1) * (1.0 / NBR)
    o = jnp.tanh(_matmul_t(h0 + aggh1, w, prec) + bb)

    o3 = o.reshape(u, R, DIM)
    r0 = re_ref[0, 0]
    r1 = re_ref[0, 1]
    out_ref[...] = o3[:, 0, :] * r0 + o3[:, 1, :] * r1


def _tc_dense(v0, v1, s2, W, b2, re):
    grid = 4
    u = HB // grid
    return pl.pallas_call(
        _tc_body,
        grid=(grid,),
        in_specs=[
            pl.BlockSpec(memory_space=pltpu.SMEM),
            pl.BlockSpec((u * R, DIM), lambda i: (i, 0)),
            pl.BlockSpec((u * R * NBR, DIM), lambda i: (i, 0)),
            pl.BlockSpec((u * R * NBR, DIM), lambda i: (i, 0)),
            pl.BlockSpec((DIM, DIM), lambda i: (0, 0)),
            pl.BlockSpec((1, DIM), lambda i: (0, 0)),
        ],
        out_specs=pl.BlockSpec((u, DIM), lambda i: (i, 0)),
        out_shape=jax.ShapeDtypeStruct((HB, DIM), jnp.float32),
    )(re, v0, v1, s2, W, b2)


def kernel(e0, e1, e2, ent_embed, rule_embed, W, b):
    v0, v1, s2 = _sc_gather(e0.reshape(-1), e1.reshape(-1), e2.reshape(-1),
                            ent_embed)
    return _tc_dense(v0, v1, s2, W, b.reshape(1, DIM), rule_embed)

# --- scband reference (transcript-rebuilt; emitter-appended) ---
"""Pipeline reference for scband-rkgcn-72267119723214 (READ-ONLY COPY).

The authoritative reference and input builder live on the scoring server;
editing this copy changes nothing except your own understanding.
"""

import jax, jax.numpy as jnp
import numpy as np

E_NUM = 100000
DIM = 128
B = 1024
R = 2        # rule_size: number of rules stacked along the per-hop entity axis
NBR = 16     # neighbour_size
MAX_STEP = 2


def setup_inputs(seed: int = 0) -> dict:
    key = jax.random.key(seed)
    ks = jax.random.split(key, 7)
    # Pre-sampled multi-hop neighbour entity ids (what get_adj_ent_of_r_id +
    # user_rep's hstack across rules would produce): hop h has R*NBR**h ids per user.
    e0 = jax.random.randint(ks[0], (B, R), 0, E_NUM, dtype=jnp.int32)
    e1 = jax.random.randint(ks[1], (B, R * NBR), 0, E_NUM, dtype=jnp.int32)
    e2 = jax.random.randint(ks[2], (B, R * NBR * NBR), 0, E_NUM, dtype=jnp.int32)
    # Learned parameters
    ent_embed = jax.random.normal(ks[3], (E_NUM, DIM), dtype=jnp.float32) * 0.05
    rule_embed = jax.random.normal(ks[4], (1, R), dtype=jnp.float32)
    W = jax.random.normal(ks[5], (DIM, DIM), dtype=jnp.float32) * (1.0 / np.sqrt(DIM))
    b = jnp.zeros((DIM,), dtype=jnp.float32)
    return {"e0": e0, "e1": e1, "e2": e2, "ent_embed": ent_embed,
            "rule_embed": rule_embed, "W": W, "b": b}


def reference(e0, e1, e2, ent_embed, rule_embed, W, b):
    def linear(x):
        return x @ W.T + b

    def sum_aggregator(self_v, neigh_v, act):
        # mix_neighbour_vectors: mean over neighbour axis
        neigh_agg = jnp.mean(neigh_v, axis=2)
        out = linear((self_v + neigh_agg).reshape(-1, DIM))  # dropout p=0.0 -> identity
        return act(out.reshape(B, -1, DIM))

    # embedding lookups (SparseCore gathers)
    vecs = [jnp.take(ent_embed, e0, axis=0).reshape(B, -1, DIM),
            jnp.take(ent_embed, e1, axis=0).reshape(B, -1, DIM),
            jnp.take(ent_embed, e2, axis=0).reshape(B, -1, DIM)]

    for i in range(MAX_STEP):
        act = jnp.tanh if i == MAX_STEP - 1 else jax.nn.relu
        nxt = []
        for hop in range(MAX_STEP - i):
            v = sum_aggregator(vecs[hop].reshape(B, -1, DIM),
                               vecs[hop + 1].reshape(B, -1, NBR, DIM),
                               act)
            nxt.append(v)
        vecs = nxt

    res = vecs[0].reshape(B, R, DIM)
    # user_rep: weighted sum over rules by rule_embed
    output = jnp.sum(res * rule_embed.reshape(R, 1), axis=-2)  # [B, DIM]
    return output

if __name__ == "__main__":
    import jax
    _d = setup_inputs()
    print(jax.jit(kernel)(*tuple(_d.values())))

</pallas_src>

<mosaic_0001>
#map = affine_map<(d0, d1) -> (0)>
#map1 = affine_map<(d0, d1) -> (0, 0)>
module attributes {stable_mosaic.version = 14 : i64} {
  func.func @_sc_body(%arg0: i32, %arg1: i32, %arg2: memref<2048xi32, #tpu.memory_space<hbm>>, %arg3: memref<32768xi32, #tpu.memory_space<hbm>>, %arg4: memref<524288xi32, #tpu.memory_space<hbm>>, %arg5: memref<100000x128xf32, #tpu.memory_space<hbm>>, %arg6: memref<2048x128xf32, #tpu.memory_space<hbm>>, %arg7: memref<32768x128xf32, #tpu.memory_space<hbm>>, %arg8: memref<32768x128xf32, #tpu.memory_space<hbm>>, %arg9: memref<16384xi32, #tpu.memory_space<vmem>>, %arg10: memref<1088xi32, #tpu.memory_space<vmem>>, %arg11: memref<128x128xf32, #tpu.memory_space<vmem>>, %arg12: memref<128x128xf32, #tpu.memory_space<vmem>>, %arg13: memref<128x128xf32, #tpu.memory_space<vmem>>, %arg14: memref<128x128xf32, #tpu.memory_space<vmem>>, %arg15: memref<8x128xf32, #tpu.memory_space<vmem>>, %arg16: memref<8x128xf32, #tpu.memory_space<vmem>>, %arg17: memref<!tpu.dma_semaphore, #tpu.memory_space<semaphore_mem>>, %arg18: memref<!tpu.dma_semaphore, #tpu.memory_space<semaphore_mem>>, %arg19: memref<!tpu.dma_semaphore, #tpu.memory_space<semaphore_mem>>, %arg20: memref<!tpu.dma_semaphore, #tpu.memory_space<semaphore_mem>>, %arg21: memref<!tpu.dma_semaphore, #tpu.memory_space<semaphore_mem>>, %arg22: memref<!tpu.dma_semaphore, #tpu.memory_space<semaphore_mem>>) attributes {dimension_semantics = [#tpu.dimension_semantics<core_parallel>, #tpu.dimension_semantics<subcore_parallel>], iteration_bounds = array<i64: 2, 16>, scalar_prefetch = 0 : i64, scratch_operands = 14 : i64, tpu.core_type = #tpu.core_type<sc_vector_subcore>, window_params = [{transform_indices = #map}, {transform_indices = #map}, {transform_indices = #map}, {transform_indices = #map1}, {transform_indices = #map1}, {transform_indices = #map1}, {transform_indices = #map1}]} {
    %mul3A = arith.constant 2 : i32
    %mul3A_0 = arith.muli %arg1, %mul3A : i32
    %add3A = arith.addi %mul3A_0, %arg0 : i32
    %broadcast_in_dim3A = arith.constant 0.000000e+00 : f32
    %broadcast_in_dim3A_1 = vector.broadcast %broadcast_in_dim3A : f32 to vector<16xf32>
    %mul3A_2 = arith.constant 64 : i32
    %mul3A_3 = arith.muli %add3A, %mul3A_2 : i32
    %dma_start3A = arith.constant 0 : i32
    %dma_start3A_4 = tpu.memref_slice %arg10[%dma_start3A] : memref<1088xi32, #tpu.memory_space<vmem>> -> memref<64xi32, #tpu.memory_space<vmem>>
    %dma_start3A_5 = tpu.memref_slice %arg2[%mul3A_3] : memref<2048xi32, #tpu.memory_space<hbm>> -> memref<64xi32, #tpu.memory_space<hbm>>
    %dma_start3A_6 = arith.constant 0 : i32
    %dma_start3A_7 = tpu.memref_slice %arg10[%dma_start3A_6] : memref<1088xi32, #tpu.memory_space<vmem>> -> memref<64xi32, #tpu.memory_space<vmem>>
    %dma_start3A_8 = tpu.memref_slice %arg2[%mul3A_3] : memref<2048xi32, #tpu.memory_space<hbm>> -> memref<64xi32, #tpu.memory_space<hbm>>
    tpu.enqueue_dma source(%dma_start3A_8 : memref<64xi32, #tpu.memory_space<hbm>>) target(%dma_start3A_7 : memref<64xi32, #tpu.memory_space<vmem>>) target_semaphore(%arg21 : memref<!tpu.dma_semaphore, #tpu.memory_space<semaphore_mem>>)
    %mul3A_9 = arith.constant 1024 : i32
    %mul3A_10 = arith.muli %add3A, %mul3A_9 : i32
    %dma_start3A_11 = arith.constant 64 : i32
    %dma_start3A_12 = tpu.memref_slice %arg10[%dma_start3A_11] : memref<1088xi32, #tpu.memory_space<vmem>> -> memref<1024xi32, #tpu.memory_space<vmem>>
    %dma_start3A_13 = tpu.memref_slice %arg3[%mul3A_10] : memref<32768xi32, #tpu.memory_space<hbm>> -> memref<1024xi32, #tpu.memory_space<hbm>>
    %dma_start3A_14 = arith.constant 64 : i32
    %dma_start3A_15 = tpu.memref_slice %arg10[%dma_start3A_14] : memref<1088xi32, #tpu.memory_space<vmem>> -> memref<1024xi32, #tpu.memory_space<vmem>>
    %dma_start3A_16 = tpu.memref_slice %arg3[%mul3A_10] : memref<32768xi32, #tpu.memory_space<hbm>> -> memref<1024xi32, #tpu.memory_space<hbm>>
    tpu.enqueue_dma source(%dma_start3A_16 : memref<1024xi32, #tpu.memory_space<hbm>>) target(%dma_start3A_15 : memref<1024xi32, #tpu.memory_space<vmem>>) target_semaphore(%arg22 : memref<!tpu.dma_semaphore, #tpu.memory_space<semaphore_mem>>)
    %mul3A_17 = arith.constant 16384 : i32
    %mul3A_18 = arith.muli %add3A, %mul3A_17 : i32
    %dma_start3A_19 = tpu.memref_slice %arg4[%mul3A_18] : memref<524288xi32, #tpu.memory_space<hbm>> -> memref<16384xi32, #tpu.memory_space<hbm>>
    %dma_start3A_20 = tpu.memref_slice %arg4[%mul3A_18] : memref<524288xi32, #tpu.memory_space<hbm>> -> memref<16384xi32, #tpu.memory_space<hbm>>
    tpu.enqueue_dma source(%dma_start3A_20 : memref<16384xi32, #tpu.memory_space<hbm>>) target(%arg9 : memref<16384xi32, #tpu.memory_space<vmem>>) target_semaphore(%arg18 : memref<!tpu.dma_semaphore, #tpu.memory_space<semaphore_mem>>)
    %dma_wait3A = arith.constant 0 : i32
    %dma_wait3A_21 = tpu.memref_slice %arg10[%dma_wait3A] : memref<1088xi32, #tpu.memory_space<vmem>> -> memref<64xi32, #tpu.memory_space<vmem>>
    %dma_wait3A_22 = tpu.memref_slice %arg2[%mul3A_3] : memref<2048xi32, #tpu.memory_space<hbm>> -> memref<64xi32, #tpu.memory_space<hbm>>
    %dma_wait3A_23 = arith.constant 0 : i32
    %dma_wait3A_24 = tpu.memref_slice %arg10[%dma_wait3A_23] : memref<1088xi32, #tpu.memory_space<vmem>> -> memref<64xi32, #tpu.memory_space<vmem>>
    %dma_wait3A_25 = tpu.memref_slice %arg2[%mul3A_3] : memref<2048xi32, #tpu.memory_space<hbm>> -> memref<64xi32, #tpu.memory_space<hbm>>
    tpu.wait_dma2 semaphore(%arg21 : memref<!tpu.dma_semaphore, #tpu.memory_space<semaphore_mem>>) src(%dma_wait3A_25 : memref<64xi32, #tpu.memory_space<hbm>>) dst(%dma_wait3A_24 : memref<64xi32, #tpu.memory_space<vmem>>)
    %dma_start3A_26 = arith.constant 0 : i32
    %dma_start3A_27 = arith.constant 0 : i32
    %dma_start3A_28 = tpu.memref_slice %arg14[%dma_start3A_26, %dma_start3A_27] : memref<128x128xf32, #tpu.memory_space<vmem>> -> memref<64x128xf32, #tpu.memory_space<vmem>>
    %dma_start3A_29 = arith.constant 0 : i32
    %dma_start3A_30 = tpu.memref_slice %arg10[%dma_start3A_29] : memref<1088xi32, #tpu.memory_space<vmem>> -> memref<64xi32, #tpu.memory_space<vmem>>
    %dma_start3A_31 = arith.constant 0 : i32
    %dma_start3A_32 = arith.constant 0 : i32
    %dma_start3A_33 = tpu.memref_slice %arg5[%dma_start3A_31, %dma_start3A_32] : memref<100000x128xf32, #tpu.memory_space<hbm>> -> memref<100000x128xf32, #tpu.memory_space<hbm>>
    tpu.enqueue_indirect_dma source(%dma_start3A_33 : memref<100000x128xf32, #tpu.memory_space<hbm>>) target(%dma_start3A_28 : memref<64x128xf32, #tpu.memory_space<vmem>>) offsets(%dma_start3A_30 : memref<64xi32, #tpu.memory_space<vmem>>) semaphore(%arg17 : memref<!tpu.dma_semaphore, #tpu.memory_space<semaphore_mem>>)
    %dma_wait3A_34 = arith.constant 64 : i32
    %dma_wait3A_35 = tpu.memref_slice %arg10[%dma_wait3A_34] : memref<1088xi32, #tpu.memory_space<vmem>> -> memref<1024xi32, #tpu.memory_space<vmem>>
    %dma_wait3A_36 = tpu.memref_slice %arg3[%mul3A_10] : memref<32768xi32, #tpu.memory_space<hbm>> -> memref<1024xi32, #tpu.memory_space<hbm>>
    %dma_wait3A_37 = arith.constant 64 : i32
    %dma_wait3A_38 = tpu.memref_slice %arg10[%dma_wait3A_37] : memref<1088xi32, #tpu.memory_space<vmem>> -> memref<1024xi32, #tpu.memory_space<vmem>>
    %dma_wait3A_39 = tpu.memref_slice %arg3[%mul3A_10] : memref<32768xi32, #tpu.memory_space<hbm>> -> memref<1024xi32, #tpu.memory_space<hbm>>
    tpu.wait_dma2 semaphore(%arg22 : memref<!tpu.dma_semaphore, #tpu.memory_space<semaphore_mem>>) src(%dma_wait3A_39 : memref<1024xi32, #tpu.memory_space<hbm>>) dst(%dma_wait3A_38 : memref<1024xi32, #tpu.memory_space<vmem>>)
    %dma_wait3A_40 = tpu.memref_slice %arg4[%mul3A_18] : memref<524288xi32, #tpu.memory_space<hbm>> -> memref<16384xi32, #tpu.memory_space<hbm>>
    %dma_wait3A_41 = tpu.memref_slice %arg4[%mul3A_18] : memref<524288xi32, #tpu.memory_space<hbm>> -> memref<16384xi32, #tpu.memory_space<hbm>>
    tpu.wait_dma2 semaphore(%arg18 : memref<!tpu.dma_semaphore, #tpu.memory_space<semaphore_mem>>) src(%dma_wait3A_41 : memref<16384xi32, #tpu.memory_space<hbm>>) dst(%arg9 : memref<16384xi32, #tpu.memory_space<vmem>>)
    %dma_wait3A_42 = arith.constant 0 : i32
    %dma_wait3A_43 = arith.constant 0 : i32
    %dma_wait3A_44 = tpu.memref_slice %arg14[%dma_wait3A_42, %dma_wait3A_43] : memref<128x128xf32, #tpu.memory_space<vmem>> -> memref<64x128xf32, #tpu.memory_space<vmem>>
    %dma_wait3A_45 = arith.constant 0 : i32
    %dma_wait3A_46 = tpu.memref_slice %arg10[%dma_wait3A_45] : memref<1088xi32, #tpu.memory_space<vmem>> -> memref<64xi32, #tpu.memory_space<vmem>>
    %dma_wait3A_47 = arith.constant 0 : i32
    %dma_wait3A_48 = arith.constant 0 : i32
    %dma_wait3A_49 = tpu.memref_slice %arg5[%dma_wait3A_47, %dma_wait3A_48] : memref<100000x128xf32, #tpu.memory_space<hbm>> -> memref<100000x128xf32, #tpu.memory_space<hbm>>
    tpu.wait_indirect_dma semaphore(%arg17 : memref<!tpu.dma_semaphore, #tpu.memory_space<semaphore_mem>>) src(%dma_wait3A_49 : memref<100000x128xf32, #tpu.memory_space<hbm>>) dst(%dma_wait3A_44 : memref<64x128xf32, #tpu.memory_space<vmem>>)
    %mul3A_50 = arith.constant 64 : i32
    %mul3A_51 = arith.muli %add3A, %mul3A_50 : i32
    %dma_start3A_52 = arith.constant 0 : i32
    %dma_start3A_53 = arith.constant 0 : i32
    %dma_start3A_54 = tpu.memref_slice %arg14[%dma_start3A_52, %dma_start3A_53] : memref<128x128xf32, #tpu.memory_space<vmem>> -> memref<64x128xf32, #tpu.memory_space<vmem>>
    %dma_start3A_55 = arith.constant 0 : i32
    %dma_start3A_56 = tpu.memref_slice %arg6[%mul3A_51, %dma_start3A_55] : memref<2048x128xf32, #tpu.memory_space<hbm>> -> memref<64x128xf32, #tpu.memory_space<hbm>>
    %dma_start3A_57 = arith.constant 0 : i32
    %dma_start3A_58 = tpu.memref_slice %arg6[%mul3A_51, %dma_start3A_57] : memref<2048x128xf32, #tpu.memory_space<hbm>> -> memref<64x128xf32, #tpu.memory_space<hbm>>
    %dma_start3A_59 = arith.constant 0 : i32
    %dma_start3A_60 = arith.constant 0 : i32
    %dma_start3A_61 = tpu.memref_slice %arg14[%dma_start3A_59, %dma_start3A_60] : memref<128x128xf32, #tpu.memory_space<vmem>> -> memref<64x128xf32, #tpu.memory_space<vmem>>
    tpu.enqueue_dma source(%dma_start3A_61 : memref<64x128xf32, #tpu.memory_space<vmem>>) target(%dma_start3A_58 : memref<64x128xf32, #tpu.memory_space<hbm>>) target_semaphore(%arg21 : memref<!tpu.dma_semaphore, #tpu.memory_space<semaphore_mem>>)
    %dma_start3A_62 = arith.constant 64 : i32
    %dma_start3A_63 = tpu.memref_slice %arg10[%dma_start3A_62] : memref<1088xi32, #tpu.memory_space<vmem>> -> memref<128xi32, #tpu.memory_space<vmem>>
    %dma_start3A_64 = arith.constant 0 : i32
    %dma_start3A_65 = arith.constant 0 : i32
    %dma_start3A_66 = tpu.memref_slice %arg5[%dma_start3A_64, %dma_start3A_65] : memref<100000x128xf32, #tpu.memory_space<hbm>> -> memref<100000x128xf32, #tpu.memory_space<hbm>>
    tpu.enqueue_indirect_dma source(%dma_start3A_66 : memref<100000x128xf32, #tpu.memory_space<hbm>>) target(%arg11 : memref<128x128xf32, #tpu.memory_space<vmem>>) offsets(%dma_start3A_63 : memref<128xi32, #tpu.memory_space<vmem>>) semaphore(%arg17 : memref<!tpu.dma_semaphore, #tpu.memory_space<semaphore_mem>>)
    %dma_start3A_67 = arith.constant 192 : i32
    %dma_start3A_68 = tpu.memref_slice %arg10[%dma_start3A_67] : memref<1088xi32, #tpu.memory_space<vmem>> -> memref<128xi32, #tpu.memory_space<vmem>>
    %dma_start3A_69 = arith.constant 0 : i32
    %dma_start3A_70 = arith.constant 0 : i32
    %dma_start3A_71 = tpu.memref_slice %arg5[%dma_start3A_69, %dma_start3A_70] : memref<100000x128xf32, #tpu.memory_space<hbm>> -> memref<100000x128xf32, #tpu.memory_space<hbm>>
    tpu.enqueue_indirect_dma source(%dma_start3A_71 : memref<100000x128xf32, #tpu.memory_space<hbm>>) target(%arg12 : memref<128x128xf32, #tpu.memory_space<vmem>>) offsets(%dma_start3A_68 : memref<128xi32, #tpu.memory_space<vmem>>) semaphore(%arg18 : memref<!tpu.dma_semaphore, #tpu.memory_space<semaphore_mem>>)
    %dma_start3A_72 = arith.constant 320 : i32
    %dma_start3A_73 = tpu.memref_slice %arg10[%dma_start3A_72] : memref<1088xi32, #tpu.memory_space<vmem>> -> memref<128xi32, #tpu.memory_space<vmem>>
    %dma_start3A_74 = arith.constant 0 : i32
    %dma_start3A_75 = arith.constant 0 : i32
    %dma_start3A_76 = tpu.memref_slice %arg5[%dma_start3A_74, %dma_start3A_75] : memref<100000x128xf32, #tpu.memory_space<hbm>> -> memref<100000x128xf32, #tpu.memory_space<hbm>>
    tpu.enqueue_indirect_dma source(%dma_start3A_76 : memref<100000x128xf32, #tpu.memory_space<hbm>>) target(%arg13 : memref<128x128xf32, #tpu.memory_space<vmem>>) offsets(%dma_start3A_73 : memref<128xi32, #tpu.memory_space<vmem>>) semaphore(%arg19 : memref<!tpu.dma_semaphore, #tpu.memory_space<semaphore_mem>>)
    %dma_wait3A_77 = arith.constant 0 : i32
    %dma_wait3A_78 = arith.constant 0 : i32
    %dma_wait3A_79 = tpu.memref_slice %arg14[%dma_wait3A_77, %dma_wait3A_78] : memref<128x128xf32, #tpu.memory_space<vmem>> -> memref<64x128xf32, #tpu.memory_space<vmem>>
    %dma_wait3A_80 = arith.constant 0 : i32
    %dma_wait3A_81 = tpu.memref_slice %arg6[%mul3A_51, %dma_wait3A_80] : memref<2048x128xf32, #tpu.memory_space<hbm>> -> memref<64x128xf32, #tpu.memory_space<hbm>>
    %dma_wait3A_82 = arith.constant 0 : i32
    %dma_wait3A_83 = tpu.memref_slice %arg6[%mul3A_51, %dma_wait3A_82] : memref<2048x128xf32, #tpu.memory_space<hbm>> -> memref<64x128xf32, #tpu.memory_space<hbm>>
    %dma_wait3A_84 = arith.constant 0 : i32
    %dma_wait3A_85 = arith.constant 0 : i32
    %dma_wait3A_86 = tpu.memref_slice %arg14[%dma_wait3A_84, %dma_wait3A_85] : memref<128x128xf32, #tpu.memory_space<vmem>> -> memref<64x128xf32, #tpu.memory_space<vmem>>
    tpu.wait_dma2 semaphore(%arg21 : memref<!tpu.dma_semaphore, #tpu.memory_space<semaphore_mem>>) src(%dma_wait3A_86 : memref<64x128xf32, #tpu.memory_space<vmem>>) dst(%dma_wait3A_83 : memref<64x128xf32, #tpu.memory_space<hbm>>)
    %dma_start3A_87 = arith.constant 448 : i32
    %dma_start3A_88 = tpu.memref_slice %arg10[%dma_start3A_87] : memref<1088xi32, #tpu.memory_space<vmem>> -> memref<128xi32, #tpu.memory_space<vmem>>
    %dma_start3A_89 = arith.constant 0 : i32
    %dma_start3A_90 = arith.constant 0 : i32
    %dma_start3A_91 = tpu.memref_slice %arg5[%dma_start3A_89, %dma_start3A_90] : memref<100000x128xf32, #tpu.memory_space<hbm>> -> memref<100000x128xf32, #tpu.memory_space<hbm>>
    tpu.enqueue_indirect_dma source(%dma_start3A_91 : memref<100000x128xf32, #tpu.memory_space<hbm>>) target(%arg14 : memref<128x128xf32, #tpu.memory_space<vmem>>) offsets(%dma_start3A_88 : memref<128xi32, #tpu.memory_space<vmem>>) semaphore(%arg20 : memref<!tpu.dma_semaphore, #tpu.memory_space<semaphore_mem>>)
    %dma_wait3A_92 = arith.constant 64 : i32
    %dma_wait3A_93 = tpu.memref_slice %arg10[%dma_wait3A_92] : memref<1088xi32, #tpu.memory_space<vmem>> -> memref<128xi32, #tpu.memory_space<vmem>>
    %dma_wait3A_94 = arith.constant 0 : i32
    %dma_wait3A_95 = arith.constant 0 : i32
    %dma_wait3A_96 = tpu.memref_slice %arg5[%dma_wait3A_94, %dma_wait3A_95] : memref<100000x128xf32, #tpu.memory_space<hbm>> -> memref<100000x128xf32, #tpu.memory_space<hbm>>
    tpu.wait_indirect_dma semaphore(%arg17 : memref<!tpu.dma_semaphore, #tpu.memory_space<semaphore_mem>>) src(%dma_wait3A_96 : memref<100000x128xf32, #tpu.memory_space<hbm>>) dst(%arg11 : memref<128x128xf32, #tpu.memory_space<vmem>>)
    %mul3A_97 = arith.constant 1024 : i32
    %mul3A_98 = arith.muli %add3A, %mul3A_97 : i32
    %add3A_99 = arith.constant 0 : i32
    %add3A_100 = arith.addi %mul3A_98, %add3A_99 : i32
    %dma_start3A_101 = arith.constant 0 : i32
    %dma_start3A_102 = tpu.memref_slice %arg7[%add3A_100, %dma_start3A_101] : memref<32768x128xf32, #tpu.memory_space<hbm>> -> memref<128x128xf32, #tpu.memory_space<hbm>>
    %dma_start3A_103 = arith.constant 0 : i32
    %dma_start3A_104 = tpu.memref_slice %arg7[%add3A_100, %dma_start3A_103] : memref<32768x128xf32, #tpu.memory_space<hbm>> -> memref<128x128xf32, #tpu.memory_space<hbm>>
    tpu.enqueue_dma source(%arg11 : memref<128x128xf32, #tpu.memory_space<vmem>>) target(%dma_start3A_104 : memref<128x128xf32, #tpu.memory_space<hbm>>) target_semaphore(%arg22 : memref<!tpu.dma_semaphore, #tpu.memory_space<semaphore_mem>>)
    %dma_wait3A_105 = arith.constant 0 : i32
    %dma_wait3A_106 = tpu.memref_slice %arg7[%add3A_100, %dma_wait3A_105] : memref<32768x128xf32, #tpu.memory_space<hbm>> -> memref<128x128xf32, #tpu.memory_space<hbm>>
    %dma_wait3A_107 = arith.constant 0 : i32
    %dma_wait3A_108 = tpu.memref_slice %arg7[%add3A_100, %dma_wait3A_107] : memref<32768x128xf32, #tpu.memory_space<hbm>> -> memref<128x128xf32, #tpu.memory_space<hbm>>
    tpu.wait_dma2 semaphore(%arg22 : memref<!tpu.dma_semaphore, #tpu.memory_space<semaphore_mem>>) src(%arg11 : memref<128x128xf32, #tpu.memory_space<vmem>>) dst(%dma_wait3A_108 : memref<128x128xf32, #tpu.memory_space<hbm>>)
    %dma_start3A_109 = arith.constant 576 : i32
    %dma_start3A_110 = tpu.memref_slice %arg10[%dma_start3A_109] : memref<1088xi32, #tpu.memory_space<vmem>> -> memref<128xi32, #tpu.memory_space<vmem>>
    %dma_start3A_111 = arith.constant 0 : i32
    %dma_start3A_112 = arith.constant 0 : i32
    %dma_start3A_113 = tpu.memref_slice %arg5[%dma_start3A_111, %dma_start3A_112] : memref<100000x128xf32, #tpu.memory_space<hbm>> -> memref<100000x128xf32, #tpu.memory_space<hbm>>
    tpu.enqueue_indirect_dma source(%dma_start3A_113 : memref<100000x128xf32, #tpu.memory_space<hbm>>) target(%arg11 : memref<128x128xf32, #tpu.memory_space<vmem>>) offsets(%dma_start3A_110 : memref<128xi32, #tpu.memory_space<vmem>>) semaphore(%arg17 : memref<!tpu.dma_semaphore, #tpu.memory_space<semaphore_mem>>)
    %dma_wait3A_114 = arith.constant 192 : i32
    %dma_wait3A_115 = tpu.memref_slice %arg10[%dma_wait3A_114] : memref<1088xi32, #tpu.memory_space<vmem>> -> memref<128xi32, #tpu.memory_space<vmem>>
    %dma_wait3A_116 = arith.constant 0 : i32
    %dma_wait3A_117 = arith.constant 0 : i32
    %dma_wait3A_118 = tpu.memref_slice %arg5[%dma_wait3A_116, %dma_wait3A_117] : memref<100000x128xf32, #tpu.memory_space<hbm>> -> memref<100000x128xf32, #tpu.memory_space<hbm>>
    tpu.wait_indirect_dma semaphore(%arg18 : memref<!tpu.dma_semaphore, #tpu.memory_space<semaphore_mem>>) src(%dma_wait3A_118 : memref<100000x128xf32, #tpu.memory_space<hbm>>) dst(%arg12 : memref<128x128xf32, #tpu.memory_space<vmem>>)
    %mul3A_119 = arith.constant 1024 : i32
    %mul3A_120 = arith.muli %add3A, %mul3A_119 : i32
    %add3A_121 = arith.constant 128 : i32
    %add3A_122 = arith.addi %mul3A_120, %add3A_121 : i32
    %dma_start3A_123 = arith.constant 0 : i32
    %dma_start3A_124 = tpu.memref_slice %arg7[%add3A_122, %dma_start3A_123] : memref<32768x128xf32, #tpu.memory_space<hbm>> -> memref<128x128xf32, #tpu.memory_space<hbm>>
    %dma_start3A_125 = arith.constant 0 : i32
    %dma_start3A_126 = tpu.memref_slice %arg7[%add3A_122, %dma_start3A_125] : memref<32768x128xf32, #tpu.memory_space<hbm>> -> memref<128x128xf32, #tpu.memory_space<hbm>>
    tpu.enqueue_dma source(%arg12 : memref<128x128xf32, #tpu.memory_space<vmem>>) target(%dma_start3A_126 : memref<128x128xf32, #tpu.memory_space<hbm>>) target_semaphore(%arg21 : memref<!tpu.dma_semaphore, #tpu.memory_space<semaphore_mem>>)
    %dma_wait3A_127 = arith.constant 0 : i32
    %dma_wait3A_128 = tpu.memref_slice %arg7[%add3A_122, %dma_wait3A_127] : memref<32768x128xf32, #tpu.memory_space<hbm>> -> memref<128x128xf32, #tpu.memory_space<hbm>>
    %dma_wait3A_129 = arith.constant 0 : i32
    %dma_wait3A_130 = tpu.memref_slice %arg7[%add3A_122, %dma_wait3A_129] : memref<32768x128xf32, #tpu.memory_space<hbm>> -> memref<128x128xf32, #tpu.memory_space<hbm>>
    tpu.wait_dma2 semaphore(%arg21 : memref<!tpu.dma_semaphore, #tpu.memory_space<semaphore_mem>>) src(%arg12 : memref<128x128xf32, #tpu.memory_space<vmem>>) dst(%dma_wait3A_130 : memref<128x128xf32, #tpu.memory_space<hbm>>)
    %dma_start3A_131 = arith.constant 704 : i32
    %dma_start3A_132 = tpu.memref_slice %arg10[%dma_start3A_131] : memref<1088xi32, #tpu.memory_space<vmem>> -> memref<128xi32, #tpu.memory_space<vmem>>
    %dma_start3A_133 = arith.constant 0 : i32
    %dma_start3A_134 = arith.constant 0 : i32
    %dma_start3A_135 = tpu.memref_slice %arg5[%dma_start3A_133, %dma_start3A_134] : memref<100000x128xf32, #tpu.memory_space<hbm>> -> memref<100000x128xf32, #tpu.memory_space<hbm>>
    tpu.enqueue_indirect_dma source(%dma_start3A_135 : memref<100000x128xf32, #tpu.memory_space<hbm>>) target(%arg12 : memref<128x128xf32, #tpu.memory_space<vmem>>) offsets(%dma_start3A_132 : memref<128xi32, #tpu.memory_space<vmem>>) semaphore(%arg18 : memref<!tpu.dma_semaphore, #tpu.memory_space<semaphore_mem>>)
    %dma_wait3A_136 = arith.constant 320 : i32
    %dma_wait3A_137 = tpu.memref_slice %arg10[%dma_wait3A_136] : memref<1088xi32, #tpu.memory_space<vmem>> -> memref<128xi32, #tpu.memory_space<vmem>>
    %dma_wait3A_138 = arith.constant 0 : i32
    %dma_wait3A_139 = arith.constant 0 : i32
    %dma_wait3A_140 = tpu.memref_slice %arg5[%dma_wait3A_138, %dma_wait3A_139] : memref<100000x128xf32, #tpu.memory_space<hbm>> -> memref<100000x128xf32, #tpu.memory_space<hbm>>
    tpu.wait_indirect_dma semaphore(%arg19 : memref<!tpu.dma_semaphore, #tpu.memory_space<semaphore_mem>>) src(%dma_wait3A_140 : memref<100000x128xf32, #tpu.memory_space<hbm>>) dst(%arg13 : memref<128x128xf32, #tpu.memory_space<vmem>>)
    %mul3A_141 = arith.constant 1024 : i32
    %mul3A_142 = arith.muli %add3A, %mul3A_141 : i32
    %add3A_143 = arith.constant 256 : i32
    %add3A_144 = arith.addi %mul3A_142, %add3A_143 : i32
    %dma_start3A_145 = arith.constant 0 : i32
    %dma_start3A_146 = tpu.memref_slice %arg7[%add3A_144, %dma_start3A_145] : memref<32768x128xf32, #tpu.memory_space<hbm>> -> memref<128x128xf32, #tpu.memory_space<hbm>>
    %dma_start3A_147 = arith.constant 0 : i32
    %dma_start3A_148 = tpu.memref_slice %arg7[%add3A_144, %dma_start3A_147] : memref<32768x128xf32, #tpu.memory_space<hbm>> -> memref<128x128xf32, #tpu.memory_space<hbm>>
    tpu.enqueue_dma source(%arg13 : memref<128x128xf32, #tpu.memory_space<vmem>>) target(%dma_start3A_148 : memref<128x128xf32, #tpu.memory_space<hbm>>) target_semaphore(%arg22 : memref<!tpu.dma_semaphore, #tpu.memory_space<semaphore_mem>>)
    %dma_wait3A_149 = arith.constant 0 : i32
    %dma_wait3A_150 = tpu.memref_slice %arg7[%add3A_144, %dma_wait3A_149] : memref<32768x128xf32, #tpu.memory_space<hbm>> -> memref<128x128xf32, #tpu.memory_space<hbm>>
    %dma_wait3A_151 = arith.constant 0 : i32
    %dma_wait3A_152 = tpu.memref_slice %arg7[%add3A_144, %dma_wait3A_151] : memref<32768x128xf32, #tpu.memory_space<hbm>> -> memref<128x128xf32, #tpu.memory_space<hbm>>
    tpu.wait_dma2 semaphore(%arg22 : memref<!tpu.dma_semaphore, #tpu.memory_space<semaphore_mem>>) src(%arg13 : memref<128x128xf32, #tpu.memory_space<vmem>>) dst(%dma_wait3A_152 : memref<128x128xf32, #tpu.memory_space<hbm>>)
    %dma_start3A_153 = arith.constant 832 : i32
    %dma_start3A_154 = tpu.memref_slice %arg10[%dma_start3A_153] : memref<1088xi32, #tpu.memory_space<vmem>> -> memref<128xi32, #tpu.memory_space<vmem>>
    %dma_start3A_155 = arith.constant 0 : i32
    %dma_start3A_156 = arith.constant 0 : i32
    %dma_start3A_157 = tpu.memref_slice %arg5[%dma_start3A_155, %dma_start3A_156] : memref<100000x128xf32, #tpu.memory_space<hbm>> -> memref<100000x128xf32, #tpu.memory_space<hbm>>
    tpu.enqueue_indirect_dma source(%dma_start3A_157 : memref<100000x128xf32, #tpu.memory_space<hbm>>) target(%arg13 : memref<128x128xf32, #tpu.memory_space<vmem>>) offsets(%dma_start3A_154 : memref<128xi32, #tpu.memory_space<vmem>>) semaphore(%arg19 : memref<!tpu.dma_semaphore, #tpu.memory_space<semaphore_mem>>)
    %dma_wait3A_158 = arith.constant 448 : i32
    %dma_wait3A_159 = tpu.memref_slice %arg10[%dma_wait3A_158] : memref<1088xi32, #tpu.memory_space<vmem>> -> memref<128xi32, #tpu.memory_space<vmem>>
    %dma_wait3A_160 = arith.constant 0 : i32
    %dma_wait3A_161 = arith.constant 0 : i32
    %dma_wait3A_162 = tpu.memref_slice %arg5[%dma_wait3A_160, %dma_wait3A_161] : memref<100000x128xf32, #tpu.memory_space<hbm>> -> memref<100000x128xf32, #tpu.memory_space<hbm>>
    tpu.wait_indirect_dma semaphore(%arg20 : memref<!tpu.dma_semaphore, #tpu.memory_space<semaphore_mem>>) src(%dma_wait3A_162 : memref<100000x128xf32, #tpu.memory_space<hbm>>) dst(%arg14 : memref<128x128xf32, #tpu.memory_space<vmem>>)
    %mul3A_163 = arith.constant 1024 : i32
    %mul3A_164 = arith.muli %add3A, %mul3A_163 : i32
    %add3A_165 = arith.constant 384 : i32
    %add3A_166 = arith.addi %mul3A_164, %add3A_165 : i32
    %dma_start3A_167 = arith.constant 0 : i32
    %dma_start3A_168 = tpu.memref_slice %arg7[%add3A_166, %dma_start3A_167] : memref<32768x128xf32, #tpu.memory_space<hbm>> -> memref<128x128xf32, #tpu.memory_space<hbm>>
    %dma_start3A_169 = arith.constant 0 : i32
    %dma_start3A_170 = tpu.memref_slice %arg7[%add3A_166, %dma_start3A_169] : memref<32768x128xf32, #tpu.memory_space<hbm>> -> memref<128x128xf32, #tpu.memory_space<hbm>>
    tpu.enqueue_dma source(%arg14 : memref<128x128xf32, #tpu.memory_space<vmem>>) target(%dma_start3A_170 : memref<128x128xf32, #tpu.memory_space<hbm>>) target_semaphore(%arg21 : memref<!tpu.dma_semaphore, #tpu.memory_space<semaphore_mem>>)
    %dma_wait3A_171 = arith.constant 0 : i32
    %dma_wait3A_172 = tpu.memref_slice %arg7[%add3A_166, %dma_wait3A_171] : memref<32768x128xf32, #tpu.memory_space<hbm>> -> memref<128x128xf32, #tpu.memory_space<hbm>>
    %dma_wait3A_173 = arith.constant 0 : i32
    %dma_wait3A_174 = tpu.memref_slice %arg7[%add3A_166, %dma_wait3A_173] : memref<32768x128xf32, #tpu.memory_space<hbm>> -> memref<128x128xf32, #tpu.memory_space<hbm>>
    tpu.wait_dma2 semaphore(%arg21 : memref<!tpu.dma_semaphore, #tpu.memory_space<semaphore_mem>>) src(%arg14 : memref<128x128xf32, #tpu.memory_space<vmem>>) dst(%dma_wait3A_174 : memref<128x128xf32, #tpu.memory_space<hbm>>)
    %dma_start3A_175 = arith.constant 960 : i32
    %dma_start3A_176 = tpu.memref_slice %arg10[%dma_start3A_175] : memref<1088xi32, #tpu.memory_space<vmem>> -> memref<128xi32, #tpu.memory_space<vmem>>
    %dma_start3A_177 = arith.constant 0 : i32
    %dma_start3A_178 = arith.constant 0 : i32
    %dma_start3A_179 = tpu.memref_slice %arg5[%dma_start3A_177, %dma_start3A_178] : memref<100000x128xf32, #tpu.memory_space<hbm>> -> memref<100000x128xf32, #tpu.memory_space<hbm>>
    tpu.enqueue_indirect_dma source(%dma_start3A_179 : memref<100000x128xf32, #tpu.memory_space<hbm>>) target(%arg14 : memref<128x128xf32, #tpu.memory_space<vmem>>) offsets(%dma_start3A_176 : memref<128xi32, #tpu.memory_space<vmem>>) semaphore(%arg20 : memref<!tpu.dma_semaphore, #tpu.memory_space<semaphore_mem>>)
    %dma_wait3A_180 = arith.constant 576 : i32
    %dma_wait3A_181 = tpu.memref_slice %arg10[%dma_wait3A_180] : memref<1088xi32, #tpu.memory_space<vmem>> -> memref<128xi32, #tpu.memory_space<vmem>>
    %dma_wait3A_182 = arith.constant 0 : i32
    %dma_wait3A_183 = arith.constant 0 : i32
    %dma_wait3A_184 = tpu.memref_slice %arg5[%dma_wait3A_182, %dma_wait3A_183] : memref<100000x128xf32, #tpu.memory_space<hbm>> -> memref<100000x128xf32, #tpu.memory_space<hbm>>
    tpu.wait_indirect_dma semaphore(%arg17 : memref<!tpu.dma_semaphore, #tpu.memory_space<semaphore_mem>>) src(%dma_wait3A_184 : memref<100000x128xf32, #tpu.memory_space<hbm>>) dst(%arg11 : memref<128x128xf32, #tpu.memory_space<vmem>>)
    %mul3A_185 = arith.constant 1024 : i32
    %mul3A_186 = arith.muli %add3A, %mul3A_185 : i32
    %add3A_187 = arith.constant 512 : i32
    %add3A_188 = arith.addi %mul3A_186, %add3A_187 : i32
    %dma_start3A_189 = arith.constant 0 : i32
    %dma_start3A_190 = tpu.memref_slice %arg7[%add3A_188, %dma_start3A_189] : memref<32768x128xf32, #tpu.memory_space<hbm>> -> memref<128x128xf32, #tpu.memory_space<hbm>>
    %dma_start3A_191 = arith.constant 0 : i32
    %dma_start3A_192 = tpu.memref_slice %arg7[%add3A_188, %dma_start3A_191] : memref<32768x128xf32, #tpu.memory_space<hbm>> -> memref<128x128xf32, #tpu.memory_space<hbm>>
    tpu.enqueue_dma source(%arg11 : memref<128x128xf32, #tpu.memory_space<vmem>>) target(%dma_start3A_192 : memref<128x128xf32, #tpu.memory_space<hbm>>) target_semaphore(%arg22 : memref<!tpu.dma_semaphore, #tpu.memory_space<semaphore_mem>>)
    %dma_wait3A_193 = arith.constant 704 : i32
    %dma_wait3A_194 = tpu.memref_slice %arg10[%dma_wait3A_193] : memref<1088xi32, #tpu.memory_space<vmem>> -> memref<128xi32, #tpu.memory_space<vmem>>
    %dma_wait3A_195 = arith.constant 0 : i32
    %dma_wait3A_196 = arith.constant 0 : i32
    %dma_wait3A_197 = tpu.memref_slice %arg5[%dma_wait3A_195, %dma_wait3A_196] : memref<100000x128xf32, #tpu.memory_space<hbm>> -> memref<100000x128xf32, #tpu.memory_space<hbm>>
    tpu.wait_indirect_dma semaphore(%arg18 : memref<!tpu.dma_semaphore, #tpu.memory_space<semaphore_mem>>) src(%dma_wait3A_197 : memref<100000x128xf32, #tpu.memory_space<hbm>>) dst(%arg12 : memref<128x128xf32, #tpu.memory_space<vmem>>)
    %mul3A_198 = arith.constant 1024 : i32
    %mul3A_199 = arith.muli %add3A, %mul3A_198 : i32
    %add3A_200 = arith.constant 640 : i32
    %add3A_201 = arith.addi %mul3A_199, %add3A_200 : i32
    %dma_start3A_202 = arith.constant 0 : i32
    %dma_start3A_203 = tpu.memref_slice %arg7[%add3A_201, %dma_start3A_202] : memref<32768x128xf32, #tpu.memory_space<hbm>> -> memref<128x128xf32, #tpu.memory_space<hbm>>
    %dma_start3A_204 = arith.constant 0 : i32
    %dma_start3A_205 = tpu.memref_slice %arg7[%add3A_201, %dma_start3A_204] : memref<32768x128xf32, #tpu.memory_space<hbm>> -> memref<128x128xf32, #tpu.memory_space<hbm>>
    tpu.enqueue_dma source(%arg12 : memref<128x128xf32, #tpu.memory_space<vmem>>) target(%dma_start3A_205 : memref<128x128xf32, #tpu.memory_space<hbm>>) target_semaphore(%arg21 : memref<!tpu.dma_semaphore, #tpu.memory_space<semaphore_mem>>)
    %dma_wait3A_206 = arith.constant 832 : i32
    %dma_wait3A_207 = tpu.memref_slice %arg10[%dma_wait3A_206] : memref<1088xi32, #tpu.memory_space<vmem>> -> memref<128xi32, #tpu.memory_space<vmem>>
    %dma_wait3A_208 = arith.constant 0 : i32
    %dma_wait3A_209 = arith.constant 0 : i32
    %dma_wait3A_210 = tpu.memref_slice %arg5[%dma_wait3A_208, %dma_wait3A_209] : memref<100000x128xf32, #tpu.memory_space<hbm>> -> memref<100000x128xf32, #tpu.memory_space<hbm>>
    tpu.wait_indirect_dma semaphore(%arg19 : memref<!tpu.dma_semaphore, #tpu.memory_space<semaphore_mem>>) src(%dma_wait3A_210 : memref<100000x128xf32, #tpu.memory_space<hbm>>) dst(%arg13 : memref<128x128xf32, #tpu.memory_space<vmem>>)
    %mul3A_211 = arith.constant 1024 : i32
    %mul3A_212 = arith.muli %add3A, %mul3A_211 : i32
    %add3A_213 = arith.constant 768 : i32
    %add3A_214 = arith.addi %mul3A_212, %add3A_213 : i32
    %dma_start3A_215 = arith.constant 0 : i32
    %dma_start3A_216 = tpu.memref_slice %arg7[%add3A_214, %dma_start3A_215] : memref<32768x128xf32, #tpu.memory_space<hbm>> -> memref<128x128xf32, #tpu.memory_space<hbm>>
    %dma_start3A_217 = arith.constant 0 : i32
    %dma_start3A_218 = tpu.memref_slice %arg7[%add3A_214, %dma_start3A_217] : memref<32768x128xf32, #tpu.memory_space<hbm>> -> memref<128x128xf32, #tpu.memory_space<hbm>>
    tpu.enqueue_dma source(%arg13 : memref<128x128xf32, #tpu.memory_space<vmem>>) target(%dma_start3A_218 : memref<128x128xf32, #tpu.memory_space<hbm>>) target_semaphore(%arg22 : memref<!tpu.dma_semaphore, #tpu.memory_space<semaphore_mem>>)
    %dma_wait3A_219 = arith.constant 960 : i32
    %dma_wait3A_220 = tpu.memref_slice %arg10[%dma_wait3A_219] : memref<1088xi32, #tpu.memory_space<vmem>> -> memref<128xi32, #tpu.memory_space<vmem>>
    %dma_wait3A_221 = arith.constant 0 : i32
    %dma_wait3A_222 = arith.constant 0 : i32
    %dma_wait3A_223 = tpu.memref_slice %arg5[%dma_wait3A_221, %dma_wait3A_222] : memref<100000x128xf32, #tpu.memory_space<hbm>> -> memref<100000x128xf32, #tpu.memory_space<hbm>>
    tpu.wait_indirect_dma semaphore(%arg20 : memref<!tpu.dma_semaphore, #tpu.memory_space<semaphore_mem>>) src(%dma_wait3A_223 : memref<100000x128xf32, #tpu.memory_space<hbm>>) dst(%arg14 : memref<128x128xf32, #tpu.memory_space<vmem>>)
    %mul3A_224 = arith.constant 1024 : i32
    %mul3A_225 = arith.muli %add3A, %mul3A_224 : i32
    %add3A_226 = arith.constant 896 : i32
    %add3A_227 = arith.addi %mul3A_225, %add3A_226 : i32
    %dma_start3A_228 = arith.constant 0 : i32
    %dma_start3A_229 = tpu.memref_slice %arg7[%add3A_227, %dma_start3A_228] : memref<32768x128xf32, #tpu.memory_space<hbm>> -> memref<128x128xf32, #tpu.memory_space<hbm>>
    %dma_start3A_230 = arith.constant 0 : i32
    %dma_start3A_231 = tpu.memref_slice %arg7[%add3A_227, %dma_start3A_230] : memref<32768x128xf32, #tpu.memory_space<hbm>> -> memref<128x128xf32, #tpu.memory_space<hbm>>
    tpu.enqueue_dma source(%arg14 : memref<128x128xf32, #tpu.memory_space<vmem>>) target(%dma_start3A_231 : memref<128x128xf32, #tpu.memory_space<hbm>>) target_semaphore(%arg21 : memref<!tpu.dma_semaphore, #tpu.memory_space<semaphore_mem>>)
    %dma_wait3A_232 = arith.constant 0 : i32
    %dma_wait3A_233 = tpu.memref_slice %arg7[%add3A_188, %dma_wait3A_232] : memref<32768x128xf32, #tpu.memory_space<hbm>> -> memref<128x128xf32, #tpu.memory_space<hbm>>
    %dma_wait3A_234 = arith.constant 0 : i32
    %dma_wait3A_235 = tpu.memref_slice %arg7[%add3A_188, %dma_wait3A_234] : memref<32768x128xf32, #tpu.memory_space<hbm>> -> memref<128x128xf32, #tpu.memory_space<hbm>>
    tpu.wait_dma2 semaphore(%arg22 : memref<!tpu.dma_semaphore, #tpu.memory_space<semaphore_mem>>) src(%arg11 : memref<128x128xf32, #tpu.memory_space<vmem>>) dst(%dma_wait3A_235 : memref<128x128xf32, #tpu.memory_space<hbm>>)
    %dma_wait3A_236 = arith.constant 0 : i32
    %dma_wait3A_237 = tpu.memref_slice %arg7[%add3A_201, %dma_wait3A_236] : memref<32768x128xf32, #tpu.memory_space<hbm>> -> memref<128x128xf32, #tpu.memory_space<hbm>>
    %dma_wait3A_238 = arith.constant 0 : i32
    %dma_wait3A_239 = tpu.memref_slice %arg7[%add3A_201, %dma_wait3A_238] : memref<32768x128xf32, #tpu.memory_space<hbm>> -> memref<128x128xf32, #tpu.memory_space<hbm>>
    tpu.wait_dma2 semaphore(%arg21 : memref<!tpu.dma_semaphore, #tpu.memory_space<semaphore_mem>>) src(%arg12 : memref<128x128xf32, #tpu.memory_space<vmem>>) dst(%dma_wait3A_239 : memref<128x128xf32, #tpu.memory_space<hbm>>)
    %dma_wait3A_240 = arith.constant 0 : i32
    %dma_wait3A_241 = tpu.memref_slice %arg7[%add3A_214, %dma_wait3A_240] : memref<32768x128xf32, #tpu.memory_space<hbm>> -> memref<128x128xf32, #tpu.memory_space<hbm>>
    %dma_wait3A_242 = arith.constant 0 : i32
    %dma_wait3A_243 = tpu.memref_slice %arg7[%add3A_214, %dma_wait3A_242] : memref<32768x128xf32, #tpu.memory_space<hbm>> -> memref<128x128xf32, #tpu.memory_space<hbm>>
    tpu.wait_dma2 semaphore(%arg22 : memref<!tpu.dma_semaphore, #tpu.memory_space<semaphore_mem>>) src(%arg13 : memref<128x128xf32, #tpu.memory_space<vmem>>) dst(%dma_wait3A_243 : memref<128x128xf32, #tpu.memory_space<hbm>>)
    %dma_wait3A_244 = arith.constant 0 : i32
    %dma_wait3A_245 = tpu.memref_slice %arg7[%add3A_227, %dma_wait3A_244] : memref<32768x128xf32, #tpu.memory_space<hbm>> -> memref<128x128xf32, #tpu.memory_space<hbm>>
    %dma_wait3A_246 = arith.constant 0 : i32
    %dma_wait3A_247 = tpu.memref_slice %arg7[%add3A_227, %dma_wait3A_246] : memref<32768x128xf32, #tpu.memory_space<hbm>> -> memref<128x128xf32, #tpu.memory_space<hbm>>
    tpu.wait_dma2 semaphore(%arg21 : memref<!tpu.dma_semaphore, #tpu.memory_space<semaphore_mem>>) src(%arg14 : memref<128x128xf32, #tpu.memory_space<vmem>>) dst(%dma_wait3A_247 : memref<128x128xf32, #tpu.memory_space<hbm>>)
    %dma_start3A_248 = arith.constant 0 : i32
    %dma_start3A_249 = tpu.memref_slice %arg9[%dma_start3A_248] : memref<16384xi32, #tpu.memory_space<vmem>> -> memref<128xi32, #tpu.memory_space<vmem>>
    %dma_start3A_250 = arith.constant 0 : i32
    %dma_start3A_251 = arith.constant 0 : i32
    %dma_start3A_252 = tpu.memref_slice %arg5[%dma_start3A_250, %dma_start3A_251] : memref<100000x128xf32, #tpu.memory_space<hbm>> -> memref<100000x128xf32, #tpu.memory_space<hbm>>
    tpu.enqueue_indirect_dma source(%dma_start3A_252 : memref<100000x128xf32, #tpu.memory_space<hbm>>) target(%arg11 : memref<128x128xf32, #tpu.memory_space<vmem>>) offsets(%dma_start3A_249 : memref<128xi32, #tpu.memory_space<vmem>>) semaphore(%arg17 : memref<!tpu.dma_semaphore, #tpu.memory_space<semaphore_mem>>)
    %dma_start3A_253 = arith.constant 128 : i32
    %dma_start3A_254 = tpu.memref_slice %arg9[%dma_start3A_253] : memref<16384xi32, #tpu.memory_space<vmem>> -> memref<128xi32, #tpu.memory_space<vmem>>
    %dma_start3A_255 = arith.constant 0 : i32
    %dma_start3A_256 = arith.constant 0 : i32
    %dma_start3A_257 = tpu.memref_slice %arg5[%dma_start3A_255, %dma_start3A_256] : memref<100000x128xf32, #tpu.memory_space<hbm>> -> memref<100000x128xf32, #tpu.memory_space<hbm>>
    tpu.enqueue_indirect_dma source(%dma_start3A_257 : memref<100000x128xf32, #tpu.memory_space<hbm>>) target(%arg12 : memref<128x128xf32, #tpu.memory_space<vmem>>) offsets(%dma_start3A_254 : memref<128xi32, #tpu.memory_space<vmem>>) semaphore(%arg18 : memref<!tpu.dma_semaphore, #tpu.memory_space<semaphore_mem>>)
    %dma_start3A_258 = arith.constant 256 : i32
    %dma_start3A_259 = tpu.memref_slice %arg9[%dma_start3A_258] : memref<16384xi32, #tpu.memory_space<vmem>> -> memref<128xi32, #tpu.memory_space<vmem>>
    %dma_start3A_260 = arith.constant 0 : i32
    %dma_start3A_261 = arith.constant 0 : i32
    %dma_start3A_262 = tpu.memref_slice %arg5[%dma_start3A_260, %dma_start3A_261] : memref<100000x128xf32, #tpu.memory_space<hbm>> -> memref<100000x128xf32, #tpu.memory_space<hbm>>
    tpu.enqueue_indirect_dma source(%dma_start3A_262 : memref<100000x128xf32, #tpu.memory_space<hbm>>) target(%arg13 : memref<128x128xf32, #tpu.memory_space<vmem>>) offsets(%dma_start3A_259 : memref<128xi32, #tpu.memory_space<vmem>>) semaphore(%arg19 : memref<!tpu.dma_semaphore, #tpu.memory_space<semaphore_mem>>)
    %dma_start3A_263 = arith.constant 384 : i32
    %dma_start3A_264 = tpu.memref_slice %arg9[%dma_start3A_263] : memref<16384xi32, #tpu.memory_space<vmem>> -> memref<128xi32, #tpu.memory_space<vmem>>
    %dma_start3A_265 = arith.constant 0 : i32
    %dma_start3A_266 = arith.constant 0 : i32
    %dma_start3A_267 = tpu.memref_slice %arg5[%dma_start3A_265, %dma_start3A_266] : memref<100000x128xf32, #tpu.memory_space<hbm>> -> memref<100000x128xf32, #tpu.memory_space<hbm>>
    tpu.enqueue_indirect_dma source(%dma_start3A_267 : memref<100000x128xf32, #tpu.memory_space<hbm>>) target(%arg14 : memref<128x128xf32, #tpu.memory_space<vmem>>) offsets(%dma_start3A_264 : memref<128xi32, #tpu.memory_space<vmem>>) semaphore(%arg20 : memref<!tpu.dma_semaphore, #tpu.memory_space<semaphore_mem>>)
    %scan3A = arith.constant 0 : i32
    %scan3A_268 = arith.constant 0 : i32
    %scan3A_269 = arith.constant 32 : i32
    %scan3A_270 = arith.addi %scan3A_268, %scan3A_269 : i32
    %scan3A_271 = arith.constant 1 : i32
    %scan3A_272 = scf.for %scan3A_286 = %scan3A_268 to %scan3A_270 step %scan3A_271 iter_args(%scan3A_287 = %scan3A) -> (i32)  : i32 {
      %mul3A_288 = arith.constant 4 : i32
      %mul3A_289 = arith.muli %mul3A_288, %scan3A_286 : i32
      %dma_wait3A_290 = arith.constant 0 : i32
      %dma_wait3A_291 = arith.constant 0 : i32
      %dma_wait3A_292 = tpu.memref_slice %arg5[%dma_wait3A_290, %dma_wait3A_291] : memref<100000x128xf32, #tpu.memory_space<hbm>> -> memref<128x128xf32, #tpu.memory_space<hbm>>
      %dma_wait3A_293 = arith.constant 0 : i32
      %dma_wait3A_294 = arith.constant 0 : i32
      %dma_wait3A_295 = tpu.memref_slice %arg5[%dma_wait3A_293, %dma_wait3A_294] : memref<100000x128xf32, #tpu.memory_space<hbm>> -> memref<128x128xf32, #tpu.memory_space<hbm>>
      tpu.wait_dma2 semaphore(%arg17 : memref<!tpu.dma_semaphore, #tpu.memory_space<semaphore_mem>>) src(%dma_wait3A_295 : memref<128x128xf32, #tpu.memory_space<hbm>>) dst(%arg11 : memref<128x128xf32, #tpu.memory_space<vmem>>)
      %ge3A = arith.constant 2 : i32
      %ge3A_296 = arith.cmpi sge, %mul3A_289, %ge3A : i32
      %convert_element_type3A = arith.extui %ge3A_296 : i1 to i32
      %cond3A = arith.constant 0 : i32
      %cond3A_297 = arith.cmpi ne, %convert_element_type3A, %cond3A : i32
      scf.if %cond3A_297 {
        %dma_wait3A_429 = arith.constant 0 : i32
        %dma_wait3A_430 = arith.constant 0 : i32
        %dma_wait3A_431 = tpu.memref_slice %arg8[%dma_wait3A_429, %dma_wait3A_430] : memref<32768x128xf32, #tpu.memory_space<hbm>> -> memref<8x128xf32, #tpu.memory_space<hbm>>
        %dma_wait3A_432 = arith.constant 0 : i32
        %dma_wait3A_433 = arith.constant 0 : i32
        %dma_wait3A_434 = tpu.memref_slice %arg8[%dma_wait3A_432, %dma_wait3A_433] : memref<32768x128xf32, #tpu.memory_space<hbm>> -> memref<8x128xf32, #tpu.memory_space<hbm>>
        tpu.wait_dma2 semaphore(%arg21 : memref<!tpu.dma_semaphore, #tpu.memory_space<semaphore_mem>>) src(%arg15 : memref<8x128xf32, #tpu.memory_space<vmem>>) dst(%dma_wait3A_434 : memref<8x128xf32, #tpu.memory_space<hbm>>)
      } else {
      }
      %scan3A_298 = arith.constant 0 : i32
      %scan3A_299 = arith.constant 0 : i32
      %scan3A_300 = arith.constant 8 : i32
      %scan3A_301 = arith.addi %scan3A_299, %scan3A_300 : i32
      %scan3A_302 = arith.constant 1 : i32
      %scan3A_303 = scf.for %scan3A_429 = %scan3A_299 to %scan3A_301 step %scan3A_302 iter_args(%scan3A_430 = %scan3A_298) -> (i32)  : i32 {
        %mul3A_431 = arith.constant 16 : i32
        %mul3A_432 = arith.muli %scan3A_429, %mul3A_431 : i32
        %add3A_433 = arith.constant 0 : i32
        %add3A_434 = arith.addi %mul3A_432, %add3A_433 : i32
        %get3A = arith.index_cast %add3A_434 : i32 to index
        %get3A_435 = arith.constant 0 : index
        %get3A_436 = tpu.vector_load %arg11[%get3A, %get3A_435] {strides = array<i32>} : memref<128x128xf32, #tpu.memory_space<vmem>>, vector<1x16xf32>,
        %get3A_437 = vector.shape_cast %get3A_436 : vector<1x16xf32> to vector<16xf32>
        %add3A_438 = arith.addf %broadcast_in_dim3A_1, %get3A_437 : vector<16xf32>
        %add3A_439 = arith.constant 0 : i32
        %add3A_440 = arith.addi %mul3A_432, %add3A_439 : i32
        %get3A_441 = arith.index_cast %add3A_440 : i32 to index
        %get3A_442 = arith.constant 16 : index
        %get3A_443 = tpu.vector_load %arg11[%get3A_441, %get3A_442] {strides = array<i32>} : memref<128x128xf32, #tpu.memory_space<vmem>>, vector<1x16xf32>,
        %get3A_444 = vector.shape_cast %get3A_443 : vector<1x16xf32> to vector<16xf32>
        %add3A_445 = arith.addf %broadcast_in_dim3A_1, %get3A_444 : vector<16xf32>
        %add3A_446 = arith.constant 0 : i32
        %add3A_447 = arith.addi %mul3A_432, %add3A_446 : i32
        %get3A_448 = arith.index_cast %add3A_447 : i32 to index
        %get3A_449 = arith.constant 32 : index
        %get3A_450 = tpu.vector_load %arg11[%get3A_448, %get3A_449] {strides = array<i32>} : memref<128x128xf32, #tpu.memory_space<vmem>>, vector<1x16xf32>,
        %get3A_451 = vector.shape_cast %get3A_450 : vector<1x16xf32> to vector<16xf32>
        %add3A_452 = arith.addf %broadcast_in_dim3A_1, %get3A_451 : vector<16xf32>
        %add3A_453 = arith.constant 0 : i32
        %add3A_454 = arith.addi %mul3A_432, %add3A_453 : i32
        %get3A_455 = arith.index_cast %add3A_454 : i32 to index
        %get3A_456 = arith.constant 48 : index
        %get3A_457 = tpu.vector_load %arg11[%get3A_455, %get3A_456] {strides = array<i32>} : memref<128x128xf32, #tpu.memory_space<vmem>>, vector<1x16xf32>,
        %get3A_458 = vector.shape_cast %get3A_457 : vector<1x16xf32> to vector<16xf32>
        %add3A_459 = arith.addf %broadcast_in_dim3A_1, %get3A_458 : vector<16xf32>
        %add3A_460 = arith.constant 0 : i32
        %add3A_461 = arith.addi %mul3A_432, %add3A_460 : i32
        %get3A_462 = arith.index_cast %add3A_461 : i32 to index
        %get3A_463 = arith.constant 64 : index
        %get3A_464 = tpu.vector_load %arg11[%get3A_462, %get3A_463] {strides = array<i32>} : memref<128x128xf32, #tpu.memory_space<vmem>>, vector<1x16xf32>,
        %get3A_465 = vector.shape_cast %get3A_464 : vector<1x16xf32> to vector<16xf32>
        %add3A_466 = arith.addf %broadcast_in_dim3A_1, %get3A_465 : vector<16xf32>
        %add3A_467 = arith.constant 0 : i32
        %add3A_468 = arith.addi %mul3A_432, %add3A_467 : i32
        %get3A_469 = arith.index_cast %add3A_468 : i32 to index
        %get3A_470 = arith.constant 80 : index
        %get3A_471 = tpu.vector_load %arg11[%get3A_469, %get3A_470] {strides = array<i32>} : memref<128x128xf32, #tpu.memory_space<vmem>>, vector<1x16xf32>,
        %get3A_472 = vector.shape_cast %get3A_471 : vector<1x16xf32> to vector<16xf32>
        %add3A_473 = arith.addf %broadcast_in_dim3A_1, %get3A_472 : vector<16xf32>
        %add3A_474 = arith.constant 0 : i32
        %add3A_475 = arith.addi %mul3A_432, %add3A_474 : i32
        %get3A_476 = arith.index_cast %add3A_475 : i32 to index
        %get3A_477 = arith.constant 96 : index
        %get3A_478 = tpu.vector_load %arg11[%get3A_476, %get3A_477] {strides = array<i32>} : memref<128x128xf32, #tpu.memory_space<vmem>>, vector<1x16xf32>,
        %get3A_479 = vector.shape_cast %get3A_478 : vector<1x16xf32> to vector<16xf32>
        %add3A_480 = arith.addf %broadcast_in_dim3A_1, %get3A_479 : vector<16xf32>
        %add3A_481 = arith.constant 0 : i32
        %add3A_482 = arith.addi %mul3A_432, %add3A_481 : i32
        %get3A_483 = arith.index_cast %add3A_482 : i32 to index
        %get3A_484 = arith.constant 112 : index
        %get3A_485 = tpu.vector_load %arg11[%get3A_483, %get3A_484] {strides = array<i32>} : memref<128x128xf32, #tpu.memory_space<vmem>>, vector<1x16xf32>,
        %get3A_486 = vector.shape_cast %get3A_485 : vector<1x16xf32> to vector<16xf32>
        %add3A_487 = arith.addf %broadcast_in_dim3A_1, %get3A_486 : vector<16xf32>
        %add3A_488 = arith.constant 1 : i32
        %add3A_489 = arith.addi %mul3A_432, %add3A_488 : i32
        %get3A_490 = arith.index_cast %add3A_489 : i32 to index
        %get3A_491 = arith.constant 0 : index
        %get3A_492 = tpu.vector_load %arg11[%get3A_490, %get3A_491] {strides = array<i32>} : memref<128x128xf32, #tpu.memory_space<vmem>>, vector<1x16xf32>,
        %get3A_493 = vector.shape_cast %get3A_492 : vector<1x16xf32> to vector<16xf32>
        %add3A_494 = arith.addf %add3A_438, %get3A_493 : vector<16xf32>
        %add3A_495 = arith.constant 1 : i32
        %add3A_496 = arith.addi %mul3A_432, %add3A_495 : i32
        %get3A_497 = arith.index_cast %add3A_496 : i32 to index
        %get3A_498 = arith.constant 16 : index
        %get3A_499 = tpu.vector_load %arg11[%get3A_497, %get3A_498] {strides = array<i32>} : memref<128x128xf32, #tpu.memory_space<vmem>>, vector<1x16xf32>,
        %get3A_500 = vector.shape_cast %get3A_499 : vector<1x16xf32> to vector<16xf32>
        %add3A_501 = arith.addf %add3A_445, %get3A_500 : vector<16xf32>
        %add3A_502 = arith.constant 1 : i32
        %add3A_503 = arith.addi %mul3A_432, %add3A_502 : i32
        %get3A_504 = arith.index_cast %add3A_503 : i32 to index
        %get3A_505 = arith.constant 32 : index
        %get3A_506 = tpu.vector_load %arg11[%get3A_504, %get3A_505] {strides = array<i32>} : memref<128x128xf32, #tpu.memory_space<vmem>>, vector<1x16xf32>,
        %get3A_507 = vector.shape_cast %get3A_506 : vector<1x16xf32> to vector<16xf32>
        %add3A_508 = arith.addf %add3A_452, %get3A_507 : vector<16xf32>
        %add3A_509 = arith.constant 1 : i32
        %add3A_510 = arith.addi %mul3A_432, %add3A_509 : i32
        %get3A_511 = arith.index_cast %add3A_510 : i32 to index
        %get3A_512 = arith.constant 48 : index
        %get3A_513 = tpu.vector_load %arg11[%get3A_511, %get3A_512] {strides = array<i32>} : memref<128x128xf32, #tpu.memory_space<vmem>>, vector<1x16xf32>,
        %get3A_514 = vector.shape_cast %get3A_513 : vector<1x16xf32> to vector<16xf32>
        %add3A_515 = arith.addf %add3A_459, %get3A_514 : vector<16xf32>
        %add3A_516 = arith.constant 1 : i32
        %add3A_517 = arith.addi %mul3A_432, %add3A_516 : i32
        %get3A_518 = arith.index_cast %add3A_517 : i32 to index
        %get3A_519 = arith.constant 64 : index
        %get3A_520 = tpu.vector_load %arg11[%get3A_518, %get3A_519] {strides = array<i32>} : memref<128x128xf32, #tpu.memory_space<vmem>>, vector<1x16xf32>,
        %get3A_521 = vector.shape_cast %get3A_520 : vector<1x16xf32> to vector<16xf32>
        %add3A_522 = arith.addf %add3A_466, %get3A_521 : vector<16xf32>
        %add3A_523 = arith.constant 1 : i32
        %add3A_524 = arith.addi %mul3A_432, %add3A_523 : i32
        %get3A_525 = arith.index_cast %add3A_524 : i32 to index
        %get3A_526 = arith.constant 80 : index
        %get3A_527 = tpu.vector_load %arg11[%get3A_525, %get3A_526] {strides = array<i32>} : memref<128x128xf32, #tpu.memory_space<vmem>>, vector<1x16xf32>,
        %get3A_528 = vector.shape_cast %get3A_527 : vector<1x16xf32> to vector<16xf32>
        %add3A_529 = arith.addf %add3A_473, %get3A_528 : vector<16xf32>
        %add3A_530 = arith.constant 1 : i32
        %add3A_531 = arith.addi %mul3A_432, %add3A_530 : i32
        %get3A_532 = arith.index_cast %add3A_531 : i32 to index
        %get3A_533 = arith.constant 96 : index
        %get3A_534 = tpu.vector_load %arg11[%get3A_532, %get3A_533] {strides = array<i32>} : memref<128x128xf32, #tpu.memory_space<vmem>>, vector<1x16xf32>,
        %get3A_535 = vector.shape_cast %get3A_534 : vector<1x16xf32> to vector<16xf32>
        %add3A_536 = arith.addf %add3A_480, %get3A_535 : vector<16xf32>
        %add3A_537 = arith.constant 1 : i32
        %add3A_538 = arith.addi %mul3A_432, %add3A_537 : i32
        %get3A_539 = arith.index_cast %add3A_538 : i32 to index
        %get3A_540 = arith.constant 112 : index
        %get3A_541 = tpu.vector_load %arg11[%get3A_539, %get3A_540] {strides = array<i32>} : memref<128x128xf32, #tpu.memory_space<vmem>>, vector<1x16xf32>,
        %get3A_542 = vector.shape_cast %get3A_541 : vector<1x16xf32> to vector<16xf32>
        %add3A_543 = arith.addf %add3A_487, %get3A_542 : vector<16xf32>
        %add3A_544 = arith.constant 2 : i32
        %add3A_545 = arith.addi %mul3A_432, %add3A_544 : i32
        %get3A_546 = arith.index_cast %add3A_545 : i32 to index
        %get3A_547 = arith.constant 0 : index
        %get3A_548 = tpu.vector_load %arg11[%get3A_546, %get3A_547] {strides = array<i32>} : memref<128x128xf32, #tpu.memory_space<vmem>>, vector<1x16xf32>,
        %get3A_549 = vector.shape_cast %get3A_548 : vector<1x16xf32> to vector<16xf32>
        %add3A_550 = arith.addf %add3A_494, %get3A_549 : vector<16xf32>
        %add3A_551 = arith.constant 2 : i32
        %add3A_552 = arith.addi %mul3A_432, %add3A_551 : i32
        %get3A_553 = arith.index_cast %add3A_552 : i32 to index
        %get3A_554 = arith.constant 16 : index
        %get3A_555 = tpu.vector_load %arg11[%get3A_553, %get3A_554] {strides = array<i32>} : memref<128x128xf32, #tpu.memory_space<vmem>>, vector<1x16xf32>,
        %get3A_556 = vector.shape_cast %get3A_555 : vector<1x16xf32> to vector<16xf32>
        %add3A_557 = arith.addf %add3A_501, %get3A_556 : vector<16xf32>
        %add3A_558 = arith.constant 2 : i32
        %add3A_559 = arith.addi %mul3A_432, %add3A_558 : i32
        %get3A_560 = arith.index_cast %add3A_559 : i32 to index
        %get3A_561 = arith.constant 32 : index
        %get3A_562 = tpu.vector_load %arg11[%get3A_560, %get3A_561] {strides = array<i32>} : memref<128x128xf32, #tpu.memory_space<vmem>>, vector<1x16xf32>,
        %get3A_563 = vector.shape_cast %get3A_562 : vector<1x16xf32> to vector<16xf32>
        %add3A_564 = arith.addf %add3A_508, %get3A_563 : vector<16xf32>
        %add3A_565 = arith.constant 2 : i32
        %add3A_566 = arith.addi %mul3A_432, %add3A_565 : i32
        %get3A_567 = arith.index_cast %add3A_566 : i32 to index
        %get3A_568 = arith.constant 48 : index
        %get3A_569 = tpu.vector_load %arg11[%get3A_567, %get3A_568] {strides = array<i32>} : memref<128x128xf32, #tpu.memory_space<vmem>>, vector<1x16xf32>,
        %get3A_570 = vector.shape_cast %get3A_569 : vector<1x16xf32> to vector<16xf32>
        %add3A_571 = arith.addf %add3A_515, %get3A_570 : vector<16xf32>
        %add3A_572 = arith.constant 2 : i32
        %add3A_573 = arith.addi %mul3A_432, %add3A_572 : i32
        %get3A_574 = arith.index_cast %add3A_573 : i32 to index
        %get3A_575 = arith.constant 64 : index
        %get3A_576 = tpu.vector_load %arg11[%get3A_574, %get3A_575] {strides = array<i32>} : memref<128x128xf32, #tpu.memory_space<vmem>>, vector<1x16xf32>,
        %get3A_577 = vector.shape_cast %get3A_576 : vector<1x16xf32> to vector<16xf32>
        %add3A_578 = arith.addf %add3A_522, %get3A_577 : vector<16xf32>
        %add3A_579 = arith.constant 2 : i32
        %add3A_580 = arith.addi %mul3A_432, %add3A_579 : i32
        %get3A_581 = arith.index_cast %add3A_580 : i32 to index
        %get3A_582 = arith.constant 80 : index
        %get3A_583 = tpu.vector_load %arg11[%get3A_581, %get3A_582] {strides = array<i32>} : memref<128x128xf32, #tpu.memory_space<vmem>>, vector<1x16xf32>,
        %get3A_584 = vector.shape_cast %get3A_583 : vector<1x16xf32> to vector<16xf32>
        %add3A_585 = arith.addf %add3A_529, %get3A_584 : vector<16xf32>
        %add3A_586 = arith.constant 2 : i32
        %add3A_587 = arith.addi %mul3A_432, %add3A_586 : i32
        %get3A_588 = arith.index_cast %add3A_587 : i32 to index
        %get3A_589 = arith.constant 96 : index
        %get3A_590 = tpu.vector_load %arg11[%get3A_588, %get3A_589] {strides = array<i32>} : memref<128x128xf32, #tpu.memory_space<vmem>>, vector<1x16xf32>,
        %get3A_591 = vector.shape_cast %get3A_590 : vector<1x16xf32> to vector<16xf32>
        %add3A_592 = arith.addf %add3A_536, %get3A_591 : vector<16xf32>
        %add3A_593 = arith.constant 2 : i32
        %add3A_594 = arith.addi %mul3A_432, %add3A_593 : i32
        %get3A_595 = arith.index_cast %add3A_594 : i32 to index
        %get3A_596 = arith.constant 112 : index
        %get3A_597 = tpu.vector_load %arg11[%get3A_595, %get3A_596] {strides = array<i32>} : memref<128x128xf32, #tpu.memory_space<vmem>>, vector<1x16xf32>,
        %get3A_598 = vector.shape_cast %get3A_597 : vector<1x16xf32> to vector<16xf32>
        %add3A_599 = arith.addf %add3A_543, %get3A_598 : vector<16xf32>
        %add3A_600 = arith.constant 3 : i32
        %add3A_601 = arith.addi %mul3A_432, %add3A_600 : i32
        %get3A_602 = arith.index_cast %add3A_601 : i32 to index
        %get3A_603 = arith.constant 0 : index
        %get3A_604 = tpu.vector_load %arg11[%get3A_602, %get3A_603] {strides = array<i32>} : memref<128x128xf32, #tpu.memory_space<vmem>>, vector<1x16xf32>,
        %get3A_605 = vector.shape_cast %get3A_604 : vector<1x16xf32> to vector<16xf32>
        %add3A_606 = arith.addf %add3A_550, %get3A_605 : vector<16xf32>
        %add3A_607 = arith.constant 3 : i32
        %add3A_608 = arith.addi %mul3A_432, %add3A_607 : i32
        %get3A_609 = arith.index_cast %add3A_608 : i32 to index
        %get3A_610 = arith.constant 16 : index
        %get3A_611 = tpu.vector_load %arg11[%get3A_609, %get3A_610] {strides = array<i32>} : memref<128x128xf32, #tpu.memory_space<vmem>>, vector<1x16xf32>,
        %get3A_612 = vector.shape_cast %get3A_611 : vector<1x16xf32> to vector<16xf32>
        %add3A_613 = arith.addf %add3A_557, %get3A_612 : vector<16xf32>
        %add3A_614 = arith.constant 3 : i32
        %add3A_615 = arith.addi %mul3A_432, %add3A_614 : i32
        %get3A_616 = arith.index_cast %add3A_615 : i32 to index
        %get3A_617 = arith.constant 32 : index
        %get3A_618 = tpu.vector_load %arg11[%get3A_616, %get3A_617] {strides = array<i32>} : memref<128x128xf32, #tpu.memory_space<vmem>>, vector<1x16xf32>,
        %get3A_619 = vector.shape_cast %get3A_618 : vector<1x16xf32> to vector<16xf32>
        %add3A_620 = arith.addf %add3A_564, %get3A_619 : vector<16xf32>
        %add3A_621 = arith.constant 3 : i32
        %add3A_622 = arith.addi %mul3A_432, %add3A_621 : i32
        %get3A_623 = arith.index_cast %add3A_622 : i32 to index
        %get3A_624 = arith.constant 48 : index
        %get3A_625 = tpu.vector_load %arg11[%get3A_623, %get3A_624] {strides = array<i32>} : memref<128x128xf32, #tpu.memory_space<vmem>>, vector<1x16xf32>,
        %get3A_626 = vector.shape_cast %get3A_625 : vector<1x16xf32> to vector<16xf32>
        %add3A_627 = arith.addf %add3A_571, %get3A_626 : vector<16xf32>
        %add3A_628 = arith.constant 3 : i32
        %add3A_629 = arith.addi %mul3A_432, %add3A_628 : i32
        %get3A_630 = arith.index_cast %add3A_629 : i32 to index
        %get3A_631 = arith.constant 64 : index
        %get3A_632 = tpu.vector_load %arg11[%get3A_630, %get3A_631] {strides = array<i32>} : memref<128x128xf32, #tpu.memory_space<vmem>>, vector<1x16xf32>,
        %get3A_633 = vector.shape_cast %get3A_632 : vector<1x16xf32> to vector<16xf32>
        %add3A_634 = arith.addf %add3A_578, %get3A_633 : vector<16xf32>
        %add3A_635 = arith.constant 3 : i32
        %add3A_636 = arith.addi %mul3A_432, %add3A_635 : i32
        %get3A_637 = arith.index_cast %add3A_636 : i32 to index
        %get3A_638 = arith.constant 80 : index
        %get3A_639 = tpu.vector_load %arg11[%get3A_637, %get3A_638] {strides = array<i32>} : memref<128x128xf32, #tpu.memory_space<vmem>>, vector<1x16xf32>,
        %get3A_640 = vector.shape_cast %get3A_639 : vector<1x16xf32> to vector<16xf32>
        %add3A_641 = arith.addf %add3A_585, %get3A_640 : vector<16xf32>
        %add3A_642 = arith.constant 3 : i32
        %add3A_643 = arith.addi %mul3A_432, %add3A_642 : i32
        %get3A_644 = arith.index_cast %add3A_643 : i32 to index
        %get3A_645 = arith.constant 96 : index
        %get3A_646 = tpu.vector_load %arg11[%get3A_644, %get3A_645] {strides = array<i32>} : memref<128x128xf32, #tpu.memory_space<vmem>>, vector<1x16xf32>,
        %get3A_647 = vector.shape_cast %get3A_646 : vector<1x16xf32> to vector<16xf32>
        %add3A_648 = arith.addf %add3A_592, %get3A_647 : vector<16xf32>
        %add3A_649 = arith.constant 3 : i32
        %add3A_650 = arith.addi %mul3A_432, %add3A_649 : i32
        %get3A_651 = arith.index_cast %add3A_650 : i32 to index
        %get3A_652 = arith.constant 112 : index
        %get3A_653 = tpu.vector_load %arg11[%get3A_651, %get3A_652] {strides = array<i32>} : memref<128x128xf32, #tpu.memory_space<vmem>>, vector<1x16xf32>,
        %get3A_654 = vector.shape_cast %get3A_653 : vector<1x16xf32> to vector<16xf32>
        %add3A_655 = arith.addf %add3A_599, %get3A_654 : vector<16xf32>
        %add3A_656 = arith.constant 4 : i32
        %add3A_657 = arith.addi %mul3A_432, %add3A_656 : i32
        %get3A_658 = arith.index_cast %add3A_657 : i32 to index
        %get3A_659 = arith.constant 0 : index
        %get3A_660 = tpu.vector_load %arg11[%get3A_658, %get3A_659] {strides = array<i32>} : memref<128x128xf32, #tpu.memory_space<vmem>>, vector<1x16xf32>,
        %get3A_661 = vector.shape_cast %get3A_660 : vector<1x16xf32> to vector<16xf32>
        %add3A_662 = arith.addf %add3A_606, %get3A_661 : vector<16xf32>
        %add3A_663 = arith.constant 4 : i32
        %add3A_664 = arith.addi %mul3A_432, %add3A_663 : i32
        %get3A_665 = arith.index_cast %add3A_664 : i32 to index
        %get3A_666 = arith.constant 16 : index
        %get3A_667 = tpu.vector_load %arg11[%get3A_665, %get3A_666] {strides = array<i32>} : memref<128x128xf32, #tpu.memory_space<vmem>>, vector<1x16xf32>,
        %get3A_668 = vector.shape_cast %get3A_667 : vector<1x16xf32> to vector<16xf32>
        %add3A_669 = arith.addf %add3A_613, %get3A_668 : vector<16xf32>
        %add3A_670 = arith.constant 4 : i32
        %add3A_671 = arith.addi %mul3A_432, %add3A_670 : i32
        %get3A_672 = arith.index_cast %add3A_671 : i32 to index
        %get3A_673 = arith.constant 32 : index
        %get3A_674 = tpu.vector_load %arg11[%get3A_672, %get3A_673] {strides = array<i32>} : memref<128x128xf32, #tpu.memory_space<vmem>>, vector<1x16xf32>,
        %get3A_675 = vector.shape_cast %get3A_674 : vector<1x16xf32> to vector<16xf32>
        %add3A_676 = arith.addf %add3A_620, %get3A_675 : vector<16xf32>
        %add3A_677 = arith.constant 4 : i32
        %add3A_678 = arith.addi %mul3A_432, %add3A_677 : i32
        %get3A_679 = arith.index_cast %add3A_678 : i32 to index
        %get3A_680 = arith.constant 48 : index
        %get3A_681 = tpu.vector_load %arg11[%get3A_679, %get3A_680] {strides = array<i32>} : memref<128x128xf32, #tpu.memory_space<vmem>>, vector<1x16xf32>,
        %get3A_682 = vector.shape_cast %get3A_681 : vector<1x16xf32> to vector<16xf32>
        %add3A_683 = arith.addf %add3A_627, %get3A_682 : vector<16xf32>
        %add3A_684 = arith.constant 4 : i32
        %add3A_685 = arith.addi %mul3A_432, %add3A_684 : i32
        %get3A_686 = arith.index_cast %add3A_685 : i32 to index
        %get3A_687 = arith.constant 64 : index
        %get3A_688 = tpu.vector_load %arg11[%get3A_686, %get3A_687] {strides = array<i32>} : memref<128x128xf32, #tpu.memory_space<vmem>>, vector<1x16xf32>,
        %get3A_689 = vector.shape_cast %get3A_688 : vector<1x16xf32> to vector<16xf32>
        %add3A_690 = arith.addf %add3A_634, %get3A_689 : vector<16xf32>
        %add3A_691 = arith.constant 4 : i32
        %add3A_692 = arith.addi %mul3A_432, %add3A_691 : i32
        %get3A_693 = arith.index_cast %add3A_692 : i32 to index
        %get3A_694 = arith.constant 80 : index
        %get3A_695 = tpu.vector_load %arg11[%get3A_693, %get3A_694] {strides = array<i32>} : memref<128x128xf32, #tpu.memory_space<vmem>>, vector<1x16xf32>,
        %get3A_696 = vector.shape_cast %get3A_695 : vector<1x16xf32> to vector<16xf32>
        %add3A_697 = arith.addf %add3A_641, %get3A_696 : vector<16xf32>
        %add3A_698 = arith.constant 4 : i32
        %add3A_699 = arith.addi %mul3A_432, %add3A_698 : i32
        %get3A_700 = arith.index_cast %add3A_699 : i32 to index
        %get3A_701 = arith.constant 96 : index
        %get3A_702 = tpu.vector_load %arg11[%get3A_700, %get3A_701] {strides = array<i32>} : memref<128x128xf32, #tpu.memory_space<vmem>>, vector<1x16xf32>,
        %get3A_703 = vector.shape_cast %get3A_702 : vector<1x16xf32> to vector<16xf32>
        %add3A_704 = arith.addf %add3A_648, %get3A_703 : vector<16xf32>
        %add3A_705 = arith.constant 4 : i32
        %add3A_706 = arith.addi %mul3A_432, %add3A_705 : i32
        %get3A_707 = arith.index_cast %add3A_706 : i32 to index
        %get3A_708 = arith.constant 112 : index
        %get3A_709 = tpu.vector_load %arg11[%get3A_707, %get3A_708] {strides = array<i32>} : memref<128x128xf32, #tpu.memory_space<vmem>>, vector<1x16xf32>,
        %get3A_710 = vector.shape_cast %get3A_709 : vector<1x16xf32> to vector<16xf32>
        %add3A_711 = arith.addf %add3A_655, %get3A_710 : vector<16xf32>
        %add3A_712 = arith.constant 5 : i32
        %add3A_713 = arith.addi %mul3A_432, %add3A_712 : i32
        %get3A_714 = arith.index_cast %add3A_713 : i32 to index
        %get3A_715 = arith.constant 0 : index
        %get3A_716 = tpu.vector_load %arg11[%get3A_714, %get3A_715] {strides = array<i32>} : memref<128x128xf32, #tpu.memory_space<vmem>>, vector<1x16xf32>,
        %get3A_717 = vector.shape_cast %get3A_716 : vector<1x16xf32> to vector<16xf32>
        %add3A_718 = arith.addf %add3A_662, %get3A_717 : vector<16xf32>
        %add3A_719 = arith.constant 5 : i32
        %add3A_720 = arith.addi %mul3A_432, %add3A_719 : i32
        %get3A_721 = arith.index_cast %add3A_720 : i32 to index
        %get3A_722 = arith.constant 16 : index
        %get3A_723 = tpu.vector_load %arg11[%get3A_721, %get3A_722] {strides = array<i32>} : memref<128x128xf32, #tpu.memory_space<vmem>>, vector<1x16xf32>,
        %get3A_724 = vector.shape_cast %get3A_723 : vector<1x16xf32> to vector<16xf32>
        %add3A_725 = arith.addf %add3A_669, %get3A_724 : vector<16xf32>
        %add3A_726 = arith.constant 5 : i32
        %add3A_727 = arith.addi %mul3A_432, %add3A_726 : i32
        %get3A_728 = arith.index_cast %add3A_727 : i32 to index
        %get3A_729 = arith.constant 32 : index
        %get3A_730 = tpu.vector_load %arg11[%get3A_728, %get3A_729] {strides = array<i32>} : memref<128x128xf32, #tpu.memory_space<vmem>>, vector<1x16xf32>,
        %get3A_731 = vector.shape_cast %get3A_730 : vector<1x16xf32> to vector<16xf32>
        %add3A_732 = arith.addf %add3A_676, %get3A_731 : vector<16xf32>
        %add3A_733 = arith.constant 5 : i32
        %add3A_734 = arith.addi %mul3A_432, %add3A_733 : i32
        %get3A_735 = arith.index_cast %add3A_734 : i32 to index
        %get3A_736 = arith.constant 48 : index
        %get3A_737 = tpu.vector_load %arg11[%get3A_735, %get3A_736] {strides = array<i32>} : memref<128x128xf32, #tpu.memory_space<vmem>>, vector<1x16xf32>,
        %get3A_738 = vector.shape_cast %get3A_737 : vector<1x16xf32> to vector<16xf32>
        %add3A_739 = arith.addf %add3A_683, %get3A_738 : vector<16xf32>
        %add3A_740 = arith.constant 5 : i32
        %add3A_741 = arith.addi %mul3A_432, %add3A_740 : i32
        %get3A_742 = arith.index_cast %add3A_741 : i32 to index
        %get3A_743 = arith.constant 64 : index
        %get3A_744 = tpu.vector_load %arg11[%get3A_742, %get3A_743] {strides = array<i32>} : memref<128x128xf32, #tpu.memory_space<vmem>>, vector<1x16xf32>,
        %get3A_745 = vector.shape_cast %get3A_744 : vector<1x16xf32> to vector<16xf32>
        %add3A_746 = arith.addf %add3A_690, %get3A_745 : vector<16xf32>
        %add3A_747 = arith.constant 5 : i32
        %add3A_748 = arith.addi %mul3A_432, %add3A_747 : i32
        %get3A_749 = arith.index_cast %add3A_748 : i32 to index
        %get3A_750 = arith.constant 80 : index
        %get3A_751 = tpu.vector_load %arg11[%get3A_749, %get3A_750] {strides = array<i32>} : memref<128x128xf32, #tpu.memory_space<vmem>>, vector<1x16xf32>,
        %get3A_752 = vector.shape_cast %get3A_751 : vector<1x16xf32> to vector<16xf32>
        %add3A_753 = arith.addf %add3A_697, %get3A_752 : vector<16xf32>
        %add3A_754 = arith.constant 5 : i32
        %add3A_755 = arith.addi %mul3A_432, %add3A_754 : i32
        %get3A_756 = arith.index_cast %add3A_755 : i32 to index
        %get3A_757 = arith.constant 96 : index
        %get3A_758 = tpu.vector_load %arg11[%get3A_756, %get3A_757] {strides = array<i32>} : memref<128x128xf32, #tpu.memory_space<vmem>>, vector<1x16xf32>,
        %get3A_759 = vector.shape_cast %get3A_758 : vector<1x16xf32> to vector<16xf32>
        %add3A_760 = arith.addf %add3A_704, %get3A_759 : vector<16xf32>
        %add3A_761 = arith.constant 5 : i32
        %add3A_762 = arith.addi %mul3A_432, %add3A_761 : i32
        %get3A_763 = arith.index_cast %add3A_762 : i32 to index
        %get3A_764 = arith.constant 112 : index
        %get3A_765 = tpu.vector_load %arg11[%get3A_763, %get3A_764] {strides = array<i32>} : memref<128x128xf32, #tpu.memory_space<vmem>>, vector<1x16xf32>,
        %get3A_766 = vector.shape_cast %get3A_765 : vector<1x16xf32> to vector<16xf32>
        %add3A_767 = arith.addf %add3A_711, %get3A_766 : vector<16xf32>
        %add3A_768 = arith.constant 6 : i32
        %add3A_769 = arith.addi %mul3A_432, %add3A_768 : i32
        %get3A_770 = arith.index_cast %add3A_769 : i32 to index
        %get3A_771 = arith.constant 0 : index
        %get3A_772 = tpu.vector_load %arg11[%get3A_770, %get3A_771] {strides = array<i32>} : memref<128x128xf32, #tpu.memory_space<vmem>>, vector<1x16xf32>,
        %get3A_773 = vector.shape_cast %get3A_772 : vector<1x16xf32> to vector<16xf32>
        %add3A_774 = arith.addf %add3A_718, %get3A_773 : vector<16xf32>
        %add3A_775 = arith.constant 6 : i32
        %add3A_776 = arith.addi %mul3A_432, %add3A_775 : i32
        %get3A_777 = arith.index_cast %add3A_776 : i32 to index
        %get3A_778 = arith.constant 16 : index
        %get3A_779 = tpu.vector_load %arg11[%get3A_777, %get3A_778] {strides = array<i32>} : memref<128x128xf32, #tpu.memory_space<vmem>>, vector<1x16xf32>,
        %get3A_780 = vector.shape_cast %get3A_779 : vector<1x16xf32> to vector<16xf32>
        %add3A_781 = arith.addf %add3A_725, %get3A_780 : vector<16xf32>
        %add3A_782 = arith.constant 6 : i32
        %add3A_783 = arith.addi %mul3A_432, %add3A_782 : i32
        %get3A_784 = arith.index_cast %add3A_783 : i32 to index
        %get3A_785 = arith.constant 32 : index
        %get3A_786 = tpu.vector_load %arg11[%get3A_784, %get3A_785] {strides = array<i32>} : memref<128x128xf32, #tpu.memory_space<vmem>>, vector<1x16xf32>,
        %get3A_787 = vector.shape_cast %get3A_786 : vector<1x16xf32> to vector<16xf32>
        %add3A_788 = arith.addf %add3A_732, %get3A_787 : vector<16xf32>
        %add3A_789 = arith.constant 6 : i32
        %add3A_790 = arith.addi %mul3A_432, %add3A_789 : i32
        %get3A_791 = arith.index_cast %add3A_790 : i32 to index
        %get3A_792 = arith.constant 48 : index
        %get3A_793 = tpu.vector_load %arg11[%get3A_791, %get3A_792] {strides = array<i32>} : memref<128x128xf32, #tpu.memory_space<vmem>>, vector<1x16xf32>,
        %get3A_794 = vector.shape_cast %get3A_793 : vector<1x16xf32> to vector<16xf32>
        %add3A_795 = arith.addf %add3A_739, %get3A_794 : vector<16xf32>
        %add3A_796 = arith.constant 6 : i32
        %add3A_797 = arith.addi %mul3A_432, %add3A_796 : i32
        %get3A_798 = arith.index_cast %add3A_797 : i32 to index
        %get3A_799 = arith.constant 64 : index
        %get3A_800 = tpu.vector_load %arg11[%get3A_798, %get3A_799] {strides = array<i32>} : memref<128x128xf32, #tpu.memory_space<vmem>>, vector<1x16xf32>,
        %get3A_801 = vector.shape_cast %get3A_800 : vector<1x16xf32> to vector<16xf32>
        %add3A_802 = arith.addf %add3A_746, %get3A_801 : vector<16xf32>
        %add3A_803 = arith.constant 6 : i32
        %add3A_804 = arith.addi %mul3A_432, %add3A_803 : i32
        %get3A_805 = arith.index_cast %add3A_804 : i32 to index
        %get3A_806 = arith.constant 80 : index
        %get3A_807 = tpu.vector_load %arg11[%get3A_805, %get3A_806] {strides = array<i32>} : memref<128x128xf32, #tpu.memory_space<vmem>>, vector<1x16xf32>,
        %get3A_808 = vector.shape_cast %get3A_807 : vector<1x16xf32> to vector<16xf32>
        %add3A_809 = arith.addf %add3A_753, %get3A_808 : vector<16xf32>
        %add3A_810 = arith.constant 6 : i32
        %add3A_811 = arith.addi %mul3A_432, %add3A_810 : i32
        %get3A_812 = arith.index_cast %add3A_811 : i32 to index
        %get3A_813 = arith.constant 96 : index
        %get3A_814 = tpu.vector_load %arg11[%get3A_812, %get3A_813] {strides = array<i32>} : memref<128x128xf32, #tpu.memory_space<vmem>>, vector<1x16xf32>,
        %get3A_815 = vector.shape_cast %get3A_814 : vector<1x16xf32> to vector<16xf32>
        %add3A_816 = arith.addf %add3A_760, %get3A_815 : vector<16xf32>
        %add3A_817 = arith.constant 6 : i32
        %add3A_818 = arith.addi %mul3A_432, %add3A_817 : i32
        %get3A_819 = arith.index_cast %add3A_818 : i32 to index
        %get3A_820 = arith.constant 112 : index
        %get3A_821 = tpu.vector_load %arg11[%get3A_819, %get3A_820] {strides = array<i32>} : memref<128x128xf32, #tpu.memory_space<vmem>>, vector<1x16xf32>,
        %get3A_822 = vector.shape_cast %get3A_821 : vector<1x16xf32> to vector<16xf32>
        %add3A_823 = arith.addf %add3A_767, %get3A_822 : vector<16xf32>
        %add3A_824 = arith.constant 7 : i32
        %add3A_825 = arith.addi %mul3A_432, %add3A_824 : i32
        %get3A_826 = arith.index_cast %add3A_825 : i32 to index
        %get3A_827 = arith.constant 0 : index
        %get3A_828 = tpu.vector_load %arg11[%get3A_826, %get3A_827] {strides = array<i32>} : memref<128x128xf32, #tpu.memory_space<vmem>>, vector<1x16xf32>,
        %get3A_829 = vector.shape_cast %get3A_828 : vector<1x16xf32> to vector<16xf32>
        %add3A_830 = arith.addf %add3A_774, %get3A_829 : vector<16xf32>
        %add3A_831 = arith.constant 7 : i32
        %add3A_832 = arith.addi %mul3A_432, %add3A_831 : i32
        %get3A_833 = arith.index_cast %add3A_832 : i32 to index
        %get3A_834 = arith.constant 16 : index
        %get3A_835 = tpu.vector_load %arg11[%get3A_833, %get3A_834] {strides = array<i32>} : memref<128x128xf32, #tpu.memory_space<vmem>>, vector<1x16xf32>,
        %get3A_836 = vector.shape_cast %get3A_835 : vector<1x16xf32> to vector<16xf32>
        %add3A_837 = arith.addf %add3A_781, %get3A_836 : vector<16xf32>
        %add3A_838 = arith.constant 7 : i32
        %add3A_839 = arith.addi %mul3A_432, %add3A_838 : i32
        %get3A_840 = arith.index_cast %add3A_839 : i32 to index
        %get3A_841 = arith.constant 32 : index
        %get3A_842 = tpu.vector_load %arg11[%get3A_840, %get3A_841] {strides = array<i32>} : memref<128x128xf32, #tpu.memory_space<vmem>>, vector<1x16xf32>,
        %get3A_843 = vector.shape_cast %get3A_842 : vector<1x16xf32> to vector<16xf32>
        %add3A_844 = arith.addf %add3A_788, %get3A_843 : vector<16xf32>
        %add3A_845 = arith.constant 7 : i32
        %add3A_846 = arith.addi %mul3A_432, %add3A_845 : i32
        %get3A_847 = arith.index_cast %add3A_846 : i32 to index
        %get3A_848 = arith.constant 48 : index
        %get3A_849 = tpu.vector_load %arg11[%get3A_847, %get3A_848] {strides = array<i32>} : memref<128x128xf32, #tpu.memory_space<vmem>>, vector<1x16xf32>,
        %get3A_850 = vector.shape_cast %get3A_849 : vector<1x16xf32> to vector<16xf32>
        %add3A_851 = arith.addf %add3A_795, %get3A_850 : vector<16xf32>
        %add3A_852 = arith.constant 7 : i32
        %add3A_853 = arith.addi %mul3A_432, %add3A_852 : i32
        %get3A_854 = arith.index_cast %add3A_853 : i32 to index
        %get3A_855 = arith.constant 64 : index
        %get3A_856 = tpu.vector_load %arg11[%get3A_854, %get3A_855] {strides = array<i32>} : memref<128x128xf32, #tpu.memory_space<vmem>>, vector<1x16xf32>,
        %get3A_857 = vector.shape_cast %get3A_856 : vector<1x16xf32> to vector<16xf32>
        %add3A_858 = arith.addf %add3A_802, %get3A_857 : vector<16xf32>
        %add3A_859 = arith.constant 7 : i32
        %add3A_860 = arith.addi %mul3A_432, %add3A_859 : i32
        %get3A_861 = arith.index_cast %add3A_860 : i32 to index
        %get3A_862 = arith.constant 80 : index
        %get3A_863 = tpu.vector_load %arg11[%get3A_861, %get3A_862] {strides = array<i32>} : memref<128x128xf32, #tpu.memory_space<vmem>>, vector<1x16xf32>,
        %get3A_864 = vector.shape_cast %get3A_863 : vector<1x16xf32> to vector<16xf32>
        %add3A_865 = arith.addf %add3A_809, %get3A_864 : vector<16xf32>
        %add3A_866 = arith.constant 7 : i32
        %add3A_867 = arith.addi %mul3A_432, %add3A_866 : i32
        %get3A_868 = arith.index_cast %add3A_867 : i32 to index
        %get3A_869 = arith.constant 96 : index
        %get3A_870 = tpu.vector_load %arg11[%get3A_868, %get3A_869] {strides = array<i32>} : memref<128x128xf32, #tpu.memory_space<vmem>>, vector<1x16xf32>,
        %get3A_871 = vector.shape_cast %get3A_870 : vector<1x16xf32> to vector<16xf32>
        %add3A_872 = arith.addf %add3A_816, %get3A_871 : vector<16xf32>
        %add3A_873 = arith.constant 7 : i32
        %add3A_874 = arith.addi %mul3A_432, %add3A_873 : i32
        %get3A_875 = arith.index_cast %add3A_874 : i32 to index
        %get3A_876 = arith.constant 112 : index
        %get3A_877 = tpu.vector_load %arg11[%get3A_875, %get3A_876] {strides = array<i32>} : memref<128x128xf32, #tpu.memory_space<vmem>>, vector<1x16xf32>,
        %get3A_878 = vector.shape_cast %get3A_877 : vector<1x16xf32> to vector<16xf32>
        %add3A_879 = arith.addf %add3A_823, %get3A_878 : vector<16xf32>
        %add3A_880 = arith.constant 8 : i32
        %add3A_881 = arith.addi %mul3A_432, %add3A_880 : i32
        %get3A_882 = arith.index_cast %add3A_881 : i32 to index
        %get3A_883 = arith.constant 0 : index
        %get3A_884 = tpu.vector_load %arg11[%get3A_882, %get3A_883] {strides = array<i32>} : memref<128x128xf32, #tpu.memory_space<vmem>>, vector<1x16xf32>,
        %get3A_885 = vector.shape_cast %get3A_884 : vector<1x16xf32> to vector<16xf32>
        %add3A_886 = arith.addf %add3A_830, %get3A_885 : vector<16xf32>
        %add3A_887 = arith.constant 8 : i32
        %add3A_888 = arith.addi %mul3A_432, %add3A_887 : i32
        %get3A_889 = arith.index_cast %add3A_888 : i32 to index
        %get3A_890 = arith.constant 16 : index
        %get3A_891 = tpu.vector_load %arg11[%get3A_889, %get3A_890] {strides = array<i32>} : memref<128x128xf32, #tpu.memory_space<vmem>>, vector<1x16xf32>,
        %get3A_892 = vector.shape_cast %get3A_891 : vector<1x16xf32> to vector<16xf32>
        %add3A_893 = arith.addf %add3A_837, %get3A_892 : vector<16xf32>
        %add3A_894 = arith.constant 8 : i32
        %add3A_895 = arith.addi %mul3A_432, %add3A_894 : i32
        %get3A_896 = arith.index_cast %add3A_895 : i32 to index
        %get3A_897 = arith.constant 32 : index
        %get3A_898 = tpu.vector_load %arg11[%get3A_896, %get3A_897] {strides = array<i32>} : memref<128x128xf32, #tpu.memory_space<vmem>>, vector<1x16xf32>,
        %get3A_899 = vector.shape_cast %get3A_898 : vector<1x16xf32> to vector<16xf32>
        %add3A_900 = arith.addf %add3A_844, %get3A_899 : vector<16xf32>
        %add3A_901 = arith.constant 8 : i32
        %add3A_902 = arith.addi %mul3A_432, %add3A_901 : i32
        %get3A_903 = arith.index_cast %add3A_902 : i32 to index
        %get3A_904 = arith.constant 48 : index
        %get3A_905 = tpu.vector_load %arg11[%get3A_903, %get3A_904] {strides = array<i32>} : memref<128x128xf32, #tpu.memory_space<vmem>>, vector<1x16xf32>,
        %get3A_906 = vector.shape_cast %get3A_905 : vector<1x16xf32> to vector<16xf32>
        %add3A_907 = arith.addf %add3A_851, %get3A_906 : vector<16xf32>
        %add3A_908 = arith.constant 8 : i32
        %add3A_909 = arith.addi %mul3A_432, %add3A_908 : i32
        %get3A_910 = arith.index_cast %add3A_909 : i32 to index
        %get3A_911 = arith.constant 64 : index
        %get3A_912 = tpu.vector_load %arg11[%get3A_910, %get3A_911] {strides = array<i32>} : memref<128x128xf32, #tpu.memory_space<vmem>>, vector<1x16xf32>,
        %get3A_913 = vector.shape_cast %get3A_912 : vector<1x16xf32> to vector<16xf32>
        %add3A_914 = arith.addf %add3A_858, %get3A_913 : vector<16xf32>
        %add3A_915 = arith.constant 8 : i32
        %add3A_916 = arith.addi %mul3A_432, %add3A_915 : i32
        %get3A_917 = arith.index_cast %add3A_916 : i32 to index
        %get3A_918 = arith.constant 80 : index
        %get3A_919 = tpu.vector_load %arg11[%get3A_917, %get3A_918] {strides = array<i32>} : memref<128x128xf32, #tpu.memory_space<vmem>>, vector<1x16xf32>,
        %get3A_920 = vector.shape_cast %get3A_919 : vector<1x16xf32> to vector<16xf32>
        %add3A_921 = arith.addf %add3A_865, %get3A_920 : vector<16xf32>
        %add3A_922 = arith.constant 8 : i32
        %add3A_923 = arith.addi %mul3A_432, %add3A_922 : i32
        %get3A_924 = arith.index_cast %add3A_923 : i32 to index
        %get3A_925 = arith.constant 96 : index
        %get3A_926 = tpu.vector_load %arg11[%get3A_924, %get3A_925] {strides = array<i32>} : memref<128x128xf32, #tpu.memory_space<vmem>>, vector<1x16xf32>,
        %get3A_927 = vector.shape_cast %get3A_926 : vector<1x16xf32> to vector<16xf32>
        %add3A_928 = arith.addf %add3A_872, %get3A_927 : vector<16xf32>
        %add3A_929 = arith.constant 8 : i32
        %add3A_930 = arith.addi %mul3A_432, %add3A_929 : i32
        %get3A_931 = arith.index_cast %add3A_930 : i32 to index
        %get3A_932 = arith.constant 112 : index
        %get3A_933 = tpu.vector_load %arg11[%get3A_931, %get3A_932] {strides = array<i32>} : memref<128x128xf32, #tpu.memory_space<vmem>>, vector<1x16xf32>,
        %get3A_934 = vector.shape_cast %get3A_933 : vector<1x16xf32> to vector<16xf32>
        %add3A_935 = arith.addf %add3A_879, %get3A_934 : vector<16xf32>
        %add3A_936 = arith.constant 9 : i32
        %add3A_937 = arith.addi %mul3A_432, %add3A_936 : i32
        %get3A_938 = arith.index_cast %add3A_937 : i32 to index
        %get3A_939 = arith.constant 0 : index
        %get3A_940 = tpu.vector_load %arg11[%get3A_938, %get3A_939] {strides = array<i32>} : memref<128x128xf32, #tpu.memory_space<vmem>>, vector<1x16xf32>,
        %get3A_941 = vector.shape_cast %get3A_940 : vector<1x16xf32> to vector<16xf32>
        %add3A_942 = arith.addf %add3A_886, %get3A_941 : vector<16xf32>
        %add3A_943 = arith.constant 9 : i32
        %add3A_944 = arith.addi %mul3A_432, %add3A_943 : i32
        %get3A_945 = arith.index_cast %add3A_944 : i32 to index
        %get3A_946 = arith.constant 16 : index
        %get3A_947 = tpu.vector_load %arg11[%get3A_945, %get3A_946] {strides = array<i32>} : memref<128x128xf32, #tpu.memory_space<vmem>>, vector<1x16xf32>,
        %get3A_948 = vector.shape_cast %get3A_947 : vector<1x16xf32> to vector<16xf32>
        %add3A_949 = arith.addf %add3A_893, %get3A_948 : vector<16xf32>
        %add3A_950 = arith.constant 9 : i32
        %add3A_951 = arith.addi %mul3A_432, %add3A_950 : i32
        %get3A_952 = arith.index_cast %add3A_951 : i32 to index
        %get3A_953 = arith.constant 32 : index
        %get3A_954 = tpu.vector_load %arg11[%get3A_952, %get3A_953] {strides = array<i32>} : memref<128x128xf32, #tpu.memory_space<vmem>>, vector<1x16xf32>,
        %get3A_955 = vector.shape_cast %get3A_954 : vector<1x16xf32> to vector<16xf32>
        %add3A_956 = arith.addf %add3A_900, %get3A_955 : vector<16xf32>
        %add3A_957 = arith.constant 9 : i32
        %add3A_958 = arith.addi %mul3A_432, %add3A_957 : i32
        %get3A_959 = arith.index_cast %add3A_958 : i32 to index
        %get3A_960 = arith.constant 48 : index
        %get3A_961 = tpu.vector_load %arg11[%get3A_959, %get3A_960] {strides = array<i32>} : memref<128x128xf32, #tpu.memory_space<vmem>>, vector<1x16xf32>,
        %get3A_962 = vector.shape_cast %get3A_961 : vector<1x16xf32> to vector<16xf32>
        %add3A_963 = arith.addf %add3A_907, %get3A_962 : vector<16xf32>
        %add3A_964 = arith.constant 9 : i32
        %add3A_965 = arith.addi %mul3A_432, %add3A_964 : i32
        %get3A_966 = arith.index_cast %add3A_965 : i32 to index
        %get3A_967 = arith.constant 64 : index
        %get3A_968 = tpu.vector_load %arg11[%get3A_966, %get3A_967] {strides = array<i32>} : memref<128x128xf32, #tpu.memory_space<vmem>>, vector<1x16xf32>,
        %get3A_969 = vector.shape_cast %get3A_968 : vector<1x16xf32> to vector<16xf32>
        %add3A_970 = arith.addf %add3A_914, %get3A_969 : vector<16xf32>
        %add3A_971 = arith.constant 9 : i32
        %add3A_972 = arith.addi %mul3A_432, %add3A_971 : i32
        %get3A_973 = arith.index_cast %add3A_972 : i32 to index
        %get3A_974 = arith.constant 80 : index
        %get3A_975 = tpu.vector_load %arg11[%get3A_973, %get3A_974] {strides = array<i32>} : memref<128x128xf32, #tpu.memory_space<vmem>>, vector<1x16xf32>,
        %get3A_976 = vector.shape_cast %get3A_975 : vector<1x16xf32> to vector<16xf32>
        %add3A_977 = arith.addf %add3A_921, %get3A_976 : vector<16xf32>
        %add3A_978 = arith.constant 9 : i32
        %add3A_979 = arith.addi %mul3A_432, %add3A_978 : i32
        %get3A_980 = arith.index_cast %add3A_979 : i32 to index
        %get3A_981 = arith.constant 96 : index
        %get3A_982 = tpu.vector_load %arg11[%get3A_980, %get3A_981] {strides = array<i32>} : memref<128x128xf32, #tpu.memory_space<vmem>>, vector<1x16xf32>,
        %get3A_983 = vector.shape_cast %get3A_982 : vector<1x16xf32> to vector<16xf32>
        %add3A_984 = arith.addf %add3A_928, %get3A_983 : vector<16xf32>
        %add3A_985 = arith.constant 9 : i32
        %add3A_986 = arith.addi %mul3A_432, %add3A_985 : i32
        %get3A_987 = arith.index_cast %add3A_986 : i32 to index
        %get3A_988 = arith.constant 112 : index
        %get3A_989 = tpu.vector_load %arg11[%get3A_987, %get3A_988] {strides = array<i32>} : memref<128x128xf32, #tpu.memory_space<vmem>>, vector<1x16xf32>,
        %get3A_990 = vector.shape_cast %get3A_989 : vector<1x16xf32> to vector<16xf32>
        %add3A_991 = arith.addf %add3A_935, %get3A_990 : vector<16xf32>
        %add3A_992 = arith.constant 10 : i32
        %add3A_993 = arith.addi %mul3A_432, %add3A_992 : i32
        %get3A_994 = arith.index_cast %add3A_993 : i32 to index
        %get3A_995 = arith.constant 0 : index
        %get3A_996 = tpu.vector_load %arg11[%get3A_994, %get3A_995] {strides = array<i32>} : memref<128x128xf32, #tpu.memory_space<vmem>>, vector<1x16xf32>,
        %get3A_997 = vector.shape_cast %get3A_996 : vector<1x16xf32> to vector<16xf32>
        %add3A_998 = arith.addf %add3A_942, %get3A_997 : vector<16xf32>
        %add3A_999 = arith.constant 10 : i32
        %add3A_1000 = arith.addi %mul3A_432, %add3A_999 : i32
        %get3A_1001 = arith.index_cast %add3A_1000 : i32 to index
        %get3A_1002 = arith.constant 16 : index
        %get3A_1003 = tpu.vector_load %arg11[%get3A_1001, %get3A_1002] {strides = array<i32>} : memref<128x128xf32, #tpu.memory_space<vmem>>, vector<1x16xf32>,
        %get3A_1004 = vector.shape_cast %get3A_1003 : vector<1x16xf32> to vector<16xf32>
        %add3A_1005 = arith.addf %add3A_949, %get3A_1004 : vector<16xf32>
        %add3A_1006 = arith.constant 10 : i32
        %add3A_1007 = arith.addi %mul3A_432, %add3A_1006 : i32
        %get3A_1008 = arith.index_cast %add3A_1007 : i32 to index
        %get3A_1009 = arith.constant 32 : index
        %get3A_1010 = tpu.vector_load %arg11[%get3A_1008, %get3A_1009] {strides = array<i32>} : memref<128x128xf32, #tpu.memory_space<vmem>>, vector<1x16xf32>,
        %get3A_1011 = vector.shape_cast %get3A_1010 : vector<1x16xf32> to vector<16xf32>
        %add3A_1012 = arith.addf %add3A_956, %get3A_1011 : vector<16xf32>
        %add3A_1013 = arith.constant 10 : i32
        %add3A_1014 = arith.addi %mul3A_432, %add3A_1013 : i32
        %get3A_1015 = arith.index_cast %add3A_1014 : i32 to index
        %get3A_1016 = arith.constant 48 : index
        %get3A_1017 = tpu.vector_load %arg11[%get3A_1015, %get3A_1016] {strides = array<i32>} : memref<128x128xf32, #tpu.memory_space<vmem>>, vector<1x16xf32>,
        %get3A_1018 = vector.shape_cast %get3A_1017 : vector<1x16xf32> to vector<16xf32>
        %add3A_1019 = arith.addf %add3A_963, %get3A_1018 : vector<16xf32>
        %add3A_1020 = arith.constant 10 : i32
        %add3A_1021 = arith.addi %mul3A_432, %add3A_1020 : i32
        %get3A_1022 = arith.index_cast %add3A_1021 : i32 to index
        %get3A_1023 = arith.constant 64 : index
        %get3A_1024 = tpu.vector_load %arg11[%get3A_1022, %get3A_1023] {strides = array<i32>} : memref<128x128xf32, #tpu.memory_space<vmem>>, vector<1x16xf32>,
        %get3A_1025 = vector.shape_cast %get3A_1024 : vector<1x16xf32> to vector<16xf32>
        %add3A_1026 = arith.addf %add3A_970, %get3A_1025 : vector<16xf32>
        %add3A_1027 = arith.constant 10 : i32
        %add3A_1028 = arith.addi %mul3A_432, %add3A_1027 : i32
        %get3A_1029 = arith.index_cast %add3A_1028 : i32 to index
        %get3A_1030 = arith.constant 80 : index
        %get3A_1031 = tpu.vector_load %arg11[%get3A_1029, %get3A_1030] {strides = array<i32>} : memref<128x128xf32, #tpu.memory_space<vmem>>, vector<1x16xf32>,
        %get3A_1032 = vector.shape_cast %get3A_1031 : vector<1x16xf32> to vector<16xf32>
        %add3A_1033 = arith.addf %add3A_977, %get3A_1032 : vector<16xf32>
        %add3A_1034 = arith.constant 10 : i32
        %add3A_1035 = arith.addi %mul3A_432, %add3A_1034 : i32
        %get3A_1036 = arith.index_cast %add3A_1035 : i32 to index
        %get3A_1037 = arith.constant 96 : index
        %get3A_1038 = tpu.vector_load %arg11[%get3A_1036, %get3A_1037] {strides = array<i32>} : memref<128x128xf32, #tpu.memory_space<vmem>>, vector<1x16xf32>,
        %get3A_1039 = vector.shape_cast %get3A_1038 : vector<1x16xf32> to vector<16xf32>
        %add3A_1040 = arith.addf %add3A_984, %get3A_1039 : vector<16xf32>
        %add3A_1041 = arith.constant 10 : i32
        %add3A_1042 = arith.addi %mul3A_432, %add3A_1041 : i32
        %get3A_1043 = arith.index_cast %add3A_1042 : i32 to index
        %get3A_1044 = arith.constant 112 : index
        %get3A_1045 = tpu.vector_load %arg11[%get3A_1043, %get3A_1044] {strides = array<i32>} : memref<128x128xf32, #tpu.memory_space<vmem>>, vector<1x16xf32>,
        %get3A_1046 = vector.shape_cast %get3A_1045 : vector<1x16xf32> to vector<16xf32>
        %add3A_1047 = arith.addf %add3A_991, %get3A_1046 : vector<16xf32>
        %add3A_1048 = arith.constant 11 : i32
        %add3A_1049 = arith.addi %mul3A_432, %add3A_1048 : i32
        %get3A_1050 = arith.index_cast %add3A_1049 : i32 to index
        %get3A_1051 = arith.constant 0 : index
        %get3A_1052 = tpu.vector_load %arg11[%get3A_1050, %get3A_1051] {strides = array<i32>} : memref<128x128xf32, #tpu.memory_space<vmem>>, vector<1x16xf32>,
        %get3A_1053 = vector.shape_cast %get3A_1052 : vector<1x16xf32> to vector<16xf32>
        %add3A_1054 = arith.addf %add3A_998, %get3A_1053 : vector<16xf32>
        %add3A_1055 = arith.constant 11 : i32
        %add3A_1056 = arith.addi %mul3A_432, %add3A_1055 : i32
        %get3A_1057 = arith.index_cast %add3A_1056 : i32 to index
        %get3A_1058 = arith.constant 16 : index
        %get3A_1059 = tpu.vector_load %arg11[%get3A_1057, %get3A_1058] {strides = array<i32>} : memref<128x128xf32, #tpu.memory_space<vmem>>, vector<1x16xf32>,
        %get3A_1060 = vector.shape_cast %get3A_1059 : vector<1x16xf32> to vector<16xf32>
        %add3A_1061 = arith.addf %add3A_1005, %get3A_1060 : vector<16xf32>
        %add3A_1062 = arith.constant 11 : i32
        %add3A_1063 = arith.addi %mul3A_432, %add3A_1062 : i32
        %get3A_1064 = arith.index_cast %add3A_1063 : i32 to index
        %get3A_1065 = arith.constant 32 : index
        %get3A_1066 = tpu.vector_load %arg11[%get3A_1064, %get3A_1065] {strides = array<i32>} : memref<128x128xf32, #tpu.memory_space<vmem>>, vector<1x16xf32>,
        %get3A_1067 = vector.shape_cast %get3A_1066 : vector<1x16xf32> to vector<16xf32>
        %add3A_1068 = arith.addf %add3A_1012, %get3A_1067 : vector<16xf32>
        %add3A_1069 = arith.constant 11 : i32
        %add3A_1070 = arith.addi %mul3A_432, %add3A_1069 : i32
        %get3A_1071 = arith.index_cast %add3A_1070 : i32 to index
        %get3A_1072 = arith.constant 48 : index
        %get3A_1073 = tpu.vector_load %arg11[%get3A_1071, %get3A_1072] {strides = array<i32>} : memref<128x128xf32, #tpu.memory_space<vmem>>, vector<1x16xf32>,
        %get3A_1074 = vector.shape_cast %get3A_1073 : vector<1x16xf32> to vector<16xf32>
        %add3A_1075 = arith.addf %add3A_1019, %get3A_1074 : vector<16xf32>
        %add3A_1076 = arith.constant 11 : i32
        %add3A_1077 = arith.addi %mul3A_432, %add3A_1076 : i32
        %get3A_1078 = arith.index_cast %add3A_1077 : i32 to index
        %get3A_1079 = arith.constant 64 : index
        %get3A_1080 = tpu.vector_load %arg11[%get3A_1078, %get3A_1079] {strides = array<i32>} : memref<128x128xf32, #tpu.memory_space<vmem>>, vector<1x16xf32>,
        %get3A_1081 = vector.shape_cast %get3A_1080 : vector<1x16xf32> to vector<16xf32>
        %add3A_1082 = arith.addf %add3A_1026, %get3A_1081 : vector<16xf32>
        %add3A_1083 = arith.constant 11 : i32
        %add3A_1084 = arith.addi %mul3A_432, %add3A_1083 : i32
        %get3A_1085 = arith.index_cast %add3A_1084 : i32 to index
        %get3A_1086 = arith.constant 80 : index
        %get3A_1087 = tpu.vector_load %arg11[%get3A_1085, %get3A_1086] {strides = array<i32>} : memref<128x128xf32, #tpu.memory_space<vmem>>, vector<1x16xf32>,
        %get3A_1088 = vector.shape_cast %get3A_1087 : vector<1x16xf32> to vector<16xf32>
        %add3A_1089 = arith.addf %add3A_1033, %get3A_1088 : vector<16xf32>
        %add3A_1090 = arith.constant 11 : i32
        %add3A_1091 = arith.addi %mul3A_432, %add3A_1090 : i32
        %get3A_1092 = arith.index_cast %add3A_1091 : i32 to index
        %get3A_1093 = arith.constant 96 : index
        %get3A_1094 = tpu.vector_load %arg11[%get3A_1092, %get3A_1093] {strides = array<i32>} : memref<128x128xf32, #tpu.memory_space<vmem>>, vector<1x16xf32>,
        %get3A_1095 = vector.shape_cast %get3A_1094 : vector<1x16xf32> to vector<16xf32>
        %add3A_1096 = arith.addf %add3A_1040, %get3A_1095 : vector<16xf32>
        %add3A_1097 = arith.constant 11 : i32
        %add3A_1098 = arith.addi %mul3A_432, %add3A_1097 : i32
        %get3A_1099 = arith.index_cast %add3A_1098 : i32 to index
        %get3A_1100 = arith.constant 112 : index
        %get3A_1101 = tpu.vector_load %arg11[%get3A_1099, %get3A_1100] {strides = array<i32>} : memref<128x128xf32, #tpu.memory_space<vmem>>, vector<1x16xf32>,
        %get3A_1102 = vector.shape_cast %get3A_1101 : vector<1x16xf32> to vector<16xf32>
        %add3A_1103 = arith.addf %add3A_1047, %get3A_1102 : vector<16xf32>
        %add3A_1104 = arith.constant 12 : i32
        %add3A_1105 = arith.addi %mul3A_432, %add3A_1104 : i32
        %get3A_1106 = arith.index_cast %add3A_1105 : i32 to index
        %get3A_1107 = arith.constant 0 : index
        %get3A_1108 = tpu.vector_load %arg11[%get3A_1106, %get3A_1107] {strides = array<i32>} : memref<128x128xf32, #tpu.memory_space<vmem>>, vector<1x16xf32>,
        %get3A_1109 = vector.shape_cast %get3A_1108 : vector<1x16xf32> to vector<16xf32>
        %add3A_1110 = arith.addf %add3A_1054, %get3A_1109 : vector<16xf32>
        %add3A_1111 = arith.constant 12 : i32
        %add3A_1112 = arith.addi %mul3A_432, %add3A_1111 : i32
        %get3A_1113 = arith.index_cast %add3A_1112 : i32 to index
        %get3A_1114 = arith.constant 16 : index
        %get3A_1115 = tpu.vector_load %arg11[%get3A_1113, %get3A_1114] {strides = array<i32>} : memref<128x128xf32, #tpu.memory_space<vmem>>, vector<1x16xf32>,
        %get3A_1116 = vector.shape_cast %get3A_1115 : vector<1x16xf32> to vector<16xf32>
        %add3A_1117 = arith.addf %add3A_1061, %get3A_1116 : vector<16xf32>
        %add3A_1118 = arith.constant 12 : i32
        %add3A_1119 = arith.addi %mul3A_432, %add3A_1118 : i32
        %get3A_1120 = arith.index_cast %add3A_1119 : i32 to index
        %get3A_1121 = arith.constant 32 : index
        %get3A_1122 = tpu.vector_load %arg11[%get3A_1120, %get3A_1121] {strides = array<i32>} : memref<128x128xf32, #tpu.memory_space<vmem>>, vector<1x16xf32>,
        %get3A_1123 = vector.shape_cast %get3A_1122 : vector<1x16xf32> to vector<16xf32>
        %add3A_1124 = arith.addf %add3A_1068, %get3A_1123 : vector<16xf32>
        %add3A_1125 = arith.constant 12 : i32
        %add3A_1126 = arith.addi %mul3A_432, %add3A_1125 : i32
        %get3A_1127 = arith.index_cast %add3A_1126 : i32 to index
        %get3A_1128 = arith.constant 48 : index
        %get3A_1129 = tpu.vector_load %arg11[%get3A_1127, %get3A_1128] {strides = array<i32>} : memref<128x128xf32, #tpu.memory_space<vmem>>, vector<1x16xf32>,
        %get3A_1130 = vector.shape_cast %get3A_1129 : vector<1x16xf32> to vector<16xf32>
        %add3A_1131 = arith.addf %add3A_1075, %get3A_1130 : vector<16xf32>
        %add3A_1132 = arith.constant 12 : i32
        %add3A_1133 = arith.addi %mul3A_432, %add3A_1132 : i32
        %get3A_1134 = arith.index_cast %add3A_1133 : i32 to index
        %get3A_1135 = arith.constant 64 : index
        %get3A_1136 = tpu.vector_load %arg11[%get3A_1134, %get3A_1135] {strides = array<i32>} : memref<128x128xf32, #tpu.memory_space<vmem>>, vector<1x16xf32>,
        %get3A_1137 = vector.shape_cast %get3A_1136 : vector<1x16xf32> to vector<16xf32>
        %add3A_1138 = arith.addf %add3A_1082, %get3A_1137 : vector<16xf32>
        %add3A_1139 = arith.constant 12 : i32
        %add3A_1140 = arith.addi %mul3A_432, %add3A_1139 : i32
        %get3A_1141 = arith.index_cast %add3A_1140 : i32 to index
        %get3A_1142 = arith.constant 80 : index
        %get3A_1143 = tpu.vector_load %arg11[%get3A_1141, %get3A_1142] {strides = array<i32>} : memref<128x128xf32, #tpu.memory_space<vmem>>, vector<1x16xf32>,
        %get3A_1144 = vector.shape_cast %get3A_1143 : vector<1x16xf32> to vector<16xf32>
        %add3A_1145 = arith.addf %add3A_1089, %get3A_1144 : vector<16xf32>
        %add3A_1146 = arith.constant 12 : i32
        %add3A_1147 = arith.addi %mul3A_432, %add3A_1146 : i32
        %get3A_1148 = arith.index_cast %add3A_1147 : i32 to index
        %get3A_1149 = arith.constant 96 : index
        %get3A_1150 = tpu.vector_load %arg11[%get3A_1148, %get3A_1149] {strides = array<i32>} : memref<128x128xf32, #tpu.memory_space<vmem>>, vector<1x16xf32>,
        %get3A_1151 = vector.shape_cast %get3A_1150 : vector<1x16xf32> to vector<16xf32>
        %add3A_1152 = arith.addf %add3A_1096, %get3A_1151 : vector<16xf32>
        %add3A_1153 = arith.constant 12 : i32
        %add3A_1154 = arith.addi %mul3A_432, %add3A_1153 : i32
        %get3A_1155 = arith.index_cast %add3A_1154 : i32 to index
        %get3A_1156 = arith.constant 112 : index
        %get3A_1157 = tpu.vector_load %arg11[%get3A_1155, %get3A_1156] {strides = array<i32>} : memref<128x128xf32, #tpu.memory_space<vmem>>, vector<1x16xf32>,
        %get3A_1158 = vector.shape_cast %get3A_1157 : vector<1x16xf32> to vector<16xf32>
        %add3A_1159 = arith.addf %add3A_1103, %get3A_1158 : vector<16xf32>
        %add3A_1160 = arith.constant 13 : i32
        %add3A_1161 = arith.addi %mul3A_432, %add3A_1160 : i32
        %get3A_1162 = arith.index_cast %add3A_1161 : i32 to index
        %get3A_1163 = arith.constant 0 : index
        %get3A_1164 = tpu.vector_load %arg11[%get3A_1162, %get3A_1163] {strides = array<i32>} : memref<128x128xf32, #tpu.memory_space<vmem>>, vector<1x16xf32>,
        %get3A_1165 = vector.shape_cast %get3A_1164 : vector<1x16xf32> to vector<16xf32>
        %add3A_1166 = arith.addf %add3A_1110, %get3A_1165 : vector<16xf32>
        %add3A_1167 = arith.constant 13 : i32
        %add3A_1168 = arith.addi %mul3A_432, %add3A_1167 : i32
        %get3A_1169 = arith.index_cast %add3A_1168 : i32 to index
        %get3A_1170 = arith.constant 16 : index
        %get3A_1171 = tpu.vector_load %arg11[%get3A_1169, %get3A_1170] {strides = array<i32>} : memref<128x128xf32, #tpu.memory_space<vmem>>, vector<1x16xf32>,
        %get3A_1172 = vector.shape_cast %get3A_1171 : vector<1x16xf32> to vector<16xf32>
        %add3A_1173 = arith.addf %add3A_1117, %get3A_1172 : vector<16xf32>
        %add3A_1174 = arith.constant 13 : i32
        %add3A_1175 = arith.addi %mul3A_432, %add3A_1174 : i32
        %get3A_1176 = arith.index_cast %add3A_1175 : i32 to index
        %get3A_1177 = arith.constant 32 : index
        %get3A_1178 = tpu.vector_load %arg11[%get3A_1176, %get3A_1177] {strides = array<i32>} : memref<128x128xf32, #tpu.memory_space<vmem>>, vector<1x16xf32>,
        %get3A_1179 = vector.shape_cast %get3A_1178 : vector<1x16xf32> to vector<16xf32>
        %add3A_1180 = arith.addf %add3A_1124, %get3A_1179 : vector<16xf32>
        %add3A_1181 = arith.constant 13 : i32
        %add3A_1182 = arith.addi %mul3A_432, %add3A_1181 : i32
        %get3A_1183 = arith.index_cast %add3A_1182 : i32 to index
        %get3A_1184 = arith.constant 48 : index
        %get3A_1185 = tpu.vector_load %arg11[%get3A_1183, %get3A_1184] {strides = array<i32>} : memref<128x128xf32, #tpu.memory_space<vmem>>, vector<1x16xf32>,
        %get3A_1186 = vector.shape_cast %get3A_1185 : vector<1x16xf32> to vector<16xf32>
        %add3A_1187 = arith.addf %add3A_1131, %get3A_1186 : vector<16xf32>
        %add3A_1188 = arith.constant 13 : i32
        %add3A_1189 = arith.addi %mul3A_432, %add3A_1188 : i32
        %get3A_1190 = arith.index_cast %add3A_1189 : i32 to index
        %get3A_1191 = arith.constant 64 : index
        %get3A_1192 = tpu.vector_load %arg11[%get3A_1190, %get3A_1191] {strides = array<i32>} : memref<128x128xf32, #tpu.memory_space<vmem>>, vector<1x16xf32>,
        %get3A_1193 = vector.shape_cast %get3A_1192 : vector<1x16xf32> to vector<16xf32>
        %add3A_1194 = arith.addf %add3A_1138, %get3A_1193 : vector<16xf32>
        %add3A_1195 = arith.constant 13 : i32
        %add3A_1196 = arith.addi %mul3A_432, %add3A_1195 : i32
        %get3A_1197 = arith.index_cast %add3A_1196 : i32 to index
        %get3A_1198 = arith.constant 80 : index
        %get3A_1199 = tpu.vector_load %arg11[%get3A_1197, %get3A_1198] {strides = array<i32>} : memref<128x128xf32, #tpu.memory_space<vmem>>, vector<1x16xf32>,
        %get3A_1200 = vector.shape_cast %get3A_1199 : vector<1x16xf32> to vector<16xf32>
        %add3A_1201 = arith.addf %add3A_1145, %get3A_1200 : vector<16xf32>
        %add3A_1202 = arith.constant 13 : i32
        %add3A_1203 = arith.addi %mul3A_432, %add3A_1202 : i32
        %get3A_1204 = arith.index_cast %add3A_1203 : i32 to index
        %get3A_1205 = arith.constant 96 : index
        %get3A_1206 = tpu.vector_load %arg11[%get3A_1204, %get3A_1205] {strides = array<i32>} : memref<128x128xf32, #tpu.memory_space<vmem>>, vector<1x16xf32>,
        %get3A_1207 = vector.shape_cast %get3A_1206 : vector<1x16xf32> to vector<16xf32>
        %add3A_1208 = arith.addf %add3A_1152, %get3A_1207 : vector<16xf32>
        %add3A_1209 = arith.constant 13 : i32
        %add3A_1210 = arith.addi %mul3A_432, %add3A_1209 : i32
        %get3A_1211 = arith.index_cast %add3A_1210 : i32 to index
        %get3A_1212 = arith.constant 112 : index
        %get3A_1213 = tpu.vector_load %arg11[%get3A_1211, %get3A_1212] {strides = array<i32>} : memref<128x128xf32, #tpu.memory_space<vmem>>, vector<1x16xf32>,
        %get3A_1214 = vector.shape_cast %get3A_1213 : vector<1x16xf32> to vector<16xf32>
        %add3A_1215 = arith.addf %add3A_1159, %get3A_1214 : vector<16xf32>
        %add3A_1216 = arith.constant 14 : i32
        %add3A_1217 = arith.addi %mul3A_432, %add3A_1216 : i32
        %get3A_1218 = arith.index_cast %add3A_1217 : i32 to index
        %get3A_1219 = arith.constant 0 : index
        %get3A_1220 = tpu.vector_load %arg11[%get3A_1218, %get3A_1219] {strides = array<i32>} : memref<128x128xf32, #tpu.memory_space<vmem>>, vector<1x16xf32>,
        %get3A_1221 = vector.shape_cast %get3A_1220 : vector<1x16xf32> to vector<16xf32>
        %add3A_1222 = arith.addf %add3A_1166, %get3A_1221 : vector<16xf32>
        %add3A_1223 = arith.constant 14 : i32
        %add3A_1224 = arith.addi %mul3A_432, %add3A_1223 : i32
        %get3A_1225 = arith.index_cast %add3A_1224 : i32 to index
        %get3A_1226 = arith.constant 16 : index
        %get3A_1227 = tpu.vector_load %arg11[%get3A_1225, %get3A_1226] {strides = array<i32>} : memref<128x128xf32, #tpu.memory_space<vmem>>, vector<1x16xf32>,
        %get3A_1228 = vector.shape_cast %get3A_1227 : vector<1x16xf32> to vector<16xf32>
        %add3A_1229 = arith.addf %add3A_1173, %get3A_1228 : vector<16xf32>
        %add3A_1230 = arith.constant 14 : i32
        %add3A_1231 = arith.addi %mul3A_432, %add3A_1230 : i32
        %get3A_1232 = arith.index_cast %add3A_1231 : i32 to index
        %get3A_1233 = arith.constant 32 : index
        %get3A_1234 = tpu.vector_load %arg11[%get3A_1232, %get3A_1233] {strides = array<i32>} : memref<128x128xf32, #tpu.memory_space<vmem>>, vector<1x16xf32>,
        %get3A_1235 = vector.shape_cast %get3A_1234 : vector<1x16xf32> to vector<16xf32>
        %add3A_1236 = arith.addf %add3A_1180, %get3A_1235 : vector<16xf32>
        %add3A_1237 = arith.constant 14 : i32
        %add3A_1238 = arith.addi %mul3A_432, %add3A_1237 : i32
        %get3A_1239 = arith.index_cast %add3A_1238 : i32 to index
        %get3A_1240 = arith.constant 48 : index
        %get3A_1241 = tpu.vector_load %arg11[%get3A_1239, %get3A_1240] {strides = array<i32>} : memref<128x128xf32, #tpu.memory_space<vmem>>, vector<1x16xf32>,
        %get3A_1242 = vector.shape_cast %get3A_1241 : vector<1x16xf32> to vector<16xf32>
        %add3A_1243 = arith.addf %add3A_1187, %get3A_1242 : vector<16xf32>
        %add3A_1244 = arith.constant 14 : i32
        %add3A_1245 = arith.addi %mul3A_432, %add3A_1244 : i32
        %get3A_1246 = arith.index_cast %add3A_1245 : i32 to index
        %get3A_1247 = arith.constant 64 : index
        %get3A_1248 = tpu.vector_load %arg11[%get3A_1246, %get3A_1247] {strides = array<i32>} : memref<128x128xf32, #tpu.memory_space<vmem>>, vector<1x16xf32>,
        %get3A_1249 = vector.shape_cast %get3A_1248 : vector<1x16xf32> to vector<16xf32>
        %add3A_1250 = arith.addf %add3A_1194, %get3A_1249 : vector<16xf32>
        %add3A_1251 = arith.constant 14 : i32
        %add3A_1252 = arith.addi %mul3A_432, %add3A_1251 : i32
        %get3A_1253 = arith.index_cast %add3A_1252 : i32 to index
        %get3A_1254 = arith.constant 80 : index
        %get3A_1255 = tpu.vector_load %arg11[%get3A_1253, %get3A_1254] {strides = array<i32>} : memref<128x128xf32, #tpu.memory_space<vmem>>, vector<1x16xf32>,
        %get3A_1256 = vector.shape_cast %get3A_1255 : vector<1x16xf32> to vector<16xf32>
        %add3A_1257 = arith.addf %add3A_1201, %get3A_1256 : vector<16xf32>
        %add3A_1258 = arith.constant 14 : i32
        %add3A_1259 = arith.addi %mul3A_432, %add3A_1258 : i32
        %get3A_1260 = arith.index_cast %add3A_1259 : i32 to index
        %get3A_1261 = arith.constant 96 : index
        %get3A_1262 = tpu.vector_load %arg11[%get3A_1260, %get3A_1261] {strides = array<i32>} : memref<128x128xf32, #tpu.memory_space<vmem>>, vector<1x16xf32>,
        %get3A_1263 = vector.shape_cast %get3A_1262 : vector<1x16xf32> to vector<16xf32>
        %add3A_1264 = arith.addf %add3A_1208, %get3A_1263 : vector<16xf32>
        %add3A_1265 = arith.constant 14 : i32
        %add3A_1266 = arith.addi %mul3A_432, %add3A_1265 : i32
        %get3A_1267 = arith.index_cast %add3A_1266 : i32 to index
        %get3A_1268 = arith.constant 112 : index
        %get3A_1269 = tpu.vector_load %arg11[%get3A_1267, %get3A_1268] {strides = array<i32>} : memref<128x128xf32, #tpu.memory_space<vmem>>, vector<1x16xf32>,
        %get3A_1270 = vector.shape_cast %get3A_1269 : vector<1x16xf32> to vector<16xf32>
        %add3A_1271 = arith.addf %add3A_1215, %get3A_1270 : vector<16xf32>
        %add3A_1272 = arith.constant 15 : i32
        %add3A_1273 = arith.addi %mul3A_432, %add3A_1272 : i32
        %get3A_1274 = arith.index_cast %add3A_1273 : i32 to index
        %get3A_1275 = arith.constant 0 : index
        %get3A_1276 = tpu.vector_load %arg11[%get3A_1274, %get3A_1275] {strides = array<i32>} : memref<128x128xf32, #tpu.memory_space<vmem>>, vector<1x16xf32>,
        %get3A_1277 = vector.shape_cast %get3A_1276 : vector<1x16xf32> to vector<16xf32>
        %add3A_1278 = arith.addf %add3A_1222, %get3A_1277 : vector<16xf32>
        %add3A_1279 = arith.constant 15 : i32
        %add3A_1280 = arith.addi %mul3A_432, %add3A_1279 : i32
        %get3A_1281 = arith.index_cast %add3A_1280 : i32 to index
        %get3A_1282 = arith.constant 16 : index
        %get3A_1283 = tpu.vector_load %arg11[%get3A_1281, %get3A_1282] {strides = array<i32>} : memref<128x128xf32, #tpu.memory_space<vmem>>, vector<1x16xf32>,
        %get3A_1284 = vector.shape_cast %get3A_1283 : vector<1x16xf32> to vector<16xf32>
        %add3A_1285 = arith.addf %add3A_1229, %get3A_1284 : vector<16xf32>
        %add3A_1286 = arith.constant 15 : i32
        %add3A_1287 = arith.addi %mul3A_432, %add3A_1286 : i32
        %get3A_1288 = arith.index_cast %add3A_1287 : i32 to index
        %get3A_1289 = arith.constant 32 : index
        %get3A_1290 = tpu.vector_load %arg11[%get3A_1288, %get3A_1289] {strides = array<i32>} : memref<128x128xf32, #tpu.memory_space<vmem>>, vector<1x16xf32>,
        %get3A_1291 = vector.shape_cast %get3A_1290 : vector<1x16xf32> to vector<16xf32>
        %add3A_1292 = arith.addf %add3A_1236, %get3A_1291 : vector<16xf32>
        %add3A_1293 = arith.constant 15 : i32
        %add3A_1294 = arith.addi %mul3A_432, %add3A_1293 : i32
        %get3A_1295 = arith.index_cast %add3A_1294 : i32 to index
        %get3A_1296 = arith.constant 48 : index
        %get3A_1297 = tpu.vector_load %arg11[%get3A_1295, %get3A_1296] {strides = array<i32>} : memref<128x128xf32, #tpu.memory_space<vmem>>, vector<1x16xf32>,
        %get3A_1298 = vector.shape_cast %get3A_1297 : vector<1x16xf32> to vector<16xf32>
        %add3A_1299 = arith.addf %add3A_1243, %get3A_1298 : vector<16xf32>
        %add3A_1300 = arith.constant 15 : i32
        %add3A_1301 = arith.addi %mul3A_432, %add3A_1300 : i32
        %get3A_1302 = arith.index_cast %add3A_1301 : i32 to index
        %get3A_1303 = arith.constant 64 : index
        %get3A_1304 = tpu.vector_load %arg11[%get3A_1302, %get3A_1303] {strides = array<i32>} : memref<128x128xf32, #tpu.memory_space<vmem>>, vector<1x16xf32>,
        %get3A_1305 = vector.shape_cast %get3A_1304 : vector<1x16xf32> to vector<16xf32>
        %add3A_1306 = arith.addf %add3A_1250, %get3A_1305 : vector<16xf32>
        %add3A_1307 = arith.constant 15 : i32
        %add3A_1308 = arith.addi %mul3A_432, %add3A_1307 : i32
        %get3A_1309 = arith.index_cast %add3A_1308 : i32 to index
        %get3A_1310 = arith.constant 80 : index
        %get3A_1311 = tpu.vector_load %arg11[%get3A_1309, %get3A_1310] {strides = array<i32>} : memref<128x128xf32, #tpu.memory_space<vmem>>, vector<1x16xf32>,
        %get3A_1312 = vector.shape_cast %get3A_1311 : vector<1x16xf32> to vector<16xf32>
        %add3A_1313 = arith.addf %add3A_1257, %get3A_1312 : vector<16xf32>
        %add3A_1314 = arith.constant 15 : i32
        %add3A_1315 = arith.addi %mul3A_432, %add3A_1314 : i32
        %get3A_1316 = arith.index_cast %add3A_1315 : i32 to index
        %get3A_1317 = arith.constant 96 : index
        %get3A_1318 = tpu.vector_load %arg11[%get3A_1316, %get3A_1317] {strides = array<i32>} : memref<128x128xf32, #tpu.memory_space<vmem>>, vector<1x16xf32>,
        %get3A_1319 = vector.shape_cast %get3A_1318 : vector<1x16xf32> to vector<16xf32>
        %add3A_1320 = arith.addf %add3A_1264, %get3A_1319 : vector<16xf32>
        %add3A_1321 = arith.constant 15 : i32
        %add3A_1322 = arith.addi %mul3A_432, %add3A_1321 : i32
        %get3A_1323 = arith.index_cast %add3A_1322 : i32 to index
        %get3A_1324 = arith.constant 112 : index
        %get3A_1325 = tpu.vector_load %arg11[%get3A_1323, %get3A_1324] {strides = array<i32>} : memref<128x128xf32, #tpu.memory_space<vmem>>, vector<1x16xf32>,
        %get3A_1326 = vector.shape_cast %get3A_1325 : vector<1x16xf32> to vector<16xf32>
        %add3A_1327 = arith.addf %add3A_1271, %get3A_1326 : vector<16xf32>
        %swap3A = arith.index_cast %scan3A_429 : i32 to index
        %swap3A_1328 = arith.constant 0 : index
        %swap3A_1329 = tpu.vector_load %arg15[%swap3A, %swap3A_1328] {strides = array<i32>} : memref<8x128xf32, #tpu.memory_space<vmem>>, vector<1x16xf32>,
        %swap3A_1330 = vector.shape_cast %swap3A_1329 : vector<1x16xf32> to vector<16xf32>
        %swap3A_1331 = vector.shape_cast %add3A_1278 : vector<16xf32> to vector<1x16xf32>
        tpu.vector_store %arg15[%swap3A, %swap3A_1328], %swap3A_1331 {strides = array<i32>} : memref<8x128xf32, #tpu.memory_space<vmem>>, vector<1x16xf32>,
        %swap3A_1332 = arith.index_cast %scan3A_429 : i32 to index
        %swap3A_1333 = arith.constant 16 : index
        %swap3A_1334 = tpu.vector_load %arg15[%swap3A_1332, %swap3A_1333] {strides = array<i32>} : memref<8x128xf32, #tpu.memory_space<vmem>>, vector<1x16xf32>,
        %swap3A_1335 = vector.shape_cast %swap3A_1334 : vector<1x16xf32> to vector<16xf32>
        %swap3A_1336 = vector.shape_cast %add3A_1285 : vector<16xf32> to vector<1x16xf32>
        tpu.vector_store %arg15[%swap3A_1332, %swap3A_1333], %swap3A_1336 {strides = array<i32>} : memref<8x128xf32, #tpu.memory_space<vmem>>, vector<1x16xf32>,
        %swap3A_1337 = arith.index_cast %scan3A_429 : i32 to index
        %swap3A_1338 = arith.constant 32 : index
        %swap3A_1339 = tpu.vector_load %arg15[%swap3A_1337, %swap3A_1338] {strides = array<i32>} : memref<8x128xf32, #tpu.memory_space<vmem>>, vector<1x16xf32>,
        %swap3A_1340 = vector.shape_cast %swap3A_1339 : vector<1x16xf32> to vector<16xf32>
        %swap3A_1341 = vector.shape_cast %add3A_1292 : vector<16xf32> to vector<1x16xf32>
        tpu.vector_store %arg15[%swap3A_1337, %swap3A_1338], %swap3A_1341 {strides = array<i32>} : memref<8x128xf32, #tpu.memory_space<vmem>>, vector<1x16xf32>,
        %swap3A_1342 = arith.index_cast %scan3A_429 : i32 to index
        %swap3A_1343 = arith.constant 48 : index
        %swap3A_1344 = tpu.vector_load %arg15[%swap3A_1342, %swap3A_1343] {strides = array<i32>} : memref<8x128xf32, #tpu.memory_space<vmem>>, vector<1x16xf32>,
        %swap3A_1345 = vector.shape_cast %swap3A_1344 : vector<1x16xf32> to vector<16xf32>
        %swap3A_1346 = vector.shape_cast %add3A_1299 : vector<16xf32> to vector<1x16xf32>
        tpu.vector_store %arg15[%swap3A_1342, %swap3A_1343], %swap3A_1346 {strides = array<i32>} : memref<8x128xf32, #tpu.memory_space<vmem>>, vector<1x16xf32>,
        %swap3A_1347 = arith.index_cast %scan3A_429 : i32 to index
        %swap3A_1348 = arith.constant 64 : index
        %swap3A_1349 = tpu.vector_load %arg15[%swap3A_1347, %swap3A_1348] {strides = array<i32>} : memref<8x128xf32, #tpu.memory_space<vmem>>, vector<1x16xf32>,
        %swap3A_1350 = vector.shape_cast %swap3A_1349 : vector<1x16xf32> to vector<16xf32>
        %swap3A_1351 = vector.shape_cast %add3A_1306 : vector<16xf32> to vector<1x16xf32>
        tpu.vector_store %arg15[%swap3A_1347, %swap3A_1348], %swap3A_1351 {strides = array<i32>} : memref<8x128xf32, #tpu.memory_space<vmem>>, vector<1x16xf32>,
        %swap3A_1352 = arith.index_cast %scan3A_429 : i32 to index
        %swap3A_1353 = arith.constant 80 : index
        %swap3A_1354 = tpu.vector_load %arg15[%swap3A_1352, %swap3A_1353] {strides = array<i32>} : memref<8x128xf32, #tpu.memory_space<vmem>>, vector<1x16xf32>,
        %swap3A_1355 = vector.shape_cast %swap3A_1354 : vector<1x16xf32> to vector<16xf32>
        %swap3A_1356 = vector.shape_cast %add3A_1313 : vector<16xf32> to vector<1x16xf32>
        tpu.vector_store %arg15[%swap3A_1352, %swap3A_1353], %swap3A_1356 {strides = array<i32>} : memref<8x128xf32, #tpu.memory_space<vmem>>, vector<1x16xf32>,
        %swap3A_1357 = arith.index_cast %scan3A_429 : i32 to index
        %swap3A_1358 = arith.constant 96 : index
        %swap3A_1359 = tpu.vector_load %arg15[%swap3A_1357, %swap3A_1358] {strides = array<i32>} : memref<8x128xf32, #tpu.memory_space<vmem>>, vector<1x16xf32>,
        %swap3A_1360 = vector.shape_cast %swap3A_1359 : vector<1x16xf32> to vector<16xf32>
        %swap3A_1361 = vector.shape_cast %add3A_1320 : vector<16xf32> to vector<1x16xf32>
        tpu.vector_store %arg15[%swap3A_1357, %swap3A_1358], %swap3A_1361 {strides = array<i32>} : memref<8x128xf32, #tpu.memory_space<vmem>>, vector<1x16xf32>,
        %swap3A_1362 = arith.index_cast %scan3A_429 : i32 to index
        %swap3A_1363 = arith.constant 112 : index
        %swap3A_1364 = tpu.vector_load %arg15[%swap3A_1362, %swap3A_1363] {strides = array<i32>} : memref<8x128xf32, #tpu.memory_space<vmem>>, vector<1x16xf32>,
        %swap3A_1365 = vector.shape_cast %swap3A_1364 : vector<1x16xf32> to vector<16xf32>
        %swap3A_1366 = vector.shape_cast %add3A_1327 : vector<16xf32> to vector<1x16xf32>
        tpu.vector_store %arg15[%swap3A_1362, %swap3A_1363], %swap3A_1366 {strides = array<i32>} : memref<8x128xf32, #tpu.memory_space<vmem>>, vector<1x16xf32>,
        %scan3A_1367 = arith.constant 0 : i32
        scf.yield %scan3A_1367 : i32
      }
      %scan3A_304 = arith.constant 8 : i32
      %mul3A_305 = arith.constant 1024 : i32
      %mul3A_306 = arith.muli %add3A, %mul3A_305 : i32
      %mul3A_307 = arith.constant 8 : i32
      %mul3A_308 = arith.muli %mul3A_289, %mul3A_307 : i32
      %add3A_309 = arith.addi %mul3A_306, %mul3A_308 : i32
      %dma_start3A_310 = arith.constant 0 : i32
      %dma_start3A_311 = tpu.memref_slice %arg8[%add3A_309, %dma_start3A_310] : memref<32768x128xf32, #tpu.memory_space<hbm>> -> memref<8x128xf32, #tpu.memory_space<hbm>>
      %dma_start3A_312 = arith.constant 0 : i32
      %dma_start3A_313 = tpu.memref_slice %arg8[%add3A_309, %dma_start3A_312] : memref<32768x128xf32, #tpu.memory_space<hbm>> -> memref<8x128xf32, #tpu.memory_space<hbm>>
      tpu.enqueue_dma source(%arg15 : memref<8x128xf32, #tpu.memory_space<vmem>>) target(%dma_start3A_313 : memref<8x128xf32, #tpu.memory_space<hbm>>) target_semaphore(%arg21 : memref<!tpu.dma_semaphore, #tpu.memory_space<semaphore_mem>>)
      %add3A_314 = arith.constant 4 : i32
      %add3A_315 = arith.addi %mul3A_289, %add3A_314 : i32
      %lt3A = arith.constant 128 : i32
      %lt3A_316 = arith.cmpi slt, %add3A_315, %lt3A : i32
      %convert_element_type3A_317 = arith.extui %lt3A_316 : i1 to i32
      %cond3A_318 = arith.constant 0 : i32
      %cond3A_319 = arith.cmpi ne, %convert_element_type3A_317, %cond3A_318 : i32
      scf.if %cond3A_319 {
        %add3A_429 = arith.constant 4 : i32
        %add3A_430 = arith.addi %mul3A_289, %add3A_429 : i32
        %mul3A_431 = arith.constant 128 : i32
        %mul3A_432 = arith.muli %add3A_430, %mul3A_431 : i32
        %dma_start3A_433 = tpu.memref_slice %arg9[%mul3A_432] : memref<16384xi32, #tpu.memory_space<vmem>> -> memref<128xi32, #tpu.memory_space<vmem>>
        %dma_start3A_434 = arith.constant 0 : i32
        %dma_start3A_435 = arith.constant 0 : i32
        %dma_start3A_436 = tpu.memref_slice %arg5[%dma_start3A_434, %dma_start3A_435] : memref<100000x128xf32, #tpu.memory_space<hbm>> -> memref<100000x128xf32, #tpu.memory_space<hbm>>
        tpu.enqueue_indirect_dma source(%dma_start3A_436 : memref<100000x128xf32, #tpu.memory_space<hbm>>) target(%arg11 : memref<128x128xf32, #tpu.memory_space<vmem>>) offsets(%dma_start3A_433 : memref<128xi32, #tpu.memory_space<vmem>>) semaphore(%arg17 : memref<!tpu.dma_semaphore, #tpu.memory_space<semaphore_mem>>)
      } else {
      }
      %add3A_320 = arith.constant 1 : i32
      %add3A_321 = arith.addi %mul3A_289, %add3A_320 : i32
      %dma_wait3A_322 = arith.constant 0 : i32
      %dma_wait3A_323 = arith.constant 0 : i32
      %dma_wait3A_324 = tpu.memref_slice %arg5[%dma_wait3A_322, %dma_wait3A_323] : memref<100000x128xf32, #tpu.memory_space<hbm>> -> memref<128x128xf32, #tpu.memory_space<hbm>>
      %dma_wait3A_325 = arith.constant 0 : i32
      %dma_wait3A_326 = arith.constant 0 : i32
      %dma_wait3A_327 = tpu.memref_slice %arg5[%dma_wait3A_325, %dma_wait3A_326] : memref<100000x128xf32, #tpu.memory_space<hbm>> -> memref<128x128xf32, #tpu.memory_space<hbm>>
      tpu.wait_dma2 semaphore(%arg18 : memref<!tpu.dma_semaphore, #tpu.memory_space<semaphore_mem>>) src(%dma_wait3A_327 : memref<128x128xf32, #tpu.memory_space<hbm>>) dst(%arg12 : memref<128x128xf32, #tpu.memory_space<vmem>>)
      %ge3A_328 = arith.constant 2 : i32
      %ge3A_329 = arith.cmpi sge, %add3A_321, %ge3A_328 : i32
      %convert_element_type3A_330 = arith.extui %ge3A_329 : i1 to i32
      %cond3A_331 = arith.constant 0 : i32
      %cond3A_332 = arith.cmpi ne, %convert_element_type3A_330, %cond3A_331 : i32
      scf.if %cond3A_332 {
        %dma_wait3A_429 = arith.constant 0 : i32
        %dma_wait3A_430 = arith.constant 0 : i32
        %dma_wait3A_431 = tpu.memref_slice %arg8[%dma_wait3A_429, %dma_wait3A_430] : memref<32768x128xf32, #tpu.memory_space<hbm>> -> memref<8x128xf32, #tpu.memory_space<hbm>>
        %dma_wait3A_432 = arith.constant 0 : i32
        %dma_wait3A_433 = arith.constant 0 : i32
        %dma_wait3A_434 = tpu.memref_slice %arg8[%dma_wait3A_432, %dma_wait3A_433] : memref<32768x128xf32, #tpu.memory_space<hbm>> -> memref<8x128xf32, #tpu.memory_space<hbm>>
        tpu.wait_dma2 semaphore(%arg22 : memref<!tpu.dma_semaphore, #tpu.memory_space<semaphore_mem>>) src(%arg16 : memref<8x128xf32, #tpu.memory_space<vmem>>) dst(%dma_wait3A_434 : memref<8x128xf32, #tpu.memory_space<hbm>>)
      } else {
      }
      %scan3A_333 = arith.constant 0 : i32
      %scan3A_334 = arith.constant 0 : i32
      %scan3A_335 = arith.constant 8 : i32
      %scan3A_336 = arith.addi %scan3A_334, %scan3A_335 : i32
      %scan3A_337 = arith.constant 1 : i32
      %scan3A_338 = scf.for %scan3A_429 = %scan3A_334 to %scan3A_336 step %scan3A_337 iter_args(%scan3A_430 = %scan3A_333) -> (i32)  : i32 {
        %mul3A_431 = arith.constant 16 : i32
        %mul3A_432 = arith.muli %scan3A_429, %mul3A_431 : i32
        %add3A_433 = arith.constant 0 : i32
        %add3A_434 = arith.addi %mul3A_432, %add3A_433 : i32
        %get3A = arith.index_cast %add3A_434 : i32 to index
        %get3A_435 = arith.constant 0 : index
        %get3A_436 = tpu.vector_load %arg12[%get3A, %get3A_435] {strides = array<i32>} : memref<128x128xf32, #tpu.memory_space<vmem>>, vector<1x16xf32>,
        %get3A_437 = vector.shape_cast %get3A_436 : vector<1x16xf32> to vector<16xf32>
        %add3A_438 = arith.addf %broadcast_in_dim3A_1, %get3A_437 : vector<16xf32>
        %add3A_439 = arith.constant 0 : i32
        %add3A_440 = arith.addi %mul3A_432, %add3A_439 : i32
        %get3A_441 = arith.index_cast %add3A_440 : i32 to index
        %get3A_442 = arith.constant 16 : index
        %get3A_443 = tpu.vector_load %arg12[%get3A_441, %get3A_442] {strides = array<i32>} : memref<128x128xf32, #tpu.memory_space<vmem>>, vector<1x16xf32>,
        %get3A_444 = vector.shape_cast %get3A_443 : vector<1x16xf32> to vector<16xf32>
        %add3A_445 = arith.addf %broadcast_in_dim3A_1, %get3A_444 : vector<16xf32>
        %add3A_446 = arith.constant 0 : i32
        %add3A_447 = arith.addi %mul3A_432, %add3A_446 : i32
        %get3A_448 = arith.index_cast %add3A_447 : i32 to index
        %get3A_449 = arith.constant 32 : index
        %get3A_450 = tpu.vector_load %arg12[%get3A_448, %get3A_449] {strides = array<i32>} : memref<128x128xf32, #tpu.memory_space<vmem>>, vector<1x16xf32>,
        %get3A_451 = vector.shape_cast %get3A_450 : vector<1x16xf32> to vector<16xf32>
        %add3A_452 = arith.addf %broadcast_in_dim3A_1, %get3A_451 : vector<16xf32>
        %add3A_453 = arith.constant 0 : i32
        %add3A_454 = arith.addi %mul3A_432, %add3A_453 : i32
        %get3A_455 = arith.index_cast %add3A_454 : i32 to index
        %get3A_456 = arith.constant 48 : index
        %get3A_457 = tpu.vector_load %arg12[%get3A_455, %get3A_456] {strides = array<i32>} : memref<128x128xf32, #tpu.memory_space<vmem>>, vector<1x16xf32>,
        %get3A_458 = vector.shape_cast %get3A_457 : vector<1x16xf32> to vector<16xf32>
        %add3A_459 = arith.addf %broadcast_in_dim3A_1, %get3A_458 : vector<16xf32>
        %add3A_460 = arith.constant 0 : i32
        %add3A_461 = arith.addi %mul3A_432, %add3A_460 : i32
        %get3A_462 = arith.index_cast %add3A_461 : i32 to index
        %get3A_463 = arith.constant 64 : index
        %get3A_464 = tpu.vector_load %arg12[%get3A_462, %get3A_463] {strides = array<i32>} : memref<128x128xf32, #tpu.memory_space<vmem>>, vector<1x16xf32>,
        %get3A_465 = vector.shape_cast %get3A_464 : vector<1x16xf32> to vector<16xf32>
        %add3A_466 = arith.addf %broadcast_in_dim3A_1, %get3A_465 : vector<16xf32>
        %add3A_467 = arith.constant 0 : i32
        %add3A_468 = arith.addi %mul3A_432, %add3A_467 : i32
        %get3A_469 = arith.index_cast %add3A_468 : i32 to index
        %get3A_470 = arith.constant 80 : index
        %get3A_471 = tpu.vector_load %arg12[%get3A_469, %get3A_470] {strides = array<i32>} : memref<128x128xf32, #tpu.memory_space<vmem>>, vector<1x16xf32>,
        %get3A_472 = vector.shape_cast %get3A_471 : vector<1x16xf32> to vector<16xf32>
        %add3A_473 = arith.addf %broadcast_in_dim3A_1, %get3A_472 : vector<16xf32>
        %add3A_474 = arith.constant 0 : i32
        %add3A_475 = arith.addi %mul3A_432, %add3A_474 : i32
        %get3A_476 = arith.index_cast %add3A_475 : i32 to index
        %get3A_477 = arith.constant 96 : index
        %get3A_478 = tpu.vector_load %arg12[%get3A_476, %get3A_477] {strides = array<i32>} : memref<128x128xf32, #tpu.memory_space<vmem>>, vector<1x16xf32>,
        %get3A_479 = vector.shape_cast %get3A_478 : vector<1x16xf32> to vector<16xf32>
        %add3A_480 = arith.addf %broadcast_in_dim3A_1, %get3A_479 : vector<16xf32>
        %add3A_481 = arith.constant 0 : i32
        %add3A_482 = arith.addi %mul3A_432, %add3A_481 : i32
        %get3A_483 = arith.index_cast %add3A_482 : i32 to index
        %get3A_484 = arith.constant 112 : index
        %get3A_485 = tpu.vector_load %arg12[%get3A_483, %get3A_484] {strides = array<i32>} : memref<128x128xf32, #tpu.memory_space<vmem>>, vector<1x16xf32>,
        %get3A_486 = vector.shape_cast %get3A_485 : vector<1x16xf32> to vector<16xf32>
        %add3A_487 = arith.addf %broadcast_in_dim3A_1, %get3A_486 : vector<16xf32>
        %add3A_488 = arith.constant 1 : i32
        %add3A_489 = arith.addi %mul3A_432, %add3A_488 : i32
        %get3A_490 = arith.index_cast %add3A_489 : i32 to index
        %get3A_491 = arith.constant 0 : index
        %get3A_492 = tpu.vector_load %arg12[%get3A_490, %get3A_491] {strides = array<i32>} : memref<128x128xf32, #tpu.memory_space<vmem>>, vector<1x16xf32>,
        %get3A_493 = vector.shape_cast %get3A_492 : vector<1x16xf32> to vector<16xf32>
        %add3A_494 = arith.addf %add3A_438, %get3A_493 : vector<16xf32>
        %add3A_495 = arith.constant 1 : i32
        %add3A_496 = arith.addi %mul3A_432, %add3A_495 : i32
        %get3A_497 = arith.index_cast %add3A_496 : i32 to index
        %get3A_498 = arith.constant 16 : index
        %get3A_499 = tpu.vector_load %arg12[%get3A_497, %get3A_498] {strides = array<i32>} : memref<128x128xf32, #tpu.memory_space<vmem>>, vector<1x16xf32>,
        %get3A_500 = vector.shape_cast %get3A_499 : vector<1x16xf32> to vector<16xf32>
        %add3A_501 = arith.addf %add3A_445, %get3A_500 : vector<16xf32>
        %add3A_502 = arith.constant 1 : i32
        %add3A_503 = arith.addi %mul3A_432, %add3A_502 : i32
        %get3A_504 = arith.index_cast %add3A_503 : i32 to index
        %get3A_505 = arith.constant 32 : index
        %get3A_506 = tpu.vector_load %arg12[%get3A_504, %get3A_505] {strides = array<i32>} : memref<128x128xf32, #tpu.memory_space<vmem>>, vector<1x16xf32>,
        %get3A_507 = vector.shape_cast %get3A_506 : vector<1x16xf32> to vector<16xf32>
        %add3A_508 = arith.addf %add3A_452, %get3A_507 : vector<16xf32>
        %add3A_509 = arith.constant 1 : i32
        %add3A_510 = arith.addi %mul3A_432, %add3A_509 : i32
        %get3A_511 = arith.index_cast %add3A_510 : i32 to index
        %get3A_512 = arith.constant 48 : index
        %get3A_513 = tpu.vector_load %arg12[%get3A_511, %get3A_512] {strides = array<i32>} : memref<128x128xf32, #tpu.memory_space<vmem>>, vector<1x16xf32>,
        %get3A_514 = vector.shape_cast %get3A_513 : vector<1x16xf32> to vector<16xf32>
        %add3A_515 = arith.addf %add3A_459, %get3A_514 : vector<16xf32>
        %add3A_516 = arith.constant 1 : i32
        %add3A_517 = arith.addi %mul3A_432, %add3A_516 : i32
        %get3A_518 = arith.index_cast %add3A_517 : i32 to index
        %get3A_519 = arith.constant 64 : index
        %get3A_520 = tpu.vector_load %arg12[%get3A_518, %get3A_519] {strides = array<i32>} : memref<128x128xf32, #tpu.memory_space<vmem>>, vector<1x16xf32>,
        %get3A_521 = vector.shape_cast %get3A_520 : vector<1x16xf32> to vector<16xf32>
        %add3A_522 = arith.addf %add3A_466, %get3A_521 : vector<16xf32>
        %add3A_523 = arith.constant 1 : i32
        %add3A_524 = arith.addi %mul3A_432, %add3A_523 : i32
        %get3A_525 = arith.index_cast %add3A_524 : i32 to index
        %get3A_526 = arith.constant 80 : index
        %get3A_527 = tpu.vector_load %arg12[%get3A_525, %get3A_526] {strides = array<i32>} : memref<128x128xf32, #tpu.memory_space<vmem>>, vector<1x16xf32>,
        %get3A_528 = vector.shape_cast %get3A_527 : vector<1x16xf32> to vector<16xf32>
        %add3A_529 = arith.addf %add3A_473, %get3A_528 : vector<16xf32>
        %add3A_530 = arith.constant 1 : i32
        %add3A_531 = arith.addi %mul3A_432, %add3A_530 : i32
        %get3A_532 = arith.index_cast %add3A_531 : i32 to index
        %get3A_533 = arith.constant 96 : index
        %get3A_534 = tpu.vector_load %arg12[%get3A_532, %get3A_533] {strides = array<i32>} : memref<128x128xf32, #tpu.memory_space<vmem>>, vector<1x16xf32>,
        %get3A_535 = vector.shape_cast %get3A_534 : vector<1x16xf32> to vector<16xf32>
        %add3A_536 = arith.addf %add3A_480, %get3A_535 : vector<16xf32>
        %add3A_537 = arith.constant 1 : i32
        %add3A_538 = arith.addi %mul3A_432, %add3A_537 : i32
        %get3A_539 = arith.index_cast %add3A_538 : i32 to index
        %get3A_540 = arith.constant 112 : index
        %get3A_541 = tpu.vector_load %arg12[%get3A_539, %get3A_540] {strides = array<i32>} : memref<128x128xf32, #tpu.memory_space<vmem>>, vector<1x16xf32>,
        %get3A_542 = vector.shape_cast %get3A_541 : vector<1x16xf32> to vector<16xf32>
        %add3A_543 = arith.addf %add3A_487, %get3A_542 : vector<16xf32>
        %add3A_544 = arith.constant 2 : i32
        %add3A_545 = arith.addi %mul3A_432, %add3A_544 : i32
        %get3A_546 = arith.index_cast %add3A_545 : i32 to index
        %get3A_547 = arith.constant 0 : index
        %get3A_548 = tpu.vector_load %arg12[%get3A_546, %get3A_547] {strides = array<i32>} : memref<128x128xf32, #tpu.memory_space<vmem>>, vector<1x16xf32>,
        %get3A_549 = vector.shape_cast %get3A_548 : vector<1x16xf32> to vector<16xf32>
        %add3A_550 = arith.addf %add3A_494, %get3A_549 : vector<16xf32>
        %add3A_551 = arith.constant 2 : i32
        %add3A_552 = arith.addi %mul3A_432, %add3A_551 : i32
        %get3A_553 = arith.index_cast %add3A_552 : i32 to index
        %get3A_554 = arith.constant 16 : index
        %get3A_555 = tpu.vector_load %arg12[%get3A_553, %get3A_554] {strides = array<i32>} : memref<128x128xf32, #tpu.memory_space<vmem>>, vector<1x16xf32>,
        %get3A_556 = vector.shape_cast %get3A_555 : vector<1x16xf32> to vector<16xf32>
        %add3A_557 = arith.addf %add3A_501, %get3A_556 : vector<16xf32>
        %add3A_558 = arith.constant 2 : i32
        %add3A_559 = arith.addi %mul3A_432, %add3A_558 : i32
        %get3A_560 = arith.index_cast %add3A_559 : i32 to index
        %get3A_561 = arith.constant 32 : index
        %get3A_562 = tpu.vector_load %arg12[%get3A_560, %get3A_561] {strides = array<i32>} : memref<128x128xf32, #tpu.memory_space<vmem>>, vector<1x16xf32>,
        %get3A_563 = vector.shape_cast %get3A_562 : vector<1x16xf32> to vector<16xf32>
        %add3A_564 = arith.addf %add3A_508, %get3A_563 : vector<16xf32>
        %add3A_565 = arith.constant 2 : i32
        %add3A_566 = arith.addi %mul3A_432, %add3A_565 : i32
        %get3A_567 = arith.index_cast %add3A_566 : i32 to index
        %get3A_568 = arith.constant 48 : index
        %get3A_569 = tpu.vector_load %arg12[%get3A_567, %get3A_568] {strides = array<i32>} : memref<128x128xf32, #tpu.memory_space<vmem>>, vector<1x16xf32>,
        %get3A_570 = vector.shape_cast %get3A_569 : vector<1x16xf32> to vector<16xf32>
        %add3A_571 = arith.addf %add3A_515, %get3A_570 : vector<16xf32>
        %add3A_572 = arith.constant 2 : i32
        %add3A_573 = arith.addi %mul3A_432, %add3A_572 : i32
        %get3A_574 = arith.index_cast %add3A_573 : i32 to index
        %get3A_575 = arith.constant 64 : index
        %get3A_576 = tpu.vector_load %arg12[%get3A_574, %get3A_575] {strides = array<i32>} : memref<128x128xf32, #tpu.memory_space<vmem>>, vector<1x16xf32>,
        %get3A_577 = vector.shape_cast %get3A_576 : vector<1x16xf32> to vector<16xf32>
        %add3A_578 = arith.addf %add3A_522, %get3A_577 : vector<16xf32>
        %add3A_579 = arith.constant 2 : i32
        %add3A_580 = arith.addi %mul3A_432, %add3A_579 : i32
        %get3A_581 = arith.index_cast %add3A_580 : i32 to index
        %get3A_582 = arith.constant 80 : index
        %get3A_583 = tpu.vector_load %arg12[%get3A_581, %get3A_582] {strides = array<i32>} : memref<128x128xf32, #tpu.memory_space<vmem>>, vector<1x16xf32>,
        %get3A_584 = vector.shape_cast %get3A_583 : vector<1x16xf32> to vector<16xf32>
        %add3A_585 = arith.addf %add3A_529, %get3A_584 : vector<16xf32>
        %add3A_586 = arith.constant 2 : i32
        %add3A_587 = arith.addi %mul3A_432, %add3A_586 : i32
        %get3A_588 = arith.index_cast %add3A_587 : i32 to index
        %get3A_589 = arith.constant 96 : index
        %get3A_590 = tpu.vector_load %arg12[%get3A_588, %get3A_589] {strides = array<i32>} : memref<128x128xf32, #tpu.memory_space<vmem>>, vector<1x16xf32>,
        %get3A_591 = vector.shape_cast %get3A_590 : vector<1x16xf32> to vector<16xf32>
        %add3A_592 = arith.addf %add3A_536, %get3A_591 : vector<16xf32>
        %add3A_593 = arith.constant 2 : i32
        %add3A_594 = arith.addi %mul3A_432, %add3A_593 : i32
        %get3A_595 = arith.index_cast %add3A_594 : i32 to index
        %get3A_596 = arith.constant 112 : index
        %get3A_597 = tpu.vector_load %arg12[%get3A_595, %get3A_596] {strides = array<i32>} : memref<128x128xf32, #tpu.memory_space<vmem>>, vector<1x16xf32>,
        %get3A_598 = vector.shape_cast %get3A_597 : vector<1x16xf32> to vector<16xf32>
        %add3A_599 = arith.addf %add3A_543, %get3A_598 : vector<16xf32>
        %add3A_600 = arith.constant 3 : i32
        %add3A_601 = arith.addi %mul3A_432, %add3A_600 : i32
        %get3A_602 = arith.index_cast %add3A_601 : i32 to index
        %get3A_603 = arith.constant 0 : index
        %get3A_604 = tpu.vector_load %arg12[%get3A_602, %get3A_603] {strides = array<i32>} : memref<128x128xf32, #tpu.memory_space<vmem>>, vector<1x16xf32>,
        %get3A_605 = vector.shape_cast %get3A_604 : vector<1x16xf32> to vector<16xf32>
        %add3A_606 = arith.addf %add3A_550, %get3A_605 : vector<16xf32>
        %add3A_607 = arith.constant 3 : i32
        %add3A_608 = arith.addi %mul3A_432, %add3A_607 : i32
        %get3A_609 = arith.index_cast %add3A_608 : i32 to index
        %get3A_610 = arith.constant 16 : index
        %get3A_611 = tpu.vector_load %arg12[%get3A_609, %get3A_610] {strides = array<i32>} : memref<128x128xf32, #tpu.memory_space<vmem>>, vector<1x16xf32>,
        %get3A_612 = vector.shape_cast %get3A_611 : vector<1x16xf32> to vector<16xf32>
        %add3A_613 = arith.addf %add3A_557, %get3A_612 : vector<16xf32>
        %add3A_614 = arith.constant 3 : i32
        %add3A_615 = arith.addi %mul3A_432, %add3A_614 : i32
        %get3A_616 = arith.index_cast %add3A_615 : i32 to index
        %get3A_617 = arith.constant 32 : index
        %get3A_618 = tpu.vector_load %arg12[%get3A_616, %get3A_617] {strides = array<i32>} : memref<128x128xf32, #tpu.memory_space<vmem>>, vector<1x16xf32>,
        %get3A_619 = vector.shape_cast %get3A_618 : vector<1x16xf32> to vector<16xf32>
        %add3A_620 = arith.addf %add3A_564, %get3A_619 : vector<16xf32>
        %add3A_621 = arith.constant 3 : i32
        %add3A_622 = arith.addi %mul3A_432, %add3A_621 : i32
        %get3A_623 = arith.index_cast %add3A_622 : i32 to index
        %get3A_624 = arith.constant 48 : index
        %get3A_625 = tpu.vector_load %arg12[%get3A_623, %get3A_624] {strides = array<i32>} : memref<128x128xf32, #tpu.memory_space<vmem>>, vector<1x16xf32>,
        %get3A_626 = vector.shape_cast %get3A_625 : vector<1x16xf32> to vector<16xf32>
        %add3A_627 = arith.addf %add3A_571, %get3A_626 : vector<16xf32>
        %add3A_628 = arith.constant 3 : i32
        %add3A_629 = arith.addi %mul3A_432, %add3A_628 : i32
        %get3A_630 = arith.index_cast %add3A_629 : i32 to index
        %get3A_631 = arith.constant 64 : index
        %get3A_632 = tpu.vector_load %arg12[%get3A_630, %get3A_631] {strides = array<i32>} : memref<128x128xf32, #tpu.memory_space<vmem>>, vector<1x16xf32>,
        %get3A_633 = vector.shape_cast %get3A_632 : vector<1x16xf32> to vector<16xf32>
        %add3A_634 = arith.addf %add3A_578, %get3A_633 : vector<16xf32>
        %add3A_635 = arith.constant 3 : i32
        %add3A_636 = arith.addi %mul3A_432, %add3A_635 : i32
        %get3A_637 = arith.index_cast %add3A_636 : i32 to index
        %get3A_638 = arith.constant 80 : index
        %get3A_639 = tpu.vector_load %arg12[%get3A_637, %get3A_638] {strides = array<i32>} : memref<128x128xf32, #tpu.memory_space<vmem>>, vector<1x16xf32>,
        %get3A_640 = vector.shape_cast %get3A_639 : vector<1x16xf32> to vector<16xf32>
        %add3A_641 = arith.addf %add3A_585, %get3A_640 : vector<16xf32>
        %add3A_642 = arith.constant 3 : i32
        %add3A_643 = arith.addi %mul3A_432, %add3A_642 : i32
        %get3A_644 = arith.index_cast %add3A_643 : i32 to index
        %get3A_645 = arith.constant 96 : index
        %get3A_646 = tpu.vector_load %arg12[%get3A_644, %get3A_645] {strides = array<i32>} : memref<128x128xf32, #tpu.memory_space<vmem>>, vector<1x16xf32>,
        %get3A_647 = vector.shape_cast %get3A_646 : vector<1x16xf32> to vector<16xf32>
        %add3A_648 = arith.addf %add3A_592, %get3A_647 : vector<16xf32>
        %add3A_649 = arith.constant 3 : i32
        %add3A_650 = arith.addi %mul3A_432, %add3A_649 : i32
        %get3A_651 = arith.index_cast %add3A_650 : i32 to index
        %get3A_652 = arith.constant 112 : index
        %get3A_653 = tpu.vector_load %arg12[%get3A_651, %get3A_652] {strides = array<i32>} : memref<128x128xf32, #tpu.memory_space<vmem>>, vector<1x16xf32>,
        %get3A_654 = vector.shape_cast %get3A_653 : vector<1x16xf32> to vector<16xf32>
        %add3A_655 = arith.addf %add3A_599, %get3A_654 : vector<16xf32>
        %add3A_656 = arith.constant 4 : i32
        %add3A_657 = arith.addi %mul3A_432, %add3A_656 : i32
        %get3A_658 = arith.index_cast %add3A_657 : i32 to index
        %get3A_659 = arith.constant 0 : index
        %get3A_660 = tpu.vector_load %arg12[%get3A_658, %get3A_659] {strides = array<i32>} : memref<128x128xf32, #tpu.memory_space<vmem>>, vector<1x16xf32>,
        %get3A_661 = vector.shape_cast %get3A_660 : vector<1x16xf32> to vector<16xf32>
        %add3A_662 = arith.addf %add3A_606, %get3A_661 : vector<16xf32>
        %add3A_663 = arith.constant 4 : i32
        %add3A_664 = arith.addi %mul3A_432, %add3A_663 : i32
        %get3A_665 = arith.index_cast %add3A_664 : i32 to index
        %get3A_666 = arith.constant 16 : index
        %get3A_667 = tpu.vector_load %arg12[%get3A_665, %get3A_666] {strides = array<i32>} : memref<128x128xf32, #tpu.memory_space<vmem>>, vector<1x16xf32>,
        %get3A_668 = vector.shape_cast %get3A_667 : vector<1x16xf32> to vector<16xf32>
        %add3A_669 = arith.addf %add3A_613, %get3A_668 : vector<16xf32>
        %add3A_670 = arith.constant 4 : i32
        %add3A_671 = arith.addi %mul3A_432, %add3A_670 : i32
        %get3A_672 = arith.index_cast %add3A_671 : i32 to index
        %get3A_673 = arith.constant 32 : index
        %get3A_674 = tpu.vector_load %arg12[%get3A_672, %get3A_673] {strides = array<i32>} : memref<128x128xf32, #tpu.memory_space<vmem>>, vector<1x16xf32>,
        %get3A_675 = vector.shape_cast %get3A_674 : vector<1x16xf32> to vector<16xf32>
        %add3A_676 = arith.addf %add3A_620, %get3A_675 : vector<16xf32>
        %add3A_677 = arith.constant 4 : i32
        %add3A_678 = arith.addi %mul3A_432, %add3A_677 : i32
        %get3A_679 = arith.index_cast %add3A_678 : i32 to index
        %get3A_680 = arith.constant 48 : index
        %get3A_681 = tpu.vector_load %arg12[%get3A_679, %get3A_680] {strides = array<i32>} : memref<128x128xf32, #tpu.memory_space<vmem>>, vector<1x16xf32>,
        %get3A_682 = vector.shape_cast %get3A_681 : vector<1x16xf32> to vector<16xf32>
        %add3A_683 = arith.addf %add3A_627, %get3A_682 : vector<16xf32>
        %add3A_684 = arith.constant 4 : i32
        %add3A_685 = arith.addi %mul3A_432, %add3A_684 : i32
        %get3A_686 = arith.index_cast %add3A_685 : i32 to index
        %get3A_687 = arith.constant 64 : index
        %get3A_688 = tpu.vector_load %arg12[%get3A_686, %get3A_687] {strides = array<i32>} : memref<128x128xf32, #tpu.memory_space<vmem>>, vector<1x16xf32>,
        %get3A_689 = vector.shape_cast %get3A_688 : vector<1x16xf32> to vector<16xf32>
        %add3A_690 = arith.addf %add3A_634, %get3A_689 : vector<16xf32>
        %add3A_691 = arith.constant 4 : i32
        %add3A_692 = arith.addi %mul3A_432, %add3A_691 : i32
        %get3A_693 = arith.index_cast %add3A_692 : i32 to index
        %get3A_694 = arith.constant 80 : index
        %get3A_695 = tpu.vector_load %arg12[%get3A_693, %get3A_694] {strides = array<i32>} : memref<128x128xf32, #tpu.memory_space<vmem>>, vector<1x16xf32>,
        %get3A_696 = vector.shape_cast %get3A_695 : vector<1x16xf32> to vector<16xf32>
        %add3A_697 = arith.addf %add3A_641, %get3A_696 : vector<16xf32>
        %add3A_698 = arith.constant 4 : i32
        %add3A_699 = arith.addi %mul3A_432, %add3A_698 : i32
        %get3A_700 = arith.index_cast %add3A_699 : i32 to index
        %get3A_701 = arith.constant 96 : index
        %get3A_702 = tpu.vector_load %arg12[%get3A_700, %get3A_701] {strides = array<i32>} : memref<128x128xf32, #tpu.memory_space<vmem>>, vector<1x16xf32>,
        %get3A_703 = vector.shape_cast %get3A_702 : vector<1x16xf32> to vector<16xf32>
        %add3A_704 = arith.addf %add3A_648, %get3A_703 : vector<16xf32>
        %add3A_705 = arith.constant 4 : i32
        %add3A_706 = arith.addi %mul3A_432, %add3A_705 : i32
        %get3A_707 = arith.index_cast %add3A_706 : i32 to index
        %get3A_708 = arith.constant 112 : index
        %get3A_709 = tpu.vector_load %arg12[%get3A_707, %get3A_708] {strides = array<i32>} : memref<128x128xf32, #tpu.memory_space<vmem>>, vector<1x16xf32>,
        %get3A_710 = vector.shape_cast %get3A_709 : vector<1x16xf32> to vector<16xf32>
        %add3A_711 = arith.addf %add3A_655, %get3A_710 : vector<16xf32>
        %add3A_712 = arith.constant 5 : i32
        %add3A_713 = arith.addi %mul3A_432, %add3A_712 : i32
        %get3A_714 = arith.index_cast %add3A_713 : i32 to index
        %get3A_715 = arith.constant 0 : index
        %get3A_716 = tpu.vector_load %arg12[%get3A_714, %get3A_715] {strides = array<i32>} : memref<128x128xf32, #tpu.memory_space<vmem>>, vector<1x16xf32>,
        %get3A_717 = vector.shape_cast %get3A_716 : vector<1x16xf32> to vector<16xf32>
        %add3A_718 = arith.addf %add3A_662, %get3A_717 : vector<16xf32>
        %add3A_719 = arith.constant 5 : i32
        %add3A_720 = arith.addi %mul3A_432, %add3A_719 : i32
        %get3A_721 = arith.index_cast %add3A_720 : i32 to index
        %get3A_722 = arith.constant 16 : index
        %get3A_723 = tpu.vector_load %arg12[%get3A_721, %get3A_722] {strides = array<i32>} : memref<128x128xf32, #tpu.memory_space<vmem>>, vector<1x16xf32>,
        %get3A_724 = vector.shape_cast %get3A_723 : vector<1x16xf32> to vector<16xf32>
        %add3A_725 = arith.addf %add3A_669, %get3A_724 : vector<16xf32>
        %add3A_726 = arith.constant 5 : i32
        %add3A_727 = arith.addi %mul3A_432, %add3A_726 : i32
        %get3A_728 = arith.index_cast %add3A_727 : i32 to index
        %get3A_729 = arith.constant 32 : index
        %get3A_730 = tpu.vector_load %arg12[%get3A_728, %get3A_729] {strides = array<i32>} : memref<128x128xf32, #tpu.memory_space<vmem>>, vector<1x16xf32>,
        %get3A_731 = vector.shape_cast %get3A_730 : vector<1x16xf32> to vector<16xf32>
        %add3A_732 = arith.addf %add3A_676, %get3A_731 : vector<16xf32>
        %add3A_733 = arith.constant 5 : i32
        %add3A_734 = arith.addi %mul3A_432, %add3A_733 : i32
        %get3A_735 = arith.index_cast %add3A_734 : i32 to index
        %get3A_736 = arith.constant 48 : index
        %get3A_737 = tpu.vector_load %arg12[%get3A_735, %get3A_736] {strides = array<i32>} : memref<128x128xf32, #tpu.memory_space<vmem>>, vector<1x16xf32>,
        %get3A_738 = vector.shape_cast %get3A_737 : vector<1x16xf32> to vector<16xf32>
        %add3A_739 = arith.addf %add3A_683, %get3A_738 : vector<16xf32>
        %add3A_740 = arith.constant 5 : i32
        %add3A_741 = arith.addi %mul3A_432, %add3A_740 : i32
        %get3A_742 = arith.index_cast %add3A_741 : i32 to index
        %get3A_743 = arith.constant 64 : index
        %get3A_744 = tpu.vector_load %arg12[%get3A_742, %get3A_743] {strides = array<i32>} : memref<128x128xf32, #tpu.memory_space<vmem>>, vector<1x16xf32>,
        %get3A_745 = vector.shape_cast %get3A_744 : vector<1x16xf32> to vector<16xf32>
        %add3A_746 = arith.addf %add3A_690, %get3A_745 : vector<16xf32>
        %add3A_747 = arith.constant 5 : i32
        %add3A_748 = arith.addi %mul3A_432, %add3A_747 : i32
        %get3A_749 = arith.index_cast %add3A_748 : i32 to index
        %get3A_750 = arith.constant 80 : index
        %get3A_751 = tpu.vector_load %arg12[%get3A_749, %get3A_750] {strides = array<i32>} : memref<128x128xf32, #tpu.memory_space<vmem>>, vector<1x16xf32>,
        %get3A_752 = vector.shape_cast %get3A_751 : vector<1x16xf32> to vector<16xf32>
        %add3A_753 = arith.addf %add3A_697, %get3A_752 : vector<16xf32>
        %add3A_754 = arith.constant 5 : i32
        %add3A_755 = arith.addi %mul3A_432, %add3A_754 : i32
        %get3A_756 = arith.index_cast %add3A_755 : i32 to index
        %get3A_757 = arith.constant 96 : index
        %get3A_758 = tpu.vector_load %arg12[%get3A_756, %get3A_757] {strides = array<i32>} : memref<128x128xf32, #tpu.memory_space<vmem>>, vector<1x16xf32>,
        %get3A_759 = vector.shape_cast %get3A_758 : vector<1x16xf32> to vector<16xf32>
        %add3A_760 = arith.addf %add3A_704, %get3A_759 : vector<16xf32>
        %add3A_761 = arith.constant 5 : i32
        %add3A_762 = arith.addi %mul3A_432, %add3A_761 : i32
        %get3A_763 = arith.index_cast %add3A_762 : i32 to index
        %get3A_764 = arith.constant 112 : index
        %get3A_765 = tpu.vector_load %arg12[%get3A_763, %get3A_764] {strides = array<i32>} : memref<128x128xf32, #tpu.memory_space<vmem>>, vector<1x16xf32>,
        %get3A_766 = vector.shape_cast %get3A_765 : vector<1x16xf32> to vector<16xf32>
        %add3A_767 = arith.addf %add3A_711, %get3A_766 : vector<16xf32>
        %add3A_768 = arith.constant 6 : i32
        %add3A_769 = arith.addi %mul3A_432, %add3A_768 : i32
        %get3A_770 = arith.index_cast %add3A_769 : i32 to index
        %get3A_771 = arith.constant 0 : index
        %get3A_772 = tpu.vector_load %arg12[%get3A_770, %get3A_771] {strides = array<i32>} : memref<128x128xf32, #tpu.memory_space<vmem>>, vector<1x16xf32>,
        %get3A_773 = vector.shape_cast %get3A_772 : vector<1x16xf32> to vector<16xf32>
        %add3A_774 = arith.addf %add3A_718, %get3A_773 : vector<16xf32>
        %add3A_775 = arith.constant 6 : i32
        %add3A_776 = arith.addi %mul3A_432, %add3A_775 : i32
        %get3A_777 = arith.index_cast %add3A_776 : i32 to index
        %get3A_778 = arith.constant 16 : index
        %get3A_779 = tpu.vector_load %arg12[%get3A_777, %get3A_778] {strides = array<i32>} : memref<128x128xf32, #tpu.memory_space<vmem>>, vector<1x16xf32>,
        %get3A_780 = vector.shape_cast %get3A_779 : vector<1x16xf32> to vector<16xf32>
        %add3A_781 = arith.addf %add3A_725, %get3A_780 : vector<16xf32>
        %add3A_782 = arith.constant 6 : i32
        %add3A_783 = arith.addi %mul3A_432, %add3A_782 : i32
        %get3A_784 = arith.index_cast %add3A_783 : i32 to index
        %get3A_785 = arith.constant 32 : index
        %get3A_786 = tpu.vector_load %arg12[%get3A_784, %get3A_785] {strides = array<i32>} : memref<128x128xf32, #tpu.memory_space<vmem>>, vector<1x16xf32>,
        %get3A_787 = vector.shape_cast %get3A_786 : vector<1x16xf32> to vector<16xf32>
        %add3A_788 = arith.addf %add3A_732, %get3A_787 : vector<16xf32>
        %add3A_789 = arith.constant 6 : i32
        %add3A_790 = arith.addi %mul3A_432, %add3A_789 : i32
        %get3A_791 = arith.index_cast %add3A_790 : i32 to index
        %get3A_792 = arith.constant 48 : index
        %get3A_793 = tpu.vector_load %arg12[%get3A_791, %get3A_792] {strides = array<i32>} : memref<128x128xf32, #tpu.memory_space<vmem>>, vector<1x16xf32>,
        %get3A_794 = vector.shape_cast %get3A_793 : vector<1x16xf32> to vector<16xf32>
        %add3A_795 = arith.addf %add3A_739, %get3A_794 : vector<16xf32>
        %add3A_796 = arith.constant 6 : i32
        %add3A_797 = arith.addi %mul3A_432, %add3A_796 : i32
        %get3A_798 = arith.index_cast %add3A_797 : i32 to index
        %get3A_799 = arith.constant 64 : index
        %get3A_800 = tpu.vector_load %arg12[%get3A_798, %get3A_799] {strides = array<i32>} : memref<128x128xf32, #tpu.memory_space<vmem>>, vector<1x16xf32>,
        %get3A_801 = vector.shape_cast %get3A_800 : vector<1x16xf32> to vector<16xf32>
        %add3A_802 = arith.addf %add3A_746, %get3A_801 : vector<16xf32>
        %add3A_803 = arith.constant 6 : i32
        %add3A_804 = arith.addi %mul3A_432, %add3A_803 : i32
        %get3A_805 = arith.index_cast %add3A_804 : i32 to index
        %get3A_806 = arith.constant 80 : index
        %get3A_807 = tpu.vector_load %arg12[%get3A_805, %get3A_806] {strides = array<i32>} : memref<128x128xf32, #tpu.memory_space<vmem>>, vector<1x16xf32>,
        %get3A_808 = vector.shape_cast %get3A_807 : vector<1x16xf32> to vector<16xf32>
        %add3A_809 = arith.addf %add3A_753, %get3A_808 : vector<16xf32>
        %add3A_810 = arith.constant 6 : i32
        %add3A_811 = arith.addi %mul3A_432, %add3A_810 : i32
        %get3A_812 = arith.index_cast %add3A_811 : i32 to index
        %get3A_813 = arith.constant 96 : index
        %get3A_814 = tpu.vector_load %arg12[%get3A_812, %get3A_813] {strides = array<i32>} : memref<128x128xf32, #tpu.memory_space<vmem>>, vector<1x16xf32>,
        %get3A_815 = vector.shape_cast %get3A_814 : vector<1x16xf32> to vector<16xf32>
        %add3A_816 = arith.addf %add3A_760, %get3A_815 : vector<16xf32>
        %add3A_817 = arith.constant 6 : i32
        %add3A_818 = arith.addi %mul3A_432, %add3A_817 : i32
        %get3A_819 = arith.index_cast %add3A_818 : i32 to index
        %get3A_820 = arith.constant 112 : index
        %get3A_821 = tpu.vector_load %arg12[%get3A_819, %get3A_820] {strides = array<i32>} : memref<128x128xf32, #tpu.memory_space<vmem>>, vector<1x16xf32>,
        %get3A_822 = vector.shape_cast %get3A_821 : vector<1x16xf32> to vector<16xf32>
        %add3A_823 = arith.addf %add3A_767, %get3A_822 : vector<16xf32>
        %add3A_824 = arith.constant 7 : i32
        %add3A_825 = arith.addi %mul3A_432, %add3A_824 : i32
        %get3A_826 = arith.index_cast %add3A_825 : i32 to index
        %get3A_827 = arith.constant 0 : index
        %get3A_828 = tpu.vector_load %arg12[%get3A_826, %get3A_827] {strides = array<i32>} : memref<128x128xf32, #tpu.memory_space<vmem>>, vector<1x16xf32>,
        %get3A_829 = vector.shape_cast %get3A_828 : vector<1x16xf32> to vector<16xf32>
        %add3A_830 = arith.addf %add3A_774, %get3A_829 : vector<16xf32>
        %add3A_831 = arith.constant 7 : i32
        %add3A_832 = arith.addi %mul3A_432, %add3A_831 : i32
        %get3A_833 = arith.index_cast %add3A_832 : i32 to index
        %get3A_834 = arith.constant 16 : index
        %get3A_835 = tpu.vector_load %arg12[%get3A_833, %get3A_834] {strides = array<i32>} : memref<128x128xf32, #tpu.memory_space<vmem>>, vector<1x16xf32>,
        %get3A_836 = vector.shape_cast %get3A_835 : vector<1x16xf32> to vector<16xf32>
        %add3A_837 = arith.addf %add3A_781, %get3A_836 : vector<16xf32>
        %add3A_838 = arith.constant 7 : i32
        %add3A_839 = arith.addi %mul3A_432, %add3A_838 : i32
        %get3A_840 = arith.index_cast %add3A_839 : i32 to index
        %get3A_841 = arith.constant 32 : index
        %get3A_842 = tpu.vector_load %arg12[%get3A_840, %get3A_841] {strides = array<i32>} : memref<128x128xf32, #tpu.memory_space<vmem>>, vector<1x16xf32>,
        %get3A_843 = vector.shape_cast %get3A_842 : vector<1x16xf32> to vector<16xf32>
        %add3A_844 = arith.addf %add3A_788, %get3A_843 : vector<16xf32>
        %add3A_845 = arith.constant 7 : i32
        %add3A_846 = arith.addi %mul3A_432, %add3A_845 : i32
        %get3A_847 = arith.index_cast %add3A_846 : i32 to index
        %get3A_848 = arith.constant 48 : index
        %get3A_849 = tpu.vector_load %arg12[%get3A_847, %get3A_848] {strides = array<i32>} : memref<128x128xf32, #tpu.memory_space<vmem>>, vector<1x16xf32>,
        %get3A_850 = vector.shape_cast %get3A_849 : vector<1x16xf32> to vector<16xf32>
        %add3A_851 = arith.addf %add3A_795, %get3A_850 : vector<16xf32>
        %add3A_852 = arith.constant 7 : i32
        %add3A_853 = arith.addi %mul3A_432, %add3A_852 : i32
        %get3A_854 = arith.index_cast %add3A_853 : i32 to index
        %get3A_855 = arith.constant 64 : index
        %get3A_856 = tpu.vector_load %arg12[%get3A_854, %get3A_855] {strides = array<i32>} : memref<128x128xf32, #tpu.memory_space<vmem>>, vector<1x16xf32>,
        %get3A_857 = vector.shape_cast %get3A_856 : vector<1x16xf32> to vector<16xf32>
        %add3A_858 = arith.addf %add3A_802, %get3A_857 : vector<16xf32>
        %add3A_859 = arith.constant 7 : i32
        %add3A_860 = arith.addi %mul3A_432, %add3A_859 : i32
        %get3A_861 = arith.index_cast %add3A_860 : i32 to index
        %get3A_862 = arith.constant 80 : index
        %get3A_863 = tpu.vector_load %arg12[%get3A_861, %get3A_862] {strides = array<i32>} : memref<128x128xf32, #tpu.memory_space<vmem>>, vector<1x16xf32>,
        %get3A_864 = vector.shape_cast %get3A_863 : vector<1x16xf32> to vector<16xf32>
        %add3A_865 = arith.addf %add3A_809, %get3A_864 : vector<16xf32>
        %add3A_866 = arith.constant 7 : i32
        %add3A_867 = arith.addi %mul3A_432, %add3A_866 : i32
        %get3A_868 = arith.index_cast %add3A_867 : i32 to index
        %get3A_869 = arith.constant 96 : index
        %get3A_870 = tpu.vector_load %arg12[%get3A_868, %get3A_869] {strides = array<i32>} : memref<128x128xf32, #tpu.memory_space<vmem>>, vector<1x16xf32>,
        %get3A_871 = vector.shape_cast %get3A_870 : vector<1x16xf32> to vector<16xf32>
        %add3A_872 = arith.addf %add3A_816, %get3A_871 : vector<16xf32>
        %add3A_873 = arith.constant 7 : i32
        %add3A_874 = arith.addi %mul3A_432, %add3A_873 : i32
        %get3A_875 = arith.index_cast %add3A_874 : i32 to index
        %get3A_876 = arith.constant 112 : index
        %get3A_877 = tpu.vector_load %arg12[%get3A_875, %get3A_876] {strides = array<i32>} : memref<128x128xf32, #tpu.memory_space<vmem>>, vector<1x16xf32>,
        %get3A_878 = vector.shape_cast %get3A_877 : vector<1x16xf32> to vector<16xf32>
        %add3A_879 = arith.addf %add3A_823, %get3A_878 : vector<16xf32>
        %add3A_880 = arith.constant 8 : i32
        %add3A_881 = arith.addi %mul3A_432, %add3A_880 : i32
        %get3A_882 = arith.index_cast %add3A_881 : i32 to index
        %get3A_883 = arith.constant 0 : index
        %get3A_884 = tpu.vector_load %arg12[%get3A_882, %get3A_883] {strides = array<i32>} : memref<128x128xf32, #tpu.memory_space<vmem>>, vector<1x16xf32>,
        %get3A_885 = vector.shape_cast %get3A_884 : vector<1x16xf32> to vector<16xf32>
        %add3A_886 = arith.addf %add3A_830, %get3A_885 : vector<16xf32>
        %add3A_887 = arith.constant 8 : i32
        %add3A_888 = arith.addi %mul3A_432, %add3A_887 : i32
        %get3A_889 = arith.index_cast %add3A_888 : i32 to index
        %get3A_890 = arith.constant 16 : index
        %get3A_891 = tpu.vector_load %arg12[%get3A_889, %get3A_890] {strides = array<i32>} : memref<128x128xf32, #tpu.memory_space<vmem>>, vector<1x16xf32>,
        %get3A_892 = vector.shape_cast %get3A_891 : vector<1x16xf32> to vector<16xf32>
        %add3A_893 = arith.addf %add3A_837, %get3A_892 : vector<16xf32>
        %add3A_894 = arith.constant 8 : i32
        %add3A_895 = arith.addi %mul3A_432, %add3A_894 : i32
        %get3A_896 = arith.index_cast %add3A_895 : i32 to index
        %get3A_897 = arith.constant 32 : index
        %get3A_898 = tpu.vector_load %arg12[%get3A_896, %get3A_897] {strides = array<i32>} : memref<128x128xf32, #tpu.memory_space<vmem>>, vector<1x16xf32>,
        %get3A_899 = vector.shape_cast %get3A_898 : vector<1x16xf32> to vector<16xf32>
        %add3A_900 = arith.addf %add3A_844, %get3A_899 : vector<16xf32>
        %add3A_901 = arith.constant 8 : i32
        %add3A_902 = arith.addi %mul3A_432, %add3A_901 : i32
        %get3A_903 = arith.index_cast %add3A_902 : i32 to index
        %get3A_904 = arith.constant 48 : index
        %get3A_905 = tpu.vector_load %arg12[%get3A_903, %get3A_904] {strides = array<i32>} : memref<128x128xf32, #tpu.memory_space<vmem>>, vector<1x16xf32>,
        %get3A_906 = vector.shape_cast %get3A_905 : vector<1x16xf32> to vector<16xf32>
        %add3A_907 = arith.addf %add3A_851, %get3A_906 : vector<16xf32>
        %add3A_908 = arith.constant 8 : i32
        %add3A_909 = arith.addi %mul3A_432, %add3A_908 : i32
        %get3A_910 = arith.index_cast %add3A_909 : i32 to index
        %get3A_911 = arith.constant 64 : index
        %get3A_912 = tpu.vector_load %arg12[%get3A_910, %get3A_911] {strides = array<i32>} : memref<128x128xf32, #tpu.memory_space<vmem>>, vector<1x16xf32>,
        %get3A_913 = vector.shape_cast %get3A_912 : vector<1x16xf32> to vector<16xf32>
        %add3A_914 = arith.addf %add3A_858, %get3A_913 : vector<16xf32>
        %add3A_915 = arith.constant 8 : i32
        %add3A_916 = arith.addi %mul3A_432, %add3A_915 : i32
        %get3A_917 = arith.index_cast %add3A_916 : i32 to index
        %get3A_918 = arith.constant 80 : index
        %get3A_919 = tpu.vector_load %arg12[%get3A_917, %get3A_918] {strides = array<i32>} : memref<128x128xf32, #tpu.memory_space<vmem>>, vector<1x16xf32>,
        %get3A_920 = vector.shape_cast %get3A_919 : vector<1x16xf32> to vector<16xf32>
        %add3A_921 = arith.addf %add3A_865, %get3A_920 : vector<16xf32>
        %add3A_922 = arith.constant 8 : i32
        %add3A_923 = arith.addi %mul3A_432, %add3A_922 : i32
        %get3A_924 = arith.index_cast %add3A_923 : i32 to index
        %get3A_925 = arith.constant 96 : index
        %get3A_926 = tpu.vector_load %arg12[%get3A_924, %get3A_925] {strides = array<i32>} : memref<128x128xf32, #tpu.memory_space<vmem>>, vector<1x16xf32>,
        %get3A_927 = vector.shape_cast %get3A_926 : vector<1x16xf32> to vector<16xf32>
        %add3A_928 = arith.addf %add3A_872, %get3A_927 : vector<16xf32>
        %add3A_929 = arith.constant 8 : i32
        %add3A_930 = arith.addi %mul3A_432, %add3A_929 : i32
        %get3A_931 = arith.index_cast %add3A_930 : i32 to index
        %get3A_932 = arith.constant 112 : index
        %get3A_933 = tpu.vector_load %arg12[%get3A_931, %get3A_932] {strides = array<i32>} : memref<128x128xf32, #tpu.memory_space<vmem>>, vector<1x16xf32>,
        %get3A_934 = vector.shape_cast %get3A_933 : vector<1x16xf32> to vector<16xf32>
        %add3A_935 = arith.addf %add3A_879, %get3A_934 : vector<16xf32>
        %add3A_936 = arith.constant 9 : i32
        %add3A_937 = arith.addi %mul3A_432, %add3A_936 : i32
        %get3A_938 = arith.index_cast %add3A_937 : i32 to index
        %get3A_939 = arith.constant 0 : index
        %get3A_940 = tpu.vector_load %arg12[%get3A_938, %get3A_939] {strides = array<i32>} : memref<128x128xf32, #tpu.memory_space<vmem>>, vector<1x16xf32>,
        %get3A_941 = vector.shape_cast %get3A_940 : vector<1x16xf32> to vector<16xf32>
        %add3A_942 = arith.addf %add3A_886, %get3A_941 : vector<16xf32>
        %add3A_943 = arith.constant 9 : i32
        %add3A_944 = arith.addi %mul3A_432, %add3A_943 : i32
        %get3A_945 = arith.index_cast %add3A_944 : i32 to index
        %get3A_946 = arith.constant 16 : index
        %get3A_947 = tpu.vector_load %arg12[%get3A_945, %get3A_946] {strides = array<i32>} : memref<128x128xf32, #tpu.memory_space<vmem>>, vector<1x16xf32>,
        %get3A_948 = vector.shape_cast %get3A_947 : vector<1x16xf32> to vector<16xf32>
        %add3A_949 = arith.addf %add3A_893, %get3A_948 : vector<16xf32>
        %add3A_950 = arith.constant 9 : i32
        %add3A_951 = arith.addi %mul3A_432, %add3A_950 : i32
        %get3A_952 = arith.index_cast %add3A_951 : i32 to index
        %get3A_953 = arith.constant 32 : index
        %get3A_954 = tpu.vector_load %arg12[%get3A_952, %get3A_953] {strides = array<i32>} : memref<128x128xf32, #tpu.memory_space<vmem>>, vector<1x16xf32>,
        %get3A_955 = vector.shape_cast %get3A_954 : vector<1x16xf32> to vector<16xf32>
        %add3A_956 = arith.addf %add3A_900, %get3A_955 : vector<16xf32>
        %add3A_957 = arith.constant 9 : i32
        %add3A_958 = arith.addi %mul3A_432, %add3A_957 : i32
        %get3A_959 = arith.index_cast %add3A_958 : i32 to index
        %get3A_960 = arith.constant 48 : index
        %get3A_961 = tpu.vector_load %arg12[%get3A_959, %get3A_960] {strides = array<i32>} : memref<128x128xf32, #tpu.memory_space<vmem>>, vector<1x16xf32>,
        %get3A_962 = vector.shape_cast %get3A_961 : vector<1x16xf32> to vector<16xf32>
        %add3A_963 = arith.addf %add3A_907, %get3A_962 : vector<16xf32>
        %add3A_964 = arith.constant 9 : i32
        %add3A_965 = arith.addi %mul3A_432, %add3A_964 : i32
        %get3A_966 = arith.index_cast %add3A_965 : i32 to index
        %get3A_967 = arith.constant 64 : index
        %get3A_968 = tpu.vector_load %arg12[%get3A_966, %get3A_967] {strides = array<i32>} : memref<128x128xf32, #tpu.memory_space<vmem>>, vector<1x16xf32>,
        %get3A_969 = vector.shape_cast %get3A_968 : vector<1x16xf32> to vector<16xf32>
        %add3A_970 = arith.addf %add3A_914, %get3A_969 : vector<16xf32>
        %add3A_971 = arith.constant 9 : i32
        %add3A_972 = arith.addi %mul3A_432, %add3A_971 : i32
        %get3A_973 = arith.index_cast %add3A_972 : i32 to index
        %get3A_974 = arith.constant 80 : index
        %get3A_975 = tpu.vector_load %arg12[%get3A_973, %get3A_974] {strides = array<i32>} : memref<128x128xf32, #tpu.memory_space<vmem>>, vector<1x16xf32>,
        %get3A_976 = vector.shape_cast %get3A_975 : vector<1x16xf32> to vector<16xf32>
        %add3A_977 = arith.addf %add3A_921, %get3A_976 : vector<16xf32>
        %add3A_978 = arith.constant 9 : i32
        %add3A_979 = arith.addi %mul3A_432, %add3A_978 : i32
        %get3A_980 = arith.index_cast %add3A_979 : i32 to index
        %get3A_981 = arith.constant 96 : index
        %get3A_982 = tpu.vector_load %arg12[%get3A_980, %get3A_981] {strides = array<i32>} : memref<128x128xf32, #tpu.memory_space<vmem>>, vector<1x16xf32>,
        %get3A_983 = vector.shape_cast %get3A_982 : vector<1x16xf32> to vector<16xf32>
        %add3A_984 = arith.addf %add3A_928, %get3A_983 : vector<16xf32>
        %add3A_985 = arith.constant 9 : i32
        %add3A_986 = arith.addi %mul3A_432, %add3A_985 : i32
        %get3A_987 = arith.index_cast %add3A_986 : i32 to index
        %get3A_988 = arith.constant 112 : index
        %get3A_989 = tpu.vector_load %arg12[%get3A_987, %get3A_988] {strides = array<i32>} : memref<128x128xf32, #tpu.memory_space<vmem>>, vector<1x16xf32>,
        %get3A_990 = vector.shape_cast %get3A_989 : vector<1x16xf32> to vector<16xf32>
        %add3A_991 = arith.addf %add3A_935, %get3A_990 : vector<16xf32>
        %add3A_992 = arith.constant 10 : i32
        %add3A_993 = arith.addi %mul3A_432, %add3A_992 : i32
        %get3A_994 = arith.index_cast %add3A_993 : i32 to index
        %get3A_995 = arith.constant 0 : index
        %get3A_996 = tpu.vector_load %arg12[%get3A_994, %get3A_995] {strides = array<i32>} : memref<128x128xf32, #tpu.memory_space<vmem>>, vector<1x16xf32>,
        %get3A_997 = vector.shape_cast %get3A_996 : vector<1x16xf32> to vector<16xf32>
        %add3A_998 = arith.addf %add3A_942, %get3A_997 : vector<16xf32>
        %add3A_999 = arith.constant 10 : i32
        %add3A_1000 = arith.addi %mul3A_432, %add3A_999 : i32
        %get3A_1001 = arith.index_cast %add3A_1000 : i32 to index
        %get3A_1002 = arith.constant 16 : index
        %get3A_1003 = tpu.vector_load %arg12[%get3A_1001, %get3A_1002] {strides = array<i32>} : memref<128x128xf32, #tpu.memory_space<vmem>>, vector<1x16xf32>,
        %get3A_1004 = vector.shape_cast %get3A_1003 : vector<1x16xf32> to vector<16xf32>
        %add3A_1005 = arith.addf %add3A_949, %get3A_1004 : vector<16xf32>
        %add3A_1006 = arith.constant 10 : i32
        %add3A_1007 = arith.addi %mul3A_432, %add3A_1006 : i32
        %get3A_1008 = arith.index_cast %add3A_1007 : i32 to index
        %get3A_1009 = arith.constant 32 : index
        %get3A_1010 = tpu.vector_load %arg12[%get3A_1008, %get3A_1009] {strides = array<i32>} : memref<128x128xf32, #tpu.memory_space<vmem>>, vector<1x16xf32>,
        %get3A_1011 = vector.shape_cast %get3A_1010 : vector<1x16xf32> to vector<16xf32>
        %add3A_1012 = arith.addf %add3A_956, %get3A_1011 : vector<16xf32>
        %add3A_1013 = arith.constant 10 : i32
        %add3A_1014 = arith.addi %mul3A_432, %add3A_1013 : i32
        %get3A_1015 = arith.index_cast %add3A_1014 : i32 to index
        %get3A_1016 = arith.constant 48 : index
        %get3A_1017 = tpu.vector_load %arg12[%get3A_1015, %get3A_1016] {strides = array<i32>} : memref<128x128xf32, #tpu.memory_space<vmem>>, vector<1x16xf32>,
        %get3A_1018 = vector.shape_cast %get3A_1017 : vector<1x16xf32> to vector<16xf32>
        %add3A_1019 = arith.addf %add3A_963, %get3A_1018 : vector<16xf32>
        %add3A_1020 = arith.constant 10 : i32
        %add3A_1021 = arith.addi %mul3A_432, %add3A_1020 : i32
        %get3A_1022 = arith.index_cast %add3A_1021 : i32 to index
        %get3A_1023 = arith.constant 64 : index
        %get3A_1024 = tpu.vector_load %arg12[%get3A_1022, %get3A_1023] {strides = array<i32>} : memref<128x128xf32, #tpu.memory_space<vmem>>, vector<1x16xf32>,
        %get3A_1025 = vector.shape_cast %get3A_1024 : vector<1x16xf32> to vector<16xf32>
        %add3A_1026 = arith.addf %add3A_970, %get3A_1025 : vector<16xf32>
        %add3A_1027 = arith.constant 10 : i32
        %add3A_1028 = arith.addi %mul3A_432, %add3A_1027 : i32
        %get3A_1029 = arith.index_cast %add3A_1028 : i32 to index
        %get3A_1030 = arith.constant 80 : index
        %get3A_1031 = tpu.vector_load %arg12[%get3A_1029, %get3A_1030] {strides = array<i32>} : memref<128x128xf32, #tpu.memory_space<vmem>>, vector<1x16xf32>,
        %get3A_1032 = vector.shape_cast %get3A_1031 : vector<1x16xf32> to vector<16xf32>
        %add3A_1033 = arith.addf %add3A_977, %get3A_1032 : vector<16xf32>
        %add3A_1034 = arith.constant 10 : i32
        %add3A_1035 = arith.addi %mul3A_432, %add3A_1034 : i32
        %get3A_1036 = arith.index_cast %add3A_1035 : i32 to index
        %get3A_1037 = arith.constant 96 : index
        %get3A_1038 = tpu.vector_load %arg12[%get3A_1036, %get3A_1037] {strides = array<i32>} : memref<128x128xf32, #tpu.memory_space<vmem>>, vector<1x16xf32>,
        %get3A_1039 = vector.shape_cast %get3A_1038 : vector<1x16xf32> to vector<16xf32>
        %add3A_1040 = arith.addf %add3A_984, %get3A_1039 : vector<16xf32>
        %add3A_1041 = arith.constant 10 : i32
        %add3A_1042 = arith.addi %mul3A_432, %add3A_1041 : i32
        %get3A_1043 = arith.index_cast %add3A_1042 : i32 to index
        %get3A_1044 = arith.constant 112 : index
        %get3A_1045 = tpu.vector_load %arg12[%get3A_1043, %get3A_1044] {strides = array<i32>} : memref<128x128xf32, #tpu.memory_space<vmem>>, vector<1x16xf32>,
        %get3A_1046 = vector.shape_cast %get3A_1045 : vector<1x16xf32> to vector<16xf32>
        %add3A_1047 = arith.addf %add3A_991, %get3A_1046 : vector<16xf32>
        %add3A_1048 = arith.constant 11 : i32
        %add3A_1049 = arith.addi %mul3A_432, %add3A_1048 : i32
        %get3A_1050 = arith.index_cast %add3A_1049 : i32 to index
        %get3A_1051 = arith.constant 0 : index
        %get3A_1052 = tpu.vector_load %arg12[%get3A_1050, %get3A_1051] {strides = array<i32>} : memref<128x128xf32, #tpu.memory_space<vmem>>, vector<1x16xf32>,
        %get3A_1053 = vector.shape_cast %get3A_1052 : vector<1x16xf32> to vector<16xf32>
        %add3A_1054 = arith.addf %add3A_998, %get3A_1053 : vector<16xf32>
        %add3A_1055 = arith.constant 11 : i32
        %add3A_1056 = arith.addi %mul3A_432, %add3A_1055 : i32
        %get3A_1057 = arith.index_cast %add3A_1056 : i32 to index
        %get3A_1058 = arith.constant 16 : index
        %get3A_1059 = tpu.vector_load %arg12[%get3A_1057, %get3A_1058] {strides = array<i32>} : memref<128x128xf32, #tpu.memory_space<vmem>>, vector<1x16xf32>,
        %get3A_1060 = vector.shape_cast %get3A_1059 : vector<1x16xf32> to vector<16xf32>
        %add3A_1061 = arith.addf %add3A_1005, %get3A_1060 : vector<16xf32>
        %add3A_1062 = arith.constant 11 : i32
        %add3A_1063 = arith.addi %mul3A_432, %add3A_1062 : i32
        %get3A_1064 = arith.index_cast %add3A_1063 : i32 to index
        %get3A_1065 = arith.constant 32 : index
        %get3A_1066 = tpu.vector_load %arg12[%get3A_1064, %get3A_1065] {strides = array<i32>} : memref<128x128xf32, #tpu.memory_space<vmem>>, vector<1x16xf32>,
        %get3A_1067 = vector.shape_cast %get3A_1066 : vector<1x16xf32> to vector<16xf32>
        %add3A_1068 = arith.addf %add3A_1012, %get3A_1067 : vector<16xf32>
        %add3A_1069 = arith.constant 11 : i32
        %add3A_1070 = arith.addi %mul3A_432, %add3A_1069 : i32
        %get3A_1071 = arith.index_cast %add3A_1070 : i32 to index
        %get3A_1072 = arith.constant 48 : index
        %get3A_1073 = tpu.vector_load %arg12[%get3A_1071, %get3A_1072] {strides = array<i32>} : memref<128x128xf32, #tpu.memory_space<vmem>>, vector<1x16xf32>,
        %get3A_1074 = vector.shape_cast %get3A_1073 : vector<1x16xf32> to vector<16xf32>
        %add3A_1075 = arith.addf %add3A_1019, %get3A_1074 : vector<16xf32>
        %add3A_1076 = arith.constant 11 : i32
        %add3A_1077 = arith.addi %mul3A_432, %add3A_1076 : i32
        %get3A_1078 = arith.index_cast %add3A_1077 : i32 to index
        %get3A_1079 = arith.constant 64 : index
        %get3A_1080 = tpu.vector_load %arg12[%get3A_1078, %get3A_1079] {strides = array<i32>} : memref<128x128xf32, #tpu.memory_space<vmem>>, vector<1x16xf32>,
        %get3A_1081 = vector.shape_cast %get3A_1080 : vector<1x16xf32> to vector<16xf32>
        %add3A_1082 = arith.addf %add3A_1026, %get3A_1081 : vector<16xf32>
        %add3A_1083 = arith.constant 11 : i32
        %add3A_1084 = arith.addi %mul3A_432, %add3A_1083 : i32
        %get3A_1085 = arith.index_cast %add3A_1084 : i32 to index
        %get3A_1086 = arith.constant 80 : index
        %get3A_1087 = tpu.vector_load %arg12[%get3A_1085, %get3A_1086] {strides = array<i32>} : memref<128x128xf32, #tpu.memory_space<vmem>>, vector<1x16xf32>,
        %get3A_1088 = vector.shape_cast %get3A_1087 : vector<1x16xf32> to vector<16xf32>
        %add3A_1089 = arith.addf %add3A_1033, %get3A_1088 : vector<16xf32>
        %add3A_1090 = arith.constant 11 : i32
        %add3A_1091 = arith.addi %mul3A_432, %add3A_1090 : i32
        %get3A_1092 = arith.index_cast %add3A_1091 : i32 to index
        %get3A_1093 = arith.constant 96 : index
        %get3A_1094 = tpu.vector_load %arg12[%get3A_1092, %get3A_1093] {strides = array<i32>} : memref<128x128xf32, #tpu.memory_space<vmem>>, vector<1x16xf32>,
        %get3A_1095 = vector.shape_cast %get3A_1094 : vector<1x16xf32> to vector<16xf32>
        %add3A_1096 = arith.addf %add3A_1040, %get3A_1095 : vector<16xf32>
        %add3A_1097 = arith.constant 11 : i32
        %add3A_1098 = arith.addi %mul3A_432, %add3A_1097 : i32
        %get3A_1099 = arith.index_cast %add3A_1098 : i32 to index
        %get3A_1100 = arith.constant 112 : index
        %get3A_1101 = tpu.vector_load %arg12[%get3A_1099, %get3A_1100] {strides = array<i32>} : memref<128x128xf32, #tpu.memory_space<vmem>>, vector<1x16xf32>,
        %get3A_1102 = vector.shape_cast %get3A_1101 : vector<1x16xf32> to vector<16xf32>
        %add3A_1103 = arith.addf %add3A_1047, %get3A_1102 : vector<16xf32>
        %add3A_1104 = arith.constant 12 : i32
        %add3A_1105 = arith.addi %mul3A_432, %add3A_1104 : i32
        %get3A_1106 = arith.index_cast %add3A_1105 : i32 to index
        %get3A_1107 = arith.constant 0 : index
        %get3A_1108 = tpu.vector_load %arg12[%get3A_1106, %get3A_1107] {strides = array<i32>} : memref<128x128xf32, #tpu.memory_space<vmem>>, vector<1x16xf32>,
        %get3A_1109 = vector.shape_cast %get3A_1108 : vector<1x16xf32> to vector<16xf32>
        %add3A_1110 = arith.addf %add3A_1054, %get3A_1109 : vector<16xf32>
        %add3A_1111 = arith.constant 12 : i32
        %add3A_1112 = arith.addi %mul3A_432, %add3A_1111 : i32
        %get3A_1113 = arith.index_cast %add3A_1112 : i32 to index
        %get3A_1114 = arith.constant 16 : index
        %get3A_1115 = tpu.vector_load %arg12[%get3A_1113, %get3A_1114] {strides = array<i32>} : memref<128x128xf32, #tpu.memory_space<vmem>>, vector<1x16xf32>,
        %get3A_1116 = vector.shape_cast %get3A_1115 : vector<1x16xf32> to vector<16xf32>
        %add3A_1117 = arith.addf %add3A_1061, %get3A_1116 : vector<16xf32>
        %add3A_1118 = arith.constant 12 : i32
        %add3A_1119 = arith.addi %mul3A_432, %add3A_1118 : i32
        %get3A_1120 = arith.index_cast %add3A_1119 : i32 to index
        %get3A_1121 = arith.constant 32 : index
        %get3A_1122 = tpu.vector_load %arg12[%get3A_1120, %get3A_1121] {strides = array<i32>} : memref<128x128xf32, #tpu.memory_space<vmem>>, vector<1x16xf32>,
        %get3A_1123 = vector.shape_cast %get3A_1122 : vector<1x16xf32> to vector<16xf32>
        %add3A_1124 = arith.addf %add3A_1068, %get3A_1123 : vector<16xf32>
        %add3A_1125 = arith.constant 12 : i32
        %add3A_1126 = arith.addi %mul3A_432, %add3A_1125 : i32
        %get3A_1127 = arith.index_cast %add3A_1126 : i32 to index
        %get3A_1128 = arith.constant 48 : index
        %get3A_1129 = tpu.vector_load %arg12[%get3A_1127, %get3A_1128] {strides = array<i32>} : memref<128x128xf32, #tpu.memory_space<vmem>>, vector<1x16xf32>,
        %get3A_1130 = vector.shape_cast %get3A_1129 : vector<1x16xf32> to vector<16xf32>
        %add3A_1131 = arith.addf %add3A_1075, %get3A_1130 : vector<16xf32>
        %add3A_1132 = arith.constant 12 : i32
        %add3A_1133 = arith.addi %mul3A_432, %add3A_1132 : i32
        %get3A_1134 = arith.index_cast %add3A_1133 : i32 to index
        %get3A_1135 = arith.constant 64 : index
        %get3A_1136 = tpu.vector_load %arg12[%get3A_1134, %get3A_1135] {strides = array<i32>} : memref<128x128xf32, #tpu.memory_space<vmem>>, vector<1x16xf32>,
        %get3A_1137 = vector.shape_cast %get3A_1136 : vector<1x16xf32> to vector<16xf32>
        %add3A_1138 = arith.addf %add3A_1082, %get3A_1137 : vector<16xf32>
        %add3A_1139 = arith.constant 12 : i32
        %add3A_1140 = arith.addi %mul3A_432, %add3A_1139 : i32
        %get3A_1141 = arith.index_cast %add3A_1140 : i32 to index
        %get3A_1142 = arith.constant 80 : index
        %get3A_1143 = tpu.vector_load %arg12[%get3A_1141, %get3A_1142] {strides = array<i32>} : memref<128x128xf32, #tpu.memory_space<vmem>>, vector<1x16xf32>,
        %get3A_1144 = vector.shape_cast %get3A_1143 : vector<1x16xf32> to vector<16xf32>
        %add3A_1145 = arith.addf %add3A_1089, %get3A_1144 : vector<16xf32>
        %add3A_1146 = arith.constant 12 : i32
        %add3A_1147 = arith.addi %mul3A_432, %add3A_1146 : i32
        %get3A_1148 = arith.index_cast %add3A_1147 : i32 to index
        %get3A_1149 = arith.constant 96 : index
        %get3A_1150 = tpu.vector_load %arg12[%get3A_1148, %get3A_1149] {strides = array<i32>} : memref<128x128xf32, #tpu.memory_space<vmem>>, vector<1x16xf32>,
        %get3A_1151 = vector.shape_cast %get3A_1150 : vector<1x16xf32> to vector<16xf32>
        %add3A_1152 = arith.addf %add3A_1096, %get3A_1151 : vector<16xf32>
        %add3A_1153 = arith.constant 12 : i32
        %add3A_1154 = arith.addi %mul3A_432, %add3A_1153 : i32
        %get3A_1155 = arith.index_cast %add3A_1154 : i32 to index
        %get3A_1156 = arith.constant 112 : index
        %get3A_1157 = tpu.vector_load %arg12[%get3A_1155, %get3A_1156] {strides = array<i32>} : memref<128x128xf32, #tpu.memory_space<vmem>>, vector<1x16xf32>,
        %get3A_1158 = vector.shape_cast %get3A_1157 : vector<1x16xf32> to vector<16xf32>
        %add3A_1159 = arith.addf %add3A_1103, %get3A_1158 : vector<16xf32>
        %add3A_1160 = arith.constant 13 : i32
        %add3A_1161 = arith.addi %mul3A_432, %add3A_1160 : i32
        %get3A_1162 = arith.index_cast %add3A_1161 : i32 to index
        %get3A_1163 = arith.constant 0 : index
        %get3A_1164 = tpu.vector_load %arg12[%get3A_1162, %get3A_1163] {strides = array<i32>} : memref<128x128xf32, #tpu.memory_space<vmem>>, vector<1x16xf32>,
        %get3A_1165 = vector.shape_cast %get3A_1164 : vector<1x16xf32> to vector<16xf32>
        %add3A_1166 = arith.addf %add3A_1110, %get3A_1165 : vector<16xf32>
        %add3A_1167 = arith.constant 13 : i32
        %add3A_1168 = arith.addi %mul3A_432, %add3A_1167 : i32
        %get3A_1169 = arith.index_cast %add3A_1168 : i32 to index
        %get3A_1170 = arith.constant 16 : index
        %get3A_1171 = tpu.vector_load %arg12[%get3A_1169, %get3A_1170] {strides = array<i32>} : memref<128x128xf32, #tpu.memory_space<vmem>>, vector<1x16xf32>,
        %get3A_1172 = vector.shape_cast %get3A_1171 : vector<1x16xf32> to vector<16xf32>
        %add3A_1173 = arith.addf %add3A_1117, %get3A_1172 : vector<16xf32>
        %add3A_1174 = arith.constant 13 : i32
        %add3A_1175 = arith.addi %mul3A_432, %add3A_1174 : i32
        %get3A_1176 = arith.index_cast %add3A_1175 : i32 to index
        %get3A_1177 = arith.constant 32 : index
        %get3A_1178 = tpu.vector_load %arg12[%get3A_1176, %get3A_1177] {strides = array<i32>} : memref<128x128xf32, #tpu.memory_space<vmem>>, vector<1x16xf32>,
        %get3A_1179 = vector.shape_cast %get3A_1178 : vector<1x16xf32> to vector<16xf32>
        %add3A_1180 = arith.addf %add3A_1124, %get3A_1179 : vector<16xf32>
        %add3A_1181 = arith.constant 13 : i32
        %add3A_1182 = arith.addi %mul3A_432, %add3A_1181 : i32
        %get3A_1183 = arith.index_cast %add3A_1182 : i32 to index
        %get3A_1184 = arith.constant 48 : index
        %get3A_1185 = tpu.vector_load %arg12[%get3A_1183, %get3A_1184] {strides = array<i32>} : memref<128x128xf32, #tpu.memory_space<vmem>>, vector<1x16xf32>,
        %get3A_1186 = vector.shape_cast %get3A_1185 : vector<1x16xf32> to vector<16xf32>
        %add3A_1187 = arith.addf %add3A_1131, %get3A_1186 : vector<16xf32>
        %add3A_1188 = arith.constant 13 : i32
        %add3A_1189 = arith.addi %mul3A_432, %add3A_1188 : i32
        %get3A_1190 = arith.index_cast %add3A_1189 : i32 to index
        %get3A_1191 = arith.constant 64 : index
        %get3A_1192 = tpu.vector_load %arg12[%get3A_1190, %get3A_1191] {strides = array<i32>} : memref<128x128xf32, #tpu.memory_space<vmem>>, vector<1x16xf32>,
        %get3A_1193 = vector.shape_cast %get3A_1192 : vector<1x16xf32> to vector<16xf32>
        %add3A_1194 = arith.addf %add3A_1138, %get3A_1193 : vector<16xf32>
        %add3A_1195 = arith.constant 13 : i32
        %add3A_1196 = arith.addi %mul3A_432, %add3A_1195 : i32
        %get3A_1197 = arith.index_cast %add3A_1196 : i32 to index
        %get3A_1198 = arith.constant 80 : index
        %get3A_1199 = tpu.vector_load %arg12[%get3A_1197, %get3A_1198] {strides = array<i32>} : memref<128x128xf32, #tpu.memory_space<vmem>>, vector<1x16xf32>,
        %get3A_1200 = vector.shape_cast %get3A_1199 : vector<1x16xf32> to vector<16xf32>
        %add3A_1201 = arith.addf %add3A_1145, %get3A_1200 : vector<16xf32>
        %add3A_1202 = arith.constant 13 : i32
        %add3A_1203 = arith.addi %mul3A_432, %add3A_1202 : i32
        %get3A_1204 = arith.index_cast %add3A_1203 : i32 to index
        %get3A_1205 = arith.constant 96 : index
        %get3A_1206 = tpu.vector_load %arg12[%get3A_1204, %get3A_1205] {strides = array<i32>} : memref<128x128xf32, #tpu.memory_space<vmem>>, vector<1x16xf32>,
        %get3A_1207 = vector.shape_cast %get3A_1206 : vector<1x16xf32> to vector<16xf32>
        %add3A_1208 = arith.addf %add3A_1152, %get3A_1207 : vector<16xf32>
        %add3A_1209 = arith.constant 13 : i32
        %add3A_1210 = arith.addi %mul3A_432, %add3A_1209 : i32
        %get3A_1211 = arith.index_cast %add3A_1210 : i32 to index
        %get3A_1212 = arith.constant 112 : index
        %get3A_1213 = tpu.vector_load %arg12[%get3A_1211, %get3A_1212] {strides = array<i32>} : memref<128x128xf32, #tpu.memory_space<vmem>>, vector<1x16xf32>,
        %get3A_1214 = vector.shape_cast %get3A_1213 : vector<1x16xf32> to vector<16xf32>
        %add3A_1215 = arith.addf %add3A_1159, %get3A_1214 : vector<16xf32>
        %add3A_1216 = arith.constant 14 : i32
        %add3A_1217 = arith.addi %mul3A_432, %add3A_1216 : i32
        %get3A_1218 = arith.index_cast %add3A_1217 : i32 to index
        %get3A_1219 = arith.constant 0 : index
        %get3A_1220 = tpu.vector_load %arg12[%get3A_1218, %get3A_1219] {strides = array<i32>} : memref<128x128xf32, #tpu.memory_space<vmem>>, vector<1x16xf32>,
        %get3A_1221 = vector.shape_cast %get3A_1220 : vector<1x16xf32> to vector<16xf32>
        %add3A_1222 = arith.addf %add3A_1166, %get3A_1221 : vector<16xf32>
        %add3A_1223 = arith.constant 14 : i32
        %add3A_1224 = arith.addi %mul3A_432, %add3A_1223 : i32
        %get3A_1225 = arith.index_cast %add3A_1224 : i32 to index
        %get3A_1226 = arith.constant 16 : index
        %get3A_1227 = tpu.vector_load %arg12[%get3A_1225, %get3A_1226] {strides = array<i32>} : memref<128x128xf32, #tpu.memory_space<vmem>>, vector<1x16xf32>,
        %get3A_1228 = vector.shape_cast %get3A_1227 : vector<1x16xf32> to vector<16xf32>
        %add3A_1229 = arith.addf %add3A_1173, %get3A_1228 : vector<16xf32>
        %add3A_1230 = arith.constant 14 : i32
        %add3A_1231 = arith.addi %mul3A_432, %add3A_1230 : i32
        %get3A_1232 = arith.index_cast %add3A_1231 : i32 to index
        %get3A_1233 = arith.constant 32 : index
        %get3A_1234 = tpu.vector_load %arg12[%get3A_1232, %get3A_1233] {strides = array<i32>} : memref<128x128xf32, #tpu.memory_space<vmem>>, vector<1x16xf32>,
        %get3A_1235 = vector.shape_cast %get3A_1234 : vector<1x16xf32> to vector<16xf32>
        %add3A_1236 = arith.addf %add3A_1180, %get3A_1235 : vector<16xf32>
        %add3A_1237 = arith.constant 14 : i32
        %add3A_1238 = arith.addi %mul3A_432, %add3A_1237 : i32
        %get3A_1239 = arith.index_cast %add3A_1238 : i32 to index
        %get3A_1240 = arith.constant 48 : index
        %get3A_1241 = tpu.vector_load %arg12[%get3A_1239, %get3A_1240] {strides = array<i32>} : memref<128x128xf32, #tpu.memory_space<vmem>>, vector<1x16xf32>,
        %get3A_1242 = vector.shape_cast %get3A_1241 : vector<1x16xf32> to vector<16xf32>
        %add3A_1243 = arith.addf %add3A_1187, %get3A_1242 : vector<16xf32>
        %add3A_1244 = arith.constant 14 : i32
        %add3A_1245 = arith.addi %mul3A_432, %add3A_1244 : i32
        %get3A_1246 = arith.index_cast %add3A_1245 : i32 to index
        %get3A_1247 = arith.constant 64 : index
        %get3A_1248 = tpu.vector_load %arg12[%get3A_1246, %get3A_1247] {strides = array<i32>} : memref<128x128xf32, #tpu.memory_space<vmem>>, vector<1x16xf32>,
        %get3A_1249 = vector.shape_cast %get3A_1248 : vector<1x16xf32> to vector<16xf32>
        %add3A_1250 = arith.addf %add3A_1194, %get3A_1249 : vector<16xf32>
        %add3A_1251 = arith.constant 14 : i32
        %add3A_1252 = arith.addi %mul3A_432, %add3A_1251 : i32
        %get3A_1253 = arith.index_cast %add3A_1252 : i32 to index
        %get3A_1254 = arith.constant 80 : index
        %get3A_1255 = tpu.vector_load %arg12[%get3A_1253, %get3A_1254] {strides = array<i32>} : memref<128x128xf32, #tpu.memory_space<vmem>>, vector<1x16xf32>,
        %get3A_1256 = vector.shape_cast %get3A_1255 : vector<1x16xf32> to vector<16xf32>
        %add3A_1257 = arith.addf %add3A_1201, %get3A_1256 : vector<16xf32>
        %add3A_1258 = arith.constant 14 : i32
        %add3A_1259 = arith.addi %mul3A_432, %add3A_1258 : i32
        %get3A_1260 = arith.index_cast %add3A_1259 : i32 to index
        %get3A_1261 = arith.constant 96 : index
        %get3A_1262 = tpu.vector_load %arg12[%get3A_1260, %get3A_1261] {strides = array<i32>} : memref<128x128xf32, #tpu.memory_space<vmem>>, vector<1x16xf32>,
        %get3A_1263 = vector.shape_cast %get3A_1262 : vector<1x16xf32> to vector<16xf32>
        %add3A_1264 = arith.addf %add3A_1208, %get3A_1263 : vector<16xf32>
        %add3A_1265 = arith.constant 14 : i32
        %add3A_1266 = arith.addi %mul3A_432, %add3A_1265 : i32
        %get3A_1267 = arith.index_cast %add3A_1266 : i32 to index
        %get3A_1268 = arith.constant 112 : index
        %get3A_1269 = tpu.vector_load %arg12[%get3A_1267, %get3A_1268] {strides = array<i32>} : memref<128x128xf32, #tpu.memory_space<vmem>>, vector<1x16xf32>,
        %get3A_1270 = vector.shape_cast %get3A_1269 : vector<1x16xf32> to vector<16xf32>
        %add3A_1271 = arith.addf %add3A_1215, %get3A_1270 : vector<16xf32>
        %add3A_1272 = arith.constant 15 : i32
        %add3A_1273 = arith.addi %mul3A_432, %add3A_1272 : i32
        %get3A_1274 = arith.index_cast %add3A_1273 : i32 to index
        %get3A_1275 = arith.constant 0 : index
        %get3A_1276 = tpu.vector_load %arg12[%get3A_1274, %get3A_1275] {strides = array<i32>} : memref<128x128xf32, #tpu.memory_space<vmem>>, vector<1x16xf32>,
        %get3A_1277 = vector.shape_cast %get3A_1276 : vector<1x16xf32> to vector<16xf32>
        %add3A_1278 = arith.addf %add3A_1222, %get3A_1277 : vector<16xf32>
        %add3A_1279 = arith.constant 15 : i32
        %add3A_1280 = arith.addi %mul3A_432, %add3A_1279 : i32
        %get3A_1281 = arith.index_cast %add3A_1280 : i32 to index
        %get3A_1282 = arith.constant 16 : index
        %get3A_1283 = tpu.vector_load %arg12[%get3A_1281, %get3A_1282] {strides = array<i32>} : memref<128x128xf32, #tpu.memory_space<vmem>>, vector<1x16xf32>,
        %get3A_1284 = vector.shape_cast %get3A_1283 : vector<1x16xf32> to vector<16xf32>
        %add3A_1285 = arith.addf %add3A_1229, %get3A_1284 : vector<16xf32>
        %add3A_1286 = arith.constant 15 : i32
        %add3A_1287 = arith.addi %mul3A_432, %add3A_1286 : i32
        %get3A_1288 = arith.index_cast %add3A_1287 : i32 to index
        %get3A_1289 = arith.constant 32 : index
        %get3A_1290 = tpu.vector_load %arg12[%get3A_1288, %get3A_1289] {strides = array<i32>} : memref<128x128xf32, #tpu.memory_space<vmem>>, vector<1x16xf32>,
        %get3A_1291 = vector.shape_cast %get3A_1290 : vector<1x16xf32> to vector<16xf32>
        %add3A_1292 = arith.addf %add3A_1236, %get3A_1291 : vector<16xf32>
        %add3A_1293 = arith.constant 15 : i32
        %add3A_1294 = arith.addi %mul3A_432, %add3A_1293 : i32
        %get3A_1295 = arith.index_cast %add3A_1294 : i32 to index
        %get3A_1296 = arith.constant 48 : index
        %get3A_1297 = tpu.vector_load %arg12[%get3A_1295, %get3A_1296] {strides = array<i32>} : memref<128x128xf32, #tpu.memory_space<vmem>>, vector<1x16xf32>,
        %get3A_1298 = vector.shape_cast %get3A_1297 : vector<1x16xf32> to vector<16xf32>
        %add3A_1299 = arith.addf %add3A_1243, %get3A_1298 : vector<16xf32>
        %add3A_1300 = arith.constant 15 : i32
        %add3A_1301 = arith.addi %mul3A_432, %add3A_1300 : i32
        %get3A_1302 = arith.index_cast %add3A_1301 : i32 to index
        %get3A_1303 = arith.constant 64 : index
        %get3A_1304 = tpu.vector_load %arg12[%get3A_1302, %get3A_1303] {strides = array<i32>} : memref<128x128xf32, #tpu.memory_space<vmem>>, vector<1x16xf32>,
        %get3A_1305 = vector.shape_cast %get3A_1304 : vector<1x16xf32> to vector<16xf32>
        %add3A_1306 = arith.addf %add3A_1250, %get3A_1305 : vector<16xf32>
        %add3A_1307 = arith.constant 15 : i32
        %add3A_1308 = arith.addi %mul3A_432, %add3A_1307 : i32
        %get3A_1309 = arith.index_cast %add3A_1308 : i32 to index
        %get3A_1310 = arith.constant 80 : index
        %get3A_1311 = tpu.vector_load %arg12[%get3A_1309, %get3A_1310] {strides = array<i32>} : memref<128x128xf32, #tpu.memory_space<vmem>>, vector<1x16xf32>,
        %get3A_1312 = vector.shape_cast %get3A_1311 : vector<1x16xf32> to vector<16xf32>
        %add3A_1313 = arith.addf %add3A_1257, %get3A_1312 : vector<16xf32>
        %add3A_1314 = arith.constant 15 : i32
        %add3A_1315 = arith.addi %mul3A_432, %add3A_1314 : i32
        %get3A_1316 = arith.index_cast %add3A_1315 : i32 to index
        %get3A_1317 = arith.constant 96 : index
        %get3A_1318 = tpu.vector_load %arg12[%get3A_1316, %get3A_1317] {strides = array<i32>} : memref<128x128xf32, #tpu.memory_space<vmem>>, vector<1x16xf32>,
        %get3A_1319 = vector.shape_cast %get3A_1318 : vector<1x16xf32> to vector<16xf32>
        %add3A_1320 = arith.addf %add3A_1264, %get3A_1319 : vector<16xf32>
        %add3A_1321 = arith.constant 15 : i32
        %add3A_1322 = arith.addi %mul3A_432, %add3A_1321 : i32
        %get3A_1323 = arith.index_cast %add3A_1322 : i32 to index
        %get3A_1324 = arith.constant 112 : index
        %get3A_1325 = tpu.vector_load %arg12[%get3A_1323, %get3A_1324] {strides = array<i32>} : memref<128x128xf32, #tpu.memory_space<vmem>>, vector<1x16xf32>,
        %get3A_1326 = vector.shape_cast %get3A_1325 : vector<1x16xf32> to vector<16xf32>
        %add3A_1327 = arith.addf %add3A_1271, %get3A_1326 : vector<16xf32>
        %swap3A = arith.index_cast %scan3A_429 : i32 to index
        %swap3A_1328 = arith.constant 0 : index
        %swap3A_1329 = tpu.vector_load %arg16[%swap3A, %swap3A_1328] {strides = array<i32>} : memref<8x128xf32, #tpu.memory_space<vmem>>, vector<1x16xf32>,
        %swap3A_1330 = vector.shape_cast %swap3A_1329 : vector<1x16xf32> to vector<16xf32>
        %swap3A_1331 = vector.shape_cast %add3A_1278 : vector<16xf32> to vector<1x16xf32>
        tpu.vector_store %arg16[%swap3A, %swap3A_1328], %swap3A_1331 {strides = array<i32>} : memref<8x128xf32, #tpu.memory_space<vmem>>, vector<1x16xf32>,
        %swap3A_1332 = arith.index_cast %scan3A_429 : i32 to index
        %swap3A_1333 = arith.constant 16 : index
        %swap3A_1334 = tpu.vector_load %arg16[%swap3A_1332, %swap3A_1333] {strides = array<i32>} : memref<8x128xf32, #tpu.memory_space<vmem>>, vector<1x16xf32>,
        %swap3A_1335 = vector.shape_cast %swap3A_1334 : vector<1x16xf32> to vector<16xf32>
        %swap3A_1336 = vector.shape_cast %add3A_1285 : vector<16xf32> to vector<1x16xf32>
        tpu.vector_store %arg16[%swap3A_1332, %swap3A_1333], %swap3A_1336 {strides = array<i32>} : memref<8x128xf32, #tpu.memory_space<vmem>>, vector<1x16xf32>,
        %swap3A_1337 = arith.index_cast %scan3A_429 : i32 to index
        %swap3A_1338 = arith.constant 32 : index
        %swap3A_1339 = tpu.vector_load %arg16[%swap3A_1337, %swap3A_1338] {strides = array<i32>} : memref<8x128xf32, #tpu.memory_space<vmem>>, vector<1x16xf32>,
        %swap3A_1340 = vector.shape_cast %swap3A_1339 : vector<1x16xf32> to vector<16xf32>
        %swap3A_1341 = vector.shape_cast %add3A_1292 : vector<16xf32> to vector<1x16xf32>
        tpu.vector_store %arg16[%swap3A_1337, %swap3A_1338], %swap3A_1341 {strides = array<i32>} : memref<8x128xf32, #tpu.memory_space<vmem>>, vector<1x16xf32>,
        %swap3A_1342 = arith.index_cast %scan3A_429 : i32 to index
        %swap3A_1343 = arith.constant 48 : index
        %swap3A_1344 = tpu.vector_load %arg16[%swap3A_1342, %swap3A_1343] {strides = array<i32>} : memref<8x128xf32, #tpu.memory_space<vmem>>, vector<1x16xf32>,
        %swap3A_1345 = vector.shape_cast %swap3A_1344 : vector<1x16xf32> to vector<16xf32>
        %swap3A_1346 = vector.shape_cast %add3A_1299 : vector<16xf32> to vector<1x16xf32>
        tpu.vector_store %arg16[%swap3A_1342, %swap3A_1343], %swap3A_1346 {strides = array<i32>} : memref<8x128xf32, #tpu.memory_space<vmem>>, vector<1x16xf32>,
        %swap3A_1347 = arith.index_cast %scan3A_429 : i32 to index
        %swap3A_1348 = arith.constant 64 : index
        %swap3A_1349 = tpu.vector_load %arg16[%swap3A_1347, %swap3A_1348] {strides = array<i32>} : memref<8x128xf32, #tpu.memory_space<vmem>>, vector<1x16xf32>,
        %swap3A_1350 = vector.shape_cast %swap3A_1349 : vector<1x16xf32> to vector<16xf32>
        %swap3A_1351 = vector.shape_cast %add3A_1306 : vector<16xf32> to vector<1x16xf32>
        tpu.vector_store %arg16[%swap3A_1347, %swap3A_1348], %swap3A_1351 {strides = array<i32>} : memref<8x128xf32, #tpu.memory_space<vmem>>, vector<1x16xf32>,
        %swap3A_1352 = arith.index_cast %scan3A_429 : i32 to index
        %swap3A_1353 = arith.constant 80 : index
        %swap3A_1354 = tpu.vector_load %arg16[%swap3A_1352, %swap3A_1353] {strides = array<i32>} : memref<8x128xf32, #tpu.memory_space<vmem>>, vector<1x16xf32>,
        %swap3A_1355 = vector.shape_cast %swap3A_1354 : vector<1x16xf32> to vector<16xf32>
        %swap3A_1356 = vector.shape_cast %add3A_1313 : vector<16xf32> to vector<1x16xf32>
        tpu.vector_store %arg16[%swap3A_1352, %swap3A_1353], %swap3A_1356 {strides = array<i32>} : memref<8x128xf32, #tpu.memory_space<vmem>>, vector<1x16xf32>,
        %swap3A_1357 = arith.index_cast %scan3A_429 : i32 to index
        %swap3A_1358 = arith.constant 96 : index
        %swap3A_1359 = tpu.vector_load %arg16[%swap3A_1357, %swap3A_1358] {strides = array<i32>} : memref<8x128xf32, #tpu.memory_space<vmem>>, vector<1x16xf32>,
        %swap3A_1360 = vector.shape_cast %swap3A_1359 : vector<1x16xf32> to vector<16xf32>
        %swap3A_1361 = vector.shape_cast %add3A_1320 : vector<16xf32> to vector<1x16xf32>
        tpu.vector_store %arg16[%swap3A_1357, %swap3A_1358], %swap3A_1361 {strides = array<i32>} : memref<8x128xf32, #tpu.memory_space<vmem>>, vector<1x16xf32>,
        %swap3A_1362 = arith.index_cast %scan3A_429 : i32 to index
        %swap3A_1363 = arith.constant 112 : index
        %swap3A_1364 = tpu.vector_load %arg16[%swap3A_1362, %swap3A_1363] {strides = array<i32>} : memref<8x128xf32, #tpu.memory_space<vmem>>, vector<1x16xf32>,
        %swap3A_1365 = vector.shape_cast %swap3A_1364 : vector<1x16xf32> to vector<16xf32>
        %swap3A_1366 = vector.shape_cast %add3A_1327 : vector<16xf32> to vector<1x16xf32>
        tpu.vector_store %arg16[%swap3A_1362, %swap3A_1363], %swap3A_1366 {strides = array<i32>} : memref<8x128xf32, #tpu.memory_space<vmem>>, vector<1x16xf32>,
        %scan3A_1367 = arith.constant 0 : i32
        scf.yield %scan3A_1367 : i32
      }
      %scan3A_339 = arith.constant 8 : i32
      %mul3A_340 = arith.constant 1024 : i32
      %mul3A_341 = arith.muli %add3A, %mul3A_340 : i32
      %mul3A_342 = arith.constant 8 : i32
      %mul3A_343 = arith.muli %add3A_321, %mul3A_342 : i32
      %add3A_344 = arith.addi %mul3A_341, %mul3A_343 : i32
      %dma_start3A_345 = arith.constant 0 : i32
      %dma_start3A_346 = tpu.memref_slice %arg8[%add3A_344, %dma_start3A_345] : memref<32768x128xf32, #tpu.memory_space<hbm>> -> memref<8x128xf32, #tpu.memory_space<hbm>>
      %dma_start3A_347 = arith.constant 0 : i32
      %dma_start3A_348 = tpu.memref_slice %arg8[%add3A_344, %dma_start3A_347] : memref<32768x128xf32, #tpu.memory_space<hbm>> -> memref<8x128xf32, #tpu.memory_space<hbm>>
      tpu.enqueue_dma source(%arg16 : memref<8x128xf32, #tpu.memory_space<vmem>>) target(%dma_start3A_348 : memref<8x128xf32, #tpu.memory_space<hbm>>) target_semaphore(%arg22 : memref<!tpu.dma_semaphore, #tpu.memory_space<semaphore_mem>>)
      %add3A_349 = arith.constant 4 : i32
      %add3A_350 = arith.addi %add3A_321, %add3A_349 : i32
      %lt3A_351 = arith.constant 128 : i32
      %lt3A_352 = arith.cmpi slt, %add3A_350, %lt3A_351 : i32
      %convert_element_type3A_353 = arith.extui %lt3A_352 : i1 to i32
      %cond3A_354 = arith.constant 0 : i32
      %cond3A_355 = arith.cmpi ne, %convert_element_type3A_353, %cond3A_354 : i32
      scf.if %cond3A_355 {
        %add3A_429 = arith.constant 4 : i32
        %add3A_430 = arith.addi %add3A_321, %add3A_429 : i32
        %mul3A_431 = arith.constant 128 : i32
        %mul3A_432 = arith.muli %add3A_430, %mul3A_431 : i32
        %dma_start3A_433 = tpu.memref_slice %arg9[%mul3A_432] : memref<16384xi32, #tpu.memory_space<vmem>> -> memref<128xi32, #tpu.memory_space<vmem>>
        %dma_start3A_434 = arith.constant 0 : i32
        %dma_start3A_435 = arith.constant 0 : i32
        %dma_start3A_436 = tpu.memref_slice %arg5[%dma_start3A_434, %dma_start3A_435] : memref<100000x128xf32, #tpu.memory_space<hbm>> -> memref<100000x128xf32, #tpu.memory_space<hbm>>
        tpu.enqueue_indirect_dma source(%dma_start3A_436 : memref<100000x128xf32, #tpu.memory_space<hbm>>) target(%arg12 : memref<128x128xf32, #tpu.memory_space<vmem>>) offsets(%dma_start3A_433 : memref<128xi32, #tpu.memory_space<vmem>>) semaphore(%arg18 : memref<!tpu.dma_semaphore, #tpu.memory_space<semaphore_mem>>)
      } else {
      }
      %add3A_356 = arith.constant 2 : i32
      %add3A_357 = arith.addi %mul3A_289, %add3A_356 : i32
      %dma_wait3A_358 = arith.constant 0 : i32
      %dma_wait3A_359 = arith.constant 0 : i32
      %dma_wait3A_360 = tpu.memref_slice %arg5[%dma_wait3A_358, %dma_wait3A_359] : memref<100000x128xf32, #tpu.memory_space<hbm>> -> memref<128x128xf32, #tpu.memory_space<hbm>>
      %dma_wait3A_361 = arith.constant 0 : i32
      %dma_wait3A_362 = arith.constant 0 : i32
      %dma_wait3A_363 = tpu.memref_slice %arg5[%dma_wait3A_361, %dma_wait3A_362] : memref<100000x128xf32, #tpu.memory_space<hbm>> -> memref<128x128xf32, #tpu.memory_space<hbm>>
      tpu.wait_dma2 semaphore(%arg19 : memref<!tpu.dma_semaphore, #tpu.memory_space<semaphore_mem>>) src(%dma_wait3A_363 : memref<128x128xf32, #tpu.memory_space<hbm>>) dst(%arg13 : memref<128x128xf32, #tpu.memory_space<vmem>>)
      %ge3A_364 = arith.constant 2 : i32
      %ge3A_365 = arith.cmpi sge, %add3A_357, %ge3A_364 : i32
      %convert_element_type3A_366 = arith.extui %ge3A_365 : i1 to i32
      %cond3A_367 = arith.constant 0 : i32
      %cond3A_368 = arith.cmpi ne, %convert_element_type3A_366, %cond3A_367 : i32
      scf.if %cond3A_368 {
        %dma_wait3A_429 = arith.constant 0 : i32
        %dma_wait3A_430 = arith.constant 0 : i32
        %dma_wait3A_431 = tpu.memref_slice %arg8[%dma_wait3A_429, %dma_wait3A_430] : memref<32768x128xf32, #tpu.memory_space<hbm>> -> memref<8x128xf32, #tpu.memory_space<hbm>>
        %dma_wait3A_432 = arith.constant 0 : i32
        %dma_wait3A_433 = arith.constant 0 : i32
        %dma_wait3A_434 = tpu.memref_slice %arg8[%dma_wait3A_432, %dma_wait3A_433] : memref<32768x128xf32, #tpu.memory_space<hbm>> -> memref<8x128xf32, #tpu.memory_space<hbm>>
        tpu.wait_dma2 semaphore(%arg21 : memref<!tpu.dma_semaphore, #tpu.memory_space<semaphore_mem>>) src(%arg15 : memref<8x128xf32, #tpu.memory_space<vmem>>) dst(%dma_wait3A_434 : memref<8x128xf32, #tpu.memory_space<hbm>>)
      } else {
      }
      %scan3A_369 = arith.constant 0 : i32
      %scan3A_370 = arith.constant 0 : i32
      %scan3A_371 = arith.constant 8 : i32
      %scan3A_372 = arith.addi %scan3A_370, %scan3A_371 : i32
      %scan3A_373 = arith.constant 1 : i32
      %scan3A_374 = scf.for %scan3A_429 = %scan3A_370 to %scan3A_372 step %scan3A_373 iter_args(%scan3A_430 = %scan3A_369) -> (i32)  : i32 {
        %mul3A_431 = arith.constant 16 : i32
        %mul3A_432 = arith.muli %scan3A_429, %mul3A_431 : i32
        %add3A_433 = arith.constant 0 : i32
        %add3A_434 = arith.addi %mul3A_432, %add3A_433 : i32
        %get3A = arith.index_cast %add3A_434 : i32 to index
        %get3A_435 = arith.constant 0 : index
        %get3A_436 = tpu.vector_load %arg13[%get3A, %get3A_435] {strides = array<i32>} : memref<128x128xf32, #tpu.memory_space<vmem>>, vector<1x16xf32>,
        %get3A_437 = vector.shape_cast %get3A_436 : vector<1x16xf32> to vector<16xf32>
        %add3A_438 = arith.addf %broadcast_in_dim3A_1, %get3A_437 : vector<16xf32>
        %add3A_439 = arith.constant 0 : i32
        %add3A_440 = arith.addi %mul3A_432, %add3A_439 : i32
        %get3A_441 = arith.index_cast %add3A_440 : i32 to index
        %get3A_442 = arith.constant 16 : index
        %get3A_443 = tpu.vector_load %arg13[%get3A_441, %get3A_442] {strides = array<i32>} : memref<128x128xf32, #tpu.memory_space<vmem>>, vector<1x16xf32>,
        %get3A_444 = vector.shape_cast %get3A_443 : vector<1x16xf32> to vector<16xf32>
        %add3A_445 = arith.addf %broadcast_in_dim3A_1, %get3A_444 : vector<16xf32>
        %add3A_446 = arith.constant 0 : i32
        %add3A_447 = arith.addi %mul3A_432, %add3A_446 : i32
        %get3A_448 = arith.index_cast %add3A_447 : i32 to index
        %get3A_449 = arith.constant 32 : index
        %get3A_450 = tpu.vector_load %arg13[%get3A_448, %get3A_449] {strides = array<i32>} : memref<128x128xf32, #tpu.memory_space<vmem>>, vector<1x16xf32>,
        %get3A_451 = vector.shape_cast %get3A_450 : vector<1x16xf32> to vector<16xf32>
        %add3A_452 = arith.addf %broadcast_in_dim3A_1, %get3A_451 : vector<16xf32>
        %add3A_453 = arith.constant 0 : i32
        %add3A_454 = arith.addi %mul3A_432, %add3A_453 : i32
        %get3A_455 = arith.index_cast %add3A_454 : i32 to index
        %get3A_456 = arith.constant 48 : index
        %get3A_457 = tpu.vector_load %arg13[%get3A_455, %get3A_456] {strides = array<i32>} : memref<128x128xf32, #tpu.memory_space<vmem>>, vector<1x16xf32>,
        %get3A_458 = vector.shape_cast %get3A_457 : vector<1x16xf32> to vector<16xf32>
        %add3A_459 = arith.addf %broadcast_in_dim3A_1, %get3A_458 : vector<16xf32>
        %add3A_460 = arith.constant 0 : i32
        %add3A_461 = arith.addi %mul3A_432, %add3A_460 : i32
        %get3A_462 = arith.index_cast %add3A_461 : i32 to index
        %get3A_463 = arith.constant 64 : index
        %get3A_464 = tpu.vector_load %arg13[%get3A_462, %get3A_463] {strides = array<i32>} : memref<128x128xf32, #tpu.memory_space<vmem>>, vector<1x16xf32>,
        %get3A_465 = vector.shape_cast %get3A_464 : vector<1x16xf32> to vector<16xf32>
        %add3A_466 = arith.addf %broadcast_in_dim3A_1, %get3A_465 : vector<16xf32>
        %add3A_467 = arith.constant 0 : i32
        %add3A_468 = arith.addi %mul3A_432, %add3A_467 : i32
        %get3A_469 = arith.index_cast %add3A_468 : i32 to index
        %get3A_470 = arith.constant 80 : index
        %get3A_471 = tpu.vector_load %arg13[%get3A_469, %get3A_470] {strides = array<i32>} : memref<128x128xf32, #tpu.memory_space<vmem>>, vector<1x16xf32>,
        %get3A_472 = vector.shape_cast %get3A_471 : vector<1x16xf32> to vector<16xf32>
        %add3A_473 = arith.addf %broadcast_in_dim3A_1, %get3A_472 : vector<16xf32>
        %add3A_474 = arith.constant 0 : i32
        %add3A_475 = arith.addi %mul3A_432, %add3A_474 : i32
        %get3A_476 = arith.index_cast %add3A_475 : i32 to index
        %get3A_477 = arith.constant 96 : index
        %get3A_478 = tpu.vector_load %arg13[%get3A_476, %get3A_477] {strides = array<i32>} : memref<128x128xf32, #tpu.memory_space<vmem>>, vector<1x16xf32>,
        %get3A_479 = vector.shape_cast %get3A_478 : vector<1x16xf32> to vector<16xf32>
        %add3A_480 = arith.addf %broadcast_in_dim3A_1, %get3A_479 : vector<16xf32>
        %add3A_481 = arith.constant 0 : i32
        %add3A_482 = arith.addi %mul3A_432, %add3A_481 : i32
        %get3A_483 = arith.index_cast %add3A_482 : i32 to index
        %get3A_484 = arith.constant 112 : index
        %get3A_485 = tpu.vector_load %arg13[%get3A_483, %get3A_484] {strides = array<i32>} : memref<128x128xf32, #tpu.memory_space<vmem>>, vector<1x16xf32>,
        %get3A_486 = vector.shape_cast %get3A_485 : vector<1x16xf32> to vector<16xf32>
        %add3A_487 = arith.addf %broadcast_in_dim3A_1, %get3A_486 : vector<16xf32>
        %add3A_488 = arith.constant 1 : i32
        %add3A_489 = arith.addi %mul3A_432, %add3A_488 : i32
        %get3A_490 = arith.index_cast %add3A_489 : i32 to index
        %get3A_491 = arith.constant 0 : index
        %get3A_492 = tpu.vector_load %arg13[%get3A_490, %get3A_491] {strides = array<i32>} : memref<128x128xf32, #tpu.memory_space<vmem>>, vector<1x16xf32>,
        %get3A_493 = vector.shape_cast %get3A_492 : vector<1x16xf32> to vector<16xf32>
        %add3A_494 = arith.addf %add3A_438, %get3A_493 : vector<16xf32>
        %add3A_495 = arith.constant 1 : i32
        %add3A_496 = arith.addi %mul3A_432, %add3A_495 : i32
        %get3A_497 = arith.index_cast %add3A_496 : i32 to index
        %get3A_498 = arith.constant 16 : index
        %get3A_499 = tpu.vector_load %arg13[%get3A_497, %get3A_498] {strides = array<i32>} : memref<128x128xf32, #tpu.memory_space<vmem>>, vector<1x16xf32>,
        %get3A_500 = vector.shape_cast %get3A_499 : vector<1x16xf32> to vector<16xf32>
        %add3A_501 = arith.addf %add3A_445, %get3A_500 : vector<16xf32>
        %add3A_502 = arith.constant 1 : i32
        %add3A_503 = arith.addi %mul3A_432, %add3A_502 : i32
        %get3A_504 = arith.index_cast %add3A_503 : i32 to index
        %get3A_505 = arith.constant 32 : index
        %get3A_506 = tpu.vector_load %arg13[%get3A_504, %get3A_505] {strides = array<i32>} : memref<128x128xf32, #tpu.memory_space<vmem>>, vector<1x16xf32>,
        %get3A_507 = vector.shape_cast %get3A_506 : vector<1x16xf32> to vector<16xf32>
        %add3A_508 = arith.addf %add3A_452, %get3A_507 : vector<16xf32>
        %add3A_509 = arith.constant 1 : i32
        %add3A_510 = arith.addi %mul3A_432, %add3A_509 : i32
        %get3A_511 = arith.index_cast %add3A_510 : i32 to index
        %get3A_512 = arith.constant 48 : index
        %get3A_513 = tpu.vector_load %arg13[%get3A_511, %get3A_512] {strides = array<i32>} : memref<128x128xf32, #tpu.memory_space<vmem>>, vector<1x16xf32>,
        %get3A_514 = vector.shape_cast %get3A_513 : vector<1x16xf32> to vector<16xf32>
        %add3A_515 = arith.addf %add3A_459, %get3A_514 : vector<16xf32>
        %add3A_516 = arith.constant 1 : i32
        %add3A_517 = arith.addi %mul3A_432, %add3A_516 : i32
        %get3A_518 = arith.index_cast %add3A_517 : i32 to index
        %get3A_519 = arith.constant 64 : index
        %get3A_520 = tpu.vector_load %arg13[%get3A_518, %get3A_519] {strides = array<i32>} : memref<128x128xf32, #tpu.memory_space<vmem>>, vector<1x16xf32>,
        %get3A_521 = vector.shape_cast %get3A_520 : vector<1x16xf32> to vector<16xf32>
        %add3A_522 = arith.addf %add3A_466, %get3A_521 : vector<16xf32>
        %add3A_523 = arith.constant 1 : i32
        %add3A_524 = arith.addi %mul3A_432, %add3A_523 : i32
        %get3A_525 = arith.index_cast %add3A_524 : i32 to index
        %get3A_526 = arith.constant 80 : index
        %get3A_527 = tpu.vector_load %arg13[%get3A_525, %get3A_526] {strides = array<i32>} : memref<128x128xf32, #tpu.memory_space<vmem>>, vector<1x16xf32>,
        %get3A_528 = vector.shape_cast %get3A_527 : vector<1x16xf32> to vector<16xf32>
        %add3A_529 = arith.addf %add3A_473, %get3A_528 : vector<16xf32>
        %add3A_530 = arith.constant 1 : i32
        %add3A_531 = arith.addi %mul3A_432, %add3A_530 : i32
        %get3A_532 = arith.index_cast %add3A_531 : i32 to index
        %get3A_533 = arith.constant 96 : index
        %get3A_534 = tpu.vector_load %arg13[%get3A_532, %get3A_533] {strides = array<i32>} : memref<128x128xf32, #tpu.memory_space<vmem>>, vector<1x16xf32>,
        %get3A_535 = vector.shape_cast %get3A_534 : vector<1x16xf32> to vector<16xf32>
        %add3A_536 = arith.addf %add3A_480, %get3A_535 : vector<16xf32>
        %add3A_537 = arith.constant 1 : i32
        %add3A_538 = arith.addi %mul3A_432, %add3A_537 : i32
        %get3A_539 = arith.index_cast %add3A_538 : i32 to index
        %get3A_540 = arith.constant 112 : index
        %get3A_541 = tpu.vector_load %arg13[%get3A_539, %get3A_540] {strides = array<i32>} : memref<128x128xf32, #tpu.memory_space<vmem>>, vector<1x16xf32>,
        %get3A_542 = vector.shape_cast %get3A_541 : vector<1x16xf32> to vector<16xf32>
        %add3A_543 = arith.addf %add3A_487, %get3A_542 : vector<16xf32>
        %add3A_544 = arith.constant 2 : i32
        %add3A_545 = arith.addi %mul3A_432, %add3A_544 : i32
        %get3A_546 = arith.index_cast %add3A_545 : i32 to index
        %get3A_547 = arith.constant 0 : index
        %get3A_548 = tpu.vector_load %arg13[%get3A_546, %get3A_547] {strides = array<i32>} : memref<128x128xf32, #tpu.memory_space<vmem>>, vector<1x16xf32>,
        %get3A_549 = vector.shape_cast %get3A_548 : vector<1x16xf32> to vector<16xf32>
        %add3A_550 = arith.addf %add3A_494, %get3A_549 : vector<16xf32>
        %add3A_551 = arith.constant 2 : i32
        %add3A_552 = arith.addi %mul3A_432, %add3A_551 : i32
        %get3A_553 = arith.index_cast %add3A_552 : i32 to index
        %get3A_554 = arith.constant 16 : index
        %get3A_555 = tpu.vector_load %arg13[%get3A_553, %get3A_554] {strides = array<i32>} : memref<128x128xf32, #tpu.memory_space<vmem>>, vector<1x16xf32>,
        %get3A_556 = vector.shape_cast %get3A_555 : vector<1x16xf32> to vector<16xf32>
        %add3A_557 = arith.addf %add3A_501, %get3A_556 : vector<16xf32>
        %add3A_558 = arith.constant 2 : i32
        %add3A_559 = arith.addi %mul3A_432, %add3A_558 : i32
        %get3A_560 = arith.index_cast %add3A_559 : i32 to index
        %get3A_561 = arith.constant 32 : index
        %get3A_562 = tpu.vector_load %arg13[%get3A_560, %get3A_561] {strides = array<i32>} : memref<128x128xf32, #tpu.memory_space<vmem>>, vector<1x16xf32>,
        %get3A_563 = vector.shape_cast %get3A_562 : vector<1x16xf32> to vector<16xf32>
        %add3A_564 = arith.addf %add3A_508, %get3A_563 : vector<16xf32>
        %add3A_565 = arith.constant 2 : i32
        %add3A_566 = arith.addi %mul3A_432, %add3A_565 : i32
        %get3A_567 = arith.index_cast %add3A_566 : i32 to index
        %get3A_568 = arith.constant 48 : index
        %get3A_569 = tpu.vector_load %arg13[%get3A_567, %get3A_568] {strides = array<i32>} : memref<128x128xf32, #tpu.memory_space<vmem>>, vector<1x16xf32>,
        %get3A_570 = vector.shape_cast %get3A_569 : vector<1x16xf32> to vector<16xf32>
        %add3A_571 = arith.addf %add3A_515, %get3A_570 : vector<16xf32>
        %add3A_572 = arith.constant 2 : i32
        %add3A_573 = arith.addi %mul3A_432, %add3A_572 : i32
        %get3A_574 = arith.index_cast %add3A_573 : i32 to index
        %get3A_575 = arith.constant 64 : index
        %get3A_576 = tpu.vector_load %arg13[%get3A_574, %get3A_575] {strides = array<i32>} : memref<128x128xf32, #tpu.memory_space<vmem>>, vector<1x16xf32>,
        %get3A_577 = vector.shape_cast %get3A_576 : vector<1x16xf32> to vector<16xf32>
        %add3A_578 = arith.addf %add3A_522, %get3A_577 : vector<16xf32>
        %add3A_579 = arith.constant 2 : i32
        %add3A_580 = arith.addi %mul3A_432, %add3A_579 : i32
        %get3A_581 = arith.index_cast %add3A_580 : i32 to index
        %get3A_582 = arith.constant 80 : index
        %get3A_583 = tpu.vector_load %arg13[%get3A_581, %get3A_582] {strides = array<i32>} : memref<128x128xf32, #tpu.memory_space<vmem>>, vector<1x16xf32>,
        %get3A_584 = vector.shape_cast %get3A_583 : vector<1x16xf32> to vector<16xf32>
        %add3A_585 = arith.addf %add3A_529, %get3A_584 : vector<16xf32>
        %add3A_586 = arith.constant 2 : i32
        %add3A_587 = arith.addi %mul3A_432, %add3A_586 : i32
        %get3A_588 = arith.index_cast %add3A_587 : i32 to index
        %get3A_589 = arith.constant 96 : index
        %get3A_590 = tpu.vector_load %arg13[%get3A_588, %get3A_589] {strides = array<i32>} : memref<128x128xf32, #tpu.memory_space<vmem>>, vector<1x16xf32>,
        %get3A_591 = vector.shape_cast %get3A_590 : vector<1x16xf32> to vector<16xf32>
        %add3A_592 = arith.addf %add3A_536, %get3A_591 : vector<16xf32>
        %add3A_593 = arith.constant 2 : i32
        %add3A_594 = arith.addi %mul3A_432, %add3A_593 : i32
        %get3A_595 = arith.index_cast %add3A_594 : i32 to index
        %get3A_596 = arith.constant 112 : index
        %get3A_597 = tpu.vector_load %arg13[%get3A_595, %get3A_596] {strides = array<i32>} : memref<128x128xf32, #tpu.memory_space<vmem>>, vector<1x16xf32>,
        %get3A_598 = vector.shape_cast %get3A_597 : vector<1x16xf32> to vector<16xf32>
        %add3A_599 = arith.addf %add3A_543, %get3A_598 : vector<16xf32>
        %add3A_600 = arith.constant 3 : i32
        %add3A_601 = arith.addi %mul3A_432, %add3A_600 : i32
        %get3A_602 = arith.index_cast %add3A_601 : i32 to index
        %get3A_603 = arith.constant 0 : index
        %get3A_604 = tpu.vector_load %arg13[%get3A_602, %get3A_603] {strides = array<i32>} : memref<128x128xf32, #tpu.memory_space<vmem>>, vector<1x16xf32>,
        %get3A_605 = vector.shape_cast %get3A_604 : vector<1x16xf32> to vector<16xf32>
        %add3A_606 = arith.addf %add3A_550, %get3A_605 : vector<16xf32>
        %add3A_607 = arith.constant 3 : i32
        %add3A_608 = arith.addi %mul3A_432, %add3A_607 : i32
        %get3A_609 = arith.index_cast %add3A_608 : i32 to index
        %get3A_610 = arith.constant 16 : index
        %get3A_611 = tpu.vector_load %arg13[%get3A_609, %get3A_610] {strides = array<i32>} : memref<128x128xf32, #tpu.memory_space<vmem>>, vector<1x16xf32>,
        %get3A_612 = vector.shape_cast %get3A_611 : vector<1x16xf32> to vector<16xf32>
        %add3A_613 = arith.addf %add3A_557, %get3A_612 : vector<16xf32>
        %add3A_614 = arith.constant 3 : i32
        %add3A_615 = arith.addi %mul3A_432, %add3A_614 : i32
        %get3A_616 = arith.index_cast %add3A_615 : i32 to index
        %get3A_617 = arith.constant 32 : index
        %get3A_618 = tpu.vector_load %arg13[%get3A_616, %get3A_617] {strides = array<i32>} : memref<128x128xf32, #tpu.memory_space<vmem>>, vector<1x16xf32>,
        %get3A_619 = vector.shape_cast %get3A_618 : vector<1x16xf32> to vector<16xf32>
        %add3A_620 = arith.addf %add3A_564, %get3A_619 : vector<16xf32>
        %add3A_621 = arith.constant 3 : i32
        %add3A_622 = arith.addi %mul3A_432, %add3A_621 : i32
        %get3A_623 = arith.index_cast %add3A_622 : i32 to index
        %get3A_624 = arith.constant 48 : index
        %get3A_625 = tpu.vector_load %arg13[%get3A_623, %get3A_624] {strides = array<i32>} : memref<128x128xf32, #tpu.memory_space<vmem>>, vector<1x16xf32>,
        %get3A_626 = vector.shape_cast %get3A_625 : vector<1x16xf32> to vector<16xf32>
        %add3A_627 = arith.addf %add3A_571, %get3A_626 : vector<16xf32>
        %add3A_628 = arith.constant 3 : i32
        %add3A_629 = arith.addi %mul3A_432, %add3A_628 : i32
        %get3A_630 = arith.index_cast %add3A_629 : i32 to index
        %get3A_631 = arith.constant 64 : index
        %get3A_632 = tpu.vector_load %arg13[%get3A_630, %get3A_631] {strides = array<i32>} : memref<128x128xf32, #tpu.memory_space<vmem>>, vector<1x16xf32>,
        %get3A_633 = vector.shape_cast %get3A_632 : vector<1x16xf32> to vector<16xf32>
        %add3A_634 = arith.addf %add3A_578, %get3A_633 : vector<16xf32>
        %add3A_635 = arith.constant 3 : i32
        %add3A_636 = arith.addi %mul3A_432, %add3A_635 : i32
        %get3A_637 = arith.index_cast %add3A_636 : i32 to index
        %get3A_638 = arith.constant 80 : index
        %get3A_639 = tpu.vector_load %arg13[%get3A_637, %get3A_638] {strides = array<i32>} : memref<128x128xf32, #tpu.memory_space<vmem>>, vector<1x16xf32>,
        %get3A_640 = vector.shape_cast %get3A_639 : vector<1x16xf32> to vector<16xf32>
        %add3A_641 = arith.addf %add3A_585, %get3A_640 : vector<16xf32>
        %add3A_642 = arith.constant 3 : i32
        %add3A_643 = arith.addi %mul3A_432, %add3A_642 : i32
        %get3A_644 = arith.index_cast %add3A_643 : i32 to index
        %get3A_645 = arith.constant 96 : index
        %get3A_646 = tpu.vector_load %arg13[%get3A_644, %get3A_645] {strides = array<i32>} : memref<128x128xf32, #tpu.memory_space<vmem>>, vector<1x16xf32>,
        %get3A_647 = vector.shape_cast %get3A_646 : vector<1x16xf32> to vector<16xf32>
        %add3A_648 = arith.addf %add3A_592, %get3A_647 : vector<16xf32>
        %add3A_649 = arith.constant 3 : i32
        %add3A_650 = arith.addi %mul3A_432, %add3A_649 : i32
        %get3A_651 = arith.index_cast %add3A_650 : i32 to index
        %get3A_652 = arith.constant 112 : index
        %get3A_653 = tpu.vector_load %arg13[%get3A_651, %get3A_652] {strides = array<i32>} : memref<128x128xf32, #tpu.memory_space<vmem>>, vector<1x16xf32>,
        %get3A_654 = vector.shape_cast %get3A_653 : vector<1x16xf32> to vector<16xf32>
        %add3A_655 = arith.addf %add3A_599, %get3A_654 : vector<16xf32>
        %add3A_656 = arith.constant 4 : i32
        %add3A_657 = arith.addi %mul3A_432, %add3A_656 : i32
        %get3A_658 = arith.index_cast %add3A_657 : i32 to index
        %get3A_659 = arith.constant 0 : index
        %get3A_660 = tpu.vector_load %arg13[%get3A_658, %get3A_659] {strides = array<i32>} : memref<128x128xf32, #tpu.memory_space<vmem>>, vector<1x16xf32>,
        %get3A_661 = vector.shape_cast %get3A_660 : vector<1x16xf32> to vector<16xf32>
        %add3A_662 = arith.addf %add3A_606, %get3A_661 : vector<16xf32>
        %add3A_663 = arith.constant 4 : i32
        %add3A_664 = arith.addi %mul3A_432, %add3A_663 : i32
        %get3A_665 = arith.index_cast %add3A_664 : i32 to index
        %get3A_666 = arith.constant 16 : index
        %get3A_667 = tpu.vector_load %arg13[%get3A_665, %get3A_666] {strides = array<i32>} : memref<128x128xf32, #tpu.memory_space<vmem>>, vector<1x16xf32>,
        %get3A_668 = vector.shape_cast %get3A_667 : vector<1x16xf32> to vector<16xf32>
        %add3A_669 = arith.addf %add3A_613, %get3A_668 : vector<16xf32>
        %add3A_670 = arith.constant 4 : i32
        %add3A_671 = arith.addi %mul3A_432, %add3A_670 : i32
        %get3A_672 = arith.index_cast %add3A_671 : i32 to index
        %get3A_673 = arith.constant 32 : index
        %get3A_674 = tpu.vector_load %arg13[%get3A_672, %get3A_673] {strides = array<i32>} : memref<128x128xf32, #tpu.memory_space<vmem>>, vector<1x16xf32>,
        %get3A_675 = vector.shape_cast %get3A_674 : vector<1x16xf32> to vector<16xf32>
        %add3A_676 = arith.addf %add3A_620, %get3A_675 : vector<16xf32>
        %add3A_677 = arith.constant 4 : i32
        %add3A_678 = arith.addi %mul3A_432, %add3A_677 : i32
        %get3A_679 = arith.index_cast %add3A_678 : i32 to index
        %get3A_680 = arith.constant 48 : index
        %get3A_681 = tpu.vector_load %arg13[%get3A_679, %get3A_680] {strides = array<i32>} : memref<128x128xf32, #tpu.memory_space<vmem>>, vector<1x16xf32>,
        %get3A_682 = vector.shape_cast %get3A_681 : vector<1x16xf32> to vector<16xf32>
        %add3A_683 = arith.addf %add3A_627, %get3A_682 : vector<16xf32>
        %add3A_684 = arith.constant 4 : i32
        %add3A_685 = arith.addi %mul3A_432, %add3A_684 : i32
        %get3A_686 = arith.index_cast %add3A_685 : i32 to index
        %get3A_687 = arith.constant 64 : index
        %get3A_688 = tpu.vector_load %arg13[%get3A_686, %get3A_687] {strides = array<i32>} : memref<128x128xf32, #tpu.memory_space<vmem>>, vector<1x16xf32>,
        %get3A_689 = vector.shape_cast %get3A_688 : vector<1x16xf32> to vector<16xf32>
        %add3A_690 = arith.addf %add3A_634, %get3A_689 : vector<16xf32>
        %add3A_691 = arith.constant 4 : i32
        %add3A_692 = arith.addi %mul3A_432, %add3A_691 : i32
        %get3A_693 = arith.index_cast %add3A_692 : i32 to index
        %get3A_694 = arith.constant 80 : index
        %get3A_695 = tpu.vector_load %arg13[%get3A_693, %get3A_694] {strides = array<i32>} : memref<128x128xf32, #tpu.memory_space<vmem>>, vector<1x16xf32>,
        %get3A_696 = vector.shape_cast %get3A_695 : vector<1x16xf32> to vector<16xf32>
        %add3A_697 = arith.addf %add3A_641, %get3A_696 : vector<16xf32>
        %add3A_698 = arith.constant 4 : i32
        %add3A_699 = arith.addi %mul3A_432, %add3A_698 : i32
        %get3A_700 = arith.index_cast %add3A_699 : i32 to index
        %get3A_701 = arith.constant 96 : index
        %get3A_702 = tpu.vector_load %arg13[%get3A_700, %get3A_701] {strides = array<i32>} : memref<128x128xf32, #tpu.memory_space<vmem>>, vector<1x16xf32>,
        %get3A_703 = vector.shape_cast %get3A_702 : vector<1x16xf32> to vector<16xf32>
        %add3A_704 = arith.addf %add3A_648, %get3A_703 : vector<16xf32>
        %add3A_705 = arith.constant 4 : i32
        %add3A_706 = arith.addi %mul3A_432, %add3A_705 : i32
        %get3A_707 = arith.index_cast %add3A_706 : i32 to index
        %get3A_708 = arith.constant 112 : index
        %get3A_709 = tpu.vector_load %arg13[%get3A_707, %get3A_708] {strides = array<i32>} : memref<128x128xf32, #tpu.memory_space<vmem>>, vector<1x16xf32>,
        %get3A_710 = vector.shape_cast %get3A_709 : vector<1x16xf32> to vector<16xf32>
        %add3A_711 = arith.addf %add3A_655, %get3A_710 : vector<16xf32>
        %add3A_712 = arith.constant 5 : i32
        %add3A_713 = arith.addi %mul3A_432, %add3A_712 : i32
        %get3A_714 = arith.index_cast %add3A_713 : i32 to index
        %get3A_715 = arith.constant 0 : index
        %get3A_716 = tpu.vector_load %arg13[%get3A_714, %get3A_715] {strides = array<i32>} : memref<128x128xf32, #tpu.memory_space<vmem>>, vector<1x16xf32>,
        %get3A_717 = vector.shape_cast %get3A_716 : vector<1x16xf32> to vector<16xf32>
        %add3A_718 = arith.addf %add3A_662, %get3A_717 : vector<16xf32>
        %add3A_719 = arith.constant 5 : i32
        %add3A_720 = arith.addi %mul3A_432, %add3A_719 : i32
        %get3A_721 = arith.index_cast %add3A_720 : i32 to index
        %get3A_722 = arith.constant 16 : index
        %get3A_723 = tpu.vector_load %arg13[%get3A_721, %get3A_722] {strides = array<i32>} : memref<128x128xf32, #tpu.memory_space<vmem>>, vector<1x16xf32>,
        %get3A_724 = vector.shape_cast %get3A_723 : vector<1x16xf32> to vector<16xf32>
        %add3A_725 = arith.addf %add3A_669, %get3A_724 : vector<16xf32>
        %add3A_726 = arith.constant 5 : i32
        %add3A_727 = arith.addi %mul3A_432, %add3A_726 : i32
        %get3A_728 = arith.index_cast %add3A_727 : i32 to index
        %get3A_729 = arith.constant 32 : index
        %get3A_730 = tpu.vector_load %arg13[%get3A_728, %get3A_729] {strides = array<i32>} : memref<128x128xf32, #tpu.memory_space<vmem>>, vector<1x16xf32>,
        %get3A_731 = vector.shape_cast %get3A_730 : vector<1x16xf32> to vector<16xf32>
        %add3A_732 = arith.addf %add3A_676, %get3A_731 : vector<16xf32>
        %add3A_733 = arith.constant 5 : i32
        %add3A_734 = arith.addi %mul3A_432, %add3A_733 : i32
        %get3A_735 = arith.index_cast %add3A_734 : i32 to index
        %get3A_736 = arith.constant 48 : index
        %get3A_737 = tpu.vector_load %arg13[%get3A_735, %get3A_736] {strides = array<i32>} : memref<128x128xf32, #tpu.memory_space<vmem>>, vector<1x16xf32>,
        %get3A_738 = vector.shape_cast %get3A_737 : vector<1x16xf32> to vector<16xf32>
        %add3A_739 = arith.addf %add3A_683, %get3A_738 : vector<16xf32>
        %add3A_740 = arith.constant 5 : i32
        %add3A_741 = arith.addi %mul3A_432, %add3A_740 : i32
        %get3A_742 = arith.index_cast %add3A_741 : i32 to index
        %get3A_743 = arith.constant 64 : index
        %get3A_744 = tpu.vector_load %arg13[%get3A_742, %get3A_743] {strides = array<i32>} : memref<128x128xf32, #tpu.memory_space<vmem>>, vector<1x16xf32>,
        %get3A_745 = vector.shape_cast %get3A_744 : vector<1x16xf32> to vector<16xf32>
        %add3A_746 = arith.addf %add3A_690, %get3A_745 : vector<16xf32>
        %add3A_747 = arith.constant 5 : i32
        %add3A_748 = arith.addi %mul3A_432, %add3A_747 : i32
        %get3A_749 = arith.index_cast %add3A_748 : i32 to index
        %get3A_750 = arith.constant 80 : index
        %get3A_751 = tpu.vector_load %arg13[%get3A_749, %get3A_750] {strides = array<i32>} : memref<128x128xf32, #tpu.memory_space<vmem>>, vector<1x16xf32>,
        %get3A_752 = vector.shape_cast %get3A_751 : vector<1x16xf32> to vector<16xf32>
        %add3A_753 = arith.addf %add3A_697, %get3A_752 : vector<16xf32>
        %add3A_754 = arith.constant 5 : i32
        %add3A_755 = arith.addi %mul3A_432, %add3A_754 : i32
        %get3A_756 = arith.index_cast %add3A_755 : i32 to index
        %get3A_757 = arith.constant 96 : index
        %get3A_758 = tpu.vector_load %arg13[%get3A_756, %get3A_757] {strides = array<i32>} : memref<128x128xf32, #tpu.memory_space<vmem>>, vector<1x16xf32>,
        %get3A_759 = vector.shape_cast %get3A_758 : vector<1x16xf32> to vector<16xf32>
        %add3A_760 = arith.addf %add3A_704, %get3A_759 : vector<16xf32>
        %add3A_761 = arith.constant 5 : i32
        %add3A_762 = arith.addi %mul3A_432, %add3A_761 : i32
        %get3A_763 = arith.index_cast %add3A_762 : i32 to index
        %get3A_764 = arith.constant 112 : index
        %get3A_765 = tpu.vector_load %arg13[%get3A_763, %get3A_764] {strides = array<i32>} : memref<128x128xf32, #tpu.memory_space<vmem>>, vector<1x16xf32>,
        %get3A_766 = vector.shape_cast %get3A_765 : vector<1x16xf32> to vector<16xf32>
        %add3A_767 = arith.addf %add3A_711, %get3A_766 : vector<16xf32>
        %add3A_768 = arith.constant 6 : i32
        %add3A_769 = arith.addi %mul3A_432, %add3A_768 : i32
        %get3A_770 = arith.index_cast %add3A_769 : i32 to index
        %get3A_771 = arith.constant 0 : index
        %get3A_772 = tpu.vector_load %arg13[%get3A_770, %get3A_771] {strides = array<i32>} : memref<128x128xf32, #tpu.memory_space<vmem>>, vector<1x16xf32>,
        %get3A_773 = vector.shape_cast %get3A_772 : vector<1x16xf32> to vector<16xf32>
        %add3A_774 = arith.addf %add3A_718, %get3A_773 : vector<16xf32>
        %add3A_775 = arith.constant 6 : i32
        %add3A_776 = arith.addi %mul3A_432, %add3A_775 : i32
        %get3A_777 = arith.index_cast %add3A_776 : i32 to index
        %get3A_778 = arith.constant 16 : index
        %get3A_779 = tpu.vector_load %arg13[%get3A_777, %get3A_778] {strides = array<i32>} : memref<128x128xf32, #tpu.memory_space<vmem>>, vector<1x16xf32>,
        %get3A_780 = vector.shape_cast %get3A_779 : vector<1x16xf32> to vector<16xf32>
        %add3A_781 = arith.addf %add3A_725, %get3A_780 : vector<16xf32>
        %add3A_782 = arith.constant 6 : i32
        %add3A_783 = arith.addi %mul3A_432, %add3A_782 : i32
        %get3A_784 = arith.index_cast %add3A_783 : i32 to index
        %get3A_785 = arith.constant 32 : index
        %get3A_786 = tpu.vector_load %arg13[%get3A_784, %get3A_785] {strides = array<i32>} : memref<128x128xf32, #tpu.memory_space<vmem>>, vector<1x16xf32>,
        %get3A_787 = vector.shape_cast %get3A_786 : vector<1x16xf32> to vector<16xf32>
        %add3A_788 = arith.addf %add3A_732, %get3A_787 : vector<16xf32>
        %add3A_789 = arith.constant 6 : i32
        %add3A_790 = arith.addi %mul3A_432, %add3A_789 : i32
        %get3A_791 = arith.index_cast %add3A_790 : i32 to index
        %get3A_792 = arith.constant 48 : index
        %get3A_793 = tpu.vector_load %arg13[%get3A_791, %get3A_792] {strides = array<i32>} : memref<128x128xf32, #tpu.memory_space<vmem>>, vector<1x16xf32>,
        %get3A_794 = vector.shape_cast %get3A_793 : vector<1x16xf32> to vector<16xf32>
        %add3A_795 = arith.addf %add3A_739, %get3A_794 : vector<16xf32>
        %add3A_796 = arith.constant 6 : i32
        %add3A_797 = arith.addi %mul3A_432, %add3A_796 : i32
        %get3A_798 = arith.index_cast %add3A_797 : i32 to index
        %get3A_799 = arith.constant 64 : index
        %get3A_800 = tpu.vector_load %arg13[%get3A_798, %get3A_799] {strides = array<i32>} : memref<128x128xf32, #tpu.memory_space<vmem>>, vector<1x16xf32>,
        %get3A_801 = vector.shape_cast %get3A_800 : vector<1x16xf32> to vector<16xf32>
        %add3A_802 = arith.addf %add3A_746, %get3A_801 : vector<16xf32>
        %add3A_803 = arith.constant 6 : i32
        %add3A_804 = arith.addi %mul3A_432, %add3A_803 : i32
        %get3A_805 = arith.index_cast %add3A_804 : i32 to index
        %get3A_806 = arith.constant 80 : index
        %get3A_807 = tpu.vector_load %arg13[%get3A_805, %get3A_806] {strides = array<i32>} : memref<128x128xf32, #tpu.memory_space<vmem>>, vector<1x16xf32>,
        %get3A_808 = vector.shape_cast %get3A_807 : vector<1x16xf32> to vector<16xf32>
        %add3A_809 = arith.addf %add3A_753, %get3A_808 : vector<16xf32>
        %add3A_810 = arith.constant 6 : i32
        %add3A_811 = arith.addi %mul3A_432, %add3A_810 : i32
        %get3A_812 = arith.index_cast %add3A_811 : i32 to index
        %get3A_813 = arith.constant 96 : index
        %get3A_814 = tpu.vector_load %arg13[%get3A_812, %get3A_813] {strides = array<i32>} : memref<128x128xf32, #tpu.memory_space<vmem>>, vector<1x16xf32>,
        %get3A_815 = vector.shape_cast %get3A_814 : vector<1x16xf32> to vector<16xf32>
        %add3A_816 = arith.addf %add3A_760, %get3A_815 : vector<16xf32>
        %add3A_817 = arith.constant 6 : i32
        %add3A_818 = arith.addi %mul3A_432, %add3A_817 : i32
        %get3A_819 = arith.index_cast %add3A_818 : i32 to index
        %get3A_820 = arith.constant 112 : index
        %get3A_821 = tpu.vector_load %arg13[%get3A_819, %get3A_820] {strides = array<i32>} : memref<128x128xf32, #tpu.memory_space<vmem>>, vector<1x16xf32>,
        %get3A_822 = vector.shape_cast %get3A_821 : vector<1x16xf32> to vector<16xf32>
        %add3A_823 = arith.addf %add3A_767, %get3A_822 : vector<16xf32>
        %add3A_824 = arith.constant 7 : i32
        %add3A_825 = arith.addi %mul3A_432, %add3A_824 : i32
        %get3A_826 = arith.index_cast %add3A_825 : i32 to index
        %get3A_827 = arith.constant 0 : index
        %get3A_828 = tpu.vector_load %arg13[%get3A_826, %get3A_827] {strides = array<i32>} : memref<128x128xf32, #tpu.memory_space<vmem>>, vector<1x16xf32>,
        %get3A_829 = vector.shape_cast %get3A_828 : vector<1x16xf32> to vector<16xf32>
        %add3A_830 = arith.addf %add3A_774, %get3A_829 : vector<16xf32>
        %add3A_831 = arith.constant 7 : i32
        %add3A_832 = arith.addi %mul3A_432, %add3A_831 : i32
        %get3A_833 = arith.index_cast %add3A_832 : i32 to index
        %get3A_834 = arith.constant 16 : index
        %get3A_835 = tpu.vector_load %arg13[%get3A_833, %get3A_834] {strides = array<i32>} : memref<128x128xf32, #tpu.memory_space<vmem>>, vector<1x16xf32>,
        %get3A_836 = vector.shape_cast %get3A_835 : vector<1x16xf32> to vector<16xf32>
        %add3A_837 = arith.addf %add3A_781, %get3A_836 : vector<16xf32>
        %add3A_838 = arith.constant 7 : i32
        %add3A_839 = arith.addi %mul3A_432, %add3A_838 : i32
        %get3A_840 = arith.index_cast %add3A_839 : i32 to index
        %get3A_841 = arith.constant 32 : index
        %get3A_842 = tpu.vector_load %arg13[%get3A_840, %get3A_841] {strides = array<i32>} : memref<128x128xf32, #tpu.memory_space<vmem>>, vector<1x16xf32>,
        %get3A_843 = vector.shape_cast %get3A_842 : vector<1x16xf32> to vector<16xf32>
        %add3A_844 = arith.addf %add3A_788, %get3A_843 : vector<16xf32>
        %add3A_845 = arith.constant 7 : i32
        %add3A_846 = arith.addi %mul3A_432, %add3A_845 : i32
        %get3A_847 = arith.index_cast %add3A_846 : i32 to index
        %get3A_848 = arith.constant 48 : index
        %get3A_849 = tpu.vector_load %arg13[%get3A_847, %get3A_848] {strides = array<i32>} : memref<128x128xf32, #tpu.memory_space<vmem>>, vector<1x16xf32>,
        %get3A_850 = vector.shape_cast %get3A_849 : vector<1x16xf32> to vector<16xf32>
        %add3A_851 = arith.addf %add3A_795, %get3A_850 : vector<16xf32>
        %add3A_852 = arith.constant 7 : i32
        %add3A_853 = arith.addi %mul3A_432, %add3A_852 : i32
        %get3A_854 = arith.index_cast %add3A_853 : i32 to index
        %get3A_855 = arith.constant 64 : index
        %get3A_856 = tpu.vector_load %arg13[%get3A_854, %get3A_855] {strides = array<i32>} : memref<128x128xf32, #tpu.memory_space<vmem>>, vector<1x16xf32>,
        %get3A_857 = vector.shape_cast %get3A_856 : vector<1x16xf32> to vector<16xf32>
        %add3A_858 = arith.addf %add3A_802, %get3A_857 : vector<16xf32>
        %add3A_859 = arith.constant 7 : i32
        %add3A_860 = arith.addi %mul3A_432, %add3A_859 : i32
        %get3A_861 = arith.index_cast %add3A_860 : i32 to index
        %get3A_862 = arith.constant 80 : index
        %get3A_863 = tpu.vector_load %arg13[%get3A_861, %get3A_862] {strides = array<i32>} : memref<128x128xf32, #tpu.memory_space<vmem>>, vector<1x16xf32>,
        %get3A_864 = vector.shape_cast %get3A_863 : vector<1x16xf32> to vector<16xf32>
        %add3A_865 = arith.addf %add3A_809, %get3A_864 : vector<16xf32>
        %add3A_866 = arith.constant 7 : i32
        %add3A_867 = arith.addi %mul3A_432, %add3A_866 : i32
        %get3A_868 = arith.index_cast %add3A_867 : i32 to index
        %get3A_869 = arith.constant 96 : index
        %get3A_870 = tpu.vector_load %arg13[%get3A_868, %get3A_869] {strides = array<i32>} : memref<128x128xf32, #tpu.memory_space<vmem>>, vector<1x16xf32>,
        %get3A_871 = vector.shape_cast %get3A_870 : vector<1x16xf32> to vector<16xf32>
        %add3A_872 = arith.addf %add3A_816, %get3A_871 : vector<16xf32>
        %add3A_873 = arith.constant 7 : i32
        %add3A_874 = arith.addi %mul3A_432, %add3A_873 : i32
        %get3A_875 = arith.index_cast %add3A_874 : i32 to index
        %get3A_876 = arith.constant 112 : index
        %get3A_877 = tpu.vector_load %arg13[%get3A_875, %get3A_876] {strides = array<i32>} : memref<128x128xf32, #tpu.memory_space<vmem>>, vector<1x16xf32>,
        %get3A_878 = vector.shape_cast %get3A_877 : vector<1x16xf32> to vector<16xf32>
        %add3A_879 = arith.addf %add3A_823, %get3A_878 : vector<16xf32>
        %add3A_880 = arith.constant 8 : i32
        %add3A_881 = arith.addi %mul3A_432, %add3A_880 : i32
        %get3A_882 = arith.index_cast %add3A_881 : i32 to index
        %get3A_883 = arith.constant 0 : index
        %get3A_884 = tpu.vector_load %arg13[%get3A_882, %get3A_883] {strides = array<i32>} : memref<128x128xf32, #tpu.memory_space<vmem>>, vector<1x16xf32>,
        %get3A_885 = vector.shape_cast %get3A_884 : vector<1x16xf32> to vector<16xf32>
        %add3A_886 = arith.addf %add3A_830, %get3A_885 : vector<16xf32>
        %add3A_887 = arith.constant 8 : i32
        %add3A_888 = arith.addi %mul3A_432, %add3A_887 : i32
        %get3A_889 = arith.index_cast %add3A_888 : i32 to index
        %get3A_890 = arith.constant 16 : index
        %get3A_891 = tpu.vector_load %arg13[%get3A_889, %get3A_890] {strides = array<i32>} : memref<128x128xf32, #tpu.memory_space<vmem>>, vector<1x16xf32>,
        %get3A_892 = vector.shape_cast %get3A_891 : vector<1x16xf32> to vector<16xf32>
        %add3A_893 = arith.addf %add3A_837, %get3A_892 : vector<16xf32>
        %add3A_894 = arith.constant 8 : i32
        %add3A_895 = arith.addi %mul3A_432, %add3A_894 : i32
        %get3A_896 = arith.index_cast %add3A_895 : i32 to index
        %get3A_897 = arith.constant 32 : index
        %get3A_898 = tpu.vector_load %arg13[%get3A_896, %get3A_897] {strides = array<i32>} : memref<128x128xf32, #tpu.memory_space<vmem>>, vector<1x16xf32>,
        %get3A_899 = vector.shape_cast %get3A_898 : vector<1x16xf32> to vector<16xf32>
        %add3A_900 = arith.addf %add3A_844, %get3A_899 : vector<16xf32>
        %add3A_901 = arith.constant 8 : i32
        %add3A_902 = arith.addi %mul3A_432, %add3A_901 : i32
        %get3A_903 = arith.index_cast %add3A_902 : i32 to index
        %get3A_904 = arith.constant 48 : index
        %get3A_905 = tpu.vector_load %arg13[%get3A_903, %get3A_904] {strides = array<i32>} : memref<128x128xf32, #tpu.memory_space<vmem>>, vector<1x16xf32>,
        %get3A_906 = vector.shape_cast %get3A_905 : vector<1x16xf32> to vector<16xf32>
        %add3A_907 = arith.addf %add3A_851, %get3A_906 : vector<16xf32>
        %add3A_908 = arith.constant 8 : i32
        %add3A_909 = arith.addi %mul3A_432, %add3A_908 : i32
        %get3A_910 = arith.index_cast %add3A_909 : i32 to index
        %get3A_911 = arith.constant 64 : index
        %get3A_912 = tpu.vector_load %arg13[%get3A_910, %get3A_911] {strides = array<i32>} : memref<128x128xf32, #tpu.memory_space<vmem>>, vector<1x16xf32>,
        %get3A_913 = vector.shape_cast %get3A_912 : vector<1x16xf32> to vector<16xf32>
        %add3A_914 = arith.addf %add3A_858, %get3A_913 : vector<16xf32>
        %add3A_915 = arith.constant 8 : i32
        %add3A_916 = arith.addi %mul3A_432, %add3A_915 : i32
        %get3A_917 = arith.index_cast %add3A_916 : i32 to index
        %get3A_918 = arith.constant 80 : index
        %get3A_919 = tpu.vector_load %arg13[%get3A_917, %get3A_918] {strides = array<i32>} : memref<128x128xf32, #tpu.memory_space<vmem>>, vector<1x16xf32>,
        %get3A_920 = vector.shape_cast %get3A_919 : vector<1x16xf32> to vector<16xf32>
        %add3A_921 = arith.addf %add3A_865, %get3A_920 : vector<16xf32>
        %add3A_922 = arith.constant 8 : i32
        %add3A_923 = arith.addi %mul3A_432, %add3A_922 : i32
        %get3A_924 = arith.index_cast %add3A_923 : i32 to index
        %get3A_925 = arith.constant 96 : index
        %get3A_926 = tpu.vector_load %arg13[%get3A_924, %get3A_925] {strides = array<i32>} : memref<128x128xf32, #tpu.memory_space<vmem>>, vector<1x16xf32>,
        %get3A_927 = vector.shape_cast %get3A_926 : vector<1x16xf32> to vector<16xf32>
        %add3A_928 = arith.addf %add3A_872, %get3A_927 : vector<16xf32>
        %add3A_929 = arith.constant 8 : i32
        %add3A_930 = arith.addi %mul3A_432, %add3A_929 : i32
        %get3A_931 = arith.index_cast %add3A_930 : i32 to index
        %get3A_932 = arith.constant 112 : index
        %get3A_933 = tpu.vector_load %arg13[%get3A_931, %get3A_932] {strides = array<i32>} : memref<128x128xf32, #tpu.memory_space<vmem>>, vector<1x16xf32>,
        %get3A_934 = vector.shape_cast %get3A_933 : vector<1x16xf32> to vector<16xf32>
        %add3A_935 = arith.addf %add3A_879, %get3A_934 : vector<16xf32>
        %add3A_936 = arith.constant 9 : i32
        %add3A_937 = arith.addi %mul3A_432, %add3A_936 : i32
        %get3A_938 = arith.index_cast %add3A_937 : i32 to index
        %get3A_939 = arith.constant 0 : index
        %get3A_940 = tpu.vector_load %arg13[%get3A_938, %get3A_939] {strides = array<i32>} : memref<128x128xf32, #tpu.memory_space<vmem>>, vector<1x16xf32>,
        %get3A_941 = vector.shape_cast %get3A_940 : vector<1x16xf32> to vector<16xf32>
        %add3A_942 = arith.addf %add3A_886, %get3A_941 : vector<16xf32>
        %add3A_943 = arith.constant 9 : i32
        %add3A_944 = arith.addi %mul3A_432, %add3A_943 : i32
        %get3A_945 = arith.index_cast %add3A_944 : i32 to index
        %get3A_946 = arith.constant 16 : index
        %get3A_947 = tpu.vector_load %arg13[%get3A_945, %get3A_946] {strides = array<i32>} : memref<128x128xf32, #tpu.memory_space<vmem>>, vector<1x16xf32>,
        %get3A_948 = vector.shape_cast %get3A_947 : vector<1x16xf32> to vector<16xf32>
        %add3A_949 = arith.addf %add3A_893, %get3A_948 : vector<16xf32>
        %add3A_950 = arith.constant 9 : i32
        %add3A_951 = arith.addi %mul3A_432, %add3A_950 : i32
        %get3A_952 = arith.index_cast %add3A_951 : i32 to index
        %get3A_953 = arith.constant 32 : index
        %get3A_954 = tpu.vector_load %arg13[%get3A_952, %get3A_953] {strides = array<i32>} : memref<128x128xf32, #tpu.memory_space<vmem>>, vector<1x16xf32>,
        %get3A_955 = vector.shape_cast %get3A_954 : vector<1x16xf32> to vector<16xf32>
        %add3A_956 = arith.addf %add3A_900, %get3A_955 : vector<16xf32>
        %add3A_957 = arith.constant 9 : i32
        %add3A_958 = arith.addi %mul3A_432, %add3A_957 : i32
        %get3A_959 = arith.index_cast %add3A_958 : i32 to index
        %get3A_960 = arith.constant 48 : index
        %get3A_961 = tpu.vector_load %arg13[%get3A_959, %get3A_960] {strides = array<i32>} : memref<128x128xf32, #tpu.memory_space<vmem>>, vector<1x16xf32>,
        %get3A_962 = vector.shape_cast %get3A_961 : vector<1x16xf32> to vector<16xf32>
        %add3A_963 = arith.addf %add3A_907, %get3A_962 : vector<16xf32>
        %add3A_964 = arith.constant 9 : i32
        %add3A_965 = arith.addi %mul3A_432, %add3A_964 : i32
        %get3A_966 = arith.index_cast %add3A_965 : i32 to index
        %get3A_967 = arith.constant 64 : index
        %get3A_968 = tpu.vector_load %arg13[%get3A_966, %get3A_967] {strides = array<i32>} : memref<128x128xf32, #tpu.memory_space<vmem>>, vector<1x16xf32>,
        %get3A_969 = vector.shape_cast %get3A_968 : vector<1x16xf32> to vector<16xf32>
        %add3A_970 = arith.addf %add3A_914, %get3A_969 : vector<16xf32>
        %add3A_971 = arith.constant 9 : i32
        %add3A_972 = arith.addi %mul3A_432, %add3A_971 : i32
        %get3A_973 = arith.index_cast %add3A_972 : i32 to index
        %get3A_974 = arith.constant 80 : index
        %get3A_975 = tpu.vector_load %arg13[%get3A_973, %get3A_974] {strides = array<i32>} : memref<128x128xf32, #tpu.memory_space<vmem>>, vector<1x16xf32>,
        %get3A_976 = vector.shape_cast %get3A_975 : vector<1x16xf32> to vector<16xf32>
        %add3A_977 = arith.addf %add3A_921, %get3A_976 : vector<16xf32>
        %add3A_978 = arith.constant 9 : i32
        %add3A_979 = arith.addi %mul3A_432, %add3A_978 : i32
        %get3A_980 = arith.index_cast %add3A_979 : i32 to index
        %get3A_981 = arith.constant 96 : index
        %get3A_982 = tpu.vector_load %arg13[%get3A_980, %get3A_981] {strides = array<i32>} : memref<128x128xf32, #tpu.memory_space<vmem>>, vector<1x16xf32>,
        %get3A_983 = vector.shape_cast %get3A_982 : vector<1x16xf32> to vector<16xf32>
        %add3A_984 = arith.addf %add3A_928, %get3A_983 : vector<16xf32>
        %add3A_985 = arith.constant 9 : i32
        %add3A_986 = arith.addi %mul3A_432, %add3A_985 : i32
        %get3A_987 = arith.index_cast %add3A_986 : i32 to index
        %get3A_988 = arith.constant 112 : index
        %get3A_989 = tpu.vector_load %arg13[%get3A_987, %get3A_988] {strides = array<i32>} : memref<128x128xf32, #tpu.memory_space<vmem>>, vector<1x16xf32>,
        %get3A_990 = vector.shape_cast %get3A_989 : vector<1x16xf32> to vector<16xf32>
        %add3A_991 = arith.addf %add3A_935, %get3A_990 : vector<16xf32>
        %add3A_992 = arith.constant 10 : i32
        %add3A_993 = arith.addi %mul3A_432, %add3A_992 : i32
        %get3A_994 = arith.index_cast %add3A_993 : i32 to index
        %get3A_995 = arith.constant 0 : index
        %get3A_996 = tpu.vector_load %arg13[%get3A_994, %get3A_995] {strides = array<i32>} : memref<128x128xf32, #tpu.memory_space<vmem>>, vector<1x16xf32>,
        %get3A_997 = vector.shape_cast %get3A_996 : vector<1x16xf32> to vector<16xf32>
        %add3A_998 = arith.addf %add3A_942, %get3A_997 : vector<16xf32>
        %add3A_999 = arith.constant 10 : i32
        %add3A_1000 = arith.addi %mul3A_432, %add3A_999 : i32
        %get3A_1001 = arith.index_cast %add3A_1000 : i32 to index
        %get3A_1002 = arith.constant 16 : index
        %get3A_1003 = tpu.vector_load %arg13[%get3A_1001, %get3A_1002] {strides = array<i32>} : memref<128x128xf32, #tpu.memory_space<vmem>>, vector<1x16xf32>,
        %get3A_1004 = vector.shape_cast %get3A_1003 : vector<1x16xf32> to vector<16xf32>
        %add3A_1005 = arith.addf %add3A_949, %get3A_1004 : vector<16xf32>
        %add3A_1006 = arith.constant 10 : i32
        %add3A_1007 = arith.addi %mul3A_432, %add3A_1006 : i32
        %get3A_1008 = arith.index_cast %add3A_1007 : i32 to index
        %get3A_1009 = arith.constant 32 : index
        %get3A_1010 = tpu.vector_load %arg13[%get3A_1008, %get3A_1009] {strides = array<i32>} : memref<128x128xf32, #tpu.memory_space<vmem>>, vector<1x16xf32>,
        %get3A_1011 = vector.shape_cast %get3A_1010 : vector<1x16xf32> to vector<16xf32>
        %add3A_1012 = arith.addf %add3A_956, %get3A_1011 : vector<16xf32>
        %add3A_1013 = arith.constant 10 : i32
        %add3A_1014 = arith.addi %mul3A_432, %add3A_1013 : i32
        %get3A_1015 = arith.index_cast %add3A_1014 : i32 to index
        %get3A_1016 = arith.constant 48 : index
        %get3A_1017 = tpu.vector_load %arg13[%get3A_1015, %get3A_1016] {strides = array<i32>} : memref<128x128xf32, #tpu.memory_space<vmem>>, vector<1x16xf32>,
        %get3A_1018 = vector.shape_cast %get3A_1017 : vector<1x16xf32> to vector<16xf32>
        %add3A_1019 = arith.addf %add3A_963, %get3A_1018 : vector<16xf32>
        %add3A_1020 = arith.constant 10 : i32
        %add3A_1021 = arith.addi %mul3A_432, %add3A_1020 : i32
        %get3A_1022 = arith.index_cast %add3A_1021 : i32 to index
        %get3A_1023 = arith.constant 64 : index
        %get3A_1024 = tpu.vector_load %arg13[%get3A_1022, %get3A_1023] {strides = array<i32>} : memref<128x128xf32, #tpu.memory_space<vmem>>, vector<1x16xf32>,
        %get3A_1025 = vector.shape_cast %get3A_1024 : vector<1x16xf32> to vector<16xf32>
        %add3A_1026 = arith.addf %add3A_970, %get3A_1025 : vector<16xf32>
        %add3A_1027 = arith.constant 10 : i32
        %add3A_1028 = arith.addi %mul3A_432, %add3A_1027 : i32
        %get3A_1029 = arith.index_cast %add3A_1028 : i32 to index
        %get3A_1030 = arith.constant 80 : index
        %get3A_1031 = tpu.vector_load %arg13[%get3A_1029, %get3A_1030] {strides = array<i32>} : memref<128x128xf32, #tpu.memory_space<vmem>>, vector<1x16xf32>,
        %get3A_1032 = vector.shape_cast %get3A_1031 : vector<1x16xf32> to vector<16xf32>
        %add3A_1033 = arith.addf %add3A_977, %get3A_1032 : vector<16xf32>
        %add3A_1034 = arith.constant 10 : i32
        %add3A_1035 = arith.addi %mul3A_432, %add3A_1034 : i32
        %get3A_1036 = arith.index_cast %add3A_1035 : i32 to index
        %get3A_1037 = arith.constant 96 : index
        %get3A_1038 = tpu.vector_load %arg13[%get3A_1036, %get3A_1037] {strides = array<i32>} : memref<128x128xf32, #tpu.memory_space<vmem>>, vector<1x16xf32>,
        %get3A_1039 = vector.shape_cast %get3A_1038 : vector<1x16xf32> to vector<16xf32>
        %add3A_1040 = arith.addf %add3A_984, %get3A_1039 : vector<16xf32>
        %add3A_1041 = arith.constant 10 : i32
        %add3A_1042 = arith.addi %mul3A_432, %add3A_1041 : i32
        %get3A_1043 = arith.index_cast %add3A_1042 : i32 to index
        %get3A_1044 = arith.constant 112 : index
        %get3A_1045 = tpu.vector_load %arg13[%get3A_1043, %get3A_1044] {strides = array<i32>} : memref<128x128xf32, #tpu.memory_space<vmem>>, vector<1x16xf32>,
        %get3A_1046 = vector.shape_cast %get3A_1045 : vector<1x16xf32> to vector<16xf32>
        %add3A_1047 = arith.addf %add3A_991, %get3A_1046 : vector<16xf32>
        %add3A_1048 = arith.constant 11 : i32
        %add3A_1049 = arith.addi %mul3A_432, %add3A_1048 : i32
        %get3A_1050 = arith.index_cast %add3A_1049 : i32 to index
        %get3A_1051 = arith.constant 0 : index
        %get3A_1052 = tpu.vector_load %arg13[%get3A_1050, %get3A_1051] {strides = array<i32>} : memref<128x128xf32, #tpu.memory_space<vmem>>, vector<1x16xf32>,
        %get3A_1053 = vector.shape_cast %get3A_1052 : vector<1x16xf32> to vector<16xf32>
        %add3A_1054 = arith.addf %add3A_998, %get3A_1053 : vector<16xf32>
        %add3A_1055 = arith.constant 11 : i32
        %add3A_1056 = arith.addi %mul3A_432, %add3A_1055 : i32
        %get3A_1057 = arith.index_cast %add3A_1056 : i32 to index
        %get3A_1058 = arith.constant 16 : index
        %get3A_1059 = tpu.vector_load %arg13[%get3A_1057, %get3A_1058] {strides = array<i32>} : memref<128x128xf32, #tpu.memory_space<vmem>>, vector<1x16xf32>,
        %get3A_1060 = vector.shape_cast %get3A_1059 : vector<1x16xf32> to vector<16xf32>
        %add3A_1061 = arith.addf %add3A_1005, %get3A_1060 : vector<16xf32>
        %add3A_1062 = arith.constant 11 : i32
        %add3A_1063 = arith.addi %mul3A_432, %add3A_1062 : i32
        %get3A_1064 = arith.index_cast %add3A_1063 : i32 to index
        %get3A_1065 = arith.constant 32 : index
        %get3A_1066 = tpu.vector_load %arg13[%get3A_1064, %get3A_1065] {strides = array<i32>} : memref<128x128xf32, #tpu.memory_space<vmem>>, vector<1x16xf32>,
        %get3A_1067 = vector.shape_cast %get3A_1066 : vector<1x16xf32> to vector<16xf32>
        %add3A_1068 = arith.addf %add3A_1012, %get3A_1067 : vector<16xf32>
        %add3A_1069 = arith.constant 11 : i32
        %add3A_1070 = arith.addi %mul3A_432, %add3A_1069 : i32
        %get3A_1071 = arith.index_cast %add3A_1070 : i32 to index
        %get3A_1072 = arith.constant 48 : index
        %get3A_1073 = tpu.vector_load %arg13[%get3A_1071, %get3A_1072] {strides = array<i32>} : memref<128x128xf32, #tpu.memory_space<vmem>>, vector<1x16xf32>,
        %get3A_1074 = vector.shape_cast %get3A_1073 : vector<1x16xf32> to vector<16xf32>
        %add3A_1075 = arith.addf %add3A_1019, %get3A_1074 : vector<16xf32>
        %add3A_1076 = arith.constant 11 : i32
        %add3A_1077 = arith.addi %mul3A_432, %add3A_1076 : i32
        %get3A_1078 = arith.index_cast %add3A_1077 : i32 to index
        %get3A_1079 = arith.constant 64 : index
        %get3A_1080 = tpu.vector_load %arg13[%get3A_1078, %get3A_1079] {strides = array<i32>} : memref<128x128xf32, #tpu.memory_space<vmem>>, vector<1x16xf32>,
        %get3A_1081 = vector.shape_cast %get3A_1080 : vector<1x16xf32> to vector<16xf32>
        %add3A_1082 = arith.addf %add3A_1026, %get3A_1081 : vector<16xf32>
        %add3A_1083 = arith.constant 11 : i32
        %add3A_1084 = arith.addi %mul3A_432, %add3A_1083 : i32
        %get3A_1085 = arith.index_cast %add3A_1084 : i32 to index
        %get3A_1086 = arith.constant 80 : index
        %get3A_1087 = tpu.vector_load %arg13[%get3A_1085, %get3A_1086] {strides = array<i32>} : memref<128x128xf32, #tpu.memory_space<vmem>>, vector<1x16xf32>,
        %get3A_1088 = vector.shape_cast %get3A_1087 : vector<1x16xf32> to vector<16xf32>
        %add3A_1089 = arith.addf %add3A_1033, %get3A_1088 : vector<16xf32>
        %add3A_1090 = arith.constant 11 : i32
        %add3A_1091 = arith.addi %mul3A_432, %add3A_1090 : i32
        %get3A_1092 = arith.index_cast %add3A_1091 : i32 to index
        %get3A_1093 = arith.constant 96 : index
        %get3A_1094 = tpu.vector_load %arg13[%get3A_1092, %get3A_1093] {strides = array<i32>} : memref<128x128xf32, #tpu.memory_space<vmem>>, vector<1x16xf32>,
        %get3A_1095 = vector.shape_cast %get3A_1094 : vector<1x16xf32> to vector<16xf32>
        %add3A_1096 = arith.addf %add3A_1040, %get3A_1095 : vector<16xf32>
        %add3A_1097 = arith.constant 11 : i32
        %add3A_1098 = arith.addi %mul3A_432, %add3A_1097 : i32
        %get3A_1099 = arith.index_cast %add3A_1098 : i32 to index
        %get3A_1100 = arith.constant 112 : index
        %get3A_1101 = tpu.vector_load %arg13[%get3A_1099, %get3A_1100] {strides = array<i32>} : memref<128x128xf32, #tpu.memory_space<vmem>>, vector<1x16xf32>,
        %get3A_1102 = vector.shape_cast %get3A_1101 : vector<1x16xf32> to vector<16xf32>
        %add3A_1103 = arith.addf %add3A_1047, %get3A_1102 : vector<16xf32>
        %add3A_1104 = arith.constant 12 : i32
        %add3A_1105 = arith.addi %mul3A_432, %add3A_1104 : i32
        %get3A_1106 = arith.index_cast %add3A_1105 : i32 to index
        %get3A_1107 = arith.constant 0 : index
        %get3A_1108 = tpu.vector_load %arg13[%get3A_1106, %get3A_1107] {strides = array<i32>} : memref<128x128xf32, #tpu.memory_space<vmem>>, vector<1x16xf32>,
        %get3A_1109 = vector.shape_cast %get3A_1108 : vector<1x16xf32> to vector<16xf32>
        %add3A_1110 = arith.addf %add3A_1054, %get3A_1109 : vector<16xf32>
        %add3A_1111 = arith.constant 12 : i32
        %add3A_1112 = arith.addi %mul3A_432, %add3A_1111 : i32
        %get3A_1113 = arith.index_cast %add3A_1112 : i32 to index
        %get3A_1114 = arith.constant 16 : index
        %get3A_1115 = tpu.vector_load %arg13[%get3A_1113, %get3A_1114] {strides = array<i32>} : memref<128x128xf32, #tpu.memory_space<vmem>>, vector<1x16xf32>,
        %get3A_1116 = vector.shape_cast %get3A_1115 : vector<1x16xf32> to vector<16xf32>
        %add3A_1117 = arith.addf %add3A_1061, %get3A_1116 : vector<16xf32>
        %add3A_1118 = arith.constant 12 : i32
        %add3A_1119 = arith.addi %mul3A_432, %add3A_1118 : i32
        %get3A_1120 = arith.index_cast %add3A_1119 : i32 to index
        %get3A_1121 = arith.constant 32 : index
        %get3A_1122 = tpu.vector_load %arg13[%get3A_1120, %get3A_1121] {strides = array<i32>} : memref<128x128xf32, #tpu.memory_space<vmem>>, vector<1x16xf32>,
        %get3A_1123 = vector.shape_cast %get3A_1122 : vector<1x16xf32> to vector<16xf32>
        %add3A_1124 = arith.addf %add3A_1068, %get3A_1123 : vector<16xf32>
        %add3A_1125 = arith.constant 12 : i32
        %add3A_1126 = arith.addi %mul3A_432, %add3A_1125 : i32
        %get3A_1127 = arith.index_cast %add3A_1126 : i32 to index
        %get3A_1128 = arith.constant 48 : index
        %get3A_1129 = tpu.vector_load %arg13[%get3A_1127, %get3A_1128] {strides = array<i32>} : memref<128x128xf32, #tpu.memory_space<vmem>>, vector<1x16xf32>,
        %get3A_1130 = vector.shape_cast %get3A_1129 : vector<1x16xf32> to vector<16xf32>
        %add3A_1131 = arith.addf %add3A_1075, %get3A_1130 : vector<16xf32>
        %add3A_1132 = arith.constant 12 : i32
        %add3A_1133 = arith.addi %mul3A_432, %add3A_1132 : i32
        %get3A_1134 = arith.index_cast %add3A_1133 : i32 to index
        %get3A_1135 = arith.constant 64 : index
        %get3A_1136 = tpu.vector_load %arg13[%get3A_1134, %get3A_1135] {strides = array<i32>} : memref<128x128xf32, #tpu.memory_space<vmem>>, vector<1x16xf32>,
        %get3A_1137 = vector.shape_cast %get3A_1136 : vector<1x16xf32> to vector<16xf32>
        %add3A_1138 = arith.addf %add3A_1082, %get3A_1137 : vector<16xf32>
        %add3A_1139 = arith.constant 12 : i32
        %add3A_1140 = arith.addi %mul3A_432, %add3A_1139 : i32
        %get3A_1141 = arith.index_cast %add3A_1140 : i32 to index
        %get3A_1142 = arith.constant 80 : index
        %get3A_1143 = tpu.vector_load %arg13[%get3A_1141, %get3A_1142] {strides = array<i32>} : memref<128x128xf32, #tpu.memory_space<vmem>>, vector<1x16xf32>,
        %get3A_1144 = vector.shape_cast %get3A_1143 : vector<1x16xf32> to vector<16xf32>
        %add3A_1145 = arith.addf %add3A_1089, %get3A_1144 : vector<16xf32>
        %add3A_1146 = arith.constant 12 : i32
        %add3A_1147 = arith.addi %mul3A_432, %add3A_1146 : i32
        %get3A_1148 = arith.index_cast %add3A_1147 : i32 to index
        %get3A_1149 = arith.constant 96 : index
        %get3A_1150 = tpu.vector_load %arg13[%get3A_1148, %get3A_1149] {strides = array<i32>} : memref<128x128xf32, #tpu.memory_space<vmem>>, vector<1x16xf32>,
        %get3A_1151 = vector.shape_cast %get3A_1150 : vector<1x16xf32> to vector<16xf32>
        %add3A_1152 = arith.addf %add3A_1096, %get3A_1151 : vector<16xf32>
        %add3A_1153 = arith.constant 12 : i32
        %add3A_1154 = arith.addi %mul3A_432, %add3A_1153 : i32
        %get3A_1155 = arith.index_cast %add3A_1154 : i32 to index
        %get3A_1156 = arith.constant 112 : index
        %get3A_1157 = tpu.vector_load %arg13[%get3A_1155, %get3A_1156] {strides = array<i32>} : memref<128x128xf32, #tpu.memory_space<vmem>>, vector<1x16xf32>,
        %get3A_1158 = vector.shape_cast %get3A_1157 : vector<1x16xf32> to vector<16xf32>
        %add3A_1159 = arith.addf %add3A_1103, %get3A_1158 : vector<16xf32>
        %add3A_1160 = arith.constant 13 : i32
        %add3A_1161 = arith.addi %mul3A_432, %add3A_1160 : i32
        %get3A_1162 = arith.index_cast %add3A_1161 : i32 to index
        %get3A_1163 = arith.constant 0 : index
        %get3A_1164 = tpu.vector_load %arg13[%get3A_1162, %get3A_1163] {strides = array<i32>} : memref<128x128xf32, #tpu.memory_space<vmem>>, vector<1x16xf32>,
        %get3A_1165 = vector.shape_cast %get3A_1164 : vector<1x16xf32> to vector<16xf32>
        %add3A_1166 = arith.addf %add3A_1110, %get3A_1165 : vector<16xf32>
        %add3A_1167 = arith.constant 13 : i32
        %add3A_1168 = arith.addi %mul3A_432, %add3A_1167 : i32
        %get3A_1169 = arith.index_cast %add3A_1168 : i32 to index
        %get3A_1170 = arith.constant 16 : index
        %get3A_1171 = tpu.vector_load %arg13[%get3A_1169, %get3A_1170] {strides = array<i32>} : memref<128x128xf32, #tpu.memory_space<vmem>>, vector<1x16xf32>,
        %get3A_1172 = vector.shape_cast %get3A_1171 : vector<1x16xf32> to vector<16xf32>
        %add3A_1173 = arith.addf %add3A_1117, %get3A_1172 : vector<16xf32>
        %add3A_1174 = arith.constant 13 : i32
        %add3A_1175 = arith.addi %mul3A_432, %add3A_1174 : i32
        %get3A_1176 = arith.index_cast %add3A_1175 : i32 to index
        %get3A_1177 = arith.constant 32 : index
        %get3A_1178 = tpu.vector_load %arg13[%get3A_1176, %get3A_1177] {strides = array<i32>} : memref<128x128xf32, #tpu.memory_space<vmem>>, vector<1x16xf32>,
        %get3A_1179 = vector.shape_cast %get3A_1178 : vector<1x16xf32> to vector<16xf32>
        %add3A_1180 = arith.addf %add3A_1124, %get3A_1179 : vector<16xf32>
        %add3A_1181 = arith.constant 13 : i32
        %add3A_1182 = arith.addi %mul3A_432, %add3A_1181 : i32
        %get3A_1183 = arith.index_cast %add3A_1182 : i32 to index
        %get3A_1184 = arith.constant 48 : index
        %get3A_1185 = tpu.vector_load %arg13[%get3A_1183, %get3A_1184] {strides = array<i32>} : memref<128x128xf32, #tpu.memory_space<vmem>>, vector<1x16xf32>,
        %get3A_1186 = vector.shape_cast %get3A_1185 : vector<1x16xf32> to vector<16xf32>
        %add3A_1187 = arith.addf %add3A_1131, %get3A_1186 : vector<16xf32>
        %add3A_1188 = arith.constant 13 : i32
        %add3A_1189 = arith.addi %mul3A_432, %add3A_1188 : i32
        %get3A_1190 = arith.index_cast %add3A_1189 : i32 to index
        %get3A_1191 = arith.constant 64 : index
        %get3A_1192 = tpu.vector_load %arg13[%get3A_1190, %get3A_1191] {strides = array<i32>} : memref<128x128xf32, #tpu.memory_space<vmem>>, vector<1x16xf32>,
        %get3A_1193 = vector.shape_cast %get3A_1192 : vector<1x16xf32> to vector<16xf32>
        %add3A_1194 = arith.addf %add3A_1138, %get3A_1193 : vector<16xf32>
        %add3A_1195 = arith.constant 13 : i32
        %add3A_1196 = arith.addi %mul3A_432, %add3A_1195 : i32
        %get3A_1197 = arith.index_cast %add3A_1196 : i32 to index
        %get3A_1198 = arith.constant 80 : index
        %get3A_1199 = tpu.vector_load %arg13[%get3A_1197, %get3A_1198] {strides = array<i32>} : memref<128x128xf32, #tpu.memory_space<vmem>>, vector<1x16xf32>,
        %get3A_1200 = vector.shape_cast %get3A_1199 : vector<1x16xf32> to vector<16xf32>
        %add3A_1201 = arith.addf %add3A_1145, %get3A_1200 : vector<16xf32>
        %add3A_1202 = arith.constant 13 : i32
        %add3A_1203 = arith.addi %mul3A_432, %add3A_1202 : i32
        %get3A_1204 = arith.index_cast %add3A_1203 : i32 to index
        %get3A_1205 = arith.constant 96 : index
        %get3A_1206 = tpu.vector_load %arg13[%get3A_1204, %get3A_1205] {strides = array<i32>} : memref<128x128xf32, #tpu.memory_space<vmem>>, vector<1x16xf32>,
        %get3A_1207 = vector.shape_cast %get3A_1206 : vector<1x16xf32> to vector<16xf32>
        %add3A_1208 = arith.addf %add3A_1152, %get3A_1207 : vector<16xf32>
        %add3A_1209 = arith.constant 13 : i32
        %add3A_1210 = arith.addi %mul3A_432, %add3A_1209 : i32
        %get3A_1211 = arith.index_cast %add3A_1210 : i32 to index
        %get3A_1212 = arith.constant 112 : index
        %get3A_1213 = tpu.vector_load %arg13[%get3A_1211, %get3A_1212] {strides = array<i32>} : memref<128x128xf32, #tpu.memory_space<vmem>>, vector<1x16xf32>,
        %get3A_1214 = vector.shape_cast %get3A_1213 : vector<1x16xf32> to vector<16xf32>
        %add3A_1215 = arith.addf %add3A_1159, %get3A_1214 : vector<16xf32>
        %add3A_1216 = arith.constant 14 : i32
        %add3A_1217 = arith.addi %mul3A_432, %add3A_1216 : i32
        %get3A_1218 = arith.index_cast %add3A_1217 : i32 to index
        %get3A_1219 = arith.constant 0 : index
        %get3A_1220 = tpu.vector_load %arg13[%get3A_1218, %get3A_1219] {strides = array<i32>} : memref<128x128xf32, #tpu.memory_space<vmem>>, vector<1x16xf32>,
        %get3A_1221 = vector.shape_cast %get3A_1220 : vector<1x16xf32> to vector<16xf32>
        %add3A_1222 = arith.addf %add3A_1166, %get3A_1221 : vector<16xf32>
        %add3A_1223 = arith.constant 14 : i32
        %add3A_1224 = arith.addi %mul3A_432, %add3A_1223 : i32
        %get3A_1225 = arith.index_cast %add3A_1224 : i32 to index
        %get3A_1226 = arith.constant 16 : index
        %get3A_1227 = tpu.vector_load %arg13[%get3A_1225, %get3A_1226] {strides = array<i32>} : memref<128x128xf32, #tpu.memory_space<vmem>>, vector<1x16xf32>,
        %get3A_1228 = vector.shape_cast %get3A_1227 : vector<1x16xf32> to vector<16xf32>
        %add3A_1229 = arith.addf %add3A_1173, %get3A_1228 : vector<16xf32>
        %add3A_1230 = arith.constant 14 : i32
        %add3A_1231 = arith.addi %mul3A_432, %add3A_1230 : i32
        %get3A_1232 = arith.index_cast %add3A_1231 : i32 to index
        %get3A_1233 = arith.constant 32 : index
        %get3A_1234 = tpu.vector_load %arg13[%get3A_1232, %get3A_1233] {strides = array<i32>} : memref<128x128xf32, #tpu.memory_space<vmem>>, vector<1x16xf32>,
        %get3A_1235 = vector.shape_cast %get3A_1234 : vector<1x16xf32> to vector<16xf32>
        %add3A_1236 = arith.addf %add3A_1180, %get3A_1235 : vector<16xf32>
        %add3A_1237 = arith.constant 14 : i32
        %add3A_1238 = arith.addi %mul3A_432, %add3A_1237 : i32
        %get3A_1239 = arith.index_cast %add3A_1238 : i32 to index
        %get3A_1240 = arith.constant 48 : index
        %get3A_1241 = tpu.vector_load %arg13[%get3A_1239, %get3A_1240] {strides = array<i32>} : memref<128x128xf32, #tpu.memory_space<vmem>>, vector<1x16xf32>,
        %get3A_1242 = vector.shape_cast %get3A_1241 : vector<1x16xf32> to vector<16xf32>
        %add3A_1243 = arith.addf %add3A_1187, %get3A_1242 : vector<16xf32>
        %add3A_1244 = arith.constant 14 : i32
        %add3A_1245 = arith.addi %mul3A_432, %add3A_1244 : i32
        %get3A_1246 = arith.index_cast %add3A_1245 : i32 to index
        %get3A_1247 = arith.constant 64 : index
        %get3A_1248 = tpu.vector_load %arg13[%get3A_1246, %get3A_1247] {strides = array<i32>} : memref<128x128xf32, #tpu.memory_space<vmem>>, vector<1x16xf32>,
        %get3A_1249 = vector.shape_cast %get3A_1248 : vector<1x16xf32> to vector<16xf32>
        %add3A_1250 = arith.addf %add3A_1194, %get3A_1249 : vector<16xf32>
        %add3A_1251 = arith.constant 14 : i32
        %add3A_1252 = arith.addi %mul3A_432, %add3A_1251 : i32
        %get3A_1253 = arith.index_cast %add3A_1252 : i32 to index
        %get3A_1254 = arith.constant 80 : index
        %get3A_1255 = tpu.vector_load %arg13[%get3A_1253, %get3A_1254] {strides = array<i32>} : memref<128x128xf32, #tpu.memory_space<vmem>>, vector<1x16xf32>,
        %get3A_1256 = vector.shape_cast %get3A_1255 : vector<1x16xf32> to vector<16xf32>
        %add3A_1257 = arith.addf %add3A_1201, %get3A_1256 : vector<16xf32>
        %add3A_1258 = arith.constant 14 : i32
        %add3A_1259 = arith.addi %mul3A_432, %add3A_1258 : i32
        %get3A_1260 = arith.index_cast %add3A_1259 : i32 to index
        %get3A_1261 = arith.constant 96 : index
        %get3A_1262 = tpu.vector_load %arg13[%get3A_1260, %get3A_1261] {strides = array<i32>} : memref<128x128xf32, #tpu.memory_space<vmem>>, vector<1x16xf32>,
        %get3A_1263 = vector.shape_cast %get3A_1262 : vector<1x16xf32> to vector<16xf32>
        %add3A_1264 = arith.addf %add3A_1208, %get3A_1263 : vector<16xf32>
        %add3A_1265 = arith.constant 14 : i32
        %add3A_1266 = arith.addi %mul3A_432, %add3A_1265 : i32
        %get3A_1267 = arith.index_cast %add3A_1266 : i32 to index
        %get3A_1268 = arith.constant 112 : index
        %get3A_1269 = tpu.vector_load %arg13[%get3A_1267, %get3A_1268] {strides = array<i32>} : memref<128x128xf32, #tpu.memory_space<vmem>>, vector<1x16xf32>,
        %get3A_1270 = vector.shape_cast %get3A_1269 : vector<1x16xf32> to vector<16xf32>
        %add3A_1271 = arith.addf %add3A_1215, %get3A_1270 : vector<16xf32>
        %add3A_1272 = arith.constant 15 : i32
        %add3A_1273 = arith.addi %mul3A_432, %add3A_1272 : i32
        %get3A_1274 = arith.index_cast %add3A_1273 : i32 to index
        %get3A_1275 = arith.constant 0 : index
        %get3A_1276 = tpu.vector_load %arg13[%get3A_1274, %get3A_1275] {strides = array<i32>} : memref<128x128xf32, #tpu.memory_space<vmem>>, vector<1x16xf32>,
        %get3A_1277 = vector.shape_cast %get3A_1276 : vector<1x16xf32> to vector<16xf32>
        %add3A_1278 = arith.addf %add3A_1222, %get3A_1277 : vector<16xf32>
        %add3A_1279 = arith.constant 15 : i32
        %add3A_1280 = arith.addi %mul3A_432, %add3A_1279 : i32
        %get3A_1281 = arith.index_cast %add3A_1280 : i32 to index
        %get3A_1282 = arith.constant 16 : index
        %get3A_1283 = tpu.vector_load %arg13[%get3A_1281, %get3A_1282] {strides = array<i32>} : memref<128x128xf32, #tpu.memory_space<vmem>>, vector<1x16xf32>,
        %get3A_1284 = vector.shape_cast %get3A_1283 : vector<1x16xf32> to vector<16xf32>
        %add3A_1285 = arith.addf %add3A_1229, %get3A_1284 : vector<16xf32>
        %add3A_1286 = arith.constant 15 : i32
        %add3A_1287 = arith.addi %mul3A_432, %add3A_1286 : i32
        %get3A_1288 = arith.index_cast %add3A_1287 : i32 to index
        %get3A_1289 = arith.constant 32 : index
        %get3A_1290 = tpu.vector_load %arg13[%get3A_1288, %get3A_1289] {strides = array<i32>} : memref<128x128xf32, #tpu.memory_space<vmem>>, vector<1x16xf32>,
        %get3A_1291 = vector.shape_cast %get3A_1290 : vector<1x16xf32> to vector<16xf32>
        %add3A_1292 = arith.addf %add3A_1236, %get3A_1291 : vector<16xf32>
        %add3A_1293 = arith.constant 15 : i32
        %add3A_1294 = arith.addi %mul3A_432, %add3A_1293 : i32
        %get3A_1295 = arith.index_cast %add3A_1294 : i32 to index
        %get3A_1296 = arith.constant 48 : index
        %get3A_1297 = tpu.vector_load %arg13[%get3A_1295, %get3A_1296] {strides = array<i32>} : memref<128x128xf32, #tpu.memory_space<vmem>>, vector<1x16xf32>,
        %get3A_1298 = vector.shape_cast %get3A_1297 : vector<1x16xf32> to vector<16xf32>
        %add3A_1299 = arith.addf %add3A_1243, %get3A_1298 : vector<16xf32>
        %add3A_1300 = arith.constant 15 : i32
        %add3A_1301 = arith.addi %mul3A_432, %add3A_1300 : i32
        %get3A_1302 = arith.index_cast %add3A_1301 : i32 to index
        %get3A_1303 = arith.constant 64 : index
        %get3A_1304 = tpu.vector_load %arg13[%get3A_1302, %get3A_1303] {strides = array<i32>} : memref<128x128xf32, #tpu.memory_space<vmem>>, vector<1x16xf32>,
        %get3A_1305 = vector.shape_cast %get3A_1304 : vector<1x16xf32> to vector<16xf32>
        %add3A_1306 = arith.addf %add3A_1250, %get3A_1305 : vector<16xf32>
        %add3A_1307 = arith.constant 15 : i32
        %add3A_1308 = arith.addi %mul3A_432, %add3A_1307 : i32
        %get3A_1309 = arith.index_cast %add3A_1308 : i32 to index
        %get3A_1310 = arith.constant 80 : index
        %get3A_1311 = tpu.vector_load %arg13[%get3A_1309, %get3A_1310] {strides = array<i32>} : memref<128x128xf32, #tpu.memory_space<vmem>>, vector<1x16xf32>,
        %get3A_1312 = vector.shape_cast %get3A_1311 : vector<1x16xf32> to vector<16xf32>
        %add3A_1313 = arith.addf %add3A_1257, %get3A_1312 : vector<16xf32>
        %add3A_1314 = arith.constant 15 : i32
        %add3A_1315 = arith.addi %mul3A_432, %add3A_1314 : i32
        %get3A_1316 = arith.index_cast %add3A_1315 : i32 to index
        %get3A_1317 = arith.constant 96 : index
        %get3A_1318 = tpu.vector_load %arg13[%get3A_1316, %get3A_1317] {strides = array<i32>} : memref<128x128xf32, #tpu.memory_space<vmem>>, vector<1x16xf32>,
        %get3A_1319 = vector.shape_cast %get3A_1318 : vector<1x16xf32> to vector<16xf32>
        %add3A_1320 = arith.addf %add3A_1264, %get3A_1319 : vector<16xf32>
        %add3A_1321 = arith.constant 15 : i32
        %add3A_1322 = arith.addi %mul3A_432, %add3A_1321 : i32
        %get3A_1323 = arith.index_cast %add3A_1322 : i32 to index
        %get3A_1324 = arith.constant 112 : index
        %get3A_1325 = tpu.vector_load %arg13[%get3A_1323, %get3A_1324] {strides = array<i32>} : memref<128x128xf32, #tpu.memory_space<vmem>>, vector<1x16xf32>,
        %get3A_1326 = vector.shape_cast %get3A_1325 : vector<1x16xf32> to vector<16xf32>
        %add3A_1327 = arith.addf %add3A_1271, %get3A_1326 : vector<16xf32>
        %swap3A = arith.index_cast %scan3A_429 : i32 to index
        %swap3A_1328 = arith.constant 0 : index
        %swap3A_1329 = tpu.vector_load %arg15[%swap3A, %swap3A_1328] {strides = array<i32>} : memref<8x128xf32, #tpu.memory_space<vmem>>, vector<1x16xf32>,
        %swap3A_1330 = vector.shape_cast %swap3A_1329 : vector<1x16xf32> to vector<16xf32>
        %swap3A_1331 = vector.shape_cast %add3A_1278 : vector<16xf32> to vector<1x16xf32>
        tpu.vector_store %arg15[%swap3A, %swap3A_1328], %swap3A_1331 {strides = array<i32>} : memref<8x128xf32, #tpu.memory_space<vmem>>, vector<1x16xf32>,
        %swap3A_1332 = arith.index_cast %scan3A_429 : i32 to index
        %swap3A_1333 = arith.constant 16 : index
        %swap3A_1334 = tpu.vector_load %arg15[%swap3A_1332, %swap3A_1333] {strides = array<i32>} : memref<8x128xf32, #tpu.memory_space<vmem>>, vector<1x16xf32>,
        %swap3A_1335 = vector.shape_cast %swap3A_1334 : vector<1x16xf32> to vector<16xf32>
        %swap3A_1336 = vector.shape_cast %add3A_1285 : vector<16xf32> to vector<1x16xf32>
        tpu.vector_store %arg15[%swap3A_1332, %swap3A_1333], %swap3A_1336 {strides = array<i32>} : memref<8x128xf32, #tpu.memory_space<vmem>>, vector<1x16xf32>,
        %swap3A_1337 = arith.index_cast %scan3A_429 : i32 to index
        %swap3A_1338 = arith.constant 32 : index
        %swap3A_1339 = tpu.vector_load %arg15[%swap3A_1337, %swap3A_1338] {strides = array<i32>} : memref<8x128xf32, #tpu.memory_space<vmem>>, vector<1x16xf32>,
        %swap3A_1340 = vector.shape_cast %swap3A_1339 : vector<1x16xf32> to vector<16xf32>
        %swap3A_1341 = vector.shape_cast %add3A_1292 : vector<16xf32> to vector<1x16xf32>
        tpu.vector_store %arg15[%swap3A_1337, %swap3A_1338], %swap3A_1341 {strides = array<i32>} : memref<8x128xf32, #tpu.memory_space<vmem>>, vector<1x16xf32>,
        %swap3A_1342 = arith.index_cast %scan3A_429 : i32 to index
        %swap3A_1343 = arith.constant 48 : index
        %swap3A_1344 = tpu.vector_load %arg15[%swap3A_1342, %swap3A_1343] {strides = array<i32>} : memref<8x128xf32, #tpu.memory_space<vmem>>, vector<1x16xf32>,
        %swap3A_1345 = vector.shape_cast %swap3A_1344 : vector<1x16xf32> to vector<16xf32>
        %swap3A_1346 = vector.shape_cast %add3A_1299 : vector<16xf32> to vector<1x16xf32>
        tpu.vector_store %arg15[%swap3A_1342, %swap3A_1343], %swap3A_1346 {strides = array<i32>} : memref<8x128xf32, #tpu.memory_space<vmem>>, vector<1x16xf32>,
        %swap3A_1347 = arith.index_cast %scan3A_429 : i32 to index
        %swap3A_1348 = arith.constant 64 : index
        %swap3A_1349 = tpu.vector_load %arg15[%swap3A_1347, %swap3A_1348] {strides = array<i32>} : memref<8x128xf32, #tpu.memory_space<vmem>>, vector<1x16xf32>,
        %swap3A_1350 = vector.shape_cast %swap3A_1349 : vector<1x16xf32> to vector<16xf32>
        %swap3A_1351 = vector.shape_cast %add3A_1306 : vector<16xf32> to vector<1x16xf32>
        tpu.vector_store %arg15[%swap3A_1347, %swap3A_1348], %swap3A_1351 {strides = array<i32>} : memref<8x128xf32, #tpu.memory_space<vmem>>, vector<1x16xf32>,
        %swap3A_1352 = arith.index_cast %scan3A_429 : i32 to index
        %swap3A_1353 = arith.constant 80 : index
        %swap3A_1354 = tpu.vector_load %arg15[%swap3A_1352, %swap3A_1353] {strides = array<i32>} : memref<8x128xf32, #tpu.memory_space<vmem>>, vector<1x16xf32>,
        %swap3A_1355 = vector.shape_cast %swap3A_1354 : vector<1x16xf32> to vector<16xf32>
        %swap3A_1356 = vector.shape_cast %add3A_1313 : vector<16xf32> to vector<1x16xf32>
        tpu.vector_store %arg15[%swap3A_1352, %swap3A_1353], %swap3A_1356 {strides = array<i32>} : memref<8x128xf32, #tpu.memory_space<vmem>>, vector<1x16xf32>,
        %swap3A_1357 = arith.index_cast %scan3A_429 : i32 to index
        %swap3A_1358 = arith.constant 96 : index
        %swap3A_1359 = tpu.vector_load %arg15[%swap3A_1357, %swap3A_1358] {strides = array<i32>} : memref<8x128xf32, #tpu.memory_space<vmem>>, vector<1x16xf32>,
        %swap3A_1360 = vector.shape_cast %swap3A_1359 : vector<1x16xf32> to vector<16xf32>
        %swap3A_1361 = vector.shape_cast %add3A_1320 : vector<16xf32> to vector<1x16xf32>
        tpu.vector_store %arg15[%swap3A_1357, %swap3A_1358], %swap3A_1361 {strides = array<i32>} : memref<8x128xf32, #tpu.memory_space<vmem>>, vector<1x16xf32>,
        %swap3A_1362 = arith.index_cast %scan3A_429 : i32 to index
        %swap3A_1363 = arith.constant 112 : index
        %swap3A_1364 = tpu.vector_load %arg15[%swap3A_1362, %swap3A_1363] {strides = array<i32>} : memref<8x128xf32, #tpu.memory_space<vmem>>, vector<1x16xf32>,
        %swap3A_1365 = vector.shape_cast %swap3A_1364 : vector<1x16xf32> to vector<16xf32>
        %swap3A_1366 = vector.shape_cast %add3A_1327 : vector<16xf32> to vector<1x16xf32>
        tpu.vector_store %arg15[%swap3A_1362, %swap3A_1363], %swap3A_1366 {strides = array<i32>} : memref<8x128xf32, #tpu.memory_space<vmem>>, vector<1x16xf32>,
        %scan3A_1367 = arith.constant 0 : i32
        scf.yield %scan3A_1367 : i32
      }
      %scan3A_375 = arith.constant 8 : i32
      %mul3A_376 = arith.constant 1024 : i32
      %mul3A_377 = arith.muli %add3A, %mul3A_376 : i32
      %mul3A_378 = arith.constant 8 : i32
      %mul3A_379 = arith.muli %add3A_357, %mul3A_378 : i32
      %add3A_380 = arith.addi %mul3A_377, %mul3A_379 : i32
      %dma_start3A_381 = arith.constant 0 : i32
      %dma_start3A_382 = tpu.memref_slice %arg8[%add3A_380, %dma_start3A_381] : memref<32768x128xf32, #tpu.memory_space<hbm>> -> memref<8x128xf32, #tpu.memory_space<hbm>>
      %dma_start3A_383 = arith.constant 0 : i32
      %dma_start3A_384 = tpu.memref_slice %arg8[%add3A_380, %dma_start3A_383] : memref<32768x128xf32, #tpu.memory_space<hbm>> -> memref<8x128xf32, #tpu.memory_space<hbm>>
      tpu.enqueue_dma source(%arg15 : memref<8x128xf32, #tpu.memory_space<vmem>>) target(%dma_start3A_384 : memref<8x128xf32, #tpu.memory_space<hbm>>) target_semaphore(%arg21 : memref<!tpu.dma_semaphore, #tpu.memory_space<semaphore_mem>>)
      %add3A_385 = arith.constant 4 : i32
      %add3A_386 = arith.addi %add3A_357, %add3A_385 : i32
      %lt3A_387 = arith.constant 128 : i32
      %lt3A_388 = arith.cmpi slt, %add3A_386, %lt3A_387 : i32
      %convert_element_type3A_389 = arith.extui %lt3A_388 : i1 to i32
      %cond3A_390 = arith.constant 0 : i32
      %cond3A_391 = arith.cmpi ne, %convert_element_type3A_389, %cond3A_390 : i32
      scf.if %cond3A_391 {
        %add3A_429 = arith.constant 4 : i32
        %add3A_430 = arith.addi %add3A_357, %add3A_429 : i32
        %mul3A_431 = arith.constant 128 : i32
        %mul3A_432 = arith.muli %add3A_430, %mul3A_431 : i32
        %dma_start3A_433 = tpu.memref_slice %arg9[%mul3A_432] : memref<16384xi32, #tpu.memory_space<vmem>> -> memref<128xi32, #tpu.memory_space<vmem>>
        %dma_start3A_434 = arith.constant 0 : i32
        %dma_start3A_435 = arith.constant 0 : i32
        %dma_start3A_436 = tpu.memref_slice %arg5[%dma_start3A_434, %dma_start3A_435] : memref<100000x128xf32, #tpu.memory_space<hbm>> -> memref<100000x128xf32, #tpu.memory_space<hbm>>
        tpu.enqueue_indirect_dma source(%dma_start3A_436 : memref<100000x128xf32, #tpu.memory_space<hbm>>) target(%arg13 : memref<128x128xf32, #tpu.memory_space<vmem>>) offsets(%dma_start3A_433 : memref<128xi32, #tpu.memory_space<vmem>>) semaphore(%arg19 : memref<!tpu.dma_semaphore, #tpu.memory_space<semaphore_mem>>)
      } else {
      }
      %add3A_392 = arith.constant 3 : i32
      %add3A_393 = arith.addi %mul3A_289, %add3A_392 : i32
      %dma_wait3A_394 = arith.constant 0 : i32
      %dma_wait3A_395 = arith.constant 0 : i32
      %dma_wait3A_396 = tpu.memref_slice %arg5[%dma_wait3A_394, %dma_wait3A_395] : memref<100000x128xf32, #tpu.memory_space<hbm>> -> memref<128x128xf32, #tpu.memory_space<hbm>>
      %dma_wait3A_397 = arith.constant 0 : i32
      %dma_wait3A_398 = arith.constant 0 : i32
      %dma_wait3A_399 = tpu.memref_slice %arg5[%dma_wait3A_397, %dma_wait3A_398] : memref<100000x128xf32, #tpu.memory_space<hbm>> -> memref<128x128xf32, #tpu.memory_space<hbm>>
      tpu.wait_dma2 semaphore(%arg20 : memref<!tpu.dma_semaphore, #tpu.memory_space<semaphore_mem>>) src(%dma_wait3A_399 : memref<128x128xf32, #tpu.memory_space<hbm>>) dst(%arg14 : memref<128x128xf32, #tpu.memory_space<vmem>>)
      %ge3A_400 = arith.constant 2 : i32
      %ge3A_401 = arith.cmpi sge, %add3A_393, %ge3A_400 : i32
      %convert_element_type3A_402 = arith.extui %ge3A_401 : i1 to i32
      %cond3A_403 = arith.constant 0 : i32
      %cond3A_404 = arith.cmpi ne, %convert_element_type3A_402, %cond3A_403 : i32
      scf.if %cond3A_404 {
        %dma_wait3A_429 = arith.constant 0 : i32
        %dma_wait3A_430 = arith.constant 0 : i32
        %dma_wait3A_431 = tpu.memref_slice %arg8[%dma_wait3A_429, %dma_wait3A_430] : memref<32768x128xf32, #tpu.memory_space<hbm>> -> memref<8x128xf32, #tpu.memory_space<hbm>>
        %dma_wait3A_432 = arith.constant 0 : i32
        %dma_wait3A_433 = arith.constant 0 : i32
        %dma_wait3A_434 = tpu.memref_slice %arg8[%dma_wait3A_432, %dma_wait3A_433] : memref<32768x128xf32, #tpu.memory_space<hbm>> -> memref<8x128xf32, #tpu.memory_space<hbm>>
        tpu.wait_dma2 semaphore(%arg22 : memref<!tpu.dma_semaphore, #tpu.memory_space<semaphore_mem>>) src(%arg16 : memref<8x128xf32, #tpu.memory_space<vmem>>) dst(%dma_wait3A_434 : memref<8x128xf32, #tpu.memory_space<hbm>>)
      } else {
      }
      %scan3A_405 = arith.constant 0 : i32
      %scan3A_406 = arith.constant 0 : i32
      %scan3A_407 = arith.constant 8 : i32
      %scan3A_408 = arith.addi %scan3A_406, %scan3A_407 : i32
      %scan3A_409 = arith.constant 1 : i32
      %scan3A_410 = scf.for %scan3A_429 = %scan3A_406 to %scan3A_408 step %scan3A_409 iter_args(%scan3A_430 = %scan3A_405) -> (i32)  : i32 {
        %mul3A_431 = arith.constant 16 : i32
        %mul3A_432 = arith.muli %scan3A_429, %mul3A_431 : i32
        %add3A_433 = arith.constant 0 : i32
        %add3A_434 = arith.addi %mul3A_432, %add3A_433 : i32
        %get3A = arith.index_cast %add3A_434 : i32 to index
        %get3A_435 = arith.constant 0 : index
        %get3A_436 = tpu.vector_load %arg14[%get3A, %get3A_435] {strides = array<i32>} : memref<128x128xf32, #tpu.memory_space<vmem>>, vector<1x16xf32>,
        %get3A_437 = vector.shape_cast %get3A_436 : vector<1x16xf32> to vector<16xf32>
        %add3A_438 = arith.addf %broadcast_in_dim3A_1, %get3A_437 : vector<16xf32>
        %add3A_439 = arith.constant 0 : i32
        %add3A_440 = arith.addi %mul3A_432, %add3A_439 : i32
        %get3A_441 = arith.index_cast %add3A_440 : i32 to index
        %get3A_442 = arith.constant 16 : index
        %get3A_443 = tpu.vector_load %arg14[%get3A_441, %get3A_442] {strides = array<i32>} : memref<128x128xf32, #tpu.memory_space<vmem>>, vector<1x16xf32>,
        %get3A_444 = vector.shape_cast %get3A_443 : vector<1x16xf32> to vector<16xf32>
        %add3A_445 = arith.addf %broadcast_in_dim3A_1, %get3A_444 : vector<16xf32>
        %add3A_446 = arith.constant 0 : i32
        %add3A_447 = arith.addi %mul3A_432, %add3A_446 : i32
        %get3A_448 = arith.index_cast %add3A_447 : i32 to index
        %get3A_449 = arith.constant 32 : index
        %get3A_450 = tpu.vector_load %arg14[%get3A_448, %get3A_449] {strides = array<i32>} : memref<128x128xf32, #tpu.memory_space<vmem>>, vector<1x16xf32>,
        %get3A_451 = vector.shape_cast %get3A_450 : vector<1x16xf32> to vector<16xf32>
        %add3A_452 = arith.addf %broadcast_in_dim3A_1, %get3A_451 : vector<16xf32>
        %add3A_453 = arith.constant 0 : i32
        %add3A_454 = arith.addi %mul3A_432, %add3A_453 : i32
        %get3A_455 = arith.index_cast %add3A_454 : i32 to index
        %get3A_456 = arith.constant 48 : index
        %get3A_457 = tpu.vector_load %arg14[%get3A_455, %get3A_456] {strides = array<i32>} : memref<128x128xf32, #tpu.memory_space<vmem>>, vector<1x16xf32>,
        %get3A_458 = vector.shape_cast %get3A_457 : vector<1x16xf32> to vector<16xf32>
        %add3A_459 = arith.addf %broadcast_in_dim3A_1, %get3A_458 : vector<16xf32>
        %add3A_460 = arith.constant 0 : i32
        %add3A_461 = arith.addi %mul3A_432, %add3A_460 : i32
        %get3A_462 = arith.index_cast %add3A_461 : i32 to index
        %get3A_463 = arith.constant 64 : index
        %get3A_464 = tpu.vector_load %arg14[%get3A_462, %get3A_463] {strides = array<i32>} : memref<128x128xf32, #tpu.memory_space<vmem>>, vector<1x16xf32>,
        %get3A_465 = vector.shape_cast %get3A_464 : vector<1x16xf32> to vector<16xf32>
        %add3A_466 = arith.addf %broadcast_in_dim3A_1, %get3A_465 : vector<16xf32>
        %add3A_467 = arith.constant 0 : i32
        %add3A_468 = arith.addi %mul3A_432, %add3A_467 : i32
        %get3A_469 = arith.index_cast %add3A_468 : i32 to index
        %get3A_470 = arith.constant 80 : index
        %get3A_471 = tpu.vector_load %arg14[%get3A_469, %get3A_470] {strides = array<i32>} : memref<128x128xf32, #tpu.memory_space<vmem>>, vector<1x16xf32>,
        %get3A_472 = vector.shape_cast %get3A_471 : vector<1x16xf32> to vector<16xf32>
        %add3A_473 = arith.addf %broadcast_in_dim3A_1, %get3A_472 : vector<16xf32>
        %add3A_474 = arith.constant 0 : i32
        %add3A_475 = arith.addi %mul3A_432, %add3A_474 : i32
        %get3A_476 = arith.index_cast %add3A_475 : i32 to index
        %get3A_477 = arith.constant 96 : index
        %get3A_478 = tpu.vector_load %arg14[%get3A_476, %get3A_477] {strides = array<i32>} : memref<128x128xf32, #tpu.memory_space<vmem>>, vector<1x16xf32>,
        %get3A_479 = vector.shape_cast %get3A_478 : vector<1x16xf32> to vector<16xf32>
        %add3A_480 = arith.addf %broadcast_in_dim3A_1, %get3A_479 : vector<16xf32>
        %add3A_481 = arith.constant 0 : i32
        %add3A_482 = arith.addi %mul3A_432, %add3A_481 : i32
        %get3A_483 = arith.index_cast %add3A_482 : i32 to index
        %get3A_484 = arith.constant 112 : index
        %get3A_485 = tpu.vector_load %arg14[%get3A_483, %get3A_484] {strides = array<i32>} : memref<128x128xf32, #tpu.memory_space<vmem>>, vector<1x16xf32>,
        %get3A_486 = vector.shape_cast %get3A_485 : vector<1x16xf32> to vector<16xf32>
        %add3A_487 = arith.addf %broadcast_in_dim3A_1, %get3A_486 : vector<16xf32>
        %add3A_488 = arith.constant 1 : i32
        %add3A_489 = arith.addi %mul3A_432, %add3A_488 : i32
        %get3A_490 = arith.index_cast %add3A_489 : i32 to index
        %get3A_491 = arith.constant 0 : index
        %get3A_492 = tpu.vector_load %arg14[%get3A_490, %get3A_491] {strides = array<i32>} : memref<128x128xf32, #tpu.memory_space<vmem>>, vector<1x16xf32>,
        %get3A_493 = vector.shape_cast %get3A_492 : vector<1x16xf32> to vector<16xf32>
        %add3A_494 = arith.addf %add3A_438, %get3A_493 : vector<16xf32>
        %add3A_495 = arith.constant 1 : i32
        %add3A_496 = arith.addi %mul3A_432, %add3A_495 : i32
        %get3A_497 = arith.index_cast %add3A_496 : i32 to index
        %get3A_498 = arith.constant 16 : index
        %get3A_499 = tpu.vector_load %arg14[%get3A_497, %get3A_498] {strides = array<i32>} : memref<128x128xf32, #tpu.memory_space<vmem>>, vector<1x16xf32>,
        %get3A_500 = vector.shape_cast %get3A_499 : vector<1x16xf32> to vector<16xf32>
        %add3A_501 = arith.addf %add3A_445, %get3A_500 : vector<16xf32>
        %add3A_502 = arith.constant 1 : i32
        %add3A_503 = arith.addi %mul3A_432, %add3A_502 : i32
        %get3A_504 = arith.index_cast %add3A_503 : i32 to index
        %get3A_505 = arith.constant 32 : index
        %get3A_506 = tpu.vector_load %arg14[%get3A_504, %get3A_505] {strides = array<i32>} : memref<128x128xf32, #tpu.memory_space<vmem>>, vector<1x16xf32>,
        %get3A_507 = vector.shape_cast %get3A_506 : vector<1x16xf32> to vector<16xf32>
        %add3A_508 = arith.addf %add3A_452, %get3A_507 : vector<16xf32>
        %add3A_509 = arith.constant 1 : i32
        %add3A_510 = arith.addi %mul3A_432, %add3A_509 : i32
        %get3A_511 = arith.index_cast %add3A_510 : i32 to index
        %get3A_512 = arith.constant 48 : index
        %get3A_513 = tpu.vector_load %arg14[%get3A_511, %get3A_512] {strides = array<i32>} : memref<128x128xf32, #tpu.memory_space<vmem>>, vector<1x16xf32>,
        %get3A_514 = vector.shape_cast %get3A_513 : vector<1x16xf32> to vector<16xf32>
        %add3A_515 = arith.addf %add3A_459, %get3A_514 : vector<16xf32>
        %add3A_516 = arith.constant 1 : i32
        %add3A_517 = arith.addi %mul3A_432, %add3A_516 : i32
        %get3A_518 = arith.index_cast %add3A_517 : i32 to index
        %get3A_519 = arith.constant 64 : index
        %get3A_520 = tpu.vector_load %arg14[%get3A_518, %get3A_519] {strides = array<i32>} : memref<128x128xf32, #tpu.memory_space<vmem>>, vector<1x16xf32>,
        %get3A_521 = vector.shape_cast %get3A_520 : vector<1x16xf32> to vector<16xf32>
        %add3A_522 = arith.addf %add3A_466, %get3A_521 : vector<16xf32>
        %add3A_523 = arith.constant 1 : i32
        %add3A_524 = arith.addi %mul3A_432, %add3A_523 : i32
        %get3A_525 = arith.index_cast %add3A_524 : i32 to index
        %get3A_526 = arith.constant 80 : index
        %get3A_527 = tpu.vector_load %arg14[%get3A_525, %get3A_526] {strides = array<i32>} : memref<128x128xf32, #tpu.memory_space<vmem>>, vector<1x16xf32>,
        %get3A_528 = vector.shape_cast %get3A_527 : vector<1x16xf32> to vector<16xf32>
        %add3A_529 = arith.addf %add3A_473, %get3A_528 : vector<16xf32>
        %add3A_530 = arith.constant 1 : i32
        %add3A_531 = arith.addi %mul3A_432, %add3A_530 : i32
        %get3A_532 = arith.index_cast %add3A_531 : i32 to index
        %get3A_533 = arith.constant 96 : index
        %get3A_534 = tpu.vector_load %arg14[%get3A_532, %get3A_533] {strides = array<i32>} : memref<128x128xf32, #tpu.memory_space<vmem>>, vector<1x16xf32>,
        %get3A_535 = vector.shape_cast %get3A_534 : vector<1x16xf32> to vector<16xf32>
        %add3A_536 = arith.addf %add3A_480, %get3A_535 : vector<16xf32>
        %add3A_537 = arith.constant 1 : i32
        %add3A_538 = arith.addi %mul3A_432, %add3A_537 : i32
        %get3A_539 = arith.index_cast %add3A_538 : i32 to index
        %get3A_540 = arith.constant 112 : index
        %get3A_541 = tpu.vector_load %arg14[%get3A_539, %get3A_540] {strides = array<i32>} : memref<128x128xf32, #tpu.memory_space<vmem>>, vector<1x16xf32>,
        %get3A_542 = vector.shape_cast %get3A_541 : vector<1x16xf32> to vector<16xf32>
        %add3A_543 = arith.addf %add3A_487, %get3A_542 : vector<16xf32>
        %add3A_544 = arith.constant 2 : i32
        %add3A_545 = arith.addi %mul3A_432, %add3A_544 : i32
        %get3A_546 = arith.index_cast %add3A_545 : i32 to index
        %get3A_547 = arith.constant 0 : index
        %get3A_548 = tpu.vector_load %arg14[%get3A_546, %get3A_547] {strides = array<i32>} : memref<128x128xf32, #tpu.memory_space<vmem>>, vector<1x16xf32>,
        %get3A_549 = vector.shape_cast %get3A_548 : vector<1x16xf32> to vector<16xf32>
        %add3A_550 = arith.addf %add3A_494, %get3A_549 : vector<16xf32>
        %add3A_551 = arith.constant 2 : i32
        %add3A_552 = arith.addi %mul3A_432, %add3A_551 : i32
        %get3A_553 = arith.index_cast %add3A_552 : i32 to index
        %get3A_554 = arith.constant 16 : index
        %get3A_555 = tpu.vector_load %arg14[%get3A_553, %get3A_554] {strides = array<i32>} : memref<128x128xf32, #tpu.memory_space<vmem>>, vector<1x16xf32>,
        %get3A_556 = vector.shape_cast %get3A_555 : vector<1x16xf32> to vector<16xf32>
        %add3A_557 = arith.addf %add3A_501, %get3A_556 : vector<16xf32>
        %add3A_558 = arith.constant 2 : i32
        %add3A_559 = arith.addi %mul3A_432, %add3A_558 : i32
        %get3A_560 = arith.index_cast %add3A_559 : i32 to index
        %get3A_561 = arith.constant 32 : index
        %get3A_562 = tpu.vector_load %arg14[%get3A_560, %get3A_561] {strides = array<i32>} : memref<128x128xf32, #tpu.memory_space<vmem>>, vector<1x16xf32>,
        %get3A_563 = vector.shape_cast %get3A_562 : vector<1x16xf32> to vector<16xf32>
        %add3A_564 = arith.addf %add3A_508, %get3A_563 : vector<16xf32>
        %add3A_565 = arith.constant 2 : i32
        %add3A_566 = arith.addi %mul3A_432, %add3A_565 : i32
        %get3A_567 = arith.index_cast %add3A_566 : i32 to index
        %get3A_568 = arith.constant 48 : index
        %get3A_569 = tpu.vector_load %arg14[%get3A_567, %get3A_568] {strides = array<i32>} : memref<128x128xf32, #tpu.memory_space<vmem>>, vector<1x16xf32>,
        %get3A_570 = vector.shape_cast %get3A_569 : vector<1x16xf32> to vector<16xf32>
        %add3A_571 = arith.addf %add3A_515, %get3A_570 : vector<16xf32>
        %add3A_572 = arith.constant 2 : i32
        %add3A_573 = arith.addi %mul3A_432, %add3A_572 : i32
        %get3A_574 = arith.index_cast %add3A_573 : i32 to index
        %get3A_575 = arith.constant 64 : index
        %get3A_576 = tpu.vector_load %arg14[%get3A_574, %get3A_575] {strides = array<i32>} : memref<128x128xf32, #tpu.memory_space<vmem>>, vector<1x16xf32>,
        %get3A_577 = vector.shape_cast %get3A_576 : vector<1x16xf32> to vector<16xf32>
        %add3A_578 = arith.addf %add3A_522, %get3A_577 : vector<16xf32>
        %add3A_579 = arith.constant 2 : i32
        %add3A_580 = arith.addi %mul3A_432, %add3A_579 : i32
        %get3A_581 = arith.index_cast %add3A_580 : i32 to index
        %get3A_582 = arith.constant 80 : index
        %get3A_583 = tpu.vector_load %arg14[%get3A_581, %get3A_582] {strides = array<i32>} : memref<128x128xf32, #tpu.memory_space<vmem>>, vector<1x16xf32>,
        %get3A_584 = vector.shape_cast %get3A_583 : vector<1x16xf32> to vector<16xf32>
        %add3A_585 = arith.addf %add3A_529, %get3A_584 : vector<16xf32>
        %add3A_586 = arith.constant 2 : i32
        %add3A_587 = arith.addi %mul3A_432, %add3A_586 : i32
        %get3A_588 = arith.index_cast %add3A_587 : i32 to index
        %get3A_589 = arith.constant 96 : index
        %get3A_590 = tpu.vector_load %arg14[%get3A_588, %get3A_589] {strides = array<i32>} : memref<128x128xf32, #tpu.memory_space<vmem>>, vector<1x16xf32>,
        %get3A_591 = vector.shape_cast %get3A_590 : vector<1x16xf32> to vector<16xf32>
        %add3A_592 = arith.addf %add3A_536, %get3A_591 : vector<16xf32>
        %add3A_593 = arith.constant 2 : i32
        %add3A_594 = arith.addi %mul3A_432, %add3A_593 : i32
        %get3A_595 = arith.index_cast %add3A_594 : i32 to index
        %get3A_596 = arith.constant 112 : index
        %get3A_597 = tpu.vector_load %arg14[%get3A_595, %get3A_596] {strides = array<i32>} : memref<128x128xf32, #tpu.memory_space<vmem>>, vector<1x16xf32>,
        %get3A_598 = vector.shape_cast %get3A_597 : vector<1x16xf32> to vector<16xf32>
        %add3A_599 = arith.addf %add3A_543, %get3A_598 : vector<16xf32>
        %add3A_600 = arith.constant 3 : i32
        %add3A_601 = arith.addi %mul3A_432, %add3A_600 : i32
        %get3A_602 = arith.index_cast %add3A_601 : i32 to index
        %get3A_603 = arith.constant 0 : index
        %get3A_604 = tpu.vector_load %arg14[%get3A_602, %get3A_603] {strides = array<i32>} : memref<128x128xf32, #tpu.memory_space<vmem>>, vector<1x16xf32>,
        %get3A_605 = vector.shape_cast %get3A_604 : vector<1x16xf32> to vector<16xf32>
        %add3A_606 = arith.addf %add3A_550, %get3A_605 : vector<16xf32>
        %add3A_607 = arith.constant 3 : i32
        %add3A_608 = arith.addi %mul3A_432, %add3A_607 : i32
        %get3A_609 = arith.index_cast %add3A_608 : i32 to index
        %get3A_610 = arith.constant 16 : index
        %get3A_611 = tpu.vector_load %arg14[%get3A_609, %get3A_610] {strides = array<i32>} : memref<128x128xf32, #tpu.memory_space<vmem>>, vector<1x16xf32>,
        %get3A_612 = vector.shape_cast %get3A_611 : vector<1x16xf32> to vector<16xf32>
        %add3A_613 = arith.addf %add3A_557, %get3A_612 : vector<16xf32>
        %add3A_614 = arith.constant 3 : i32
        %add3A_615 = arith.addi %mul3A_432, %add3A_614 : i32
        %get3A_616 = arith.index_cast %add3A_615 : i32 to index
        %get3A_617 = arith.constant 32 : index
        %get3A_618 = tpu.vector_load %arg14[%get3A_616, %get3A_617] {strides = array<i32>} : memref<128x128xf32, #tpu.memory_space<vmem>>, vector<1x16xf32>,
        %get3A_619 = vector.shape_cast %get3A_618 : vector<1x16xf32> to vector<16xf32>
        %add3A_620 = arith.addf %add3A_564, %get3A_619 : vector<16xf32>
        %add3A_621 = arith.constant 3 : i32
        %add3A_622 = arith.addi %mul3A_432, %add3A_621 : i32
        %get3A_623 = arith.index_cast %add3A_622 : i32 to index
        %get3A_624 = arith.constant 48 : index
        %get3A_625 = tpu.vector_load %arg14[%get3A_623, %get3A_624] {strides = array<i32>} : memref<128x128xf32, #tpu.memory_space<vmem>>, vector<1x16xf32>,
        %get3A_626 = vector.shape_cast %get3A_625 : vector<1x16xf32> to vector<16xf32>
        %add3A_627 = arith.addf %add3A_571, %get3A_626 : vector<16xf32>
        %add3A_628 = arith.constant 3 : i32
        %add3A_629 = arith.addi %mul3A_432, %add3A_628 : i32
        %get3A_630 = arith.index_cast %add3A_629 : i32 to index
        %get3A_631 = arith.constant 64 : index
        %get3A_632 = tpu.vector_load %arg14[%get3A_630, %get3A_631] {strides = array<i32>} : memref<128x128xf32, #tpu.memory_space<vmem>>, vector<1x16xf32>,
        %get3A_633 = vector.shape_cast %get3A_632 : vector<1x16xf32> to vector<16xf32>
        %add3A_634 = arith.addf %add3A_578, %get3A_633 : vector<16xf32>
        %add3A_635 = arith.constant 3 : i32
        %add3A_636 = arith.addi %mul3A_432, %add3A_635 : i32
        %get3A_637 = arith.index_cast %add3A_636 : i32 to index
        %get3A_638 = arith.constant 80 : index
        %get3A_639 = tpu.vector_load %arg14[%get3A_637, %get3A_638] {strides = array<i32>} : memref<128x128xf32, #tpu.memory_space<vmem>>, vector<1x16xf32>,
        %get3A_640 = vector.shape_cast %get3A_639 : vector<1x16xf32> to vector<16xf32>
        %add3A_641 = arith.addf %add3A_585, %get3A_640 : vector<16xf32>
        %add3A_642 = arith.constant 3 : i32
        %add3A_643 = arith.addi %mul3A_432, %add3A_642 : i32
        %get3A_644 = arith.index_cast %add3A_643 : i32 to index
        %get3A_645 = arith.constant 96 : index
        %get3A_646 = tpu.vector_load %arg14[%get3A_644, %get3A_645] {strides = array<i32>} : memref<128x128xf32, #tpu.memory_space<vmem>>, vector<1x16xf32>,
        %get3A_647 = vector.shape_cast %get3A_646 : vector<1x16xf32> to vector<16xf32>
        %add3A_648 = arith.addf %add3A_592, %get3A_647 : vector<16xf32>
        %add3A_649 = arith.constant 3 : i32
        %add3A_650 = arith.addi %mul3A_432, %add3A_649 : i32
        %get3A_651 = arith.index_cast %add3A_650 : i32 to index
        %get3A_652 = arith.constant 112 : index
        %get3A_653 = tpu.vector_load %arg14[%get3A_651, %get3A_652] {strides = array<i32>} : memref<128x128xf32, #tpu.memory_space<vmem>>, vector<1x16xf32>,
        %get3A_654 = vector.shape_cast %get3A_653 : vector<1x16xf32> to vector<16xf32>
        %add3A_655 = arith.addf %add3A_599, %get3A_654 : vector<16xf32>
        %add3A_656 = arith.constant 4 : i32
        %add3A_657 = arith.addi %mul3A_432, %add3A_656 : i32
        %get3A_658 = arith.index_cast %add3A_657 : i32 to index
        %get3A_659 = arith.constant 0 : index
        %get3A_660 = tpu.vector_load %arg14[%get3A_658, %get3A_659] {strides = array<i32>} : memref<128x128xf32, #tpu.memory_space<vmem>>, vector<1x16xf32>,
        %get3A_661 = vector.shape_cast %get3A_660 : vector<1x16xf32> to vector<16xf32>
        %add3A_662 = arith.addf %add3A_606, %get3A_661 : vector<16xf32>
        %add3A_663 = arith.constant 4 : i32
        %add3A_664 = arith.addi %mul3A_432, %add3A_663 : i32
        %get3A_665 = arith.index_cast %add3A_664 : i32 to index
        %get3A_666 = arith.constant 16 : index
        %get3A_667 = tpu.vector_load %arg14[%get3A_665, %get3A_666] {strides = array<i32>} : memref<128x128xf32, #tpu.memory_space<vmem>>, vector<1x16xf32>,
        %get3A_668 = vector.shape_cast %get3A_667 : vector<1x16xf32> to vector<16xf32>
        %add3A_669 = arith.addf %add3A_613, %get3A_668 : vector<16xf32>
        %add3A_670 = arith.constant 4 : i32
        %add3A_671 = arith.addi %mul3A_432, %add3A_670 : i32
        %get3A_672 = arith.index_cast %add3A_671 : i32 to index
        %get3A_673 = arith.constant 32 : index
        %get3A_674 = tpu.vector_load %arg14[%get3A_672, %get3A_673] {strides = array<i32>} : memref<128x128xf32, #tpu.memory_space<vmem>>, vector<1x16xf32>,
        %get3A_675 = vector.shape_cast %get3A_674 : vector<1x16xf32> to vector<16xf32>
        %add3A_676 = arith.addf %add3A_620, %get3A_675 : vector<16xf32>
        %add3A_677 = arith.constant 4 : i32
        %add3A_678 = arith.addi %mul3A_432, %add3A_677 : i32
        %get3A_679 = arith.index_cast %add3A_678 : i32 to index
        %get3A_680 = arith.constant 48 : index
        %get3A_681 = tpu.vector_load %arg14[%get3A_679, %get3A_680] {strides = array<i32>} : memref<128x128xf32, #tpu.memory_space<vmem>>, vector<1x16xf32>,
        %get3A_682 = vector.shape_cast %get3A_681 : vector<1x16xf32> to vector<16xf32>
        %add3A_683 = arith.addf %add3A_627, %get3A_682 : vector<16xf32>
        %add3A_684 = arith.constant 4 : i32
        %add3A_685 = arith.addi %mul3A_432, %add3A_684 : i32
        %get3A_686 = arith.index_cast %add3A_685 : i32 to index
        %get3A_687 = arith.constant 64 : index
        %get3A_688 = tpu.vector_load %arg14[%get3A_686, %get3A_687] {strides = array<i32>} : memref<128x128xf32, #tpu.memory_space<vmem>>, vector<1x16xf32>,
        %get3A_689 = vector.shape_cast %get3A_688 : vector<1x16xf32> to vector<16xf32>
        %add3A_690 = arith.addf %add3A_634, %get3A_689 : vector<16xf32>
        %add3A_691 = arith.constant 4 : i32
        %add3A_692 = arith.addi %mul3A_432, %add3A_691 : i32
        %get3A_693 = arith.index_cast %add3A_692 : i32 to index
        %get3A_694 = arith.constant 80 : index
        %get3A_695 = tpu.vector_load %arg14[%get3A_693, %get3A_694] {strides = array<i32>} : memref<128x128xf32, #tpu.memory_space<vmem>>, vector<1x16xf32>,
        %get3A_696 = vector.shape_cast %get3A_695 : vector<1x16xf32> to vector<16xf32>
        %add3A_697 = arith.addf %add3A_641, %get3A_696 : vector<16xf32>
        %add3A_698 = arith.constant 4 : i32
        %add3A_699 = arith.addi %mul3A_432, %add3A_698 : i32
        %get3A_700 = arith.index_cast %add3A_699 : i32 to index
        %get3A_701 = arith.constant 96 : index
        %get3A_702 = tpu.vector_load %arg14[%get3A_700, %get3A_701] {strides = array<i32>} : memref<128x128xf32, #tpu.memory_space<vmem>>, vector<1x16xf32>,
        %get3A_703 = vector.shape_cast %get3A_702 : vector<1x16xf32> to vector<16xf32>
        %add3A_704 = arith.addf %add3A_648, %get3A_703 : vector<16xf32>
        %add3A_705 = arith.constant 4 : i32
        %add3A_706 = arith.addi %mul3A_432, %add3A_705 : i32
        %get3A_707 = arith.index_cast %add3A_706 : i32 to index
        %get3A_708 = arith.constant 112 : index
        %get3A_709 = tpu.vector_load %arg14[%get3A_707, %get3A_708] {strides = array<i32>} : memref<128x128xf32, #tpu.memory_space<vmem>>, vector<1x16xf32>,
        %get3A_710 = vector.shape_cast %get3A_709 : vector<1x16xf32> to vector<16xf32>
        %add3A_711 = arith.addf %add3A_655, %get3A_710 : vector<16xf32>
        %add3A_712 = arith.constant 5 : i32
        %add3A_713 = arith.addi %mul3A_432, %add3A_712 : i32
        %get3A_714 = arith.index_cast %add3A_713 : i32 to index
        %get3A_715 = arith.constant 0 : index
        %get3A_716 = tpu.vector_load %arg14[%get3A_714, %get3A_715] {strides = array<i32>} : memref<128x128xf32, #tpu.memory_space<vmem>>, vector<1x16xf32>,
        %get3A_717 = vector.shape_cast %get3A_716 : vector<1x16xf32> to vector<16xf32>
        %add3A_718 = arith.addf %add3A_662, %get3A_717 : vector<16xf32>
        %add3A_719 = arith.constant 5 : i32
        %add3A_720 = arith.addi %mul3A_432, %add3A_719 : i32
        %get3A_721 = arith.index_cast %add3A_720 : i32 to index
        %get3A_722 = arith.constant 16 : index
        %get3A_723 = tpu.vector_load %arg14[%get3A_721, %get3A_722] {strides = array<i32>} : memref<128x128xf32, #tpu.memory_space<vmem>>, vector<1x16xf32>,
        %get3A_724 = vector.shape_cast %get3A_723 : vector<1x16xf32> to vector<16xf32>
        %add3A_725 = arith.addf %add3A_669, %get3A_724 : vector<16xf32>
        %add3A_726 = arith.constant 5 : i32
        %add3A_727 = arith.addi %mul3A_432, %add3A_726 : i32
        %get3A_728 = arith.index_cast %add3A_727 : i32 to index
        %get3A_729 = arith.constant 32 : index
        %get3A_730 = tpu.vector_load %arg14[%get3A_728, %get3A_729] {strides = array<i32>} : memref<128x128xf32, #tpu.memory_space<vmem>>, vector<1x16xf32>,
        %get3A_731 = vector.shape_cast %get3A_730 : vector<1x16xf32> to vector<16xf32>
        %add3A_732 = arith.addf %add3A_676, %get3A_731 : vector<16xf32>
        %add3A_733 = arith.constant 5 : i32
        %add3A_734 = arith.addi %mul3A_432, %add3A_733 : i32
        %get3A_735 = arith.index_cast %add3A_734 : i32 to index
        %get3A_736 = arith.constant 48 : index
        %get3A_737 = tpu.vector_load %arg14[%get3A_735, %get3A_736] {strides = array<i32>} : memref<128x128xf32, #tpu.memory_space<vmem>>, vector<1x16xf32>,
        %get3A_738 = vector.shape_cast %get3A_737 : vector<1x16xf32> to vector<16xf32>
        %add3A_739 = arith.addf %add3A_683, %get3A_738 : vector<16xf32>
        %add3A_740 = arith.constant 5 : i32
        %add3A_741 = arith.addi %mul3A_432, %add3A_740 : i32
        %get3A_742 = arith.index_cast %add3A_741 : i32 to index
        %get3A_743 = arith.constant 64 : index
        %get3A_744 = tpu.vector_load %arg14[%get3A_742, %get3A_743] {strides = array<i32>} : memref<128x128xf32, #tpu.memory_space<vmem>>, vector<1x16xf32>,
        %get3A_745 = vector.shape_cast %get3A_744 : vector<1x16xf32> to vector<16xf32>
        %add3A_746 = arith.addf %add3A_690, %get3A_745 : vector<16xf32>
        %add3A_747 = arith.constant 5 : i32
        %add3A_748 = arith.addi %mul3A_432, %add3A_747 : i32
        %get3A_749 = arith.index_cast %add3A_748 : i32 to index
        %get3A_750 = arith.constant 80 : index
        %get3A_751 = tpu.vector_load %arg14[%get3A_749, %get3A_750] {strides = array<i32>} : memref<128x128xf32, #tpu.memory_space<vmem>>, vector<1x16xf32>,
        %get3A_752 = vector.shape_cast %get3A_751 : vector<1x16xf32> to vector<16xf32>
        %add3A_753 = arith.addf %add3A_697, %get3A_752 : vector<16xf32>
        %add3A_754 = arith.constant 5 : i32
        %add3A_755 = arith.addi %mul3A_432, %add3A_754 : i32
        %get3A_756 = arith.index_cast %add3A_755 : i32 to index
        %get3A_757 = arith.constant 96 : index
        %get3A_758 = tpu.vector_load %arg14[%get3A_756, %get3A_757] {strides = array<i32>} : memref<128x128xf32, #tpu.memory_space<vmem>>, vector<1x16xf32>,
        %get3A_759 = vector.shape_cast %get3A_758 : vector<1x16xf32> to vector<16xf32>
        %add3A_760 = arith.addf %add3A_704, %get3A_759 : vector<16xf32>
        %add3A_761 = arith.constant 5 : i32
        %add3A_762 = arith.addi %mul3A_432, %add3A_761 : i32
        %get3A_763 = arith.index_cast %add3A_762 : i32 to index
        %get3A_764 = arith.constant 112 : index
        %get3A_765 = tpu.vector_load %arg14[%get3A_763, %get3A_764] {strides = array<i32>} : memref<128x128xf32, #tpu.memory_space<vmem>>, vector<1x16xf32>,
        %get3A_766 = vector.shape_cast %get3A_765 : vector<1x16xf32> to vector<16xf32>
        %add3A_767 = arith.addf %add3A_711, %get3A_766 : vector<16xf32>
        %add3A_768 = arith.constant 6 : i32
        %add3A_769 = arith.addi %mul3A_432, %add3A_768 : i32
        %get3A_770 = arith.index_cast %add3A_769 : i32 to index
        %get3A_771 = arith.constant 0 : index
        %get3A_772 = tpu.vector_load %arg14[%get3A_770, %get3A_771] {strides = array<i32>} : memref<128x128xf32, #tpu.memory_space<vmem>>, vector<1x16xf32>,
        %get3A_773 = vector.shape_cast %get3A_772 : vector<1x16xf32> to vector<16xf32>
        %add3A_774 = arith.addf %add3A_718, %get3A_773 : vector<16xf32>
        %add3A_775 = arith.constant 6 : i32
        %add3A_776 = arith.addi %mul3A_432, %add3A_775 : i32
        %get3A_777 = arith.index_cast %add3A_776 : i32 to index
        %get3A_778 = arith.constant 16 : index
        %get3A_779 = tpu.vector_load %arg14[%get3A_777, %get3A_778] {strides = array<i32>} : memref<128x128xf32, #tpu.memory_space<vmem>>, vector<1x16xf32>,
        %get3A_780 = vector.shape_cast %get3A_779 : vector<1x16xf32> to vector<16xf32>
        %add3A_781 = arith.addf %add3A_725, %get3A_780 : vector<16xf32>
        %add3A_782 = arith.constant 6 : i32
        %add3A_783 = arith.addi %mul3A_432, %add3A_782 : i32
        %get3A_784 = arith.index_cast %add3A_783 : i32 to index
        %get3A_785 = arith.constant 32 : index
        %get3A_786 = tpu.vector_load %arg14[%get3A_784, %get3A_785] {strides = array<i32>} : memref<128x128xf32, #tpu.memory_space<vmem>>, vector<1x16xf32>,
        %get3A_787 = vector.shape_cast %get3A_786 : vector<1x16xf32> to vector<16xf32>
        %add3A_788 = arith.addf %add3A_732, %get3A_787 : vector<16xf32>
        %add3A_789 = arith.constant 6 : i32
        %add3A_790 = arith.addi %mul3A_432, %add3A_789 : i32
        %get3A_791 = arith.index_cast %add3A_790 : i32 to index
        %get3A_792 = arith.constant 48 : index
        %get3A_793 = tpu.vector_load %arg14[%get3A_791, %get3A_792] {strides = array<i32>} : memref<128x128xf32, #tpu.memory_space<vmem>>, vector<1x16xf32>,
        %get3A_794 = vector.shape_cast %get3A_793 : vector<1x16xf32> to vector<16xf32>
        %add3A_795 = arith.addf %add3A_739, %get3A_794 : vector<16xf32>
        %add3A_796 = arith.constant 6 : i32
        %add3A_797 = arith.addi %mul3A_432, %add3A_796 : i32
        %get3A_798 = arith.index_cast %add3A_797 : i32 to index
        %get3A_799 = arith.constant 64 : index
        %get3A_800 = tpu.vector_load %arg14[%get3A_798, %get3A_799] {strides = array<i32>} : memref<128x128xf32, #tpu.memory_space<vmem>>, vector<1x16xf32>,
        %get3A_801 = vector.shape_cast %get3A_800 : vector<1x16xf32> to vector<16xf32>
        %add3A_802 = arith.addf %add3A_746, %get3A_801 : vector<16xf32>
        %add3A_803 = arith.constant 6 : i32
        %add3A_804 = arith.addi %mul3A_432, %add3A_803 : i32
        %get3A_805 = arith.index_cast %add3A_804 : i32 to index
        %get3A_806 = arith.constant 80 : index
        %get3A_807 = tpu.vector_load %arg14[%get3A_805, %get3A_806] {strides = array<i32>} : memref<128x128xf32, #tpu.memory_space<vmem>>, vector<1x16xf32>,
        %get3A_808 = vector.shape_cast %get3A_807 : vector<1x16xf32> to vector<16xf32>
        %add3A_809 = arith.addf %add3A_753, %get3A_808 : vector<16xf32>
        %add3A_810 = arith.constant 6 : i32
        %add3A_811 = arith.addi %mul3A_432, %add3A_810 : i32
        %get3A_812 = arith.index_cast %add3A_811 : i32 to index
        %get3A_813 = arith.constant 96 : index
        %get3A_814 = tpu.vector_load %arg14[%get3A_812, %get3A_813] {strides = array<i32>} : memref<128x128xf32, #tpu.memory_space<vmem>>, vector<1x16xf32>,
        %get3A_815 = vector.shape_cast %get3A_814 : vector<1x16xf32> to vector<16xf32>
        %add3A_816 = arith.addf %add3A_760, %get3A_815 : vector<16xf32>
        %add3A_817 = arith.constant 6 : i32
        %add3A_818 = arith.addi %mul3A_432, %add3A_817 : i32
        %get3A_819 = arith.index_cast %add3A_818 : i32 to index
        %get3A_820 = arith.constant 112 : index
        %get3A_821 = tpu.vector_load %arg14[%get3A_819, %get3A_820] {strides = array<i32>} : memref<128x128xf32, #tpu.memory_space<vmem>>, vector<1x16xf32>,
        %get3A_822 = vector.shape_cast %get3A_821 : vector<1x16xf32> to vector<16xf32>
        %add3A_823 = arith.addf %add3A_767, %get3A_822 : vector<16xf32>
        %add3A_824 = arith.constant 7 : i32
        %add3A_825 = arith.addi %mul3A_432, %add3A_824 : i32
        %get3A_826 = arith.index_cast %add3A_825 : i32 to index
        %get3A_827 = arith.constant 0 : index
        %get3A_828 = tpu.vector_load %arg14[%get3A_826, %get3A_827] {strides = array<i32>} : memref<128x128xf32, #tpu.memory_space<vmem>>, vector<1x16xf32>,
        %get3A_829 = vector.shape_cast %get3A_828 : vector<1x16xf32> to vector<16xf32>
        %add3A_830 = arith.addf %add3A_774, %get3A_829 : vector<16xf32>
        %add3A_831 = arith.constant 7 : i32
        %add3A_832 = arith.addi %mul3A_432, %add3A_831 : i32
        %get3A_833 = arith.index_cast %add3A_832 : i32 to index
        %get3A_834 = arith.constant 16 : index
        %get3A_835 = tpu.vector_load %arg14[%get3A_833, %get3A_834] {strides = array<i32>} : memref<128x128xf32, #tpu.memory_space<vmem>>, vector<1x16xf32>,
        %get3A_836 = vector.shape_cast %get3A_835 : vector<1x16xf32> to vector<16xf32>
        %add3A_837 = arith.addf %add3A_781, %get3A_836 : vector<16xf32>
        %add3A_838 = arith.constant 7 : i32
        %add3A_839 = arith.addi %mul3A_432, %add3A_838 : i32
        %get3A_840 = arith.index_cast %add3A_839 : i32 to index
        %get3A_841 = arith.constant 32 : index
        %get3A_842 = tpu.vector_load %arg14[%get3A_840, %get3A_841] {strides = array<i32>} : memref<128x128xf32, #tpu.memory_space<vmem>>, vector<1x16xf32>,
        %get3A_843 = vector.shape_cast %get3A_842 : vector<1x16xf32> to vector<16xf32>
        %add3A_844 = arith.addf %add3A_788, %get3A_843 : vector<16xf32>
        %add3A_845 = arith.constant 7 : i32
        %add3A_846 = arith.addi %mul3A_432, %add3A_845 : i32
        %get3A_847 = arith.index_cast %add3A_846 : i32 to index
        %get3A_848 = arith.constant 48 : index
        %get3A_849 = tpu.vector_load %arg14[%get3A_847, %get3A_848] {strides = array<i32>} : memref<128x128xf32, #tpu.memory_space<vmem>>, vector<1x16xf32>,
        %get3A_850 = vector.shape_cast %get3A_849 : vector<1x16xf32> to vector<16xf32>
        %add3A_851 = arith.addf %add3A_795, %get3A_850 : vector<16xf32>
        %add3A_852 = arith.constant 7 : i32
        %add3A_853 = arith.addi %mul3A_432, %add3A_852 : i32
        %get3A_854 = arith.index_cast %add3A_853 : i32 to index
        %get3A_855 = arith.constant 64 : index
        %get3A_856 = tpu.vector_load %arg14[%get3A_854, %get3A_855] {strides = array<i32>} : memref<128x128xf32, #tpu.memory_space<vmem>>, vector<1x16xf32>,
        %get3A_857 = vector.shape_cast %get3A_856 : vector<1x16xf32> to vector<16xf32>
        %add3A_858 = arith.addf %add3A_802, %get3A_857 : vector<16xf32>
        %add3A_859 = arith.constant 7 : i32
        %add3A_860 = arith.addi %mul3A_432, %add3A_859 : i32
        %get3A_861 = arith.index_cast %add3A_860 : i32 to index
        %get3A_862 = arith.constant 80 : index
        %get3A_863 = tpu.vector_load %arg14[%get3A_861, %get3A_862] {strides = array<i32>} : memref<128x128xf32, #tpu.memory_space<vmem>>, vector<1x16xf32>,
        %get3A_864 = vector.shape_cast %get3A_863 : vector<1x16xf32> to vector<16xf32>
        %add3A_865 = arith.addf %add3A_809, %get3A_864 : vector<16xf32>
        %add3A_866 = arith.constant 7 : i32
        %add3A_867 = arith.addi %mul3A_432, %add3A_866 : i32
        %get3A_868 = arith.index_cast %add3A_867 : i32 to index
        %get3A_869 = arith.constant 96 : index
        %get3A_870 = tpu.vector_load %arg14[%get3A_868, %get3A_869] {strides = array<i32>} : memref<128x128xf32, #tpu.memory_space<vmem>>, vector<1x16xf32>,
        %get3A_871 = vector.shape_cast %get3A_870 : vector<1x16xf32> to vector<16xf32>
        %add3A_872 = arith.addf %add3A_816, %get3A_871 : vector<16xf32>
        %add3A_873 = arith.constant 7 : i32
        %add3A_874 = arith.addi %mul3A_432, %add3A_873 : i32
        %get3A_875 = arith.index_cast %add3A_874 : i32 to index
        %get3A_876 = arith.constant 112 : index
        %get3A_877 = tpu.vector_load %arg14[%get3A_875, %get3A_876] {strides = array<i32>} : memref<128x128xf32, #tpu.memory_space<vmem>>, vector<1x16xf32>,
        %get3A_878 = vector.shape_cast %get3A_877 : vector<1x16xf32> to vector<16xf32>
        %add3A_879 = arith.addf %add3A_823, %get3A_878 : vector<16xf32>
        %add3A_880 = arith.constant 8 : i32
        %add3A_881 = arith.addi %mul3A_432, %add3A_880 : i32
        %get3A_882 = arith.index_cast %add3A_881 : i32 to index
        %get3A_883 = arith.constant 0 : index
        %get3A_884 = tpu.vector_load %arg14[%get3A_882, %get3A_883] {strides = array<i32>} : memref<128x128xf32, #tpu.memory_space<vmem>>, vector<1x16xf32>,
        %get3A_885 = vector.shape_cast %get3A_884 : vector<1x16xf32> to vector<16xf32>
        %add3A_886 = arith.addf %add3A_830, %get3A_885 : vector<16xf32>
        %add3A_887 = arith.constant 8 : i32
        %add3A_888 = arith.addi %mul3A_432, %add3A_887 : i32
        %get3A_889 = arith.index_cast %add3A_888 : i32 to index
        %get3A_890 = arith.constant 16 : index
        %get3A_891 = tpu.vector_load %arg14[%get3A_889, %get3A_890] {strides = array<i32>} : memref<128x128xf32, #tpu.memory_space<vmem>>, vector<1x16xf32>,
        %get3A_892 = vector.shape_cast %get3A_891 : vector<1x16xf32> to vector<16xf32>
        %add3A_893 = arith.addf %add3A_837, %get3A_892 : vector<16xf32>
        %add3A_894 = arith.constant 8 : i32
        %add3A_895 = arith.addi %mul3A_432, %add3A_894 : i32
        %get3A_896 = arith.index_cast %add3A_895 : i32 to index
        %get3A_897 = arith.constant 32 : index
        %get3A_898 = tpu.vector_load %arg14[%get3A_896, %get3A_897] {strides = array<i32>} : memref<128x128xf32, #tpu.memory_space<vmem>>, vector<1x16xf32>,
        %get3A_899 = vector.shape_cast %get3A_898 : vector<1x16xf32> to vector<16xf32>
        %add3A_900 = arith.addf %add3A_844, %get3A_899 : vector<16xf32>
        %add3A_901 = arith.constant 8 : i32
        %add3A_902 = arith.addi %mul3A_432, %add3A_901 : i32
        %get3A_903 = arith.index_cast %add3A_902 : i32 to index
        %get3A_904 = arith.constant 48 : index
        %get3A_905 = tpu.vector_load %arg14[%get3A_903, %get3A_904] {strides = array<i32>} : memref<128x128xf32, #tpu.memory_space<vmem>>, vector<1x16xf32>,
        %get3A_906 = vector.shape_cast %get3A_905 : vector<1x16xf32> to vector<16xf32>
        %add3A_907 = arith.addf %add3A_851, %get3A_906 : vector<16xf32>
        %add3A_908 = arith.constant 8 : i32
        %add3A_909 = arith.addi %mul3A_432, %add3A_908 : i32
        %get3A_910 = arith.index_cast %add3A_909 : i32 to index
        %get3A_911 = arith.constant 64 : index
        %get3A_912 = tpu.vector_load %arg14[%get3A_910, %get3A_911] {strides = array<i32>} : memref<128x128xf32, #tpu.memory_space<vmem>>, vector<1x16xf32>,
        %get3A_913 = vector.shape_cast %get3A_912 : vector<1x16xf32> to vector<16xf32>
        %add3A_914 = arith.addf %add3A_858, %get3A_913 : vector<16xf32>
        %add3A_915 = arith.constant 8 : i32
        %add3A_916 = arith.addi %mul3A_432, %add3A_915 : i32
        %get3A_917 = arith.index_cast %add3A_916 : i32 to index
        %get3A_918 = arith.constant 80 : index
        %get3A_919 = tpu.vector_load %arg14[%get3A_917, %get3A_918] {strides = array<i32>} : memref<128x128xf32, #tpu.memory_space<vmem>>, vector<1x16xf32>,
        %get3A_920 = vector.shape_cast %get3A_919 : vector<1x16xf32> to vector<16xf32>
        %add3A_921 = arith.addf %add3A_865, %get3A_920 : vector<16xf32>
        %add3A_922 = arith.constant 8 : i32
        %add3A_923 = arith.addi %mul3A_432, %add3A_922 : i32
        %get3A_924 = arith.index_cast %add3A_923 : i32 to index
        %get3A_925 = arith.constant 96 : index
        %get3A_926 = tpu.vector_load %arg14[%get3A_924, %get3A_925] {strides = array<i32>} : memref<128x128xf32, #tpu.memory_space<vmem>>, vector<1x16xf32>,
        %get3A_927 = vector.shape_cast %get3A_926 : vector<1x16xf32> to vector<16xf32>
        %add3A_928 = arith.addf %add3A_872, %get3A_927 : vector<16xf32>
        %add3A_929 = arith.constant 8 : i32
        %add3A_930 = arith.addi %mul3A_432, %add3A_929 : i32
        %get3A_931 = arith.index_cast %add3A_930 : i32 to index
        %get3A_932 = arith.constant 112 : index
        %get3A_933 = tpu.vector_load %arg14[%get3A_931, %get3A_932] {strides = array<i32>} : memref<128x128xf32, #tpu.memory_space<vmem>>, vector<1x16xf32>,
        %get3A_934 = vector.shape_cast %get3A_933 : vector<1x16xf32> to vector<16xf32>
        %add3A_935 = arith.addf %add3A_879, %get3A_934 : vector<16xf32>
        %add3A_936 = arith.constant 9 : i32
        %add3A_937 = arith.addi %mul3A_432, %add3A_936 : i32
        %get3A_938 = arith.index_cast %add3A_937 : i32 to index
        %get3A_939 = arith.constant 0 : index
        %get3A_940 = tpu.vector_load %arg14[%get3A_938, %get3A_939] {strides = array<i32>} : memref<128x128xf32, #tpu.memory_space<vmem>>, vector<1x16xf32>,
        %get3A_941 = vector.shape_cast %get3A_940 : vector<1x16xf32> to vector<16xf32>
        %add3A_942 = arith.addf %add3A_886, %get3A_941 : vector<16xf32>
        %add3A_943 = arith.constant 9 : i32
        %add3A_944 = arith.addi %mul3A_432, %add3A_943 : i32
        %get3A_945 = arith.index_cast %add3A_944 : i32 to index
        %get3A_946 = arith.constant 16 : index
        %get3A_947 = tpu.vector_load %arg14[%get3A_945, %get3A_946] {strides = array<i32>} : memref<128x128xf32, #tpu.memory_space<vmem>>, vector<1x16xf32>,
        %get3A_948 = vector.shape_cast %get3A_947 : vector<1x16xf32> to vector<16xf32>
        %add3A_949 = arith.addf %add3A_893, %get3A_948 : vector<16xf32>
        %add3A_950 = arith.constant 9 : i32
        %add3A_951 = arith.addi %mul3A_432, %add3A_950 : i32
        %get3A_952 = arith.index_cast %add3A_951 : i32 to index
        %get3A_953 = arith.constant 32 : index
        %get3A_954 = tpu.vector_load %arg14[%get3A_952, %get3A_953] {strides = array<i32>} : memref<128x128xf32, #tpu.memory_space<vmem>>, vector<1x16xf32>,
        %get3A_955 = vector.shape_cast %get3A_954 : vector<1x16xf32> to vector<16xf32>
        %add3A_956 = arith.addf %add3A_900, %get3A_955 : vector<16xf32>
        %add3A_957 = arith.constant 9 : i32
        %add3A_958 = arith.addi %mul3A_432, %add3A_957 : i32
        %get3A_959 = arith.index_cast %add3A_958 : i32 to index
        %get3A_960 = arith.constant 48 : index
        %get3A_961 = tpu.vector_load %arg14[%get3A_959, %get3A_960] {strides = array<i32>} : memref<128x128xf32, #tpu.memory_space<vmem>>, vector<1x16xf32>,
        %get3A_962 = vector.shape_cast %get3A_961 : vector<1x16xf32> to vector<16xf32>
        %add3A_963 = arith.addf %add3A_907, %get3A_962 : vector<16xf32>
        %add3A_964 = arith.constant 9 : i32
        %add3A_965 = arith.addi %mul3A_432, %add3A_964 : i32
        %get3A_966 = arith.index_cast %add3A_965 : i32 to index
        %get3A_967 = arith.constant 64 : index
        %get3A_968 = tpu.vector_load %arg14[%get3A_966, %get3A_967] {strides = array<i32>} : memref<128x128xf32, #tpu.memory_space<vmem>>, vector<1x16xf32>,
        %get3A_969 = vector.shape_cast %get3A_968 : vector<1x16xf32> to vector<16xf32>
        %add3A_970 = arith.addf %add3A_914, %get3A_969 : vector<16xf32>
        %add3A_971 = arith.constant 9 : i32
        %add3A_972 = arith.addi %mul3A_432, %add3A_971 : i32
        %get3A_973 = arith.index_cast %add3A_972 : i32 to index
        %get3A_974 = arith.constant 80 : index
        %get3A_975 = tpu.vector_load %arg14[%get3A_973, %get3A_974] {strides = array<i32>} : memref<128x128xf32, #tpu.memory_space<vmem>>, vector<1x16xf32>,
        %get3A_976 = vector.shape_cast %get3A_975 : vector<1x16xf32> to vector<16xf32>
        %add3A_977 = arith.addf %add3A_921, %get3A_976 : vector<16xf32>
        %add3A_978 = arith.constant 9 : i32
        %add3A_979 = arith.addi %mul3A_432, %add3A_978 : i32
        %get3A_980 = arith.index_cast %add3A_979 : i32 to index
        %get3A_981 = arith.constant 96 : index
        %get3A_982 = tpu.vector_load %arg14[%get3A_980, %get3A_981] {strides = array<i32>} : memref<128x128xf32, #tpu.memory_space<vmem>>, vector<1x16xf32>,
        %get3A_983 = vector.shape_cast %get3A_982 : vector<1x16xf32> to vector<16xf32>
        %add3A_984 = arith.addf %add3A_928, %get3A_983 : vector<16xf32>
        %add3A_985 = arith.constant 9 : i32
        %add3A_986 = arith.addi %mul3A_432, %add3A_985 : i32
        %get3A_987 = arith.index_cast %add3A_986 : i32 to index
        %get3A_988 = arith.constant 112 : index
        %get3A_989 = tpu.vector_load %arg14[%get3A_987, %get3A_988] {strides = array<i32>} : memref<128x128xf32, #tpu.memory_space<vmem>>, vector<1x16xf32>,
        %get3A_990 = vector.shape_cast %get3A_989 : vector<1x16xf32> to vector<16xf32>
        %add3A_991 = arith.addf %add3A_935, %get3A_990 : vector<16xf32>
        %add3A_992 = arith.constant 10 : i32
        %add3A_993 = arith.addi %mul3A_432, %add3A_992 : i32
        %get3A_994 = arith.index_cast %add3A_993 : i32 to index
        %get3A_995 = arith.constant 0 : index
        %get3A_996 = tpu.vector_load %arg14[%get3A_994, %get3A_995] {strides = array<i32>} : memref<128x128xf32, #tpu.memory_space<vmem>>, vector<1x16xf32>,
        %get3A_997 = vector.shape_cast %get3A_996 : vector<1x16xf32> to vector<16xf32>
        %add3A_998 = arith.addf %add3A_942, %get3A_997 : vector<16xf32>
        %add3A_999 = arith.constant 10 : i32
        %add3A_1000 = arith.addi %mul3A_432, %add3A_999 : i32
        %get3A_1001 = arith.index_cast %add3A_1000 : i32 to index
        %get3A_1002 = arith.constant 16 : index
        %get3A_1003 = tpu.vector_load %arg14[%get3A_1001, %get3A_1002] {strides = array<i32>} : memref<128x128xf32, #tpu.memory_space<vmem>>, vector<1x16xf32>,
        %get3A_1004 = vector.shape_cast %get3A_1003 : vector<1x16xf32> to vector<16xf32>
        %add3A_1005 = arith.addf %add3A_949, %get3A_1004 : vector<16xf32>
        %add3A_1006 = arith.constant 10 : i32
        %add3A_1007 = arith.addi %mul3A_432, %add3A_1006 : i32
        %get3A_1008 = arith.index_cast %add3A_1007 : i32 to index
        %get3A_1009 = arith.constant 32 : index
        %get3A_1010 = tpu.vector_load %arg14[%get3A_1008, %get3A_1009] {strides = array<i32>} : memref<128x128xf32, #tpu.memory_space<vmem>>, vector<1x16xf32>,
        %get3A_1011 = vector.shape_cast %get3A_1010 : vector<1x16xf32> to vector<16xf32>
        %add3A_1012 = arith.addf %add3A_956, %get3A_1011 : vector<16xf32>
        %add3A_1013 = arith.constant 10 : i32
        %add3A_1014 = arith.addi %mul3A_432, %add3A_1013 : i32
        %get3A_1015 = arith.index_cast %add3A_1014 : i32 to index
        %get3A_1016 = arith.constant 48 : index
        %get3A_1017 = tpu.vector_load %arg14[%get3A_1015, %get3A_1016] {strides = array<i32>} : memref<128x128xf32, #tpu.memory_space<vmem>>, vector<1x16xf32>,
        %get3A_1018 = vector.shape_cast %get3A_1017 : vector<1x16xf32> to vector<16xf32>
        %add3A_1019 = arith.addf %add3A_963, %get3A_1018 : vector<16xf32>
        %add3A_1020 = arith.constant 10 : i32
        %add3A_1021 = arith.addi %mul3A_432, %add3A_1020 : i32
        %get3A_1022 = arith.index_cast %add3A_1021 : i32 to index
        %get3A_1023 = arith.constant 64 : index
        %get3A_1024 = tpu.vector_load %arg14[%get3A_1022, %get3A_1023] {strides = array<i32>} : memref<128x128xf32, #tpu.memory_space<vmem>>, vector<1x16xf32>,
        %get3A_1025 = vector.shape_cast %get3A_1024 : vector<1x16xf32> to vector<16xf32>
        %add3A_1026 = arith.addf %add3A_970, %get3A_1025 : vector<16xf32>
        %add3A_1027 = arith.constant 10 : i32
        %add3A_1028 = arith.addi %mul3A_432, %add3A_1027 : i32
        %get3A_1029 = arith.index_cast %add3A_1028 : i32 to index
        %get3A_1030 = arith.constant 80 : index
        %get3A_1031 = tpu.vector_load %arg14[%get3A_1029, %get3A_1030] {strides = array<i32>} : memref<128x128xf32, #tpu.memory_space<vmem>>, vector<1x16xf32>,
        %get3A_1032 = vector.shape_cast %get3A_1031 : vector<1x16xf32> to vector<16xf32>
        %add3A_1033 = arith.addf %add3A_977, %get3A_1032 : vector<16xf32>
        %add3A_1034 = arith.constant 10 : i32
        %add3A_1035 = arith.addi %mul3A_432, %add3A_1034 : i32
        %get3A_1036 = arith.index_cast %add3A_1035 : i32 to index
        %get3A_1037 = arith.constant 96 : index
        %get3A_1038 = tpu.vector_load %arg14[%get3A_1036, %get3A_1037] {strides = array<i32>} : memref<128x128xf32, #tpu.memory_space<vmem>>, vector<1x16xf32>,
        %get3A_1039 = vector.shape_cast %get3A_1038 : vector<1x16xf32> to vector<16xf32>
        %add3A_1040 = arith.addf %add3A_984, %get3A_1039 : vector<16xf32>
        %add3A_1041 = arith.constant 10 : i32
        %add3A_1042 = arith.addi %mul3A_432, %add3A_1041 : i32
        %get3A_1043 = arith.index_cast %add3A_1042 : i32 to index
        %get3A_1044 = arith.constant 112 : index
        %get3A_1045 = tpu.vector_load %arg14[%get3A_1043, %get3A_1044] {strides = array<i32>} : memref<128x128xf32, #tpu.memory_space<vmem>>, vector<1x16xf32>,
        %get3A_1046 = vector.shape_cast %get3A_1045 : vector<1x16xf32> to vector<16xf32>
        %add3A_1047 = arith.addf %add3A_991, %get3A_1046 : vector<16xf32>
        %add3A_1048 = arith.constant 11 : i32
        %add3A_1049 = arith.addi %mul3A_432, %add3A_1048 : i32
        %get3A_1050 = arith.index_cast %add3A_1049 : i32 to index
        %get3A_1051 = arith.constant 0 : index
        %get3A_1052 = tpu.vector_load %arg14[%get3A_1050, %get3A_1051] {strides = array<i32>} : memref<128x128xf32, #tpu.memory_space<vmem>>, vector<1x16xf32>,
        %get3A_1053 = vector.shape_cast %get3A_1052 : vector<1x16xf32> to vector<16xf32>
        %add3A_1054 = arith.addf %add3A_998, %get3A_1053 : vector<16xf32>
        %add3A_1055 = arith.constant 11 : i32
        %add3A_1056 = arith.addi %mul3A_432, %add3A_1055 : i32
        %get3A_1057 = arith.index_cast %add3A_1056 : i32 to index
        %get3A_1058 = arith.constant 16 : index
        %get3A_1059 = tpu.vector_load %arg14[%get3A_1057, %get3A_1058] {strides = array<i32>} : memref<128x128xf32, #tpu.memory_space<vmem>>, vector<1x16xf32>,
        %get3A_1060 = vector.shape_cast %get3A_1059 : vector<1x16xf32> to vector<16xf32>
        %add3A_1061 = arith.addf %add3A_1005, %get3A_1060 : vector<16xf32>
        %add3A_1062 = arith.constant 11 : i32
        %add3A_1063 = arith.addi %mul3A_432, %add3A_1062 : i32
        %get3A_1064 = arith.index_cast %add3A_1063 : i32 to index
        %get3A_1065 = arith.constant 32 : index
        %get3A_1066 = tpu.vector_load %arg14[%get3A_1064, %get3A_1065] {strides = array<i32>} : memref<128x128xf32, #tpu.memory_space<vmem>>, vector<1x16xf32>,
        %get3A_1067 = vector.shape_cast %get3A_1066 : vector<1x16xf32> to vector<16xf32>
        %add3A_1068 = arith.addf %add3A_1012, %get3A_1067 : vector<16xf32>
        %add3A_1069 = arith.constant 11 : i32
        %add3A_1070 = arith.addi %mul3A_432, %add3A_1069 : i32
        %get3A_1071 = arith.index_cast %add3A_1070 : i32 to index
        %get3A_1072 = arith.constant 48 : index
        %get3A_1073 = tpu.vector_load %arg14[%get3A_1071, %get3A_1072] {strides = array<i32>} : memref<128x128xf32, #tpu.memory_space<vmem>>, vector<1x16xf32>,
        %get3A_1074 = vector.shape_cast %get3A_1073 : vector<1x16xf32> to vector<16xf32>
        %add3A_1075 = arith.addf %add3A_1019, %get3A_1074 : vector<16xf32>
        %add3A_1076 = arith.constant 11 : i32
        %add3A_1077 = arith.addi %mul3A_432, %add3A_1076 : i32
        %get3A_1078 = arith.index_cast %add3A_1077 : i32 to index
        %get3A_1079 = arith.constant 64 : index
        %get3A_1080 = tpu.vector_load %arg14[%get3A_1078, %get3A_1079] {strides = array<i32>} : memref<128x128xf32, #tpu.memory_space<vmem>>, vector<1x16xf32>,
        %get3A_1081 = vector.shape_cast %get3A_1080 : vector<1x16xf32> to vector<16xf32>
        %add3A_1082 = arith.addf %add3A_1026, %get3A_1081 : vector<16xf32>
        %add3A_1083 = arith.constant 11 : i32
        %add3A_1084 = arith.addi %mul3A_432, %add3A_1083 : i32
        %get3A_1085 = arith.index_cast %add3A_1084 : i32 to index
        %get3A_1086 = arith.constant 80 : index
        %get3A_1087 = tpu.vector_load %arg14[%get3A_1085, %get3A_1086] {strides = array<i32>} : memref<128x128xf32, #tpu.memory_space<vmem>>, vector<1x16xf32>,
        %get3A_1088 = vector.shape_cast %get3A_1087 : vector<1x16xf32> to vector<16xf32>
        %add3A_1089 = arith.addf %add3A_1033, %get3A_1088 : vector<16xf32>
        %add3A_1090 = arith.constant 11 : i32
        %add3A_1091 = arith.addi %mul3A_432, %add3A_1090 : i32
        %get3A_1092 = arith.index_cast %add3A_1091 : i32 to index
        %get3A_1093 = arith.constant 96 : index
        %get3A_1094 = tpu.vector_load %arg14[%get3A_1092, %get3A_1093] {strides = array<i32>} : memref<128x128xf32, #tpu.memory_space<vmem>>, vector<1x16xf32>,
        %get3A_1095 = vector.shape_cast %get3A_1094 : vector<1x16xf32> to vector<16xf32>
        %add3A_1096 = arith.addf %add3A_1040, %get3A_1095 : vector<16xf32>
        %add3A_1097 = arith.constant 11 : i32
        %add3A_1098 = arith.addi %mul3A_432, %add3A_1097 : i32
        %get3A_1099 = arith.index_cast %add3A_1098 : i32 to index
        %get3A_1100 = arith.constant 112 : index
        %get3A_1101 = tpu.vector_load %arg14[%get3A_1099, %get3A_1100] {strides = array<i32>} : memref<128x128xf32, #tpu.memory_space<vmem>>, vector<1x16xf32>,
        %get3A_1102 = vector.shape_cast %get3A_1101 : vector<1x16xf32> to vector<16xf32>
        %add3A_1103 = arith.addf %add3A_1047, %get3A_1102 : vector<16xf32>
        %add3A_1104 = arith.constant 12 : i32
        %add3A_1105 = arith.addi %mul3A_432, %add3A_1104 : i32
        %get3A_1106 = arith.index_cast %add3A_1105 : i32 to index
        %get3A_1107 = arith.constant 0 : index
        %get3A_1108 = tpu.vector_load %arg14[%get3A_1106, %get3A_1107] {strides = array<i32>} : memref<128x128xf32, #tpu.memory_space<vmem>>, vector<1x16xf32>,
        %get3A_1109 = vector.shape_cast %get3A_1108 : vector<1x16xf32> to vector<16xf32>
        %add3A_1110 = arith.addf %add3A_1054, %get3A_1109 : vector<16xf32>
        %add3A_1111 = arith.constant 12 : i32
        %add3A_1112 = arith.addi %mul3A_432, %add3A_1111 : i32
        %get3A_1113 = arith.index_cast %add3A_1112 : i32 to index
        %get3A_1114 = arith.constant 16 : index
        %get3A_1115 = tpu.vector_load %arg14[%get3A_1113, %get3A_1114] {strides = array<i32>} : memref<128x128xf32, #tpu.memory_space<vmem>>, vector<1x16xf32>,
        %get3A_1116 = vector.shape_cast %get3A_1115 : vector<1x16xf32> to vector<16xf32>
        %add3A_1117 = arith.addf %add3A_1061, %get3A_1116 : vector<16xf32>
        %add3A_1118 = arith.constant 12 : i32
        %add3A_1119 = arith.addi %mul3A_432, %add3A_1118 : i32
        %get3A_1120 = arith.index_cast %add3A_1119 : i32 to index
        %get3A_1121 = arith.constant 32 : index
        %get3A_1122 = tpu.vector_load %arg14[%get3A_1120, %get3A_1121] {strides = array<i32>} : memref<128x128xf32, #tpu.memory_space<vmem>>, vector<1x16xf32>,
        %get3A_1123 = vector.shape_cast %get3A_1122 : vector<1x16xf32> to vector<16xf32>
        %add3A_1124 = arith.addf %add3A_1068, %get3A_1123 : vector<16xf32>
        %add3A_1125 = arith.constant 12 : i32
        %add3A_1126 = arith.addi %mul3A_432, %add3A_1125 : i32
        %get3A_1127 = arith.index_cast %add3A_1126 : i32 to index
        %get3A_1128 = arith.constant 48 : index
        %get3A_1129 = tpu.vector_load %arg14[%get3A_1127, %get3A_1128] {strides = array<i32>} : memref<128x128xf32, #tpu.memory_space<vmem>>, vector<1x16xf32>,
        %get3A_1130 = vector.shape_cast %get3A_1129 : vector<1x16xf32> to vector<16xf32>
        %add3A_1131 = arith.addf %add3A_1075, %get3A_1130 : vector<16xf32>
        %add3A_1132 = arith.constant 12 : i32
        %add3A_1133 = arith.addi %mul3A_432, %add3A_1132 : i32
        %get3A_1134 = arith.index_cast %add3A_1133 : i32 to index
        %get3A_1135 = arith.constant 64 : index
        %get3A_1136 = tpu.vector_load %arg14[%get3A_1134, %get3A_1135] {strides = array<i32>} : memref<128x128xf32, #tpu.memory_space<vmem>>, vector<1x16xf32>,
        %get3A_1137 = vector.shape_cast %get3A_1136 : vector<1x16xf32> to vector<16xf32>
        %add3A_1138 = arith.addf %add3A_1082, %get3A_1137 : vector<16xf32>
        %add3A_1139 = arith.constant 12 : i32
        %add3A_1140 = arith.addi %mul3A_432, %add3A_1139 : i32
        %get3A_1141 = arith.index_cast %add3A_1140 : i32 to index
        %get3A_1142 = arith.constant 80 : index
        %get3A_1143 = tpu.vector_load %arg14[%get3A_1141, %get3A_1142] {strides = array<i32>} : memref<128x128xf32, #tpu.memory_space<vmem>>, vector<1x16xf32>,
        %get3A_1144 = vector.shape_cast %get3A_1143 : vector<1x16xf32> to vector<16xf32>
        %add3A_1145 = arith.addf %add3A_1089, %get3A_1144 : vector<16xf32>
        %add3A_1146 = arith.constant 12 : i32
        %add3A_1147 = arith.addi %mul3A_432, %add3A_1146 : i32
        %get3A_1148 = arith.index_cast %add3A_1147 : i32 to index
        %get3A_1149 = arith.constant 96 : index
        %get3A_1150 = tpu.vector_load %arg14[%get3A_1148, %get3A_1149] {strides = array<i32>} : memref<128x128xf32, #tpu.memory_space<vmem>>, vector<1x16xf32>,
        %get3A_1151 = vector.shape_cast %get3A_1150 : vector<1x16xf32> to vector<16xf32>
        %add3A_1152 = arith.addf %add3A_1096, %get3A_1151 : vector<16xf32>
        %add3A_1153 = arith.constant 12 : i32
        %add3A_1154 = arith.addi %mul3A_432, %add3A_1153 : i32
        %get3A_1155 = arith.index_cast %add3A_1154 : i32 to index
        %get3A_1156 = arith.constant 112 : index
        %get3A_1157 = tpu.vector_load %arg14[%get3A_1155, %get3A_1156] {strides = array<i32>} : memref<128x128xf32, #tpu.memory_space<vmem>>, vector<1x16xf32>,
        %get3A_1158 = vector.shape_cast %get3A_1157 : vector<1x16xf32> to vector<16xf32>
        %add3A_1159 = arith.addf %add3A_1103, %get3A_1158 : vector<16xf32>
        %add3A_1160 = arith.constant 13 : i32
        %add3A_1161 = arith.addi %mul3A_432, %add3A_1160 : i32
        %get3A_1162 = arith.index_cast %add3A_1161 : i32 to index
        %get3A_1163 = arith.constant 0 : index
        %get3A_1164 = tpu.vector_load %arg14[%get3A_1162, %get3A_1163] {strides = array<i32>} : memref<128x128xf32, #tpu.memory_space<vmem>>, vector<1x16xf32>,
        %get3A_1165 = vector.shape_cast %get3A_1164 : vector<1x16xf32> to vector<16xf32>
        %add3A_1166 = arith.addf %add3A_1110, %get3A_1165 : vector<16xf32>
        %add3A_1167 = arith.constant 13 : i32
        %add3A_1168 = arith.addi %mul3A_432, %add3A_1167 : i32
        %get3A_1169 = arith.index_cast %add3A_1168 : i32 to index
        %get3A_1170 = arith.constant 16 : index
        %get3A_1171 = tpu.vector_load %arg14[%get3A_1169, %get3A_1170] {strides = array<i32>} : memref<128x128xf32, #tpu.memory_space<vmem>>, vector<1x16xf32>,
        %get3A_1172 = vector.shape_cast %get3A_1171 : vector<1x16xf32> to vector<16xf32>
        %add3A_1173 = arith.addf %add3A_1117, %get3A_1172 : vector<16xf32>
        %add3A_1174 = arith.constant 13 : i32
        %add3A_1175 = arith.addi %mul3A_432, %add3A_1174 : i32
        %get3A_1176 = arith.index_cast %add3A_1175 : i32 to index
        %get3A_1177 = arith.constant 32 : index
        %get3A_1178 = tpu.vector_load %arg14[%get3A_1176, %get3A_1177] {strides = array<i32>} : memref<128x128xf32, #tpu.memory_space<vmem>>, vector<1x16xf32>,
        %get3A_1179 = vector.shape_cast %get3A_1178 : vector<1x16xf32> to vector<16xf32>
        %add3A_1180 = arith.addf %add3A_1124, %get3A_1179 : vector<16xf32>
        %add3A_1181 = arith.constant 13 : i32
        %add3A_1182 = arith.addi %mul3A_432, %add3A_1181 : i32
        %get3A_1183 = arith.index_cast %add3A_1182 : i32 to index
        %get3A_1184 = arith.constant 48 : index
        %get3A_1185 = tpu.vector_load %arg14[%get3A_1183, %get3A_1184] {strides = array<i32>} : memref<128x128xf32, #tpu.memory_space<vmem>>, vector<1x16xf32>,
        %get3A_1186 = vector.shape_cast %get3A_1185 : vector<1x16xf32> to vector<16xf32>
        %add3A_1187 = arith.addf %add3A_1131, %get3A_1186 : vector<16xf32>
        %add3A_1188 = arith.constant 13 : i32
        %add3A_1189 = arith.addi %mul3A_432, %add3A_1188 : i32
        %get3A_1190 = arith.index_cast %add3A_1189 : i32 to index
        %get3A_1191 = arith.constant 64 : index
        %get3A_1192 = tpu.vector_load %arg14[%get3A_1190, %get3A_1191] {strides = array<i32>} : memref<128x128xf32, #tpu.memory_space<vmem>>, vector<1x16xf32>,
        %get3A_1193 = vector.shape_cast %get3A_1192 : vector<1x16xf32> to vector<16xf32>
        %add3A_1194 = arith.addf %add3A_1138, %get3A_1193 : vector<16xf32>
        %add3A_1195 = arith.constant 13 : i32
        %add3A_1196 = arith.addi %mul3A_432, %add3A_1195 : i32
        %get3A_1197 = arith.index_cast %add3A_1196 : i32 to index
        %get3A_1198 = arith.constant 80 : index
        %get3A_1199 = tpu.vector_load %arg14[%get3A_1197, %get3A_1198] {strides = array<i32>} : memref<128x128xf32, #tpu.memory_space<vmem>>, vector<1x16xf32>,
        %get3A_1200 = vector.shape_cast %get3A_1199 : vector<1x16xf32> to vector<16xf32>
        %add3A_1201 = arith.addf %add3A_1145, %get3A_1200 : vector<16xf32>
        %add3A_1202 = arith.constant 13 : i32
        %add3A_1203 = arith.addi %mul3A_432, %add3A_1202 : i32
        %get3A_1204 = arith.index_cast %add3A_1203 : i32 to index
        %get3A_1205 = arith.constant 96 : index
        %get3A_1206 = tpu.vector_load %arg14[%get3A_1204, %get3A_1205] {strides = array<i32>} : memref<128x128xf32, #tpu.memory_space<vmem>>, vector<1x16xf32>,
        %get3A_1207 = vector.shape_cast %get3A_1206 : vector<1x16xf32> to vector<16xf32>
        %add3A_1208 = arith.addf %add3A_1152, %get3A_1207 : vector<16xf32>
        %add3A_1209 = arith.constant 13 : i32
        %add3A_1210 = arith.addi %mul3A_432, %add3A_1209 : i32
        %get3A_1211 = arith.index_cast %add3A_1210 : i32 to index
        %get3A_1212 = arith.constant 112 : index
        %get3A_1213 = tpu.vector_load %arg14[%get3A_1211, %get3A_1212] {strides = array<i32>} : memref<128x128xf32, #tpu.memory_space<vmem>>, vector<1x16xf32>,
        %get3A_1214 = vector.shape_cast %get3A_1213 : vector<1x16xf32> to vector<16xf32>
        %add3A_1215 = arith.addf %add3A_1159, %get3A_1214 : vector<16xf32>
        %add3A_1216 = arith.constant 14 : i32
        %add3A_1217 = arith.addi %mul3A_432, %add3A_1216 : i32
        %get3A_1218 = arith.index_cast %add3A_1217 : i32 to index
        %get3A_1219 = arith.constant 0 : index
        %get3A_1220 = tpu.vector_load %arg14[%get3A_1218, %get3A_1219] {strides = array<i32>} : memref<128x128xf32, #tpu.memory_space<vmem>>, vector<1x16xf32>,
        %get3A_1221 = vector.shape_cast %get3A_1220 : vector<1x16xf32> to vector<16xf32>
        %add3A_1222 = arith.addf %add3A_1166, %get3A_1221 : vector<16xf32>
        %add3A_1223 = arith.constant 14 : i32
        %add3A_1224 = arith.addi %mul3A_432, %add3A_1223 : i32
        %get3A_1225 = arith.index_cast %add3A_1224 : i32 to index
        %get3A_1226 = arith.constant 16 : index
        %get3A_1227 = tpu.vector_load %arg14[%get3A_1225, %get3A_1226] {strides = array<i32>} : memref<128x128xf32, #tpu.memory_space<vmem>>, vector<1x16xf32>,
        %get3A_1228 = vector.shape_cast %get3A_1227 : vector<1x16xf32> to vector<16xf32>
        %add3A_1229 = arith.addf %add3A_1173, %get3A_1228 : vector<16xf32>
        %add3A_1230 = arith.constant 14 : i32
        %add3A_1231 = arith.addi %mul3A_432, %add3A_1230 : i32
        %get3A_1232 = arith.index_cast %add3A_1231 : i32 to index
        %get3A_1233 = arith.constant 32 : index
        %get3A_1234 = tpu.vector_load %arg14[%get3A_1232, %get3A_1233] {strides = array<i32>} : memref<128x128xf32, #tpu.memory_space<vmem>>, vector<1x16xf32>,
        %get3A_1235 = vector.shape_cast %get3A_1234 : vector<1x16xf32> to vector<16xf32>
        %add3A_1236 = arith.addf %add3A_1180, %get3A_1235 : vector<16xf32>
        %add3A_1237 = arith.constant 14 : i32
        %add3A_1238 = arith.addi %mul3A_432, %add3A_1237 : i32
        %get3A_1239 = arith.index_cast %add3A_1238 : i32 to index
        %get3A_1240 = arith.constant 48 : index
        %get3A_1241 = tpu.vector_load %arg14[%get3A_1239, %get3A_1240] {strides = array<i32>} : memref<128x128xf32, #tpu.memory_space<vmem>>, vector<1x16xf32>,
        %get3A_1242 = vector.shape_cast %get3A_1241 : vector<1x16xf32> to vector<16xf32>
        %add3A_1243 = arith.addf %add3A_1187, %get3A_1242 : vector<16xf32>
        %add3A_1244 = arith.constant 14 : i32
        %add3A_1245 = arith.addi %mul3A_432, %add3A_1244 : i32
        %get3A_1246 = arith.index_cast %add3A_1245 : i32 to index
        %get3A_1247 = arith.constant 64 : index
        %get3A_1248 = tpu.vector_load %arg14[%get3A_1246, %get3A_1247] {strides = array<i32>} : memref<128x128xf32, #tpu.memory_space<vmem>>, vector<1x16xf32>,
        %get3A_1249 = vector.shape_cast %get3A_1248 : vector<1x16xf32> to vector<16xf32>
        %add3A_1250 = arith.addf %add3A_1194, %get3A_1249 : vector<16xf32>
        %add3A_1251 = arith.constant 14 : i32
        %add3A_1252 = arith.addi %mul3A_432, %add3A_1251 : i32
        %get3A_1253 = arith.index_cast %add3A_1252 : i32 to index
        %get3A_1254 = arith.constant 80 : index
        %get3A_1255 = tpu.vector_load %arg14[%get3A_1253, %get3A_1254] {strides = array<i32>} : memref<128x128xf32, #tpu.memory_space<vmem>>, vector<1x16xf32>,
        %get3A_1256 = vector.shape_cast %get3A_1255 : vector<1x16xf32> to vector<16xf32>
        %add3A_1257 = arith.addf %add3A_1201, %get3A_1256 : vector<16xf32>
        %add3A_1258 = arith.constant 14 : i32
        %add3A_1259 = arith.addi %mul3A_432, %add3A_1258 : i32
        %get3A_1260 = arith.index_cast %add3A_1259 : i32 to index
        %get3A_1261 = arith.constant 96 : index
        %get3A_1262 = tpu.vector_load %arg14[%get3A_1260, %get3A_1261] {strides = array<i32>} : memref<128x128xf32, #tpu.memory_space<vmem>>, vector<1x16xf32>,
        %get3A_1263 = vector.shape_cast %get3A_1262 : vector<1x16xf32> to vector<16xf32>
        %add3A_1264 = arith.addf %add3A_1208, %get3A_1263 : vector<16xf32>
        %add3A_1265 = arith.constant 14 : i32
        %add3A_1266 = arith.addi %mul3A_432, %add3A_1265 : i32
        %get3A_1267 = arith.index_cast %add3A_1266 : i32 to index
        %get3A_1268 = arith.constant 112 : index
        %get3A_1269 = tpu.vector_load %arg14[%get3A_1267, %get3A_1268] {strides = array<i32>} : memref<128x128xf32, #tpu.memory_space<vmem>>, vector<1x16xf32>,
        %get3A_1270 = vector.shape_cast %get3A_1269 : vector<1x16xf32> to vector<16xf32>
        %add3A_1271 = arith.addf %add3A_1215, %get3A_1270 : vector<16xf32>
        %add3A_1272 = arith.constant 15 : i32
        %add3A_1273 = arith.addi %mul3A_432, %add3A_1272 : i32
        %get3A_1274 = arith.index_cast %add3A_1273 : i32 to index
        %get3A_1275 = arith.constant 0 : index
        %get3A_1276 = tpu.vector_load %arg14[%get3A_1274, %get3A_1275] {strides = array<i32>} : memref<128x128xf32, #tpu.memory_space<vmem>>, vector<1x16xf32>,
        %get3A_1277 = vector.shape_cast %get3A_1276 : vector<1x16xf32> to vector<16xf32>
        %add3A_1278 = arith.addf %add3A_1222, %get3A_1277 : vector<16xf32>
        %add3A_1279 = arith.constant 15 : i32
        %add3A_1280 = arith.addi %mul3A_432, %add3A_1279 : i32
        %get3A_1281 = arith.index_cast %add3A_1280 : i32 to index
        %get3A_1282 = arith.constant 16 : index
        %get3A_1283 = tpu.vector_load %arg14[%get3A_1281, %get3A_1282] {strides = array<i32>} : memref<128x128xf32, #tpu.memory_space<vmem>>, vector<1x16xf32>,
        %get3A_1284 = vector.shape_cast %get3A_1283 : vector<1x16xf32> to vector<16xf32>
        %add3A_1285 = arith.addf %add3A_1229, %get3A_1284 : vector<16xf32>
        %add3A_1286 = arith.constant 15 : i32
        %add3A_1287 = arith.addi %mul3A_432, %add3A_1286 : i32
        %get3A_1288 = arith.index_cast %add3A_1287 : i32 to index
        %get3A_1289 = arith.constant 32 : index
        %get3A_1290 = tpu.vector_load %arg14[%get3A_1288, %get3A_1289] {strides = array<i32>} : memref<128x128xf32, #tpu.memory_space<vmem>>, vector<1x16xf32>,
        %get3A_1291 = vector.shape_cast %get3A_1290 : vector<1x16xf32> to vector<16xf32>
        %add3A_1292 = arith.addf %add3A_1236, %get3A_1291 : vector<16xf32>
        %add3A_1293 = arith.constant 15 : i32
        %add3A_1294 = arith.addi %mul3A_432, %add3A_1293 : i32
        %get3A_1295 = arith.index_cast %add3A_1294 : i32 to index
        %get3A_1296 = arith.constant 48 : index
        %get3A_1297 = tpu.vector_load %arg14[%get3A_1295, %get3A_1296] {strides = array<i32>} : memref<128x128xf32, #tpu.memory_space<vmem>>, vector<1x16xf32>,
        %get3A_1298 = vector.shape_cast %get3A_1297 : vector<1x16xf32> to vector<16xf32>
        %add3A_1299 = arith.addf %add3A_1243, %get3A_1298 : vector<16xf32>
        %add3A_1300 = arith.constant 15 : i32
        %add3A_1301 = arith.addi %mul3A_432, %add3A_1300 : i32
        %get3A_1302 = arith.index_cast %add3A_1301 : i32 to index
        %get3A_1303 = arith.constant 64 : index
        %get3A_1304 = tpu.vector_load %arg14[%get3A_1302, %get3A_1303] {strides = array<i32>} : memref<128x128xf32, #tpu.memory_space<vmem>>, vector<1x16xf32>,
        %get3A_1305 = vector.shape_cast %get3A_1304 : vector<1x16xf32> to vector<16xf32>
        %add3A_1306 = arith.addf %add3A_1250, %get3A_1305 : vector<16xf32>
        %add3A_1307 = arith.constant 15 : i32
        %add3A_1308 = arith.addi %mul3A_432, %add3A_1307 : i32
        %get3A_1309 = arith.index_cast %add3A_1308 : i32 to index
        %get3A_1310 = arith.constant 80 : index
        %get3A_1311 = tpu.vector_load %arg14[%get3A_1309, %get3A_1310] {strides = array<i32>} : memref<128x128xf32, #tpu.memory_space<vmem>>, vector<1x16xf32>,
        %get3A_1312 = vector.shape_cast %get3A_1311 : vector<1x16xf32> to vector<16xf32>
        %add3A_1313 = arith.addf %add3A_1257, %get3A_1312 : vector<16xf32>
        %add3A_1314 = arith.constant 15 : i32
        %add3A_1315 = arith.addi %mul3A_432, %add3A_1314 : i32
        %get3A_1316 = arith.index_cast %add3A_1315 : i32 to index
        %get3A_1317 = arith.constant 96 : index
        %get3A_1318 = tpu.vector_load %arg14[%get3A_1316, %get3A_1317] {strides = array<i32>} : memref<128x128xf32, #tpu.memory_space<vmem>>, vector<1x16xf32>,
        %get3A_1319 = vector.shape_cast %get3A_1318 : vector<1x16xf32> to vector<16xf32>
        %add3A_1320 = arith.addf %add3A_1264, %get3A_1319 : vector<16xf32>
        %add3A_1321 = arith.constant 15 : i32
        %add3A_1322 = arith.addi %mul3A_432, %add3A_1321 : i32
        %get3A_1323 = arith.index_cast %add3A_1322 : i32 to index
        %get3A_1324 = arith.constant 112 : index
        %get3A_1325 = tpu.vector_load %arg14[%get3A_1323, %get3A_1324] {strides = array<i32>} : memref<128x128xf32, #tpu.memory_space<vmem>>, vector<1x16xf32>,
        %get3A_1326 = vector.shape_cast %get3A_1325 : vector<1x16xf32> to vector<16xf32>
        %add3A_1327 = arith.addf %add3A_1271, %get3A_1326 : vector<16xf32>
        %swap3A = arith.index_cast %scan3A_429 : i32 to index
        %swap3A_1328 = arith.constant 0 : index
        %swap3A_1329 = tpu.vector_load %arg16[%swap3A, %swap3A_1328] {strides = array<i32>} : memref<8x128xf32, #tpu.memory_space<vmem>>, vector<1x16xf32>,
        %swap3A_1330 = vector.shape_cast %swap3A_1329 : vector<1x16xf32> to vector<16xf32>
        %swap3A_1331 = vector.shape_cast %add3A_1278 : vector<16xf32> to vector<1x16xf32>
        tpu.vector_store %arg16[%swap3A, %swap3A_1328], %swap3A_1331 {strides = array<i32>} : memref<8x128xf32, #tpu.memory_space<vmem>>, vector<1x16xf32>,
        %swap3A_1332 = arith.index_cast %scan3A_429 : i32 to index
        %swap3A_1333 = arith.constant 16 : index
        %swap3A_1334 = tpu.vector_load %arg16[%swap3A_1332, %swap3A_1333] {strides = array<i32>} : memref<8x128xf32, #tpu.memory_space<vmem>>, vector<1x16xf32>,
        %swap3A_1335 = vector.shape_cast %swap3A_1334 : vector<1x16xf32> to vector<16xf32>
        %swap3A_1336 = vector.shape_cast %add3A_1285 : vector<16xf32> to vector<1x16xf32>
        tpu.vector_store %arg16[%swap3A_1332, %swap3A_1333], %swap3A_1336 {strides = array<i32>} : memref<8x128xf32, #tpu.memory_space<vmem>>, vector<1x16xf32>,
        %swap3A_1337 = arith.index_cast %scan3A_429 : i32 to index
        %swap3A_1338 = arith.constant 32 : index
        %swap3A_1339 = tpu.vector_load %arg16[%swap3A_1337, %swap3A_1338] {strides = array<i32>} : memref<8x128xf32, #tpu.memory_space<vmem>>, vector<1x16xf32>,
        %swap3A_1340 = vector.shape_cast %swap3A_1339 : vector<1x16xf32> to vector<16xf32>
        %swap3A_1341 = vector.shape_cast %add3A_1292 : vector<16xf32> to vector<1x16xf32>
        tpu.vector_store %arg16[%swap3A_1337, %swap3A_1338], %swap3A_1341 {strides = array<i32>} : memref<8x128xf32, #tpu.memory_space<vmem>>, vector<1x16xf32>,
        %swap3A_1342 = arith.index_cast %scan3A_429 : i32 to index
        %swap3A_1343 = arith.constant 48 : index
        %swap3A_1344 = tpu.vector_load %arg16[%swap3A_1342, %swap3A_1343] {strides = array<i32>} : memref<8x128xf32, #tpu.memory_space<vmem>>, vector<1x16xf32>,
        %swap3A_1345 = vector.shape_cast %swap3A_1344 : vector<1x16xf32> to vector<16xf32>
        %swap3A_1346 = vector.shape_cast %add3A_1299 : vector<16xf32> to vector<1x16xf32>
        tpu.vector_store %arg16[%swap3A_1342, %swap3A_1343], %swap3A_1346 {strides = array<i32>} : memref<8x128xf32, #tpu.memory_space<vmem>>, vector<1x16xf32>,
        %swap3A_1347 = arith.index_cast %scan3A_429 : i32 to index
        %swap3A_1348 = arith.constant 64 : index
        %swap3A_1349 = tpu.vector_load %arg16[%swap3A_1347, %swap3A_1348] {strides = array<i32>} : memref<8x128xf32, #tpu.memory_space<vmem>>, vector<1x16xf32>,
        %swap3A_1350 = vector.shape_cast %swap3A_1349 : vector<1x16xf32> to vector<16xf32>
        %swap3A_1351 = vector.shape_cast %add3A_1306 : vector<16xf32> to vector<1x16xf32>
        tpu.vector_store %arg16[%swap3A_1347, %swap3A_1348], %swap3A_1351 {strides = array<i32>} : memref<8x128xf32, #tpu.memory_space<vmem>>, vector<1x16xf32>,
        %swap3A_1352 = arith.index_cast %scan3A_429 : i32 to index
        %swap3A_1353 = arith.constant 80 : index
        %swap3A_1354 = tpu.vector_load %arg16[%swap3A_1352, %swap3A_1353] {strides = array<i32>} : memref<8x128xf32, #tpu.memory_space<vmem>>, vector<1x16xf32>,
        %swap3A_1355 = vector.shape_cast %swap3A_1354 : vector<1x16xf32> to vector<16xf32>
        %swap3A_1356 = vector.shape_cast %add3A_1313 : vector<16xf32> to vector<1x16xf32>
        tpu.vector_store %arg16[%swap3A_1352, %swap3A_1353], %swap3A_1356 {strides = array<i32>} : memref<8x128xf32, #tpu.memory_space<vmem>>, vector<1x16xf32>,
        %swap3A_1357 = arith.index_cast %scan3A_429 : i32 to index
        %swap3A_1358 = arith.constant 96 : index
        %swap3A_1359 = tpu.vector_load %arg16[%swap3A_1357, %swap3A_1358] {strides = array<i32>} : memref<8x128xf32, #tpu.memory_space<vmem>>, vector<1x16xf32>,
        %swap3A_1360 = vector.shape_cast %swap3A_1359 : vector<1x16xf32> to vector<16xf32>
        %swap3A_1361 = vector.shape_cast %add3A_1320 : vector<16xf32> to vector<1x16xf32>
        tpu.vector_store %arg16[%swap3A_1357, %swap3A_1358], %swap3A_1361 {strides = array<i32>} : memref<8x128xf32, #tpu.memory_space<vmem>>, vector<1x16xf32>,
        %swap3A_1362 = arith.index_cast %scan3A_429 : i32 to index
        %swap3A_1363 = arith.constant 112 : index
        %swap3A_1364 = tpu.vector_load %arg16[%swap3A_1362, %swap3A_1363] {strides = array<i32>} : memref<8x128xf32, #tpu.memory_space<vmem>>, vector<1x16xf32>,
        %swap3A_1365 = vector.shape_cast %swap3A_1364 : vector<1x16xf32> to vector<16xf32>
        %swap3A_1366 = vector.shape_cast %add3A_1327 : vector<16xf32> to vector<1x16xf32>
        tpu.vector_store %arg16[%swap3A_1362, %swap3A_1363], %swap3A_1366 {strides = array<i32>} : memref<8x128xf32, #tpu.memory_space<vmem>>, vector<1x16xf32>,
        %scan3A_1367 = arith.constant 0 : i32
        scf.yield %scan3A_1367 : i32
      }
      %scan3A_411 = arith.constant 8 : i32
      %mul3A_412 = arith.constant 1024 : i32
      %mul3A_413 = arith.muli %add3A, %mul3A_412 : i32
      %mul3A_414 = arith.constant 8 : i32
      %mul3A_415 = arith.muli %add3A_393, %mul3A_414 : i32
      %add3A_416 = arith.addi %mul3A_413, %mul3A_415 : i32
      %dma_start3A_417 = arith.constant 0 : i32
      %dma_start3A_418 = tpu.memref_slice %arg8[%add3A_416, %dma_start3A_417] : memref<32768x128xf32, #tpu.memory_space<hbm>> -> memref<8x128xf32, #tpu.memory_space<hbm>>
      %dma_start3A_419 = arith.constant 0 : i32
      %dma_start3A_420 = tpu.memref_slice %arg8[%add3A_416, %dma_start3A_419] : memref<32768x128xf32, #tpu.memory_space<hbm>> -> memref<8x128xf32, #tpu.memory_space<hbm>>
      tpu.enqueue_dma source(%arg16 : memref<8x128xf32, #tpu.memory_space<vmem>>) target(%dma_start3A_420 : memref<8x128xf32, #tpu.memory_space<hbm>>) target_semaphore(%arg22 : memref<!tpu.dma_semaphore, #tpu.memory_space<semaphore_mem>>)
      %add3A_421 = arith.constant 4 : i32
      %add3A_422 = arith.addi %add3A_393, %add3A_421 : i32
      %lt3A_423 = arith.constant 128 : i32
      %lt3A_424 = arith.cmpi slt, %add3A_422, %lt3A_423 : i32
      %convert_element_type3A_425 = arith.extui %lt3A_424 : i1 to i32
      %cond3A_426 = arith.constant 0 : i32
      %cond3A_427 = arith.cmpi ne, %convert_element_type3A_425, %cond3A_426 : i32
      scf.if %cond3A_427 {
        %add3A_429 = arith.constant 4 : i32
        %add3A_430 = arith.addi %add3A_393, %add3A_429 : i32
        %mul3A_431 = arith.constant 128 : i32
        %mul3A_432 = arith.muli %add3A_430, %mul3A_431 : i32
        %dma_start3A_433 = tpu.memref_slice %arg9[%mul3A_432] : memref<16384xi32, #tpu.memory_space<vmem>> -> memref<128xi32, #tpu.memory_space<vmem>>
        %dma_start3A_434 = arith.constant 0 : i32
        %dma_start3A_435 = arith.constant 0 : i32
        %dma_start3A_436 = tpu.memref_slice %arg5[%dma_start3A_434, %dma_start3A_435] : memref<100000x128xf32, #tpu.memory_space<hbm>> -> memref<100000x128xf32, #tpu.memory_space<hbm>>
        tpu.enqueue_indirect_dma source(%dma_start3A_436 : memref<100000x128xf32, #tpu.memory_space<hbm>>) target(%arg14 : memref<128x128xf32, #tpu.memory_space<vmem>>) offsets(%dma_start3A_433 : memref<128xi32, #tpu.memory_space<vmem>>) semaphore(%arg20 : memref<!tpu.dma_semaphore, #tpu.memory_space<semaphore_mem>>)
      } else {
      }
      %scan3A_428 = arith.constant 0 : i32
      scf.yield %scan3A_428 : i32
    }
    %scan3A_273 = arith.constant 32 : i32
    %dma_wait3A_274 = arith.constant 0 : i32
    %dma_wait3A_275 = arith.constant 0 : i32
    %dma_wait3A_276 = tpu.memref_slice %arg8[%dma_wait3A_274, %dma_wait3A_275] : memref<32768x128xf32, #tpu.memory_space<hbm>> -> memref<8x128xf32, #tpu.memory_space<hbm>>
    %dma_wait3A_277 = arith.constant 0 : i32
    %dma_wait3A_278 = arith.constant 0 : i32
    %dma_wait3A_279 = tpu.memref_slice %arg8[%dma_wait3A_277, %dma_wait3A_278] : memref<32768x128xf32, #tpu.memory_space<hbm>> -> memref<8x128xf32, #tpu.memory_space<hbm>>
    tpu.wait_dma2 semaphore(%arg21 : memref<!tpu.dma_semaphore, #tpu.memory_space<semaphore_mem>>) src(%arg15 : memref<8x128xf32, #tpu.memory_space<vmem>>) dst(%dma_wait3A_279 : memref<8x128xf32, #tpu.memory_space<hbm>>)
    %dma_wait3A_280 = arith.constant 0 : i32
    %dma_wait3A_281 = arith.constant 0 : i32
    %dma_wait3A_282 = tpu.memref_slice %arg8[%dma_wait3A_280, %dma_wait3A_281] : memref<32768x128xf32, #tpu.memory_space<hbm>> -> memref<8x128xf32, #tpu.memory_space<hbm>>
    %dma_wait3A_283 = arith.constant 0 : i32
    %dma_wait3A_284 = arith.constant 0 : i32
    %dma_wait3A_285 = tpu.memref_slice %arg8[%dma_wait3A_283, %dma_wait3A_284] : memref<32768x128xf32, #tpu.memory_space<hbm>> -> memref<8x128xf32, #tpu.memory_space<hbm>>
    tpu.wait_dma2 semaphore(%arg22 : memref<!tpu.dma_semaphore, #tpu.memory_space<semaphore_mem>>) src(%arg16 : memref<8x128xf32, #tpu.memory_space<vmem>>) dst(%dma_wait3A_285 : memref<8x128xf32, #tpu.memory_space<hbm>>)
    return
  }
}

module attributes {stable_mosaic.version = 14 : i64} {
  func.func @_tc_body(%arg0: i32, %arg1: memref<1x2xf32, #tpu.memory_space<smem>>, %arg2: memref<512x128xf32, #tpu.memory_space<vmem>>, %arg3: memref<8192x128xf32, #tpu.memory_space<vmem>>, %arg4: memref<8192x128xf32, #tpu.memory_space<vmem>>, %arg5: memref<128x128xf32, #tpu.memory_space<vmem>>, %arg6: memref<1x128xf32, #tpu.memory_space<vmem>>, %arg7: memref<256x128xf32, #tpu.memory_space<vmem>>) attributes {dimension_semantics = [#tpu.dimension_semantics<arbitrary>], iteration_bounds = array<i64: 4>, scalar_prefetch = 0 : i64, scratch_operands = 0 : i64, tpu.core_type = #tpu.core_type<tc>, window_params = [{transform_indices = @transform_0, window_bounds = array<i64: 1, 2>}, {transform_indices = @transform_1, window_bounds = array<i64: 512, 128>}, {transform_indices = @transform_2, window_bounds = array<i64: 8192, 128>}, {transform_indices = @transform_3, window_bounds = array<i64: 8192, 128>}, {pipeline_mode = #tpu.pipeline_mode<synchronous>, transform_indices = @transform_4, window_bounds = array<i64: 128, 128>}, {pipeline_mode = #tpu.pipeline_mode<synchronous>, transform_indices = @transform_5, window_bounds = array<i64: 1, 128>}, {transform_indices = @transform_6, window_bounds = array<i64: 256, 128>}]} {
    %get3A = arith.constant 0 : index
    %get3A_0 = arith.constant 0 : index
    %get3A_1 = vector.load %arg3[%get3A, %get3A_0] : memref<8192x128xf32, #tpu.memory_space<vmem>>, vector<8192x128xf32>
    %get3A_2 = arith.constant 0 : index
    %get3A_3 = arith.constant 0 : index
    %get3A_4 = vector.load %arg5[%get3A_2, %get3A_3] : memref<128x128xf32, #tpu.memory_space<vmem>>, vector<128x128xf32>
    %get3A_5 = arith.constant 0 : index
    %get3A_6 = arith.constant 0 : index
    %get3A_7 = vector.load %arg6[%get3A_5, %get3A_6] : memref<1x128xf32, #tpu.memory_space<vmem>>, vector<1x128xf32>
    %get3A_8 = arith.constant 0 : index
    %get3A_9 = arith.constant 0 : index
    %get3A_10 = vector.load %arg4[%get3A_8, %get3A_9] : memref<8192x128xf32, #tpu.memory_space<vmem>>, vector<8192x128xf32>
    %mul3A = arith.constant 6.250000e-02 : f32
    %mul3A_11 = vector.broadcast %mul3A : f32 to vector<8192x128xf32>
    %mul3A_12 = arith.mulf %get3A_10, %mul3A_11 : vector<8192x128xf32>
    %add3A = arith.addf %get3A_1, %mul3A_12 : vector<8192x128xf32>
    %dot_general3A = arith.constant dense<0.000000e+00> : vector<8192x128xf32>
    %dot_general3A_13 = tpu.matmul %add3A, %get3A_4, %dot_general3A {dimension_numbers = #tpu.dot_dimension_numbers<[1], [1], [0], [0], [0, 0, 1, 0], [], []>, transpose_lhs_hint = false} : vector<8192x128xf32>, vector<128x128xf32>, vector<8192x128xf32> -> vector<8192x128xf32>
    %add3A_14 = vector.broadcast %get3A_7 : vector<1x128xf32> to vector<8192x128xf32>
    %add3A_15 = arith.addf %dot_general3A_13, %add3A_14 : vector<8192x128xf32>
    %max3A = arith.constant 0.000000e+00 : f32
    %max3A_16 = vector.broadcast %max3A : f32 to vector<8192x128xf32>
    %max3A_17 = arith.maximumf %add3A_15, %max3A_16 : vector<8192x128xf32>
    %reshape3A = vector.shape_cast %get3A_1 : vector<8192x128xf32> to vector<512x16x128xf32>
    %reduce_sum3A = arith.constant dense<0.000000e+00> : vector<512x128xf32>
    %reduce_sum3A_18 = vector.multi_reduction <add>, %reshape3A, %reduce_sum3A [1] : vector<512x16x128xf32> to vector<512x128xf32>
    %mul3A_19 = arith.constant 6.250000e-02 : f32
    %mul3A_20 = vector.broadcast %mul3A_19 : f32 to vector<512x128xf32>
    %mul3A_21 = arith.mulf %reduce_sum3A_18, %mul3A_20 : vector<512x128xf32>
    %get3A_22 = arith.constant 0 : index
    %get3A_23 = arith.constant 0 : index
    %get3A_24 = vector.load %arg2[%get3A_22, %get3A_23] : memref<512x128xf32, #tpu.memory_space<vmem>>, vector<512x128xf32>
    %add3A_25 = arith.addf %get3A_24, %mul3A_21 : vector<512x128xf32>
    %dot_general3A_26 = arith.constant dense<0.000000e+00> : vector<512x128xf32>
    %dot_general3A_27 = tpu.matmul %add3A_25, %get3A_4, %dot_general3A_26 {dimension_numbers = #tpu.dot_dimension_numbers<[1], [1], [0], [0], [0, 0, 1, 0], [], []>, transpose_lhs_hint = false} : vector<512x128xf32>, vector<128x128xf32>, vector<512x128xf32> -> vector<512x128xf32>
    %add3A_28 = vector.broadcast %get3A_7 : vector<1x128xf32> to vector<512x128xf32>
    %add3A_29 = arith.addf %dot_general3A_27, %add3A_28 : vector<512x128xf32>
    %max3A_30 = arith.constant 0.000000e+00 : f32
    %max3A_31 = vector.broadcast %max3A_30 : f32 to vector<512x128xf32>
    %max3A_32 = arith.maximumf %add3A_29, %max3A_31 : vector<512x128xf32>
    %reshape3A_33 = vector.shape_cast %max3A_17 : vector<8192x128xf32> to vector<512x16x128xf32>
    %reduce_sum3A_34 = arith.constant dense<0.000000e+00> : vector<512x128xf32>
    %reduce_sum3A_35 = vector.multi_reduction <add>, %reshape3A_33, %reduce_sum3A_34 [1] : vector<512x16x128xf32> to vector<512x128xf32>
    %mul3A_36 = arith.constant 6.250000e-02 : f32
    %mul3A_37 = vector.broadcast %mul3A_36 : f32 to vector<512x128xf32>
    %mul3A_38 = arith.mulf %reduce_sum3A_35, %mul3A_37 : vector<512x128xf32>
    %add3A_39 = arith.addf %max3A_32, %mul3A_38 : vector<512x128xf32>
    %dot_general3A_40 = arith.constant dense<0.000000e+00> : vector<512x128xf32>
    %dot_general3A_41 = tpu.matmul %add3A_39, %get3A_4, %dot_general3A_40 {dimension_numbers = #tpu.dot_dimension_numbers<[1], [1], [0], [0], [0, 0, 1, 0], [], []>, transpose_lhs_hint = false} : vector<512x128xf32>, vector<128x128xf32>, vector<512x128xf32> -> vector<512x128xf32>
    %add3A_42 = vector.broadcast %get3A_7 : vector<1x128xf32> to vector<512x128xf32>
    %add3A_43 = arith.addf %dot_general3A_41, %add3A_42 : vector<512x128xf32>
    %tanh3A = math.tanh %add3A_43 : vector<512x128xf32>
    %reshape3A_44 = vector.shape_cast %tanh3A : vector<512x128xf32> to vector<256x2x128xf32>
    %get3A_45 = arith.constant 0 : index
    %get3A_46 = arith.constant 0 : index
    %get3A_47 = memref.load %arg1[%get3A_45, %get3A_46] : memref<1x2xf32, #tpu.memory_space<smem>>
    %get3A_48 = arith.constant 0 : index
    %get3A_49 = arith.constant 1 : index
    %get3A_50 = memref.load %arg1[%get3A_48, %get3A_49] : memref<1x2xf32, #tpu.memory_space<smem>>
    %slice3A = vector.extract_strided_slice %reshape3A_44 {offsets = [0, 0, 0], sizes = [256, 1, 128], strides = [1, 1, 1]} : vector<256x2x128xf32> to vector<256x1x128xf32>
    %squeeze3A = vector.shape_cast %slice3A : vector<256x1x128xf32> to vector<256x128xf32>
    %mul3A_51 = vector.broadcast %get3A_47 : f32 to vector<256x128xf32>
    %mul3A_52 = arith.mulf %squeeze3A, %mul3A_51 : vector<256x128xf32>
    %slice3A_53 = vector.extract_strided_slice %reshape3A_44 {offsets = [0, 1, 0], sizes = [256, 1, 128], strides = [1, 1, 1]} : vector<256x2x128xf32> to vector<256x1x128xf32>
    %squeeze3A_54 = vector.shape_cast %slice3A_53 : vector<256x1x128xf32> to vector<256x128xf32>
    %mul3A_55 = vector.broadcast %get3A_50 : f32 to vector<256x128xf32>
    %mul3A_56 = arith.mulf %squeeze3A_54, %mul3A_55 : vector<256x128xf32>
    %add3A_57 = arith.addf %mul3A_52, %mul3A_56 : vector<256x128xf32>
    %swap3A = arith.constant 0 : index
    %swap3A_58 = arith.constant 0 : index
    %swap3A_59 = vector.load %arg7[%swap3A, %swap3A_58] : memref<256x128xf32, #tpu.memory_space<vmem>>, vector<256x128xf32>
    tpu.vector_store %arg7[%swap3A, %swap3A_58], %add3A_57 {strides = array<i32>} : memref<256x128xf32, #tpu.memory_space<vmem>>, vector<256x128xf32>,
    return
  }
  func.func @transform_0(%arg0: i32) -> (i32, i32) {
    %c0_i32 = arith.constant 0 : i32
    %c0_i32_0 = arith.constant 0 : i32
    %c0_i32_1 = arith.constant 0 : i32
    return %c0_i32, %c0_i32_0 : i32, i32
  }
  func.func @transform_1(%arg0: i32) -> (i32, i32) {
    %c0_i32 = arith.constant 0 : i32
    %c0_i32_0 = arith.constant 0 : i32
    return %arg0, %c0_i32 : i32, i32
  }
  func.func @transform_2(%arg0: i32) -> (i32, i32) {
    %c0_i32 = arith.constant 0 : i32
    %c0_i32_0 = arith.constant 0 : i32
    return %arg0, %c0_i32 : i32, i32
  }
  func.func @transform_3(%arg0: i32) -> (i32, i32) {
    %c0_i32 = arith.constant 0 : i32
    %c0_i32_0 = arith.constant 0 : i32
    return %arg0, %c0_i32 : i32, i32
  }
  func.func @transform_4(%arg0: i32) -> (i32, i32) {
    %c0_i32 = arith.constant 0 : i32
    %c0_i32_0 = arith.constant 0 : i32
    %c0_i32_1 = arith.constant 0 : i32
    return %c0_i32, %c0_i32_0 : i32, i32
  }
  func.func @transform_5(%arg0: i32) -> (i32, i32) {
    %c0_i32 = arith.constant 0 : i32
    %c0_i32_0 = arith.constant 0 : i32
    %c0_i32_1 = arith.constant 0 : i32
    return %c0_i32, %c0_i32_0 : i32, i32
  }
  func.func @transform_6(%arg0: i32) -> (i32, i32) {
    %c0_i32 = arith.constant 0 : i32
    %c0_i32_0 = arith.constant 0 : i32
    return %arg0, %c0_i32 : i32, i32
  }
}

</mosaic_0001>

<sc_bundles>
// kernel: kernel.4.cloned.1.call-start
scs
__scs_entry_jumppad:
0x0: {  	(pc) =	sbr.rel $0x88, $3  }
0x1: {  	(tag) =	ssettag $0x0;
	lr =	simm.s32 $0x1  }
0x2: {  	[smem:$0x3F9A] =	sst lr;
	_ =	strace $0xD0000000  }
0x3: {  	_ = 	snop  }
0x4: {  	_ = 	snop  }
0x5: {  	_ = 	snop  }
0x6: {  	_ = 	snop  }
0x7: {  	_ = 	snop  }
__scs_overlays_trampoline_lowered:
0x8: {  	[smem:$0x3FA9] =	sst s0  }
0x9: {  	[smem:$0x3FAA] =	sst s1  }
0xa: {  	[smem:$0x3FAB] =	sst s2  }
0xb: {  	[smem:$0x3FAC] =	sst s3  }
0xc: {  	[smem:$0x3FAD] =	sst s4  }
0xd: {  	[smem:$0x3FAE] =	sst s5  }
0xe: {  	[smem:$0x3FAF] =	sst s6  }
0xf: {  	[smem:$0x3FB0] =	sst s7  }
0x10: {  	[smem:$0x3FB1] =	sst s8  }
0x11: {  	[smem:$0x3FB2] =	sst s9;
	s0 =	simm.s32 @!p0 $0x0  }
0x12: {  	s1 =	sld [smem:$0x3F98];
	s0 =	simm.s32 @p0 $0x1  }
0x13: {  	[smem:$0x3FB3] =	sst s0;
	s0 =	simm.s32 @!p1 $0x0  }
0x14: {  	s2 =	sld [smem:$0x3F97];
	s0 =	simm.s32 @p1 $0x1  }
0x15: {  	[smem:$0x3FB4] =	sst s0;
	s0 =	simm.s32 @!p2 $0x0  }
0x16: {  	s3 =	sld [smem:$0x3FDB];
	s0 =	simm.s32 @p2 $0x1  }
0x17: {  	s4 =	simm.s32 $0x1BF5;
	[smem:$0x3FB6] =	sst s0  }
0x18: {  	s0 =	sld [smem:$0x3F99];
	_ =	swait.ge [sflag:s4], $0x0  }
0x19: {  	s7 =	sld [smem:$0x3F9A]  }
0x1a: {  	s8 =	sadd.s32 $0xFFFFE003, lr  }
0x1b: {  	s9 =	sadd.s32 $0xFFFFFEF7, lr;
	s5 =	simm.s32 $0xFFFFFFFF;
	p2 =	slt.u32 s8, $0xFFFFF086  }
0x1c: {  	p1 =	slt.u32 s9, $0xF7A;
	s5 =	simm.s32 @!p2 $0x0  }
0x1d: {  	s5 =	simm.s32 @p1 $0x1;
	p0 =	seq.s32 s7, s2  }
0x1e: {  	s7 =	smul.u32 @!p0 $0xF7A, s2;
	p2 =	seq.s32 @!p0 s5, $0x0  }
0x1f: {  	s9 =	smul.u32 $0xF7A, s1;
	s8 =	simm.s32 @!p0 $0x1BF5;
	p2 =	por !p2, p0  }
0x20: {  	[sflag:s8] =	ssyncset.s32 @!p0 $0xFFFFF086;
	s6 =	sadd.s32 @!p0 s3, s7;
	s7 =	simm.s32 @!p0 $0x108  }
0x21: {  	s3 =	sadd.s32 s3, s9;
	s6 =	sadd.s32 @!p0 $0x88, s6;
	s7 =	simm.s32 @p2 $0x1082  }
0x22: {  	[simem:s7], [sflag:s8] =	dma.local @!p0 [hbm:s6], $0xF7A  }
0x23: {  	s9 =	sor.u32 $0xD0000000, s2;
	s6 =	simm.s32 $0x108;
	_ =	swait.ge @!p0 [sflag:s8], $0x0  }
0x24: {  	s3 =	sadd.s32 $0x88, s3;
	s6 =	simm.s32 @!p1 $0x1082;
	[sflag:s4] =	ssyncset.s32 $0xFFFFF086  }
0x25: {  	[simem:s6], [sflag:s4] =	dma.local [hbm:s3], $0xF7A  }
0x26: {  	[smem:$0x3F9A] =	sst s1;
	(tag) =	ssettag s2;
	_ =	strace s9  }
0x27: {  	s1 =	sld [smem:$0x3FAA]  }
0x28: {  	s2 =	sld [smem:$0x3FAB]  }
0x29: {  	s4 =	sld [smem:$0x3FAD]  }
0x2a: {  	p0 =	seq.s32 s5, $0x0;
	s5 =	sld [smem:$0x3FAE]  }
0x2b: {  	s6 =	sld [smem:$0x3FAF]  }
0x2c: {  	s7 =	sld [smem:$0x3FB0]  }
0x2d: {  	s3 =	simm.s32 $0x108;
	s8 =	sld [smem:$0x3FB1]  }
0x2e: {  	s3 =	simm.s32 @!p0 $0x1082;
	s9 =	sld [smem:$0x3FB2]  }
0x2f: {  	lr =	sadd.s32 s0, s3;
	s0 =	sld [smem:$0x3FA9]  }
0x30: {  	s3 =	sld [smem:$0x3FAC]  }
0x31: {  	[smem:$0x3FB5] =	sst s10  }
0x32: {  	s10 =	sld [smem:$0x3FB3];
	_ =	sdelay $0x3  }
0x33: {  	p0 =	seq.s32 s10, $0x1;
	s10 =	sld [smem:$0x3FB5];
	_ =	sdelay $0x3  }
0x34: {  	[smem:$0x3FB5] =	sst s10  }
0x35: {  	s10 =	sld [smem:$0x3FB4];
	_ =	sdelay $0x3  }
0x36: {  	p1 =	seq.s32 s10, $0x1;
	s10 =	sld [smem:$0x3FB5];
	_ =	sdelay $0x3  }
0x37: {  	[smem:$0x3FB5] =	sst s10  }
0x38: {  	s10 =	sld [smem:$0x3FB6]  }
0x39: {  	_ = 	snop;
	(pc) =	sbr.ind lr, $3  }
0x3a: {  	_ = 	snop  }
0x3b: {  	_ = 	snop  }
0x3c: {  	p2 =	seq.s32 s10, $0x1;
	s10 =	sld [smem:$0x3FB5]  }
0x3d: {  	_ =	shalt  }
0x3e: {  	_ =	shalt  }
0x3f: {  	_ =	shalt  }
0x40: {  	_ =	shalt  }
0x41: {  	_ =	shalt  }
0x42: {  	_ =	shalt  }
0x43: {  	_ =	shalt  }
0x44: {  	_ =	shalt  }
0x45: {  	_ =	shalt  }
0x46: {  	_ =	shalt  }
0x47: {  	_ =	shalt  }
0x48: {  	_ =	shalt  }
0x49: {  	_ =	shalt  }
0x4a: {  	_ =	shalt  }
0x4b: {  	_ =	shalt  }
0x4c: {  	_ =	shalt  }
0x4d: {  	_ =	shalt  }
0x4e: {  	_ =	shalt  }
0x4f: {  	_ =	shalt  }
0x50: {  	_ =	shalt  }
0x51: {  	_ =	shalt  }
0x52: {  	_ =	shalt  }
0x53: {  	_ =	shalt  }
0x54: {  	_ =	shalt  }
0x55: {  	_ =	shalt  }
0x56: {  	_ =	shalt  }
0x57: {  	_ =	shalt  }
0x58: {  	_ =	shalt  }
0x59: {  	_ =	shalt  }
0x5a: {  	_ =	shalt  }
0x5b: {  	_ =	shalt  }
0x5c: {  	_ =	shalt  }
0x5d: {  	_ =	shalt  }
0x5e: {  	_ =	shalt  }
0x5f: {  	_ =	shalt  }
0x60: {  	_ =	shalt  }
0x61: {  	_ =	shalt  }
0x62: {  	_ =	shalt  }
0x63: {  	_ =	shalt  }
0x64: {  	_ =	shalt  }
0x65: {  	_ =	shalt  }
0x66: {  	_ =	shalt  }
0x67: {  	_ =	shalt  }
0x68: {  	_ =	shalt  }
0x69: {  	_ =	shalt  }
0x6a: {  	_ =	shalt  }
0x6b: {  	_ =	shalt  }
0x6c: {  	_ =	shalt  }
0x6d: {  	_ =	shalt  }
0x6e: {  	_ =	shalt  }
0x6f: {  	_ =	shalt  }
0x70: {  	_ =	shalt  }
0x71: {  	_ =	shalt  }
0x72: {  	_ =	shalt  }
0x73: {  	_ =	shalt  }
0x74: {  	_ =	shalt  }
0x75: {  	_ =	shalt  }
0x76: {  	_ =	shalt  }
0x77: {  	_ =	shalt  }
0x78: {  	_ =	shalt  }
0x79: {  	_ =	shalt  }
0x7a: {  	_ =	shalt  }
0x7b: {  	_ =	shalt  }
0x7c: {  	_ =	shalt  }
0x7d: {  	_ =	shalt  }
0x7e: {  	_ =	shalt  }
0x7f: {  	_ =	shalt  }
0x80: {  	_ =	shalt  }
0x81: {  	_ =	shalt  }
0x82: {  	_ =	shalt  }
0x83: {  	_ =	shalt  }
0x84: {  	_ =	shalt  }
0x85: {  	_ =	shalt  }
0x86: {  	_ =	shalt  }
0x87: {  	_ =	shalt  }
.Lfunc_end0:
.L_simem_size_0:
called_computation_lowered:
.L_overlay_start_0:
0x88: {  	s2 =	sld [smem:$0x3FD9]  }
0x89: {  	s3 =	sld [smem:$0x3FFE];
	_ =	sdelay $0x1  }
0x8a: {  	s1 =	srdreg.scid  }
0x8b: {  	s0 =	sand.u32 $0x1, s1  }
0x8c: {  	s17 =	sshll.u32 s0, $0xA;
	s2 =	sadd.s32 s3, s2  }
0x8d: {  	s2 =	sadd.s32 s2, s17  }
0x8e: {  	[smem:$0x3FC1] =	sst s2  }
0x8f: {  	_ = 	snop  }
0x90: {  	s2 =	sld [smem:$0x3FC6]  }
0x91: {  	s18 =	sld [smem:$0x3FD0];
	(tm) =	ssettm $0x1  }
0x92: {  	s4 =	sld [smem:$0x3FFB];
	_ =	sdelay $0x3  }
0x93: {  	_ =	strace s4  }
0x94: {  	s4 =	sld [smem:$0x3FFC];
	_ =	sdelay $0x3  }
0x95: {  	_ =	strace s4  }
0x96: {  	s4 =	sld [smem:$0x3FFD];
	_ =	sdelay $0x3  }
0x97: {  	_ =	strace s4  }
0x98: {  	_ =	strace $0x8FFFFFFF  }
0x99: {  	s19 =	sld [smem:$0x3FDB];
	_ =	sdelay $0x1  }
0x9a: {  	s5 =	simm.s32 $_scs_section_size  }
0x9b: {  	s6 =	simm.s32 $_size__tile_overlayer_lowered;
	s7 =	simm.s32 $_tile_overlayer_lowered  }
0x9c: {  	s22 =	simm.s32 $0x1BFF;
	s21 =	sshll.u32 s7, $0x1;
	s4 =	sadd.s32 s5, s19  }
0x9d: {  	s8 =	simm.s32 $0x0;
	s20 =	sshll.u32 s6, $0x1;
	s6 =	sadd.s32 s21, s4  }
0x9e: {  	[timem:s8], [sflag:s22] =	dma.local [hbm:s6], s20  }
0x9f: {  	_ =	swait.ge [sflag:s22], s20  }
0xa0: {  	s5 =	ssub.s32 $0x0, s20;
	[sflag:s22] =	ssyncset.done $0x0  }
0xa1: {  	[sflag:s22] =	ssyncadd.s32 s5;
	_ =	sdelay $0x1  }
0xa2: {  	s23 =	simm.s32 $0x1B8B  }
0xa3: {  	_ =	swait.ge [sflag:s23], $0x1  }
0xa4: {  	[sflag:s23] =	ssyncset.done $0x0  }
0xa5: {  	s25 =	simm.s32 $0x1B8E;
	s24 =	sld [smem:$0x3FFE];
	[sflag:s23] =	ssyncadd.s32 $0xFFFFFFFF  }
0xa6: {  	s26 =	simm.s32 $execute0_lowered;
	[smem:$0x3FD2] =	sst s25  }
0xa7: {  	s6 =	sshll.u32 s26, $0x1;
	_ =	strace $0x80000046;
	[dreg:$0x1] =	wrdreg $0xFFFFFFFF  }
0xa8: {  	s28 =	simm.s32 $_size_execute0_lowered;
	s4 =	sadd.s32 s4, s6;
	[dreg:$0x0] =	wrdreg $0x0  }
0xa9: {  	s6 =	sshll.u32 s28, $0x1;
	[dreg:$0x2] =	wrdreg s4  }
0xaa: {  	[dreg:$0x3] =	wrdreg s6  }
0xab: {  	[dreg:$0x4] =	wrdreg $0xC0  }
0xac: {  	_ =	task [dreg:s8], $0x5FFFF  }
0xad: {  	[dreg:$0x1] =	wrdreg $0xFFFFFFFF  }
0xae: {  	[dreg:$0x0] =	wrdreg $0x60  }
0xaf: {  	[dreg:$0x2] =	wrdreg s24  }
0xb0: {  	[dreg:$0x3] =	wrdreg s18  }
0xb1: {  	[dreg:$0x4] =	wrdreg s2  }
0xb2: {  	[dreg:$0x5] =	wrdreg $0x9  }
0xb3: {  	_ =	task.clear_ibuf [dreg:s8], $0x6FFFF;
	_ =	strace $0x90000046  }
0xb4: {  	s29 =	simm.s32 $0x9;
	_ =	strace $0x80000048  }
0xb5: {  	_ =	swait.ge [sflag:s29], $0x1  }
0xb6: {  	[sflag:s29] =	ssyncadd.s32 $0xFFFFFFFF  }
0xb7: {  	_ =	strace $0x90000048  }
0xb8: {  	_ =	sfence  }
0xb9: {  	s30 =	sld [smem:$0x0];
	_ =	sdelay $0x2  }
0xba: {  	s31 =	sshll.u32 s1, $0xD;
	s1 =	sshrl.u32 s1, $0x2  }
0xbb: {  	s3 =	sand.u32 $0x4000, s31;
	s1 =	sadd.s32 s1, s30  }
0xbc: {  	s0 =	sor.u32 s3, s0;
	s1 =	sshll.u32 s1, $0x11  }
0xbd: {  	s0 =	sor.u32 s1, s0  }
0xbe: {  	s0 =	sadd.s32 $0x8F2B, s0  }
0xbf: {  	[sflag:s0] =	ssyncadd.remote.s32 $0x1  }
0xc0: {  	_ =	sfence.sel $0xFFFF  }
0xc1: {  	[dreg:$0x0] =	wrdreg $0xFFFFFFFF;
	(pc) =	sbr.abs _section_cstart, $3  }
0xc2: {  	[dreg:$0x1] =	wrdreg $0xFFFFFFFF  }
0xc3: {  	_ =	task.clear_ibuf [dreg:s8], $0x2FFFF;
	_ =	strace $0x9FFFFFFF  }
0xc4: {  	(tm) =	ssettm $0x7FFFFFFF  }
0xc5: {  	_ =	shalt  }
tec
execute0_lowered:
.L_overlay_start_1:
0x0: {  	(tag) =	ssettag $0x1  }
0x1: {  	s0 =	rddreg [dreg:$0x0]  }
0x2: {  	s1 =	rddreg [dreg:$0x1]  }
0x3: {  	s2 =	rddreg [dreg:$0x2];
	s4 =	srdreg.scid  }
0x4: {  	s6 =	stileid.u32;
	s3 =	simm.s32 $0x0;
	s28 =	simm.s32 $0x1  }
0x5: {  	s29 =	simm.s32 $0x80;
	s30 =	simm.s32 $0x4480;
	s31 =	simm.s32 $0x4  }
0x6: {  	s5 =	sand.u32 $0x1, s4;
	s19 =	sshll.u32 s6, $0x1;
	[smem:$0x7FF] =	sst s3  }
0x7: {  	s6 =	sor.u32 s5, s19;
	_ =	strace $0x80000047;
	s11 =	ssub.s32 $0x2, s5  }
0x8: {  	s5 =	sadd.s32 $0x99400, s0;
	s4 =	sshll.u32 s6, $0x3;
	s7 =	sshll.u32 s6, $0xB  }
0x9: {  	s10 =	sshll.u32 s6, $0xE;
	s20 =	sshrl.u32 s11, $0x1;
	s8 =	sadd.s32 s4, s0  }
0xa: {  	s7 =	sadd.s32 s7, s0;
	s4 =	sshll.u32 s6, $0xA;
	s12 =	sadd.s32 s10, s0  }
0xb: {  	s6 =	sshll.u32 s6, $0x7;
	s18 =	sadd.s32 s5, s10;
	s9 =	sadd.s32 s4, s0  }
0xc: {  	s0 =	ssub.s32 s11, s20;
	s8 =	sadd.s32 $0x1200, s8;
	s1 =	sadd.s32 s1, s6  }
0xd: {  	s21 =	sadd.s32 $0x1400, s7;
	s23 =	sadd.s32 $0x11400, s12;
	[dreg:$0x4] =	wrdreg s8  }
0xe: {  	s24 =	sadd.s32 $0x11C00, s12;
	s25 =	sadd.s32 $0x12400, s12;
	[dreg:$0x5] =	wrdreg s1  }
0xf: {  	s26 =	sadd.s32 $0x12C00, s12;
	s14 =	sadd.s32 $0x13400, s12;
	[dreg:$0x6] =	wrdreg s21  }
0x10: {  	s15 =	sadd.s32 $0x13C00, s12;
	s16 =	sadd.s32 $0x14400, s12;
	[dreg:$0x8] =	wrdreg s23  }
0x11: {  	s17 =	sadd.s32 $0x14C00, s12;
	s20 =	simm.s32 $0x14480;
	[dreg:$0x9] =	wrdreg s24  }
.Ltmp0:
0x12: {  	s6 =	simm.s32 $0x0;
	[dreg:$0xa] =	wrdreg s25;
	(pc) =	sbr.rel .LBB2_1-.Ltmp0, $4  }
0x13: {  	s22 =	sadd.s32 $0x91400, s9;
	[dreg:$0xb] =	wrdreg s26;
	s19 =	smax.u32 s0, $0x1  }
0x14: {  	s24 =	simm.s32 $0x10480;
	s25 =	simm.s32 $0x6;
	s26 =	simm.s32 $0x2  }
0x15: {  	s0 =	simm.s32 $0x8480;
	s23 =	simm.s32 $0xC480;
	s1 =	simm.s32 $0x3  }
0x16: {  	s21 =	simm.s32 $0x14880;
	[dreg:$0x7] =	wrdreg s22;
	s22 =	simm.s32 $0x5  }
.LBB2_16:
0x17: {  	s6 =	sadd.s32 $0x1, s6  }
0x18: {  	_ =	swait.ge [sflag:s22], $0x400;
	p0 =	sne.s32 s6, s19  }
.Ltmp1:
0x19: {  	[sflag:s22] =	ssyncset.done $0x0;
	(pc) =	sbr.rel @!p0 .LBB2_17-.Ltmp1, $4  }
0x1a: {  	[sflag:s22] =	ssyncadd.s32 $0xFFFFFC00  }
0x1b: {  	_ =	swait.ge [sflag:s25], $0x400  }
0x1c: {  	[sflag:s25] =	ssyncset.done $0x0  }
0x1d: {  	[sflag:s25] =	ssyncadd.s32 $0xFFFFFC00  }
.LBB2_1:
0x1e: {  	s7 =	rddreg [dreg:$0x4];
	s8 =	simm.s32 $0x4000  }
0x1f: {  	[tilespmem:s8], [sflag:$0x5] =	stream.linear.gather [hbm4b:s7+s3], $0x40, $0x38;
	[tilespmem:$0x14C80] =	vst v63  }
0x20: {  	s13 =	rddreg [dreg:$0x5];
	s9 =	simm.s32 $0x4040  }
0x21: {  	[tilespmem:s9], [sflag:$0x6] =	stream.linear.gather [hbm4b:s13+s3], $0x400, $0x38;
	[tilespmem:$0x14C80] =	vst v63  }
0x22: {  	s10 =	rddreg [dreg:$0x6]  }
0x23: {  	[tilespmem:s3], [sflag:$0x2] =	stream.linear.gather [hbm4b:s10+s3], $0x4000, $0x38;
	[tilespmem:$0x14C80] =	vst v63  }
0x24: {  	_ =	swait.ge [sflag:s22], $0x40  }
0x25: {  	[sflag:s22] =	ssyncset.done $0x0  }
0x26: {  	s11 =	simm.s32 $0x40;
	[sflag:s22] =	ssyncadd.s32 $0xFFFFFFC0  }
0x27: {  	[tilespmem:s24], [sflag:$0x1] =	stream.indirect.gather [hbm4b:s2+s11], $0x80, s8, s11, $0xb8;
	[tilespmem:$0x14C80] =	vst v63  }
0x28: {  	_ =	swait.ge [sflag:s25], $0x400  }
0x29: {  	[sflag:s25] =	ssyncset.done $0x0  }
0x2a: {  	[sflag:s25] =	ssyncadd.s32 $0xFFFFFC00  }
0x2b: {  	_ =	swait.ge [sflag:s26], $0x4000  }
0x2c: {  	[sflag:s26] =	ssyncset.done $0x0  }
0x2d: {  	[sflag:s26] =	ssyncadd.s32 $0xFFFFC000  }
0x2e: {  	_ =	swait.ge [sflag:s28], $0x2000  }
0x2f: {  	[sflag:s28] =	ssyncset.done $0x0  }
0x30: {  	s12 =	rddreg [dreg:$0x7];
	[sflag:s28] =	ssyncadd.s32 $0xFFFFE000  }
0x31: {  	[hbm4b:s12+s3] =	stream.linear.scatter [tilespmem:s24], [sflag:$0x5], $0x2000, $0x38;
	[tilespmem:$0x14C80] =	vst v63  }
0x32: {  	_ = 	snop  }
0x33: {  	[tilespmem:s30], [sflag:$0x1] =	stream.indirect.gather [hbm4b:s2+s29], $0x80, s9, s29, $0xb8;
	[tilespmem:$0x14C80] =	vst v63  }
0x34: {  	s13 =	simm.s32 $0x40C0  }
0x35: {  	[tilespmem:s0], [sflag:$0x2] =	stream.indirect.gather [hbm4b:s2+s29], $0x80, s13, s29, $0xb8;
	[tilespmem:$0x14C80] =	vst v63  }
0x36: {  	s8 =	simm.s32 $0x4140  }
0x37: {  	[tilespmem:s23], [sflag:$0x3] =	stream.indirect.gather [hbm4b:s2+s29], $0x80, s8, s29, $0xb8;
	[tilespmem:$0x14C80] =	vst v63  }
0x38: {  	_ =	swait.ge [sflag:s22], $0x2000  }
0x39: {  	[sflag:s22] =	ssyncset.done $0x0  }
0x3a: {  	s9 =	simm.s32 $0x41C0;
	[sflag:s22] =	ssyncadd.s32 $0xFFFFE000  }
0x3b: {  	[tilespmem:s24], [sflag:$0x4] =	stream.indirect.gather [hbm4b:s2+s29], $0x80, s9, s29, $0xb8;
	[tilespmem:$0x14C80] =	vst v63  }
0x3c: {  	_ =	swait.ge [sflag:s28], $0x4000  }
0x3d: {  	[sflag:s28] =	ssyncset.done $0x0  }
0x3e: {  	s10 =	rddreg [dreg:$0x8];
	[sflag:s28] =	ssyncadd.s32 $0xFFFFC000  }
0x3f: {  	[hbm4b:s10+s3] =	stream.linear.scatter [tilespmem:s30], [sflag:$0x6], $0x4000, $0x38;
	[tilespmem:$0x14C80] =	vst v63  }
0x40: {  	_ =	swait.ge [sflag:s25], $0x4000  }
0x41: {  	[sflag:s25] =	ssyncset.done $0x0  }
0x42: {  	s11 =	simm.s32 $0x4240;
	[sflag:s25] =	ssyncadd.s32 $0xFFFFC000  }
0x43: {  	[tilespmem:s30], [sflag:$0x1] =	stream.indirect.gather [hbm4b:s2+s29], $0x80, s11, s29, $0xb8;
	[tilespmem:$0x14C80] =	vst v63  }
0x44: {  	_ =	swait.ge [sflag:s26], $0x4000  }
0x45: {  	[sflag:s26] =	ssyncset.done $0x0  }
0x46: {  	s12 =	rddreg [dreg:$0x9];
	[sflag:s26] =	ssyncadd.s32 $0xFFFFC000  }
0x47: {  	[hbm4b:s12+s3] =	stream.linear.scatter [tilespmem:s0], [sflag:$0x5], $0x4000, $0x38;
	[tilespmem:$0x14C80] =	vst v63  }
0x48: {  	_ =	swait.ge [sflag:s22], $0x4000  }
0x49: {  	[sflag:s22] =	ssyncset.done $0x0  }
0x4a: {  	s13 =	simm.s32 $0x42C0;
	[sflag:s22] =	ssyncadd.s32 $0xFFFFC000  }
0x4b: {  	[tilespmem:s0], [sflag:$0x2] =	stream.indirect.gather [hbm4b:s2+s29], $0x80, s13, s29, $0xb8;
	[tilespmem:$0x14C80] =	vst v63  }
0x4c: {  	_ =	swait.ge [sflag:s1], $0x4000  }
0x4d: {  	[sflag:s1] =	ssyncset.done $0x0  }
0x4e: {  	s8 =	rddreg [dreg:$0xa];
	[sflag:s1] =	ssyncadd.s32 $0xFFFFC000  }
0x4f: {  	[hbm4b:s8+s3] =	stream.linear.scatter [tilespmem:s23], [sflag:$0x6], $0x4000, $0x38;
	[tilespmem:$0x14C80] =	vst v63  }
0x50: {  	_ =	swait.ge [sflag:s25], $0x4000  }
0x51: {  	[sflag:s25] =	ssyncset.done $0x0  }
0x52: {  	s9 =	simm.s32 $0x4340;
	[sflag:s25] =	ssyncadd.s32 $0xFFFFC000  }
0x53: {  	[tilespmem:s23], [sflag:$0x3] =	stream.indirect.gather [hbm4b:s2+s29], $0x80, s9, s29, $0xb8;
	[tilespmem:$0x14C80] =	vst v63  }
0x54: {  	_ =	swait.ge [sflag:s31], $0x4000  }
0x55: {  	[sflag:s31] =	ssyncset.done $0x0  }
0x56: {  	s10 =	rddreg [dreg:$0xb];
	[sflag:s31] =	ssyncadd.s32 $0xFFFFC000  }
0x57: {  	[hbm4b:s10+s3] =	stream.linear.scatter [tilespmem:s24], [sflag:$0x5], $0x4000, $0x38;
	[tilespmem:$0x14C80] =	vst v63  }
0x58: {  	_ =	swait.ge [sflag:s22], $0x4000  }
0x59: {  	[sflag:s22] =	ssyncset.done $0x0  }
0x5a: {  	s11 =	simm.s32 $0x43C0;
	[sflag:s22] =	ssyncadd.s32 $0xFFFFC000  }
0x5b: {  	[tilespmem:s24], [sflag:$0x4] =	stream.indirect.gather [hbm4b:s2+s29], $0x80, s11, s29, $0xb8;
	[tilespmem:$0x14C80] =	vst v63  }
0x5c: {  	_ =	swait.ge [sflag:s28], $0x4000  }
0x5d: {  	[sflag:s28] =	ssyncset.done $0x0  }
0x5e: {  	[sflag:s28] =	ssyncadd.s32 $0xFFFFC000  }
0x5f: {  	[hbm4b:s14+s3] =	stream.linear.scatter [tilespmem:s30], [sflag:$0x6], $0x4000, $0x38;
	[tilespmem:$0x14C80] =	vst v63  }
0x60: {  	_ =	swait.ge [sflag:s26], $0x4000  }
0x61: {  	[sflag:s26] =	ssyncset.done $0x0  }
0x62: {  	[sflag:s26] =	ssyncadd.s32 $0xFFFFC000  }
0x63: {  	[hbm4b:s15+s3] =	stream.linear.scatter [tilespmem:s0], [sflag:$0x5], $0x4000, $0x38;
	[tilespmem:$0x14C80] =	vst v63  }
0x64: {  	_ =	swait.ge [sflag:s1], $0x4000  }
0x65: {  	[sflag:s1] =	ssyncset.done $0x0  }
0x66: {  	[sflag:s1] =	ssyncadd.s32 $0xFFFFC000  }
0x67: {  	[hbm4b:s16+s3] =	stream.linear.scatter [tilespmem:s23], [sflag:$0x6], $0x4000, $0x38;
	[tilespmem:$0x14C80] =	vst v63  }
0x68: {  	_ =	swait.ge [sflag:s31], $0x4000  }
0x69: {  	[sflag:s31] =	ssyncset.done $0x0  }
0x6a: {  	[sflag:s31] =	ssyncadd.s32 $0xFFFFC000  }
0x6b: {  	[hbm4b:s17+s3] =	stream.linear.scatter [tilespmem:s24], [sflag:$0x5], $0x4000, $0x38;
	[tilespmem:$0x14C80] =	vst v63  }
0x6c: {  	_ =	swait.ge [sflag:s25], $0x4000  }
0x6d: {  	[sflag:s25] =	ssyncset.done $0x0  }
0x6e: {  	[sflag:s25] =	ssyncadd.s32 $0xFFFFC000  }
0x6f: {  	_ =	swait.ge [sflag:s22], $0x4000  }
0x70: {  	[sflag:s22] =	ssyncset.done $0x0  }
0x71: {  	[sflag:s22] =	ssyncadd.s32 $0xFFFFC000  }
0x72: {  	_ =	swait.ge [sflag:s25], $0x4000  }
0x73: {  	[sflag:s25] =	ssyncset.done $0x0  }
0x74: {  	[sflag:s25] =	ssyncadd.s32 $0xFFFFC000  }
0x75: {  	_ =	swait.ge [sflag:s22], $0x4000  }
0x76: {  	[sflag:s22] =	ssyncset.done $0x0  }
0x77: {  	[sflag:s22] =	ssyncadd.s32 $0xFFFFC000  }
0x78: {  	[tilespmem:s30], [sflag:$0x1] =	stream.indirect.gather [hbm4b:s2+s29], $0x80, s3, s29, $0xb8;
	[tilespmem:$0x14C80] =	vst v63  }
0x79: {  	_ = 	snop  }
0x7a: {  	[tilespmem:s0], [sflag:$0x2] =	stream.indirect.gather [hbm4b:s2+s29], $0x80, s29, s29, $0xb8;
	[tilespmem:$0x14C80] =	vst v63  }
0x7b: {  	s12 =	simm.s32 $0x100  }
0x7c: {  	[tilespmem:s23], [sflag:$0x3] =	stream.indirect.gather [hbm4b:s2+s29], $0x80, s12, s29, $0xb8;
	[tilespmem:$0x14C80] =	vst v63  }
0x7d: {  	s7 =	simm.s32 $0x0;
	s13 =	simm.s32 $0x180  }
0x7e: {  	[tilespmem:s24], [sflag:$0x4] =	stream.indirect.gather [hbm4b:s2+s29], $0x80, s13, s29, $0xb8;
	[tilespmem:$0x14C80] =	vst v63  }
.LBB2_2:
0x7f: {  	_ =	swait.ge [sflag:s28], $0x4000  }
0x80: {  	p0 =	seq.s32 s7, $0x0;
	[sflag:s28] =	ssyncset.done $0x0  }
0x81: {  	s9 =	simm.s32 @!p0 $0x5;
	[sflag:s28] =	ssyncadd.s32 $0xFFFFC000  }
0x82: {  	_ =	swait.ge @!p0 [sflag:s9], $0x400  }
0x83: {  	s8 =	sshll.u32 s7, $0xB;
	[sflag:s9] =	ssyncset.done @!p0 $0x0  }
0x84: {  	s10 =	simm.s32 $0x4880;
	[sflag:s9] =	ssyncadd.s32 @!p0 $0xFFFFFC00;
	s9 =	simm.s32 $0x0  }
.LBB2_3:
0x85: {  	v0 =	vld [tilespmem:s10+$0xFFFFFC00]  }
0x86: {  	v1 =	vld [tilespmem:s10+$0xFFFFFC10]  }
0x87: {  	v2 =	vld [tilespmem:s10+$0xFFFFFC20]  }
0x88: {  	v3 =	vld [tilespmem:s10+$0xFFFFFC30]  }
0x89: {  	v4 =	vld [tilespmem:s10+$0xFFFFFC40]  }
0x8a: {  	v5 =	vld [tilespmem:s10+$0xFFFFFC50]  }
0x8b: {  	v6 =	vld [tilespmem:s10+$0xFFFFFC60]  }
0x8c: {  	v7 =	vld [tilespmem:s10+$0xFFFFFC70]  }
0x8d: {  	v8 =	vld [tilespmem:s10+$0xFFFFFC80]  }
0x8e: {  	v9 =	vld [tilespmem:s10+$0xFFFFFC90]  }
0x8f: {  	v10 =	vld [tilespmem:s10+$0xFFFFFCA0]  }
0x90: {  	v11 =	vld [tilespmem:s10+$0xFFFFFCB0]  }
0x91: {  	v12 =	vld [tilespmem:s10+$0xFFFFFCC0]  }
0x92: {  	v13 =	vld [tilespmem:s10+$0xFFFFFCD0]  }
0x93: {  	v14 =	vld [tilespmem:s10+$0xFFFFFCE0]  }
0x94: {  	v15 =	vld [tilespmem:s10+$0xFFFFFCF0]  }
0x95: {  	v16 =	vld [tilespmem:s10+$0xFFFFFD00]  }
0x96: {  	v17 =	vld [tilespmem:s10+$0xFFFFFD10]  }
0x97: {  	v18 =	vld [tilespmem:s10+$0xFFFFFD20]  }
0x98: {  	v19 =	vld [tilespmem:s10+$0xFFFFFD30]  }
0x99: {  	v20 =	vld [tilespmem:s10+$0xFFFFFD40]  }
0x9a: {  	v21 =	vld [tilespmem:s10+$0xFFFFFD50]  }
0x9b: {  	v22 =	vld [tilespmem:s10+$0xFFFFFD60]  }
0x9c: {  	v23 =	vld [tilespmem:s10+$0xFFFFFD70]  }
0x9d: {  	v24 =	vld [tilespmem:s10+$0xFFFFFD80]  }
0x9e: {  	v25 =	vld [tilespmem:s10+$0xFFFFFD90]  }
0x9f: {  	v26 =	vld [tilespmem:s10+$0xFFFFFDA0]  }
0xa0: {  	v27 =	vld [tilespmem:s10+$0xFFFFFDB0]  }
0xa1: {  	v28 =	vld [tilespmem:s10+$0xFFFFFDC0]  }
0xa2: {  	v29 =	vld [tilespmem:s10+$0xFFFFFDD0]  }
0xa3: {  	v30 =	vld [tilespmem:s10+$0xFFFFFDE0]  }
0xa4: {  	v31 =	vld [tilespmem:s10+$0xFFFFFDF0]  }
0xa5: {  	v32 =	vld [tilespmem:s10+$0xFFFFFE00]  }
0xa6: {  	v33 =	vld [tilespmem:s10+$0xFFFFFE10]  }
0xa7: {  	v34 =	vld [tilespmem:s10+$0xFFFFFE20]  }
0xa8: {  	v35 =	vld [tilespmem:s10+$0xFFFFFE30]  }
0xa9: {  	v36 =	vld [tilespmem:s10+$0xFFFFFE40]  }
0xaa: {  	v37 =	vld [tilespmem:s10+$0xFFFFFE50]  }
0xab: {  	v38 =	vld [tilespmem:s10+$0xFFFFFE60]  }
0xac: {  	v39 =	vld [tilespmem:s10+$0xFFFFFE70]  }
0xad: {  	v40 =	vld [tilespmem:s10+$0xFFFFFE80]  }
0xae: {  	v41 =	vld [tilespmem:s10+$0xFFFFFE90]  }
0xaf: {  	v42 =	vld [tilespmem:s10+$0xFFFFFEA0]  }
0xb0: {  	v43 =	vld [tilespmem:s10+$0xFFFFFEB0]  }
0xb1: {  	v44 =	vld [tilespmem:s10+$0xFFFFFEC0]  }
0xb2: {  	v45 =	vld [tilespmem:s10+$0xFFFFFED0]  }
0xb3: {  	v46 =	vld [tilespmem:s10+$0xFFFFFEE0]  }
0xb4: {  	v47 =	vld [tilespmem:s10+$0xFFFFFEF0]  }
0xb5: {  	v48 =	vld [tilespmem:s10+$0xFFFFFF00]  }
0xb6: {  	v49 =	vld [tilespmem:s10+$0xFFFFFF10]  }
0xb7: {  	v50 =	vld [tilespmem:s10+$0xFFFFFF20]  }
0xb8: {  	v51 =	vld [tilespmem:s10+$0xFFFFFF30]  }
0xb9: {  	v52 =	vld [tilespmem:s10+$0xFFFFFF40]  }
0xba: {  	v53 =	vld [tilespmem:s10+$0xFFFFFF50]  }
0xbb: {  	v54 =	vld [tilespmem:s10+$0xFFFFFF60]  }
0xbc: {  	v55 =	vld [tilespmem:s10+$0xFFFFFF70]  }
0xbd: {  	v56 =	vld [tilespmem:s10+$0xFFFFFF80]  }
0xbe: {  	v57 =	vld [tilespmem:s10+$0xFFFFFF90]  }
0xbf: {  	v58 =	vld [tilespmem:s10+$0xFFFFFFA0]  }
0xc0: {  	v62 =	vld [tilespmem:s10+$0xFFFFFFE0]  }
0xc1: {  	v59 =	vld [tilespmem:s10+$0xFFFFFFB0]  }
0xc2: {  	v60 =	vld [tilespmem:s10+$0xFFFFFFC0]  }
0xc3: {  	v61 =	vld [tilespmem:s10+$0xFFFFFFD0]  }
0xc4: {  	v63 =	vld [tilespmem:s10+$0xFFFFFFF0];
	v0 =	vadd.f32 $0.0e+00, v0  }
0xc5: {  	[tilespmem:$0x1FF80] =	vst v62;
	v62 =	vld [tilespmem:s10+$0x0];
	v1 =	vadd.f32 $0.0e+00, v1  }
0xc6: {  	v2 =	vadd.f32 $0.0e+00, v2;
	v0 =	vadd.f32 v8, v0;
	v8 =	vld [tilespmem:s10+$0x70]  }
0xc7: {  	v3 =	vadd.f32 $0.0e+00, v3;
	v1 =	vadd.f32 v9, v1;
	v9 =	vld [tilespmem:s10+$0x80]  }
0xc8: {  	v5 =	vadd.f32 $0.0e+00, v5;
	v2 =	vadd.f32 v10, v2;
	v10 =	vld [tilespmem:s10+$0x90]  }
0xc9: {  	v6 =	vadd.f32 $0.0e+00, v6;
	v3 =	vadd.f32 v11, v3;
	v11 =	vld [tilespmem:s10+$0xA0]  }
0xca: {  	v7 =	vadd.f32 $0.0e+00, v7;
	v5 =	vadd.f32 v13, v5;
	v13 =	vld [tilespmem:s10+$0xC0]  }
0xcb: {  	v6 =	vadd.f32 v14, v6;
	v14 =	vld [tilespmem:s10+$0xD0]  }
0xcc: {  	v7 =	vadd.f32 v15, v7;
	v15 =	vld [tilespmem:s10+$0xE0]  }
0xcd: {  	v4 =	vadd.f32 $0.0e+00, v4;
	v0 =	vadd.f32 v16, v0;
	v16 =	vld [tilespmem:s10+$0xF0]  }
0xce: {  	v1 =	vadd.f32 v17, v1;
	v17 =	vld [tilespmem:s10+$0x100]  }
0xcf: {  	v4 =	vadd.f32 v12, v4;
	v2 =	vadd.f32 v18, v2;
	v18 =	vld [tilespmem:s10+$0x110]  }
0xd0: {  	v3 =	vadd.f32 v19, v3;
	v19 =	vld [tilespmem:s10+$0x120]  }
0xd1: {  	v4 =	vadd.f32 v20, v4;
	v20 =	vld [tilespmem:s10+$0x130]  }
0xd2: {  	v5 =	vadd.f32 v21, v5;
	v21 =	vld [tilespmem:s10+$0x140]  }
0xd3: {  	v6 =	vadd.f32 v22, v6;
	v22 =	vld [tilespmem:s10+$0x150]  }
0xd4: {  	v7 =	vadd.f32 v23, v7;
	v23 =	vld [tilespmem:s10+$0x160]  }
0xd5: {  	[tilespmem:$0x1FF90] =	vst v62;
	v62 =	vld [tilespmem:s10+$0x10]  }
0xd6: {  	v0 =	vadd.f32 v24, v0;
	v24 =	vld [tilespmem:s10+$0x170]  }
0xd7: {  	v1 =	vadd.f32 v25, v1;
	v25 =	vld [tilespmem:s10+$0x180]  }
0xd8: {  	v2 =	vadd.f32 v26, v2;
	v26 =	vld [tilespmem:s10+$0x190]  }
0xd9: {  	v3 =	vadd.f32 v27, v3;
	v27 =	vld [tilespmem:s10+$0x1A0]  }
0xda: {  	v4 =	vadd.f32 v28, v4;
	v28 =	vld [tilespmem:s10+$0x1B0]  }
0xdb: {  	v5 =	vadd.f32 v29, v5;
	v29 =	vld [tilespmem:s10+$0x1C0]  }
0xdc: {  	v7 =	vadd.f32 v31, v7;
	v31 =	vld [tilespmem:s10+$0x1E0]  }
0xdd: {  	v0 =	vadd.f32 v32, v0;
	v32 =	vld [tilespmem:s10+$0x1F0]  }
0xde: {  	v1 =	vadd.f32 v33, v1;
	v33 =	vld [tilespmem:s10+$0x200]  }
0xdf: {  	v2 =	vadd.f32 v34, v2;
	v34 =	vld [tilespmem:s10+$0x210]  }
0xe0: {  	v3 =	vadd.f32 v35, v3;
	v35 =	vld [tilespmem:s10+$0x220]  }
0xe1: {  	v4 =	vadd.f32 v36, v4;
	v36 =	vld [tilespmem:s10+$0x230]  }
0xe2: {  	v6 =	vadd.f32 v30, v6;
	v5 =	vadd.f32 v37, v5;
	v37 =	vld [tilespmem:s10+$0x240]  }
0xe3: {  	[tilespmem:$0x1FFA0] =	vst v62;
	v62 =	vld [tilespmem:s10+$0x20]  }
0xe4: {  	v6 =	vadd.f32 v38, v6;
	v1 =	vadd.f32 v41, v1;
	v41 =	vld [tilespmem:s10+$0x2C0]  }
0xe5: {  	v7 =	vadd.f32 v39, v7;
	v2 =	vadd.f32 v42, v2;
	v42 =	vld [tilespmem:s10+$0x2D0]  }
0xe6: {  	v0 =	vadd.f32 v40, v0;
	v3 =	vadd.f32 v43, v3;
	v43 =	vld [tilespmem:s10+$0x2E0]  }
0xe7: {  	v4 =	vadd.f32 v44, v4;
	v5 =	vadd.f32 v45, v5;
	v44 =	vld [tilespmem:s10+$0x2F0]  }
0xe8: {  	v6 =	vadd.f32 v46, v6;
	v7 =	vadd.f32 v47, v7;
	[tilespmem:$0x1FFB0] =	vst v62;
	v62 =	vld [tilespmem:s10+$0x30]  }
0xe9: {  	v45 =	vld [tilespmem:s10+$0x300];
	v0 =	vadd.f32 v48, v0;
	v1 =	vadd.f32 v49, v1  }
0xea: {  	v2 =	vadd.f32 v50, v2;
	v3 =	vadd.f32 v51, v3;
	v49 =	vld [tilespmem:$0x1FF80]  }
0xeb: {  	v4 =	vadd.f32 v52, v4;
	v5 =	vadd.f32 v53, v5;
	v50 =	vld [tilespmem:$0x1FF90]  }
0xec: {  	v6 =	vadd.f32 v54, v6;
	v7 =	vadd.f32 v55, v7;
	v51 =	vld [tilespmem:$0x1FFA0]  }
0xed: {  	v0 =	vadd.f32 v56, v0;
	v1 =	vadd.f32 v57, v1;
	[tilespmem:$0x1FFC0] =	vst v62;
	v62 =	vld [tilespmem:s10+$0x40]  }
0xee: {  	v46 =	vld [tilespmem:s10+$0x310];
	v2 =	vadd.f32 v58, v2;
	v7 =	vadd.f32 v63, v7  }
0xef: {  	v3 =	vadd.f32 v59, v3;
	v4 =	vadd.f32 v60, v4;
	v53 =	vld [tilespmem:$0x1FFB0]  }
0xf0: {  	v47 =	vld [tilespmem:s10+$0x320];
	v5 =	vadd.f32 v61, v5;
	v7 =	vadd.f32 v8, v7  }
0xf1: {  	v58 =	vld [tilespmem:s10+$0x270];
	v0 =	vadd.f32 v50, v0;
	v1 =	vadd.f32 v51, v1  }
0xf2: {  	v6 =	vadd.f32 v49, v6;
	v7 =	vadd.f32 v16, v7;
	[tilespmem:$0x1FFD0] =	vst v62;
	v62 =	vld [tilespmem:s10+$0x50]  }
0xf3: {  	v60 =	vld [tilespmem:s10+$0x280];
	v0 =	vadd.f32 v9, v0;
	v1 =	vadd.f32 v10, v1  }
0xf4: {  	v61 =	vld [tilespmem:s10+$0x290];
	v7 =	vadd.f32 v24, v7;
	v2 =	vadd.f32 v53, v2  }
0xf5: {  	v54 =	vld [tilespmem:$0x1FFC0];
	v0 =	vadd.f32 v17, v0;
	v1 =	vadd.f32 v18, v1  }
0xf6: {  	v7 =	vadd.f32 v32, v7;
	v2 =	vadd.f32 v11, v2;
	v56 =	vld [tilespmem:$0x1FFD0]  }
0xf7: {  	v0 =	vadd.f32 v25, v0;
	v1 =	vadd.f32 v26, v1;
	[tilespmem:$0x1FFE0] =	vst v62;
	v62 =	vld [tilespmem:s10+$0x60]  }
0xf8: {  	v48 =	vld [tilespmem:s10+$0x1D0];
	v7 =	vadd.f32 v58, v7;
	v2 =	vadd.f32 v19, v2  }
0xf9: {  	v53 =	vld [tilespmem:s10+$0x380];
	v0 =	vadd.f32 v33, v0;
	v1 =	vadd.f32 v34, v1  }
0xfa: {  	v3 =	vadd.f32 v54, v3;
	v7 =	vadd.f32 v44, v7;
	v57 =	vld [tilespmem:$0x1FFE0]  }
0xfb: {  	v54 =	vld [tilespmem:s10+$0x390];
	v2 =	vadd.f32 v27, v2;
	v4 =	vadd.f32 v56, v4  }
0xfc: {  	v0 =	vadd.f32 v60, v0;
	v1 =	vadd.f32 v61, v1;
	[tilespmem:$0x1FFF0] =	vst v62;
	v62 =	vld [tilespmem:s10+$0xB0]  }
0xfd: {  	v2 =	vadd.f32 v35, v2;
	v4 =	vadd.f32 v13, v4;
	v59 =	vld [tilespmem:$0x1FFF0]  }
0xfe: {  	v52 =	vld [tilespmem:s10+$0x250];
	v0 =	vadd.f32 v45, v0;
	v1 =	vadd.f32 v46, v1  }
0xff: {  	v55 =	vld [tilespmem:s10+$0x260];
	v4 =	vadd.f32 v21, v4;
	v5 =	vadd.f32 v57, v5  }
0x100: {  	v63 =	vld [tilespmem:s10+$0x2B0];
	v0 =	vadd.f32 v53, v0;
	v1 =	vadd.f32 v54, v1  }
0x101: {  	v49 =	vld [tilespmem:s10+$0x340];
	v4 =	vadd.f32 v29, v4;
	v5 =	vadd.f32 v14, v5  }
0x102: {  	v50 =	vld [tilespmem:s10+$0x350];
	v3 =	vadd.f32 v62, v3;
	v6 =	vadd.f32 v59, v6  }
0x103: {  	v51 =	vld [tilespmem:s10+$0x360];
	v4 =	vadd.f32 v37, v4;
	v5 =	vadd.f32 v22, v5  }
0x104: {  	v62 =	vld [tilespmem:s10+$0x2A0];
	v3 =	vadd.f32 v20, v3;
	v6 =	vadd.f32 v15, v6  }
0x105: {  	v58 =	vld [tilespmem:s10+$0x3D0];
	v4 =	vadd.f32 v41, v4;
	v5 =	vadd.f32 v48, v5  }
0x106: {  	v57 =	vld [tilespmem:s10+$0x3C0];
	v3 =	vadd.f32 v28, v3;
	v6 =	vadd.f32 v23, v6  }
0x107: {  	v48 =	vld [tilespmem:s10+$0x330];
	v4 =	vadd.f32 v49, v4;
	v5 =	vadd.f32 v52, v5  }
0x108: {  	v56 =	vld [tilespmem:s10+$0x3B0];
	v3 =	vadd.f32 v36, v3;
	v6 =	vadd.f32 v31, v6  }
0x109: {  	v52 =	vld [tilespmem:s10+$0x370];
	v2 =	vadd.f32 v62, v2;
	v5 =	vadd.f32 v42, v5  }
0x10a: {  	v3 =	vadd.f32 v63, v3;
	v6 =	vadd.f32 v55, v6;
	v55 =	vld [tilespmem:s10+$0x3A0]  }
0x10b: {  	s11 =	sshra.s32 s9, $0x2;
	v59 =	vld [tilespmem:s10+$0x3E0];
	v4 =	vadd.f32 v57, v4;
	v61 =	vadd.f32 v50, v5  }
0x10c: {  	v60 =	vld [tilespmem:s10+$0x3F0];
	[tilespmem:s11+$0x14480] =	vst v0;
	v3 =	vadd.f32 v48, v3;
	v6 =	vadd.f32 v43, v6  }
0x10d: {  	v2 =	vadd.f32 v47, v2;
	[tilespmem:s11+$0x14490] =	vst v1;
	v0 =	vadd.f32 v58, v61  }
0x10e: {  	p1 =	sne.s32 s9, $0xE00;
	[tilespmem:s11+$0x144C0] =	vst v4;
	v3 =	vadd.f32 v56, v3;
	v62 =	vadd.f32 v51, v6  }
.Ltmp2:
0x10f: {  	v63 =	vadd.f32 v52, v7;
	[tilespmem:s11+$0x144D0] =	vst v0;
	v2 =	vadd.f32 v55, v2;
	(pc) =	sbr.rel @p1 .LBB2_3-.Ltmp2, $4  }
0x110: {  	[tilespmem:s11+$0x144B0] =	vst v3;
	v1 =	vadd.f32 v59, v62  }
0x111: {  	[tilespmem:s11+$0x144A0] =	vst v2;
	v2 =	vadd.f32 v60, v63  }
0x112: {  	[tilespmem:s11+$0x144E0] =	vst v1  }
0x113: {  	s9 =	sadd.s32 $0x200, s9;
	s10 =	sadd.s32 $0x800, s10;
	[tilespmem:s11+$0x144F0] =	vst v2  }
0x114: {  	p1 =	sne.s32 s7, $0x1F  }
.Ltmp3:
0x115: {  	_ = 	snop;
	(pc) =	sbr.rel @p1 .LBB2_6-.Ltmp3, $4  }
0x116: {  	_ = 	snop  }
0x117: {  	s9 =	sshll.u32 s7, $0x9  }
0x118: {  	s9 =	sadd.s32 s9, s18  }
0x119: {  	[hbm4b:s9+s3] =	stream.linear.scatter [tilespmem:s20], [sflag:$0x5], $0x400, $0x38;
	[tilespmem:$0x14C80] =	vst v63  }
.Ltmp4:
0x11a: {  	(pc) =	sbr.rel .LBB2_7-.Ltmp4, $4  }
0x11b: {  	_ = 	snop  }
0x11c: {  	_ =	swait.ge [sflag:s26], $0x4000  }
0x11d: {  	[sflag:s26] =	ssyncset.done $0x0  }
0x11e: {  	[sflag:s26] =	ssyncadd.s32 $0xFFFFC000  }
.LBB2_6:
0x11f: {  	s9 =	sshrl.u32 s8, $0x2  }
.Ltmp5:
0x120: {  	s9 =	sadd.s32 $0x200, s9;
	(pc) =	sbr.rel @p0 .LBB2_8-.Ltmp5, $4  }
0x121: {  	[tilespmem:s30], [sflag:$0x1] =	stream.indirect.gather [hbm4b:s2+s29], $0x80, s9, s29, $0xb8;
	[tilespmem:$0x14C80] =	vst v63  }
0x122: {  	_ =	swait.ge [sflag:s26], $0x4000  }
0x123: {  	[sflag:s26] =	ssyncset.done $0x0  }
0x124: {  	[sflag:s26] =	ssyncadd.s32 $0xFFFFC000  }
.LBB2_7:
0x125: {  	_ =	swait.ge [sflag:s25], $0x400  }
0x126: {  	[sflag:s25] =	ssyncset.done $0x0  }
0x127: {  	[sflag:s25] =	ssyncadd.s32 $0xFFFFFC00  }
.LBB2_8:
0x128: {  	s9 =	simm.s32 $0x0;
	s10 =	simm.s32 $0x8880  }
.LBB2_9:
0x129: {  	v0 =	vld [tilespmem:s10+$0xFFFFFC00]  }
0x12a: {  	v1 =	vld [tilespmem:s10+$0xFFFFFC10]  }
0x12b: {  	v2 =	vld [tilespmem:s10+$0xFFFFFC20]  }
0x12c: {  	v3 =	vld [tilespmem:s10+$0xFFFFFC30]  }
0x12d: {  	v4 =	vld [tilespmem:s10+$0xFFFFFC40]  }
0x12e: {  	v5 =	vld [tilespmem:s10+$0xFFFFFC50]  }
0x12f: {  	v6 =	vld [tilespmem:s10+$0xFFFFFC60]  }
0x130: {  	v7 =	vld [tilespmem:s10+$0xFFFFFC70]  }
0x131: {  	v8 =	vld [tilespmem:s10+$0xFFFFFC80]  }
0x132: {  	v9 =	vld [tilespmem:s10+$0xFFFFFC90]  }
0x133: {  	v10 =	vld [tilespmem:s10+$0xFFFFFCA0]  }
0x134: {  	v11 =	vld [tilespmem:s10+$0xFFFFFCB0]  }
0x135: {  	v12 =	vld [tilespmem:s10+$0xFFFFFCC0]  }
0x136: {  	v13 =	vld [tilespmem:s10+$0xFFFFFCD0]  }
0x137: {  	v14 =	vld [tilespmem:s10+$0xFFFFFCE0]  }
0x138: {  	v15 =	vld [tilespmem:s10+$0xFFFFFCF0]  }
0x139: {  	v16 =	vld [tilespmem:s10+$0xFFFFFD00]  }
0x13a: {  	v17 =	vld [tilespmem:s10+$0xFFFFFD10]  }
0x13b: {  	v18 =	vld [tilespmem:s10+$0xFFFFFD20]  }
0x13c: {  	v19 =	vld [tilespmem:s10+$0xFFFFFD30]  }
0x13d: {  	v20 =	vld [tilespmem:s10+$0xFFFFFD40]  }
0x13e: {  	v21 =	vld [tilespmem:s10+$0xFFFFFD50]  }
0x13f: {  	v22 =	vld [tilespmem:s10+$0xFFFFFD60]  }
0x140: {  	v23 =	vld [tilespmem:s10+$0xFFFFFD70]  }
0x141: {  	v24 =	vld [tilespmem:s10+$0xFFFFFD80]  }
0x142: {  	v25 =	vld [tilespmem:s10+$0xFFFFFD90]  }
0x143: {  	v26 =	vld [tilespmem:s10+$0xFFFFFDA0]  }
0x144: {  	v27 =	vld [tilespmem:s10+$0xFFFFFDB0]  }
0x145: {  	v28 =	vld [tilespmem:s10+$0xFFFFFDC0]  }
0x146: {  	v29 =	vld [tilespmem:s10+$0xFFFFFDD0]  }
0x147: {  	v30 =	vld [tilespmem:s10+$0xFFFFFDE0]  }
0x148: {  	v31 =	vld [tilespmem:s10+$0xFFFFFDF0]  }
0x149: {  	v32 =	vld [tilespmem:s10+$0xFFFFFE00]  }
0x14a: {  	v33 =	vld [tilespmem:s10+$0xFFFFFE10]  }
0x14b: {  	v34 =	vld [tilespmem:s10+$0xFFFFFE20]  }
0x14c: {  	v35 =	vld [tilespmem:s10+$0xFFFFFE30]  }
0x14d: {  	v36 =	vld [tilespmem:s10+$0xFFFFFE40]  }
0x14e: {  	v37 =	vld [tilespmem:s10+$0xFFFFFE50]  }
0x14f: {  	v38 =	vld [tilespmem:s10+$0xFFFFFE60]  }
0x150: {  	v39 =	vld [tilespmem:s10+$0xFFFFFE70]  }
0x151: {  	v40 =	vld [tilespmem:s10+$0xFFFFFE80]  }
0x152: {  	v41 =	vld [tilespmem:s10+$0xFFFFFE90]  }
0x153: {  	v42 =	vld [tilespmem:s10+$0xFFFFFEA0]  }
0x154: {  	v43 =	vld [tilespmem:s10+$0xFFFFFEB0]  }
0x155: {  	v44 =	vld [tilespmem:s10+$0xFFFFFEC0]  }
0x156: {  	v45 =	vld [tilespmem:s10+$0xFFFFFED0]  }
0x157: {  	v46 =	vld [tilespmem:s10+$0xFFFFFEE0]  }
0x158: {  	v47 =	vld [tilespmem:s10+$0xFFFFFEF0]  }
0x159: {  	v48 =	vld [tilespmem:s10+$0xFFFFFF00]  }
0x15a: {  	v49 =	vld [tilespmem:s10+$0xFFFFFF10]  }
0x15b: {  	v50 =	vld [tilespmem:s10+$0xFFFFFF20]  }
0x15c: {  	v51 =	vld [tilespmem:s10+$0xFFFFFF30]  }
0x15d: {  	v52 =	vld [tilespmem:s10+$0xFFFFFF40]  }
0x15e: {  	v53 =	vld [tilespmem:s10+$0xFFFFFF50]  }
0x15f: {  	v54 =	vld [tilespmem:s10+$0xFFFFFF60]  }
0x160: {  	v55 =	vld [tilespmem:s10+$0xFFFFFF70]  }
0x161: {  	v56 =	vld [tilespmem:s10+$0xFFFFFF80]  }
0x162: {  	v57 =	vld [tilespmem:s10+$0xFFFFFF90]  }
0x163: {  	v58 =	vld [tilespmem:s10+$0xFFFFFFA0]  }
0x164: {  	v62 =	vld [tilespmem:s10+$0xFFFFFFE0]  }
0x165: {  	v59 =	vld [tilespmem:s10+$0xFFFFFFB0]  }
0x166: {  	v60 =	vld [tilespmem:s10+$0xFFFFFFC0]  }
0x167: {  	v61 =	vld [tilespmem:s10+$0xFFFFFFD0]  }
0x168: {  	v63 =	vld [tilespmem:s10+$0xFFFFFFF0];
	v0 =	vadd.f32 $0.0e+00, v0  }
0x169: {  	[tilespmem:$0x1FF00] =	vst v62;
	v62 =	vld [tilespmem:s10+$0x0];
	v1 =	vadd.f32 $0.0e+00, v1  }
0x16a: {  	v2 =	vadd.f32 $0.0e+00, v2;
	v0 =	vadd.f32 v8, v0;
	v8 =	vld [tilespmem:s10+$0x70]  }
0x16b: {  	v3 =	vadd.f32 $0.0e+00, v3;
	v1 =	vadd.f32 v9, v1;
	v9 =	vld [tilespmem:s10+$0x80]  }
0x16c: {  	v5 =	vadd.f32 $0.0e+00, v5;
	v2 =	vadd.f32 v10, v2;
	v10 =	vld [tilespmem:s10+$0x90]  }
0x16d: {  	v6 =	vadd.f32 $0.0e+00, v6;
	v3 =	vadd.f32 v11, v3;
	v11 =	vld [tilespmem:s10+$0xA0]  }
0x16e: {  	v7 =	vadd.f32 $0.0e+00, v7;
	v5 =	vadd.f32 v13, v5;
	v13 =	vld [tilespmem:s10+$0xC0]  }
0x16f: {  	v6 =	vadd.f32 v14, v6;
	v14 =	vld [tilespmem:s10+$0xD0]  }
0x170: {  	v7 =	vadd.f32 v15, v7;
	v15 =	vld [tilespmem:s10+$0xE0]  }
0x171: {  	v4 =	vadd.f32 $0.0e+00, v4;
	v0 =	vadd.f32 v16, v0;
	v16 =	vld [tilespmem:s10+$0xF0]  }
0x172: {  	v1 =	vadd.f32 v17, v1;
	v17 =	vld [tilespmem:s10+$0x100]  }
0x173: {  	v4 =	vadd.f32 v12, v4;
	v2 =	vadd.f32 v18, v2;
	v18 =	vld [tilespmem:s10+$0x110]  }
0x174: {  	v3 =	vadd.f32 v19, v3;
	v19 =	vld [tilespmem:s10+$0x120]  }
0x175: {  	v4 =	vadd.f32 v20, v4;
	v20 =	vld [tilespmem:s10+$0x130]  }
0x176: {  	v5 =	vadd.f32 v21, v5;
	v21 =	vld [tilespmem:s10+$0x140]  }
0x177: {  	v6 =	vadd.f32 v22, v6;
	v22 =	vld [tilespmem:s10+$0x150]  }
0x178: {  	v7 =	vadd.f32 v23, v7;
	v23 =	vld [tilespmem:s10+$0x160]  }
0x179: {  	[tilespmem:$0x1FF10] =	vst v62;
	v62 =	vld [tilespmem:s10+$0x10]  }
0x17a: {  	v0 =	vadd.f32 v24, v0;
	v24 =	vld [tilespmem:s10+$0x170]  }
0x17b: {  	v1 =	vadd.f32 v25, v1;
	v25 =	vld [tilespmem:s10+$0x180]  }
0x17c: {  	v2 =	vadd.f32 v26, v2;
	v26 =	vld [tilespmem:s10+$0x190]  }
0x17d: {  	v3 =	vadd.f32 v27, v3;
	v27 =	vld [tilespmem:s10+$0x1A0]  }
0x17e: {  	v4 =	vadd.f32 v28, v4;
	v28 =	vld [tilespmem:s10+$0x1B0]  }
0x17f: {  	v5 =	vadd.f32 v29, v5;
	v29 =	vld [tilespmem:s10+$0x1C0]  }
0x180: {  	v7 =	vadd.f32 v31, v7;
	v31 =	vld [tilespmem:s10+$0x1E0]  }
0x181: {  	v0 =	vadd.f32 v32, v0;
	v32 =	vld [tilespmem:s10+$0x1F0]  }
0x182: {  	v1 =	vadd.f32 v33, v1;
	v33 =	vld [tilespmem:s10+$0x200]  }
0x183: {  	v2 =	vadd.f32 v34, v2;
	v34 =	vld [tilespmem:s10+$0x210]  }
0x184: {  	v3 =	vadd.f32 v35, v3;
	v35 =	vld [tilespmem:s10+$0x220]  }
0x185: {  	v4 =	vadd.f32 v36, v4;
	v36 =	vld [tilespmem:s10+$0x230]  }
0x186: {  	v6 =	vadd.f32 v30, v6;
	v5 =	vadd.f32 v37, v5;
	v37 =	vld [tilespmem:s10+$0x240]  }
0x187: {  	[tilespmem:$0x1FF20] =	vst v62;
	v62 =	vld [tilespmem:s10+$0x20]  }
0x188: {  	v6 =	vadd.f32 v38, v6;
	v1 =	vadd.f32 v41, v1;
	v41 =	vld [tilespmem:s10+$0x2C0]  }
0x189: {  	v7 =	vadd.f32 v39, v7;
	v2 =	vadd.f32 v42, v2;
	v42 =	vld [tilespmem:s10+$0x2D0]  }
0x18a: {  	v0 =	vadd.f32 v40, v0;
	v3 =	vadd.f32 v43, v3;
	v43 =	vld [tilespmem:s10+$0x2E0]  }
0x18b: {  	v4 =	vadd.f32 v44, v4;
	v5 =	vadd.f32 v45, v5;
	v44 =	vld [tilespmem:s10+$0x2F0]  }
0x18c: {  	v6 =	vadd.f32 v46, v6;
	v7 =	vadd.f32 v47, v7;
	[tilespmem:$0x1FF30] =	vst v62;
	v62 =	vld [tilespmem:s10+$0x30]  }
0x18d: {  	v45 =	vld [tilespmem:s10+$0x300];
	v0 =	vadd.f32 v48, v0;
	v1 =	vadd.f32 v49, v1  }
0x18e: {  	v2 =	vadd.f32 v50, v2;
	v3 =	vadd.f32 v51, v3;
	v49 =	vld [tilespmem:$0x1FF00]  }
0x18f: {  	v4 =	vadd.f32 v52, v4;
	v5 =	vadd.f32 v53, v5;
	v50 =	vld [tilespmem:$0x1FF10]  }
0x190: {  	v6 =	vadd.f32 v54, v6;
	v7 =	vadd.f32 v55, v7;
	v51 =	vld [tilespmem:$0x1FF20]  }
0x191: {  	v0 =	vadd.f32 v56, v0;
	v1 =	vadd.f32 v57, v1;
	[tilespmem:$0x1FF40] =	vst v62;
	v62 =	vld [tilespmem:s10+$0x40]  }
0x192: {  	v46 =	vld [tilespmem:s10+$0x310];
	v2 =	vadd.f32 v58, v2;
	v7 =	vadd.f32 v63, v7  }
0x193: {  	v3 =	vadd.f32 v59, v3;
	v4 =	vadd.f32 v60, v4;
	v53 =	vld [tilespmem:$0x1FF30]  }
0x194: {  	v47 =	vld [tilespmem:s10+$0x320];
	v5 =	vadd.f32 v61, v5;
	v7 =	vadd.f32 v8, v7  }
0x195: {  	v58 =	vld [tilespmem:s10+$0x270];
	v0 =	vadd.f32 v50, v0;
	v1 =	vadd.f32 v51, v1  }
0x196: {  	v6 =	vadd.f32 v49, v6;
	v7 =	vadd.f32 v16, v7;
	[tilespmem:$0x1FF50] =	vst v62;
	v62 =	vld [tilespmem:s10+$0x50]  }
0x197: {  	v60 =	vld [tilespmem:s10+$0x280];
	v0 =	vadd.f32 v9, v0;
	v1 =	vadd.f32 v10, v1  }
0x198: {  	v61 =	vld [tilespmem:s10+$0x290];
	v7 =	vadd.f32 v24, v7;
	v2 =	vadd.f32 v53, v2  }
0x199: {  	v54 =	vld [tilespmem:$0x1FF40];
	v0 =	vadd.f32 v17, v0;
	v1 =	vadd.f32 v18, v1  }
0x19a: {  	v7 =	vadd.f32 v32, v7;
	v2 =	vadd.f32 v11, v2;
	v56 =	vld [tilespmem:$0x1FF50]  }
0x19b: {  	v0 =	vadd.f32 v25, v0;
	v1 =	vadd.f32 v26, v1;
	[tilespmem:$0x1FF60] =	vst v62;
	v62 =	vld [tilespmem:s10+$0x60]  }
0x19c: {  	v48 =	vld [tilespmem:s10+$0x1D0];
	v7 =	vadd.f32 v58, v7;
	v2 =	vadd.f32 v19, v2  }
0x19d: {  	v53 =	vld [tilespmem:s10+$0x380];
	v0 =	vadd.f32 v33, v0;
	v1 =	vadd.f32 v34, v1  }
0x19e: {  	v3 =	vadd.f32 v54, v3;
	v7 =	vadd.f32 v44, v7;
	v57 =	vld [tilespmem:$0x1FF60]  }
0x19f: {  	v54 =	vld [tilespmem:s10+$0x390];
	v2 =	vadd.f32 v27, v2;
	v4 =	vadd.f32 v56, v4  }
0x1a0: {  	v0 =	vadd.f32 v60, v0;
	v1 =	vadd.f32 v61, v1;
	[tilespmem:$0x1FF70] =	vst v62;
	v62 =	vld [tilespmem:s10+$0xB0]  }
0x1a1: {  	v2 =	vadd.f32 v35, v2;
	v4 =	vadd.f32 v13, v4;
	v59 =	vld [tilespmem:$0x1FF70]  }
0x1a2: {  	v52 =	vld [tilespmem:s10+$0x250];
	v0 =	vadd.f32 v45, v0;
	v1 =	vadd.f32 v46, v1  }
0x1a3: {  	v55 =	vld [tilespmem:s10+$0x260];
	v4 =	vadd.f32 v21, v4;
	v5 =	vadd.f32 v57, v5  }
0x1a4: {  	v63 =	vld [tilespmem:s10+$0x2B0];
	v0 =	vadd.f32 v53, v0;
	v1 =	vadd.f32 v54, v1  }
0x1a5: {  	v49 =	vld [tilespmem:s10+$0x340];
	v4 =	vadd.f32 v29, v4;
	v5 =	vadd.f32 v14, v5  }
0x1a6: {  	v50 =	vld [tilespmem:s10+$0x350];
	v3 =	vadd.f32 v62, v3;
	v6 =	vadd.f32 v59, v6  }
0x1a7: {  	v51 =	vld [tilespmem:s10+$0x360];
	v4 =	vadd.f32 v37, v4;
	v5 =	vadd.f32 v22, v5  }
0x1a8: {  	v62 =	vld [tilespmem:s10+$0x2A0];
	v3 =	vadd.f32 v20, v3;
	v6 =	vadd.f32 v15, v6  }
0x1a9: {  	v58 =	vld [tilespmem:s10+$0x3D0];
	v4 =	vadd.f32 v41, v4;
	v5 =	vadd.f32 v48, v5  }
0x1aa: {  	v57 =	vld [tilespmem:s10+$0x3C0];
	v3 =	vadd.f32 v28, v3;
	v6 =	vadd.f32 v23, v6  }
0x1ab: {  	v48 =	vld [tilespmem:s10+$0x330];
	v4 =	vadd.f32 v49, v4;
	v5 =	vadd.f32 v52, v5  }
0x1ac: {  	v56 =	vld [tilespmem:s10+$0x3B0];
	v3 =	vadd.f32 v36, v3;
	v6 =	vadd.f32 v31, v6  }
0x1ad: {  	v52 =	vld [tilespmem:s10+$0x370];
	v2 =	vadd.f32 v62, v2;
	v5 =	vadd.f32 v42, v5  }
0x1ae: {  	v3 =	vadd.f32 v63, v3;
	v6 =	vadd.f32 v55, v6;
	v55 =	vld [tilespmem:s10+$0x3A0]  }
0x1af: {  	s11 =	sshra.s32 s9, $0x2;
	v59 =	vld [tilespmem:s10+$0x3E0];
	v4 =	vadd.f32 v57, v4;
	v61 =	vadd.f32 v50, v5  }
0x1b0: {  	v60 =	vld [tilespmem:s10+$0x3F0];
	[tilespmem:s11+$0x14880] =	vst v0;
	v3 =	vadd.f32 v48, v3;
	v6 =	vadd.f32 v43, v6  }
0x1b1: {  	v2 =	vadd.f32 v47, v2;
	[tilespmem:s11+$0x14890] =	vst v1;
	v0 =	vadd.f32 v58, v61  }
0x1b2: {  	p0 =	sne.s32 s9, $0xE00;
	[tilespmem:s11+$0x148C0] =	vst v4;
	v3 =	vadd.f32 v56, v3;
	v62 =	vadd.f32 v51, v6  }
.Ltmp6:
0x1b3: {  	v63 =	vadd.f32 v52, v7;
	[tilespmem:s11+$0x148D0] =	vst v0;
	v2 =	vadd.f32 v55, v2;
	(pc) =	sbr.rel @p0 .LBB2_9-.Ltmp6, $4  }
0x1b4: {  	[tilespmem:s11+$0x148B0] =	vst v3;
	v1 =	vadd.f32 v59, v62  }
0x1b5: {  	[tilespmem:s11+$0x148A0] =	vst v2;
	v2 =	vadd.f32 v60, v63  }
0x1b6: {  	[tilespmem:s11+$0x148E0] =	vst v1  }
0x1b7: {  	s9 =	sadd.s32 $0x200, s9;
	s10 =	sadd.s32 $0x800, s10;
	[tilespmem:s11+$0x148F0] =	vst v2  }
0x1b8: {  	s9 =	sshll.u32 s7, $0x5  }
0x1b9: {  	s9 =	sadd.s32 s9, s4  }
0x1ba: {  	s9 =	sshll.u32 s9, $0x4  }
0x1bb: {  	s9 =	sadd.s32 s5, s9  }
0x1bc: {  	p0 =	seq.s32 s7, $0x1F;
	s10 =	sadd.s32 $0x80, s9  }
0x1bd: {  	[hbm4b:s10+s3] =	stream.linear.scatter [tilespmem:s21], [sflag:$0x6], $0x400, $0x38;
	[tilespmem:$0x14C80] =	vst v63  }
0x1be: {  	s10 =	sshrl.u32 @!p0 s8, $0x2  }
0x1bf: {  	s12 =	simm.s32 @!p0 $0x80;
	s13 =	simm.s32 @!p0 $0x8480;
	s11 =	sadd.s32 @!p0 $0x280, s10  }
0x1c0: {  	[tilespmem:s13], [sflag:$0x2] =	stream.indirect.gather @!p0 [hbm4b:s2+s12], $0x80, s11, s12, $0xb8;
	[tilespmem:$0x14C80] =	vst v63  }
0x1c1: {  	_ =	swait.ge [sflag:s1], $0x4000  }
0x1c2: {  	[sflag:s1] =	ssyncset.done $0x0  }
0x1c3: {  	[sflag:s1] =	ssyncadd.s32 $0xFFFFC000  }
0x1c4: {  	_ =	swait.ge [sflag:s22], $0x400  }
0x1c5: {  	[sflag:s22] =	ssyncset.done $0x0  }
0x1c6: {  	s11 =	simm.s32 $0x0;
	s12 =	simm.s32 $0xC880;
	[sflag:s22] =	ssyncadd.s32 $0xFFFFFC00  }
.LBB2_11:
0x1c7: {  	v0 =	vld [tilespmem:s12+$0xFFFFFC00]  }
0x1c8: {  	v1 =	vld [tilespmem:s12+$0xFFFFFC10]  }
0x1c9: {  	v2 =	vld [tilespmem:s12+$0xFFFFFC20]  }
0x1ca: {  	v3 =	vld [tilespmem:s12+$0xFFFFFC30]  }
0x1cb: {  	v4 =	vld [tilespmem:s12+$0xFFFFFC40]  }
0x1cc: {  	v5 =	vld [tilespmem:s12+$0xFFFFFC50]  }
0x1cd: {  	v6 =	vld [tilespmem:s12+$0xFFFFFC60]  }
0x1ce: {  	v7 =	vld [tilespmem:s12+$0xFFFFFC70]  }
0x1cf: {  	v8 =	vld [tilespmem:s12+$0xFFFFFC80]  }
0x1d0: {  	v9 =	vld [tilespmem:s12+$0xFFFFFC90]  }
0x1d1: {  	v10 =	vld [tilespmem:s12+$0xFFFFFCA0]  }
0x1d2: {  	v11 =	vld [tilespmem:s12+$0xFFFFFCB0]  }
0x1d3: {  	v12 =	vld [tilespmem:s12+$0xFFFFFCC0]  }
0x1d4: {  	v13 =	vld [tilespmem:s12+$0xFFFFFCD0]  }
0x1d5: {  	v14 =	vld [tilespmem:s12+$0xFFFFFCE0]  }
0x1d6: {  	v15 =	vld [tilespmem:s12+$0xFFFFFCF0]  }
0x1d7: {  	v16 =	vld [tilespmem:s12+$0xFFFFFD00]  }
0x1d8: {  	v17 =	vld [tilespmem:s12+$0xFFFFFD10]  }
0x1d9: {  	v18 =	vld [tilespmem:s12+$0xFFFFFD20]  }
0x1da: {  	v19 =	vld [tilespmem:s12+$0xFFFFFD30]  }
0x1db: {  	v20 =	vld [tilespmem:s12+$0xFFFFFD40]  }
0x1dc: {  	v21 =	vld [tilespmem:s12+$0xFFFFFD50]  }
0x1dd: {  	v22 =	vld [tilespmem:s12+$0xFFFFFD60]  }
0x1de: {  	v23 =	vld [tilespmem:s12+$0xFFFFFD70]  }
0x1df: {  	v24 =	vld [tilespmem:s12+$0xFFFFFD80]  }
0x1e0: {  	v25 =	vld [tilespmem:s12+$0xFFFFFD90]  }
0x1e1: {  	v26 =	vld [tilespmem:s12+$0xFFFFFDA0]  }
0x1e2: {  	v27 =	vld [tilespmem:s12+$0xFFFFFDB0]  }
0x1e3: {  	v28 =	vld [tilespmem:s12+$0xFFFFFDC0]  }
0x1e4: {  	v29 =	vld [tilespmem:s12+$0xFFFFFDD0]  }
0x1e5: {  	v30 =	vld [tilespmem:s12+$0xFFFFFDE0]  }
0x1e6: {  	v31 =	vld [tilespmem:s12+$0xFFFFFDF0]  }
0x1e7: {  	v32 =	vld [tilespmem:s12+$0xFFFFFE00]  }
0x1e8: {  	v33 =	vld [tilespmem:s12+$0xFFFFFE10]  }
0x1e9: {  	v34 =	vld [tilespmem:s12+$0xFFFFFE20]  }
0x1ea: {  	v35 =	vld [tilespmem:s12+$0xFFFFFE30]  }
0x1eb: {  	v36 =	vld [tilespmem:s12+$0xFFFFFE40]  }
0x1ec: {  	v37 =	vld [tilespmem:s12+$0xFFFFFE50]  }
0x1ed: {  	v38 =	vld [tilespmem:s12+$0xFFFFFE60]  }
0x1ee: {  	v39 =	vld [tilespmem:s12+$0xFFFFFE70]  }
0x1ef: {  	v40 =	vld [tilespmem:s12+$0xFFFFFE80]  }
0x1f0: {  	v41 =	vld [tilespmem:s12+$0xFFFFFE90]  }
0x1f1: {  	v42 =	vld [tilespmem:s12+$0xFFFFFEA0]  }
0x1f2: {  	v43 =	vld [tilespmem:s12+$0xFFFFFEB0]  }
0x1f3: {  	v44 =	vld [tilespmem:s12+$0xFFFFFEC0]  }
0x1f4: {  	v45 =	vld [tilespmem:s12+$0xFFFFFED0]  }
0x1f5: {  	v46 =	vld [tilespmem:s12+$0xFFFFFEE0]  }
0x1f6: {  	v47 =	vld [tilespmem:s12+$0xFFFFFEF0]  }
0x1f7: {  	v48 =	vld [tilespmem:s12+$0xFFFFFF00]  }
0x1f8: {  	v49 =	vld [tilespmem:s12+$0xFFFFFF10]  }
0x1f9: {  	v50 =	vld [tilespmem:s12+$0xFFFFFF20]  }
0x1fa: {  	v51 =	vld [tilespmem:s12+$0xFFFFFF30]  }
0x1fb: {  	v52 =	vld [tilespmem:s12+$0xFFFFFF40]  }
0x1fc: {  	v53 =	vld [tilespmem:s12+$0xFFFFFF50]  }
0x1fd: {  	v54 =	vld [tilespmem:s12+$0xFFFFFF60]  }
0x1fe: {  	v55 =	vld [tilespmem:s12+$0xFFFFFF70]  }
0x1ff: {  	v56 =	vld [tilespmem:s12+$0xFFFFFF80]  }
0x200: {  	v57 =	vld [tilespmem:s12+$0xFFFFFF90]  }
0x201: {  	v58 =	vld [tilespmem:s12+$0xFFFFFFA0]  }
0x202: {  	v62 =	vld [tilespmem:s12+$0xFFFFFFE0]  }
0x203: {  	v59 =	vld [tilespmem:s12+$0xFFFFFFB0]  }
0x204: {  	v60 =	vld [tilespmem:s12+$0xFFFFFFC0]  }
0x205: {  	v61 =	vld [tilespmem:s12+$0xFFFFFFD0]  }
0x206: {  	v63 =	vld [tilespmem:s12+$0xFFFFFFF0];
	v0 =	vadd.f32 $0.0e+00, v0  }
0x207: {  	[tilespmem:$0x1FE80] =	vst v62;
	v62 =	vld [tilespmem:s12+$0x0];
	v1 =	vadd.f32 $0.0e+00, v1  }
0x208: {  	v2 =	vadd.f32 $0.0e+00, v2;
	v0 =	vadd.f32 v8, v0;
	v8 =	vld [tilespmem:s12+$0x70]  }
0x209: {  	v3 =	vadd.f32 $0.0e+00, v3;
	v1 =	vadd.f32 v9, v1;
	v9 =	vld [tilespmem:s12+$0x80]  }
0x20a: {  	v5 =	vadd.f32 $0.0e+00, v5;
	v2 =	vadd.f32 v10, v2;
	v10 =	vld [tilespmem:s12+$0x90]  }
0x20b: {  	v6 =	vadd.f32 $0.0e+00, v6;
	v3 =	vadd.f32 v11, v3;
	v11 =	vld [tilespmem:s12+$0xA0]  }
0x20c: {  	v7 =	vadd.f32 $0.0e+00, v7;
	v5 =	vadd.f32 v13, v5;
	v13 =	vld [tilespmem:s12+$0xC0]  }
0x20d: {  	v6 =	vadd.f32 v14, v6;
	v14 =	vld [tilespmem:s12+$0xD0]  }
0x20e: {  	v7 =	vadd.f32 v15, v7;
	v15 =	vld [tilespmem:s12+$0xE0]  }
0x20f: {  	v4 =	vadd.f32 $0.0e+00, v4;
	v0 =	vadd.f32 v16, v0;
	v16 =	vld [tilespmem:s12+$0xF0]  }
0x210: {  	v1 =	vadd.f32 v17, v1;
	v17 =	vld [tilespmem:s12+$0x100]  }
0x211: {  	v4 =	vadd.f32 v12, v4;
	v2 =	vadd.f32 v18, v2;
	v18 =	vld [tilespmem:s12+$0x110]  }
0x212: {  	v3 =	vadd.f32 v19, v3;
	v19 =	vld [tilespmem:s12+$0x120]  }
0x213: {  	v4 =	vadd.f32 v20, v4;
	v20 =	vld [tilespmem:s12+$0x130]  }
0x214: {  	v5 =	vadd.f32 v21, v5;
	v21 =	vld [tilespmem:s12+$0x140]  }
0x215: {  	v6 =	vadd.f32 v22, v6;
	v22 =	vld [tilespmem:s12+$0x150]  }
0x216: {  	v7 =	vadd.f32 v23, v7;
	v23 =	vld [tilespmem:s12+$0x160]  }
0x217: {  	[tilespmem:$0x1FE90] =	vst v62;
	v62 =	vld [tilespmem:s12+$0x10]  }
0x218: {  	v0 =	vadd.f32 v24, v0;
	v24 =	vld [tilespmem:s12+$0x170]  }
0x219: {  	v1 =	vadd.f32 v25, v1;
	v25 =	vld [tilespmem:s12+$0x180]  }
0x21a: {  	v2 =	vadd.f32 v26, v2;
	v26 =	vld [tilespmem:s12+$0x190]  }
0x21b: {  	v3 =	vadd.f32 v27, v3;
	v27 =	vld [tilespmem:s12+$0x1A0]  }
0x21c: {  	v4 =	vadd.f32 v28, v4;
	v28 =	vld [tilespmem:s12+$0x1B0]  }
0x21d: {  	v5 =	vadd.f32 v29, v5;
	v29 =	vld [tilespmem:s12+$0x1C0]  }
0x21e: {  	v7 =	vadd.f32 v31, v7;
	v31 =	vld [tilespmem:s12+$0x1E0]  }
0x21f: {  	v0 =	vadd.f32 v32, v0;
	v32 =	vld [tilespmem:s12+$0x1F0]  }
0x220: {  	v1 =	vadd.f32 v33, v1;
	v33 =	vld [tilespmem:s12+$0x200]  }
0x221: {  	v2 =	vadd.f32 v34, v2;
	v34 =	vld [tilespmem:s12+$0x210]  }
0x222: {  	v3 =	vadd.f32 v35, v3;
	v35 =	vld [tilespmem:s12+$0x220]  }
0x223: {  	v4 =	vadd.f32 v36, v4;
	v36 =	vld [tilespmem:s12+$0x230]  }
0x224: {  	v6 =	vadd.f32 v30, v6;
	v5 =	vadd.f32 v37, v5;
	v37 =	vld [tilespmem:s12+$0x240]  }
0x225: {  	[tilespmem:$0x1FEA0] =	vst v62;
	v62 =	vld [tilespmem:s12+$0x20]  }
0x226: {  	v6 =	vadd.f32 v38, v6;
	v1 =	vadd.f32 v41, v1;
	v41 =	vld [tilespmem:s12+$0x2C0]  }
0x227: {  	v7 =	vadd.f32 v39, v7;
	v2 =	vadd.f32 v42, v2;
	v42 =	vld [tilespmem:s12+$0x2D0]  }
0x228: {  	v0 =	vadd.f32 v40, v0;
	v3 =	vadd.f32 v43, v3;
	v43 =	vld [tilespmem:s12+$0x2E0]  }
0x229: {  	v4 =	vadd.f32 v44, v4;
	v5 =	vadd.f32 v45, v5;
	v44 =	vld [tilespmem:s12+$0x2F0]  }
0x22a: {  	v6 =	vadd.f32 v46, v6;
	v7 =	vadd.f32 v47, v7;
	[tilespmem:$0x1FEB0] =	vst v62;
	v62 =	vld [tilespmem:s12+$0x30]  }
0x22b: {  	v45 =	vld [tilespmem:s12+$0x300];
	v0 =	vadd.f32 v48, v0;
	v1 =	vadd.f32 v49, v1  }
0x22c: {  	v2 =	vadd.f32 v50, v2;
	v3 =	vadd.f32 v51, v3;
	v49 =	vld [tilespmem:$0x1FE80]  }
0x22d: {  	v4 =	vadd.f32 v52, v4;
	v5 =	vadd.f32 v53, v5;
	v50 =	vld [tilespmem:$0x1FE90]  }
0x22e: {  	v6 =	vadd.f32 v54, v6;
	v7 =	vadd.f32 v55, v7;
	v51 =	vld [tilespmem:$0x1FEA0]  }
0x22f: {  	v0 =	vadd.f32 v56, v0;
	v1 =	vadd.f32 v57, v1;
	[tilespmem:$0x1FEC0] =	vst v62;
	v62 =	vld [tilespmem:s12+$0x40]  }
0x230: {  	v46 =	vld [tilespmem:s12+$0x310];
	v2 =	vadd.f32 v58, v2;
	v7 =	vadd.f32 v63, v7  }
0x231: {  	v3 =	vadd.f32 v59, v3;
	v4 =	vadd.f32 v60, v4;
	v53 =	vld [tilespmem:$0x1FEB0]  }
0x232: {  	v47 =	vld [tilespmem:s12+$0x320];
	v5 =	vadd.f32 v61, v5;
	v7 =	vadd.f32 v8, v7  }
0x233: {  	v58 =	vld [tilespmem:s12+$0x270];
	v0 =	vadd.f32 v50, v0;
	v1 =	vadd.f32 v51, v1  }
0x234: {  	v6 =	vadd.f32 v49, v6;
	v7 =	vadd.f32 v16, v7;
	[tilespmem:$0x1FED0] =	vst v62;
	v62 =	vld [tilespmem:s12+$0x50]  }
0x235: {  	v60 =	vld [tilespmem:s12+$0x280];
	v0 =	vadd.f32 v9, v0;
	v1 =	vadd.f32 v10, v1  }
0x236: {  	v61 =	vld [tilespmem:s12+$0x290];
	v7 =	vadd.f32 v24, v7;
	v2 =	vadd.f32 v53, v2  }
0x237: {  	v54 =	vld [tilespmem:$0x1FEC0];
	v0 =	vadd.f32 v17, v0;
	v1 =	vadd.f32 v18, v1  }
0x238: {  	v7 =	vadd.f32 v32, v7;
	v2 =	vadd.f32 v11, v2;
	v56 =	vld [tilespmem:$0x1FED0]  }
0x239: {  	v0 =	vadd.f32 v25, v0;
	v1 =	vadd.f32 v26, v1;
	[tilespmem:$0x1FEE0] =	vst v62;
	v62 =	vld [tilespmem:s12+$0x60]  }
0x23a: {  	v48 =	vld [tilespmem:s12+$0x1D0];
	v7 =	vadd.f32 v58, v7;
	v2 =	vadd.f32 v19, v2  }
0x23b: {  	v53 =	vld [tilespmem:s12+$0x380];
	v0 =	vadd.f32 v33, v0;
	v1 =	vadd.f32 v34, v1  }
0x23c: {  	v3 =	vadd.f32 v54, v3;
	v7 =	vadd.f32 v44, v7;
	v57 =	vld [tilespmem:$0x1FEE0]  }
0x23d: {  	v54 =	vld [tilespmem:s12+$0x390];
	v2 =	vadd.f32 v27, v2;
	v4 =	vadd.f32 v56, v4  }
0x23e: {  	v0 =	vadd.f32 v60, v0;
	v1 =	vadd.f32 v61, v1;
	[tilespmem:$0x1FEF0] =	vst v62;
	v62 =	vld [tilespmem:s12+$0xB0]  }
0x23f: {  	v2 =	vadd.f32 v35, v2;
	v4 =	vadd.f32 v13, v4;
	v59 =	vld [tilespmem:$0x1FEF0]  }
0x240: {  	v52 =	vld [tilespmem:s12+$0x250];
	v0 =	vadd.f32 v45, v0;
	v1 =	vadd.f32 v46, v1  }
0x241: {  	v55 =	vld [tilespmem:s12+$0x260];
	v4 =	vadd.f32 v21, v4;
	v5 =	vadd.f32 v57, v5  }
0x242: {  	v63 =	vld [tilespmem:s12+$0x2B0];
	v0 =	vadd.f32 v53, v0;
	v1 =	vadd.f32 v54, v1  }
0x243: {  	v49 =	vld [tilespmem:s12+$0x340];
	v4 =	vadd.f32 v29, v4;
	v5 =	vadd.f32 v14, v5  }
0x244: {  	v50 =	vld [tilespmem:s12+$0x350];
	v3 =	vadd.f32 v62, v3;
	v6 =	vadd.f32 v59, v6  }
0x245: {  	v51 =	vld [tilespmem:s12+$0x360];
	v4 =	vadd.f32 v37, v4;
	v5 =	vadd.f32 v22, v5  }
0x246: {  	v62 =	vld [tilespmem:s12+$0x2A0];
	v3 =	vadd.f32 v20, v3;
	v6 =	vadd.f32 v15, v6  }
0x247: {  	v58 =	vld [tilespmem:s12+$0x3D0];
	v4 =	vadd.f32 v41, v4;
	v5 =	vadd.f32 v48, v5  }
0x248: {  	v57 =	vld [tilespmem:s12+$0x3C0];
	v3 =	vadd.f32 v28, v3;
	v6 =	vadd.f32 v23, v6  }
0x249: {  	v48 =	vld [tilespmem:s12+$0x330];
	v4 =	vadd.f32 v49, v4;
	v5 =	vadd.f32 v52, v5  }
0x24a: {  	v56 =	vld [tilespmem:s12+$0x3B0];
	v3 =	vadd.f32 v36, v3;
	v6 =	vadd.f32 v31, v6  }
0x24b: {  	v52 =	vld [tilespmem:s12+$0x370];
	v2 =	vadd.f32 v62, v2;
	v5 =	vadd.f32 v42, v5  }
0x24c: {  	v3 =	vadd.f32 v63, v3;
	v6 =	vadd.f32 v55, v6;
	v55 =	vld [tilespmem:s12+$0x3A0]  }
0x24d: {  	s13 =	sshra.s32 s11, $0x2;
	v59 =	vld [tilespmem:s12+$0x3E0];
	v4 =	vadd.f32 v57, v4;
	v61 =	vadd.f32 v50, v5  }
0x24e: {  	v60 =	vld [tilespmem:s12+$0x3F0];
	[tilespmem:s13+$0x14480] =	vst v0;
	v3 =	vadd.f32 v48, v3;
	v6 =	vadd.f32 v43, v6  }
0x24f: {  	v2 =	vadd.f32 v47, v2;
	[tilespmem:s13+$0x14490] =	vst v1;
	v0 =	vadd.f32 v58, v61  }
0x250: {  	p1 =	sne.s32 s11, $0xE00;
	[tilespmem:s13+$0x144C0] =	vst v4;
	v3 =	vadd.f32 v56, v3;
	v62 =	vadd.f32 v51, v6  }
.Ltmp7:
0x251: {  	v63 =	vadd.f32 v52, v7;
	[tilespmem:s13+$0x144D0] =	vst v0;
	v2 =	vadd.f32 v55, v2;
	(pc) =	sbr.rel @p1 .LBB2_11-.Ltmp7, $4  }
0x252: {  	[tilespmem:s13+$0x144B0] =	vst v3;
	v1 =	vadd.f32 v59, v62  }
0x253: {  	[tilespmem:s13+$0x144A0] =	vst v2;
	v2 =	vadd.f32 v60, v63  }
0x254: {  	[tilespmem:s13+$0x144E0] =	vst v1  }
0x255: {  	s11 =	sadd.s32 $0x200, s11;
	s12 =	sadd.s32 $0x800, s12;
	[tilespmem:s13+$0x144F0] =	vst v2  }
0x256: {  	s11 =	sadd.s32 $0x100, s9  }
0x257: {  	[hbm4b:s11+s3] =	stream.linear.scatter [tilespmem:s20], [sflag:$0x5], $0x400, $0x38;
	[tilespmem:$0x14C80] =	vst v63  }
0x258: {  	s10 =	sadd.s32 @!p0 $0x300, s10;
	s12 =	simm.s32 @!p0 $0xC480;
	s11 =	simm.s32 @!p0 $0x80  }
0x259: {  	[tilespmem:s12], [sflag:$0x3] =	stream.indirect.gather @!p0 [hbm4b:s2+s11], $0x80, s10, s11, $0xb8;
	[tilespmem:$0x14C80] =	vst v63  }
0x25a: {  	_ =	swait.ge [sflag:s31], $0x4000  }
0x25b: {  	[sflag:s31] =	ssyncset.done $0x0  }
0x25c: {  	[sflag:s31] =	ssyncadd.s32 $0xFFFFC000  }
0x25d: {  	_ =	swait.ge [sflag:s25], $0x400  }
0x25e: {  	[sflag:s25] =	ssyncset.done $0x0  }
0x25f: {  	s10 =	simm.s32 $0x0;
	s11 =	simm.s32 $0x10880;
	[sflag:s25] =	ssyncadd.s32 $0xFFFFFC00  }
.LBB2_13:
0x260: {  	v0 =	vld [tilespmem:s11+$0xFFFFFC00]  }
0x261: {  	v1 =	vld [tilespmem:s11+$0xFFFFFC10]  }
0x262: {  	v2 =	vld [tilespmem:s11+$0xFFFFFC20]  }
0x263: {  	v3 =	vld [tilespmem:s11+$0xFFFFFC30]  }
0x264: {  	v4 =	vld [tilespmem:s11+$0xFFFFFC40]  }
0x265: {  	v5 =	vld [tilespmem:s11+$0xFFFFFC50]  }
0x266: {  	v6 =	vld [tilespmem:s11+$0xFFFFFC60]  }
0x267: {  	v7 =	vld [tilespmem:s11+$0xFFFFFC70]  }
0x268: {  	v8 =	vld [tilespmem:s11+$0xFFFFFC80]  }
0x269: {  	v9 =	vld [tilespmem:s11+$0xFFFFFC90]  }
0x26a: {  	v10 =	vld [tilespmem:s11+$0xFFFFFCA0]  }
0x26b: {  	v11 =	vld [tilespmem:s11+$0xFFFFFCB0]  }
0x26c: {  	v12 =	vld [tilespmem:s11+$0xFFFFFCC0]  }
0x26d: {  	v13 =	vld [tilespmem:s11+$0xFFFFFCD0]  }
0x26e: {  	v14 =	vld [tilespmem:s11+$0xFFFFFCE0]  }
0x26f: {  	v15 =	vld [tilespmem:s11+$0xFFFFFCF0]  }
0x270: {  	v16 =	vld [tilespmem:s11+$0xFFFFFD00]  }
0x271: {  	v17 =	vld [tilespmem:s11+$0xFFFFFD10]  }
0x272: {  	v18 =	vld [tilespmem:s11+$0xFFFFFD20]  }
0x273: {  	v19 =	vld [tilespmem:s11+$0xFFFFFD30]  }
0x274: {  	v20 =	vld [tilespmem:s11+$0xFFFFFD40]  }
0x275: {  	v21 =	vld [tilespmem:s11+$0xFFFFFD50]  }
0x276: {  	v22 =	vld [tilespmem:s11+$0xFFFFFD60]  }
0x277: {  	v23 =	vld [tilespmem:s11+$0xFFFFFD70]  }
0x278: {  	v24 =	vld [tilespmem:s11+$0xFFFFFD80]  }
0x279: {  	v25 =	vld [tilespmem:s11+$0xFFFFFD90]  }
0x27a: {  	v26 =	vld [tilespmem:s11+$0xFFFFFDA0]  }
0x27b: {  	v27 =	vld [tilespmem:s11+$0xFFFFFDB0]  }
0x27c: {  	v28 =	vld [tilespmem:s11+$0xFFFFFDC0]  }
0x27d: {  	v29 =	vld [tilespmem:s11+$0xFFFFFDD0]  }
0x27e: {  	v30 =	vld [tilespmem:s11+$0xFFFFFDE0]  }
0x27f: {  	v31 =	vld [tilespmem:s11+$0xFFFFFDF0]  }
0x280: {  	v32 =	vld [tilespmem:s11+$0xFFFFFE00]  }
0x281: {  	v33 =	vld [tilespmem:s11+$0xFFFFFE10]  }
0x282: {  	v34 =	vld [tilespmem:s11+$0xFFFFFE20]  }
0x283: {  	v35 =	vld [tilespmem:s11+$0xFFFFFE30]  }
0x284: {  	v36 =	vld [tilespmem:s11+$0xFFFFFE40]  }
0x285: {  	v37 =	vld [tilespmem:s11+$0xFFFFFE50]  }
0x286: {  	v38 =	vld [tilespmem:s11+$0xFFFFFE60]  }
0x287: {  	v39 =	vld [tilespmem:s11+$0xFFFFFE70]  }
0x288: {  	v40 =	vld [tilespmem:s11+$0xFFFFFE80]  }
0x289: {  	v41 =	vld [tilespmem:s11+$0xFFFFFE90]  }
0x28a: {  	v42 =	vld [tilespmem:s11+$0xFFFFFEA0]  }
0x28b: {  	v43 =	vld [tilespmem:s11+$0xFFFFFEB0]  }
0x28c: {  	v44 =	vld [tilespmem:s11+$0xFFFFFEC0]  }
0x28d: {  	v45 =	vld [tilespmem:s11+$0xFFFFFED0]  }
0x28e: {  	v46 =	vld [tilespmem:s11+$0xFFFFFEE0]  }
0x28f: {  	v47 =	vld [tilespmem:s11+$0xFFFFFEF0]  }
0x290: {  	v48 =	vld [tilespmem:s11+$0xFFFFFF00]  }
0x291: {  	v49 =	vld [tilespmem:s11+$0xFFFFFF10]  }
0x292: {  	v50 =	vld [tilespmem:s11+$0xFFFFFF20]  }
0x293: {  	v51 =	vld [tilespmem:s11+$0xFFFFFF30]  }
0x294: {  	v52 =	vld [tilespmem:s11+$0xFFFFFF40]  }
0x295: {  	v53 =	vld [tilespmem:s11+$0xFFFFFF50]  }
0x296: {  	v54 =	vld [tilespmem:s11+$0xFFFFFF60]  }
0x297: {  	v55 =	vld [tilespmem:s11+$0xFFFFFF70]  }
0x298: {  	v56 =	vld [tilespmem:s11+$0xFFFFFF80]  }
0x299: {  	v57 =	vld [tilespmem:s11+$0xFFFFFF90]  }
0x29a: {  	v58 =	vld [tilespmem:s11+$0xFFFFFFA0]  }
0x29b: {  	v62 =	vld [tilespmem:s11+$0xFFFFFFE0]  }
0x29c: {  	v59 =	vld [tilespmem:s11+$0xFFFFFFB0]  }
0x29d: {  	v60 =	vld [tilespmem:s11+$0xFFFFFFC0]  }
0x29e: {  	v61 =	vld [tilespmem:s11+$0xFFFFFFD0]  }
0x29f: {  	v63 =	vld [tilespmem:s11+$0xFFFFFFF0];
	v0 =	vadd.f32 $0.0e+00, v0  }
0x2a0: {  	[tilespmem:$0x1FE00] =	vst v62;
	v62 =	vld [tilespmem:s11+$0x0];
	v1 =	vadd.f32 $0.0e+00, v1  }
0x2a1: {  	v2 =	vadd.f32 $0.0e+00, v2;
	v0 =	vadd.f32 v8, v0;
	v8 =	vld [tilespmem:s11+$0x70]  }
0x2a2: {  	v3 =	vadd.f32 $0.0e+00, v3;
	v1 =	vadd.f32 v9, v1;
	v9 =	vld [tilespmem:s11+$0x80]  }
0x2a3: {  	v5 =	vadd.f32 $0.0e+00, v5;
	v2 =	vadd.f32 v10, v2;
	v10 =	vld [tilespmem:s11+$0x90]  }
0x2a4: {  	v6 =	vadd.f32 $0.0e+00, v6;
	v3 =	vadd.f32 v11, v3;
	v11 =	vld [tilespmem:s11+$0xA0]  }
0x2a5: {  	v7 =	vadd.f32 $0.0e+00, v7;
	v5 =	vadd.f32 v13, v5;
	v13 =	vld [tilespmem:s11+$0xC0]  }
0x2a6: {  	v6 =	vadd.f32 v14, v6;
	v14 =	vld [tilespmem:s11+$0xD0]  }
0x2a7: {  	v7 =	vadd.f32 v15, v7;
	v15 =	vld [tilespmem:s11+$0xE0]  }
0x2a8: {  	v4 =	vadd.f32 $0.0e+00, v4;
	v0 =	vadd.f32 v16, v0;
	v16 =	vld [tilespmem:s11+$0xF0]  }
0x2a9: {  	v1 =	vadd.f32 v17, v1;
	v17 =	vld [tilespmem:s11+$0x100]  }
0x2aa: {  	v4 =	vadd.f32 v12, v4;
	v2 =	vadd.f32 v18, v2;
	v18 =	vld [tilespmem:s11+$0x110]  }
0x2ab: {  	v3 =	vadd.f32 v19, v3;
	v19 =	vld [tilespmem:s11+$0x120]  }
0x2ac: {  	v4 =	vadd.f32 v20, v4;
	v20 =	vld [tilespmem:s11+$0x130]  }
0x2ad: {  	v5 =	vadd.f32 v21, v5;
	v21 =	vld [tilespmem:s11+$0x140]  }
0x2ae: {  	v6 =	vadd.f32 v22, v6;
	v22 =	vld [tilespmem:s11+$0x150]  }
0x2af: {  	v7 =	vadd.f32 v23, v7;
	v23 =	vld [tilespmem:s11+$0x160]  }
0x2b0: {  	[tilespmem:$0x1FE10] =	vst v62;
	v62 =	vld [tilespmem:s11+$0x10]  }
0x2b1: {  	v0 =	vadd.f32 v24, v0;
	v24 =	vld [tilespmem:s11+$0x170]  }
0x2b2: {  	v1 =	vadd.f32 v25, v1;
	v25 =	vld [tilespmem:s11+$0x180]  }
0x2b3: {  	v2 =	vadd.f32 v26, v2;
	v26 =	vld [tilespmem:s11+$0x190]  }
0x2b4: {  	v3 =	vadd.f32 v27, v3;
	v27 =	vld [tilespmem:s11+$0x1A0]  }
0x2b5: {  	v4 =	vadd.f32 v28, v4;
	v28 =	vld [tilespmem:s11+$0x1B0]  }
0x2b6: {  	v5 =	vadd.f32 v29, v5;
	v29 =	vld [tilespmem:s11+$0x1C0]  }
0x2b7: {  	v7 =	vadd.f32 v31, v7;
	v31 =	vld [tilespmem:s11+$0x1E0]  }
0x2b8: {  	v0 =	vadd.f32 v32, v0;
	v32 =	vld [tilespmem:s11+$0x1F0]  }
0x2b9: {  	v1 =	vadd.f32 v33, v1;
	v33 =	vld [tilespmem:s11+$0x200]  }
0x2ba: {  	v2 =	vadd.f32 v34, v2;
	v34 =	vld [tilespmem:s11+$0x210]  }
0x2bb: {  	v3 =	vadd.f32 v35, v3;
	v35 =	vld [tilespmem:s11+$0x220]  }
0x2bc: {  	v4 =	vadd.f32 v36, v4;
	v36 =	vld [tilespmem:s11+$0x230]  }
0x2bd: {  	v6 =	vadd.f32 v30, v6;
	v5 =	vadd.f32 v37, v5;
	v37 =	vld [tilespmem:s11+$0x240]  }
0x2be: {  	[tilespmem:$0x1FE20] =	vst v62;
	v62 =	vld [tilespmem:s11+$0x20]  }
0x2bf: {  	v6 =	vadd.f32 v38, v6;
	v1 =	vadd.f32 v41, v1;
	v41 =	vld [tilespmem:s11+$0x2C0]  }
0x2c0: {  	v7 =	vadd.f32 v39, v7;
	v2 =	vadd.f32 v42, v2;
	v42 =	vld [tilespmem:s11+$0x2D0]  }
0x2c1: {  	v0 =	vadd.f32 v40, v0;
	v3 =	vadd.f32 v43, v3;
	v43 =	vld [tilespmem:s11+$0x2E0]  }
0x2c2: {  	v4 =	vadd.f32 v44, v4;
	v5 =	vadd.f32 v45, v5;
	v44 =	vld [tilespmem:s11+$0x2F0]  }
0x2c3: {  	v6 =	vadd.f32 v46, v6;
	v7 =	vadd.f32 v47, v7;
	[tilespmem:$0x1FE30] =	vst v62;
	v62 =	vld [tilespmem:s11+$0x30]  }
0x2c4: {  	v45 =	vld [tilespmem:s11+$0x300];
	v0 =	vadd.f32 v48, v0;
	v1 =	vadd.f32 v49, v1  }
0x2c5: {  	v2 =	vadd.f32 v50, v2;
	v3 =	vadd.f32 v51, v3;
	v49 =	vld [tilespmem:$0x1FE00]  }
0x2c6: {  	v4 =	vadd.f32 v52, v4;
	v5 =	vadd.f32 v53, v5;
	v50 =	vld [tilespmem:$0x1FE10]  }
0x2c7: {  	v6 =	vadd.f32 v54, v6;
	v7 =	vadd.f32 v55, v7;
	v51 =	vld [tilespmem:$0x1FE20]  }
0x2c8: {  	v0 =	vadd.f32 v56, v0;
	v1 =	vadd.f32 v57, v1;
	[tilespmem:$0x1FE40] =	vst v62;
	v62 =	vld [tilespmem:s11+$0x40]  }
0x2c9: {  	v46 =	vld [tilespmem:s11+$0x310];
	v2 =	vadd.f32 v58, v2;
	v7 =	vadd.f32 v63, v7  }
0x2ca: {  	v3 =	vadd.f32 v59, v3;
	v4 =	vadd.f32 v60, v4;
	v53 =	vld [tilespmem:$0x1FE30]  }
0x2cb: {  	v47 =	vld [tilespmem:s11+$0x320];
	v5 =	vadd.f32 v61, v5;
	v7 =	vadd.f32 v8, v7  }
0x2cc: {  	v58 =	vld [tilespmem:s11+$0x270];
	v0 =	vadd.f32 v50, v0;
	v1 =	vadd.f32 v51, v1  }
0x2cd: {  	v6 =	vadd.f32 v49, v6;
	v7 =	vadd.f32 v16, v7;
	[tilespmem:$0x1FE50] =	vst v62;
	v62 =	vld [tilespmem:s11+$0x50]  }
0x2ce: {  	v60 =	vld [tilespmem:s11+$0x280];
	v0 =	vadd.f32 v9, v0;
	v1 =	vadd.f32 v10, v1  }
0x2cf: {  	v61 =	vld [tilespmem:s11+$0x290];
	v7 =	vadd.f32 v24, v7;
	v2 =	vadd.f32 v53, v2  }
0x2d0: {  	v54 =	vld [tilespmem:$0x1FE40];
	v0 =	vadd.f32 v17, v0;
	v1 =	vadd.f32 v18, v1  }
0x2d1: {  	v7 =	vadd.f32 v32, v7;
	v2 =	vadd.f32 v11, v2;
	v56 =	vld [tilespmem:$0x1FE50]  }
0x2d2: {  	v0 =	vadd.f32 v25, v0;
	v1 =	vadd.f32 v26, v1;
	[tilespmem:$0x1FE60] =	vst v62;
	v62 =	vld [tilespmem:s11+$0x60]  }
0x2d3: {  	v48 =	vld [tilespmem:s11+$0x1D0];
	v7 =	vadd.f32 v58, v7;
	v2 =	vadd.f32 v19, v2  }
0x2d4: {  	v53 =	vld [tilespmem:s11+$0x380];
	v0 =	vadd.f32 v33, v0;
	v1 =	vadd.f32 v34, v1  }
0x2d5: {  	v3 =	vadd.f32 v54, v3;
	v7 =	vadd.f32 v44, v7;
	v57 =	vld [tilespmem:$0x1FE60]  }
0x2d6: {  	v54 =	vld [tilespmem:s11+$0x390];
	v2 =	vadd.f32 v27, v2;
	v4 =	vadd.f32 v56, v4  }
0x2d7: {  	v0 =	vadd.f32 v60, v0;
	v1 =	vadd.f32 v61, v1;
	[tilespmem:$0x1FE70] =	vst v62;
	v62 =	vld [tilespmem:s11+$0xB0]  }
0x2d8: {  	v2 =	vadd.f32 v35, v2;
	v4 =	vadd.f32 v13, v4;
	v59 =	vld [tilespmem:$0x1FE70]  }
0x2d9: {  	v52 =	vld [tilespmem:s11+$0x250];
	v0 =	vadd.f32 v45, v0;
	v1 =	vadd.f32 v46, v1  }
0x2da: {  	v55 =	vld [tilespmem:s11+$0x260];
	v4 =	vadd.f32 v21, v4;
	v5 =	vadd.f32 v57, v5  }
0x2db: {  	v63 =	vld [tilespmem:s11+$0x2B0];
	v0 =	vadd.f32 v53, v0;
	v1 =	vadd.f32 v54, v1  }
0x2dc: {  	v49 =	vld [tilespmem:s11+$0x340];
	v4 =	vadd.f32 v29, v4;
	v5 =	vadd.f32 v14, v5  }
0x2dd: {  	v50 =	vld [tilespmem:s11+$0x350];
	v3 =	vadd.f32 v62, v3;
	v6 =	vadd.f32 v59, v6  }
0x2de: {  	v51 =	vld [tilespmem:s11+$0x360];
	v4 =	vadd.f32 v37, v4;
	v5 =	vadd.f32 v22, v5  }
0x2df: {  	v62 =	vld [tilespmem:s11+$0x2A0];
	v3 =	vadd.f32 v20, v3;
	v6 =	vadd.f32 v15, v6  }
0x2e0: {  	v58 =	vld [tilespmem:s11+$0x3D0];
	v4 =	vadd.f32 v41, v4;
	v5 =	vadd.f32 v48, v5  }
0x2e1: {  	v57 =	vld [tilespmem:s11+$0x3C0];
	v3 =	vadd.f32 v28, v3;
	v6 =	vadd.f32 v23, v6  }
0x2e2: {  	v48 =	vld [tilespmem:s11+$0x330];
	v4 =	vadd.f32 v49, v4;
	v5 =	vadd.f32 v52, v5  }
0x2e3: {  	v56 =	vld [tilespmem:s11+$0x3B0];
	v3 =	vadd.f32 v36, v3;
	v6 =	vadd.f32 v31, v6  }
0x2e4: {  	v52 =	vld [tilespmem:s11+$0x370];
	v2 =	vadd.f32 v62, v2;
	v5 =	vadd.f32 v42, v5  }
0x2e5: {  	v3 =	vadd.f32 v63, v3;
	v6 =	vadd.f32 v55, v6;
	v55 =	vld [tilespmem:s11+$0x3A0]  }
0x2e6: {  	s12 =	sshra.s32 s10, $0x2;
	v59 =	vld [tilespmem:s11+$0x3E0];
	v4 =	vadd.f32 v57, v4;
	v61 =	vadd.f32 v50, v5  }
0x2e7: {  	v60 =	vld [tilespmem:s11+$0x3F0];
	[tilespmem:s12+$0x14880] =	vst v0;
	v3 =	vadd.f32 v48, v3;
	v6 =	vadd.f32 v43, v6  }
0x2e8: {  	v2 =	vadd.f32 v47, v2;
	[tilespmem:s12+$0x14890] =	vst v1;
	v0 =	vadd.f32 v58, v61  }
0x2e9: {  	p1 =	sne.s32 s10, $0xE00;
	[tilespmem:s12+$0x148C0] =	vst v4;
	v3 =	vadd.f32 v56, v3;
	v62 =	vadd.f32 v51, v6  }
.Ltmp8:
0x2ea: {  	v63 =	vadd.f32 v52, v7;
	[tilespmem:s12+$0x148D0] =	vst v0;
	v2 =	vadd.f32 v55, v2;
	(pc) =	sbr.rel @p1 .LBB2_13-.Ltmp8, $4  }
0x2eb: {  	[tilespmem:s12+$0x148B0] =	vst v3;
	v1 =	vadd.f32 v59, v62  }
0x2ec: {  	[tilespmem:s12+$0x148A0] =	vst v2;
	v2 =	vadd.f32 v60, v63  }
0x2ed: {  	[tilespmem:s12+$0x148E0] =	vst v1  }
0x2ee: {  	s10 =	sadd.s32 $0x200, s10;
	s11 =	sadd.s32 $0x800, s11;
	[tilespmem:s12+$0x148F0] =	vst v2  }
.Ltmp9:
0x2ef: {  	(pc) =	sbr.rel @p0 .LBB2_16-.Ltmp9, $3  }
0x2f0: {  	_ =	sdelay $0x1  }
0x2f1: {  	s9 =	sadd.s32 $0x180, s9  }
0x2f2: {  	[hbm4b:s9+s3] =	stream.linear.scatter [tilespmem:s21], [sflag:$0x6], $0x400, $0x38;
	[tilespmem:$0x14C80] =	vst v63  }
.Ltmp10:
0x2f3: {  	(pc) =	sbr.rel .LBB2_2-.Ltmp10, $4  }
0x2f4: {  	_ = 	snop  }
0x2f5: {  	s8 =	sshrl.u32 s8, $0x2  }
0x2f6: {  	s7 =	sadd.s32 $0x1, s7;
	s8 =	sadd.s32 $0x380, s8  }
0x2f7: {  	[tilespmem:s24], [sflag:$0x4] =	stream.indirect.gather [hbm4b:s2+s29], $0x80, s8, s29, $0xb8;
	[tilespmem:$0x14C80] =	vst v63  }
.LBB2_17:
0x2f8: {  	_ =	sfence.sel $0x180000  }
0x2f9: {  	[bflag:$0x0] =	sbarrier.arrive $0xFFFF  }
0x2fa: {  	_ =	strace $0x90000047  }
0x2fb: {  	s0 =	stileid.u32;
	[bflag:$0x2] =	sbarrier.arrive $0xFFFF  }
0x2fc: {  	p0 =	sne.s32 s0, $0x0;
	s0 =	rddreg [dreg:$0x3]  }
0x2fd: {  	s0 =	sadd.s32 @!p0 $0x100000, s0  }
0x2fe: {  	[sflag:s0] =	ssyncadd.tile.s32 @!p0 $0x1;
	_ =	shalt  }
.Lfunc_end2:
_tile_overlayer_lowered:
.L_overlay_start_2:
0x2ff: {  	(tag) =	ssettag $0x2  }
0x300: {  	s0 =	rddreg [dreg:$0x0];
	s2 =	stileid.u32  }
0x301: {  	s1 =	rddreg [dreg:$0x1];
	p0 =	sne.s32 s2, $0x0  }
0x302: {  	s3 =	rddreg [dreg:$0x2];
	[bflag:$0x3] =	sbarrier.arrive $0xFFFF;
	s2 =	simm.s32 @!p0 $0x1C07  }
0x303: {  	[timem:s3], [sflag:s2] =	dma.local @!p0 [hbm:s0], s1  }
0x304: {  	s0 =	simm.s32 @!p0 $0x7  }
0x305: {  	_ =	swait.ge @!p0 [sflag:s0], s1  }
0x306: {  	s1 =	ssub.s32 @!p0 $0x0, s1;
	[sflag:s0] =	ssyncset.done @!p0 $0x0  }
0x307: {  	[sflag:s0] =	ssyncadd.s32 @!p0 s1  }
0x308: {  	[bflag:$0x3] =	sbarrier.arrive $0xFFFF  }
0x309: {  	_ =	shalt  }

</sc_bundles>
